<compile_context>
chip_gen: v7x
topology: tpu7x:2x2x1
jax: 0.10.2.dev20260603
libtpu: 0.0.44.dev20260713+nightly
codegen_flags: <defaults>
</compile_context>

<pallas_src>
import functools

import jax
import jax.numpy as jnp
from jax import lax
from jax.experimental import pallas as pl
from jax.experimental.pallas import tpu as pltpu
from jax.experimental.pallas import tpu_sc as plsc

_NC = 2
_NS = 16
_NW = _NC * _NS

_ROWS = 4096
_N = 1024
_RB = 8
_XW = _N * 4 * _RB
_IW = _N * _RB


def _body(x_hbm, scales_hbm, weights_hbm, q_hbm, i_hbm, xqb, ib, sv, wv,
          in_sem0, in_sem1, in_sem2, out_sem0, out_sem1, out_sem2,
          n_steps, plane):
    wid = lax.axis_index("s") * _NC + lax.axis_index("c")
    in_sems = (in_sem0, in_sem1, in_sem2)
    out_sems = (out_sem0, out_sem1, out_sem2)

    sv[...] = jnp.zeros((16,), jnp.float32)
    wv[...] = jnp.zeros((16,), jnp.float32)
    pltpu.sync_copy(scales_hbm, sv.at[pl.ds(0, 3)])
    pltpu.sync_copy(weights_hbm, wv.at[pl.ds(0, 3)])
    p = sv[...] * wv[...]
    s_sum = p[0] + p[1] + p[2]

    sp = jnp.full((16,), s_sum, jnp.float32)
    sn = -sp
    c8 = jnp.full((16,), 8, jnp.int32)
    c4 = jnp.full((16,), 4, jnp.int32)
    c2 = jnp.full((16,), 2, jnp.int32)
    c1 = jnp.full((16,), 1, jnp.int32)
    c0 = jnp.full((16,), 0, jnp.int32)

    def _in_copy(t, s):
        blk = wid * n_steps + t
        return pltpu.make_async_copy(x_hbm.at[pl.ds(blk * _XW, _XW)],
                                     xqb.at[pl.ds(s * _XW, _XW)], in_sems[s])

    def _out_copies(t, s):
        blk = wid * n_steps + t
        yield pltpu.make_async_copy(xqb.at[pl.ds(s * _XW, _XW)],
                                    q_hbm.at[pl.ds(blk * _XW, _XW)],
                                    out_sems[s])
        for k in range(3):
            yield pltpu.make_async_copy(
                ib.at[pl.ds(s * _IW, _IW)],
                i_hbm.at[pl.ds(k * plane + blk * _IW, _IW)],
                out_sems[s])

    def compute(t, s):
        xoff = s * _XW
        ioff = s * _IW

        def inner(i, carry):
            nt = i >> 3
            r = i & 7
            xb0 = xoff + r * (_N * 4) + nt * 512
            ib0 = ioff + i * 128
            for j in range(8):
                xbase = xb0 + j * 16
                x0 = xqb[pl.ds(xbase, 16)]
                x1 = xqb[pl.ds(xbase + 128, 16)]
                x2 = xqb[pl.ds(xbase + 256, 16)]
                x3 = xqb[pl.ds(xbase + 384, 16)]
                b0 = x0 > 0
                b1 = x1 > 0
                b2 = x2 > 0
                b3 = x3 > 0
                xqb[pl.ds(xbase, 16)] = jnp.where(b0, sp, sn)
                xqb[pl.ds(xbase + 128, 16)] = jnp.where(b1, sp, sn)
                xqb[pl.ds(xbase + 256, 16)] = jnp.where(b2, sp, sn)
                xqb[pl.ds(xbase + 384, 16)] = jnp.where(b3, sp, sn)
                idx16 = (jnp.where(b0, c8, c0)
                         + jnp.where(b1, c4, c0)
                         + jnp.where(b2, c2, c0)
                         + jnp.where(b3, c1, c0))
                ib[pl.ds(ib0 + j * 16, 16)] = idx16
            return carry

        lax.fori_loop(0, _RB * 8, inner, 0)

    def _step(t, u, drain_prev, issue_next):
        _in_copy(t, u).wait()
        compute(t, u)
        for c in _out_copies(t, u):
            c.start()
        if drain_prev:
            for c in _out_copies(t - 1, (u + 2) % 3):
                c.wait()
        if issue_next:
            _in_copy(t + 2, (u + 2) % 3).start()

    _in_copy(0, 0).start()
    _in_copy(1, 1).start()

    def triple(tp, carry):
        t0 = 3 * tp

        @pl.when(tp > 0)
        def _drain_first():
            for c in _out_copies(t0 - 1, 2):
                c.wait()

        _in_copy(t0 + 2, 2).start()
        _step(t0 + 0, 0, drain_prev=False, issue_next=False)
        _step(t0 + 1, 1, drain_prev=True, issue_next=True)

        _in_copy(t0 + 2, 2).wait()
        compute(t0 + 2, 2)
        for c in _out_copies(t0 + 2, 2):
            c.start()
        for c in _out_copies(t0 + 1, 1):
            c.wait()

        @pl.when(tp < n_steps // 3 - 1)
        def _issue_last():
            _in_copy(t0 + 4, 1).start()

        return carry

    lax.fori_loop(0, n_steps // 3, triple, 0)
    t_last = n_steps - 1
    _step(t_last, 0, drain_prev=True, issue_next=False)
    for c in _out_copies(t_last, 0):
        c.wait()


def kernel(x, codebook, scales, hierarchy_weights):
    del codebook
    b, n, d = x.shape
    assert (b, n, d) == (_ROWS, _N, 4)
    nvec = b * n
    n_steps = b // (_NW * _RB)

    x1 = x.reshape(b, n // 128, 128, 4).transpose(0, 1, 3, 2).reshape(-1)

    sc_kernel = functools.partial(
        pl.kernel,
        out_type=(
            jax.ShapeDtypeStruct((nvec * 4,), jnp.float32),
            jax.ShapeDtypeStruct((nvec * 3,), jnp.int32),
        ),
        mesh=plsc.VectorSubcoreMesh(core_axis_name="c", subcore_axis_name="s"),
        compiler_params=pltpu.CompilerParams(needs_layout_passes=False),
        scratch_types=[
            pltpu.VMEM((3 * _XW,), jnp.float32),
            pltpu.VMEM((3 * _IW,), jnp.int32),
            pltpu.VMEM((16,), jnp.float32),
            pltpu.VMEM((16,), jnp.float32),
            pltpu.SemaphoreType.DMA,
            pltpu.SemaphoreType.DMA,
            pltpu.SemaphoreType.DMA,
            pltpu.SemaphoreType.DMA,
            pltpu.SemaphoreType.DMA,
            pltpu.SemaphoreType.DMA,
        ],
    )(functools.partial(_body, n_steps=n_steps, plane=nvec))

    q1, i1 = sc_kernel(x1, scales, hierarchy_weights)

    q = q1.reshape(b, n // 128, 4, 128).transpose(0, 1, 3, 2).reshape(b, n, 4)
    i3 = (i1.reshape(3, b // 8, n // 128, 8, 128)
          .transpose(1, 3, 2, 4, 0).reshape(b, n, 3))
    return q, i3

# --- scband reference (transcript-rebuilt; emitter-appended) ---
"""Pipeline reference for scband-lattice-quantizer-41910290874852 (READ-ONLY COPY).

The authoritative reference and input builder live on the scoring server;
editing this copy changes nothing except your own understanding.
"""

import jax, jax.numpy as jnp
import numpy as np

LATTICE_DIM = 4
NUM_LAYERS = 3
NUM_CODEWORDS = 2 ** LATTICE_DIM  # 16


def _make_d4_codebook():
    # D4 lattice codebook: binary enumeration of 2^4 points, mapped via p*2-1 (lattice_dim>=4 branch)
    cb = np.zeros((NUM_CODEWORDS, LATTICE_DIM), dtype=np.float32)
    for i in range(NUM_CODEWORDS):
        binary = format(i, f'0{LATTICE_DIM}b')
        point = np.array([int(b) for b in binary], dtype=np.float32)
        cb[i] = point * 2.0 - 1.0
    return jnp.asarray(cb)


def setup_inputs(seed: int = 0) -> dict:
    key = jax.random.key(seed)
    kx, = jax.random.split(key, 1)
    x = jax.random.normal(kx, (4096, 1024, LATTICE_DIM), dtype=jnp.float32)
    codebook = _make_d4_codebook()
    scales = jnp.asarray([1.0, 0.5, 0.25], dtype=jnp.float32)
    hierarchy_weights = jnp.ones((NUM_LAYERS,), dtype=jnp.float32) / NUM_LAYERS
    return {"x": x, "codebook": codebook, "scales": scales,
            "hierarchy_weights": hierarchy_weights}


def _single_level_quantize(x, codebook, scale):
    # scale input into lattice coordinates, nearest-neighbor search over codebook
    xs = x / scale
    # squared distances (..., K) computed via expansion to avoid (..., K, d) blowup
    x2 = jnp.sum(xs * xs, axis=-1, keepdims=True)           # (..., 1)
    c2 = jnp.sum(codebook * codebook, axis=-1)              # (K,)
    xc = jnp.einsum('...d,kd->...k', xs, codebook)          # (..., K)
    d2 = x2 - 2.0 * xc + c2
    idx = jnp.argmin(d2, axis=-1)                           # (...,) int
    q = jnp.take(codebook, idx, axis=0) * scale             # gather + rescale
    return q, idx


def reference(x, codebook, scales, hierarchy_weights):
    # adaptive quantize (depth=-1): combine all hierarchy levels with learned weights
    quantized_list = []
    indices_list = []
    for i in range(NUM_LAYERS):
        q, idx = _single_level_quantize(x, codebook, scales[i])
        quantized_list.append(q * hierarchy_weights[i])
        indices_list.append(idx)
    quantized = jnp.stack(quantized_list, axis=-2).sum(axis=-2)   # (..., d)
    indices = jnp.stack(indices_list, axis=-1)                    # (..., L)
    return quantized, indices

if __name__ == "__main__":
    import jax
    _d = setup_inputs()
    print(jax.jit(kernel)(*tuple(_d.values())))

</pallas_src>

<mosaic_0001>
#map = affine_map<(d0, d1) -> (0)>
module attributes {stable_mosaic.version = 14 : i64} {
  func.func @_body(%arg0: i32, %arg1: i32, %arg2: memref<16777216xf32, #tpu.memory_space<hbm>>, %arg3: memref<3xf32, #tpu.memory_space<hbm>>, %arg4: memref<3xf32, #tpu.memory_space<hbm>>, %arg5: memref<16777216xf32, #tpu.memory_space<hbm>>, %arg6: memref<12582912xi32, #tpu.memory_space<hbm>>, %arg7: memref<98304xf32, #tpu.memory_space<vmem>>, %arg8: memref<24576xi32, #tpu.memory_space<vmem>>, %arg9: memref<16xf32, #tpu.memory_space<vmem>>, %arg10: memref<16xf32, #tpu.memory_space<vmem>>, %arg11: memref<!tpu.dma_semaphore, #tpu.memory_space<semaphore_mem>>, %arg12: memref<!tpu.dma_semaphore, #tpu.memory_space<semaphore_mem>>, %arg13: memref<!tpu.dma_semaphore, #tpu.memory_space<semaphore_mem>>, %arg14: memref<!tpu.dma_semaphore, #tpu.memory_space<semaphore_mem>>, %arg15: memref<!tpu.dma_semaphore, #tpu.memory_space<semaphore_mem>>, %arg16: memref<!tpu.dma_semaphore, #tpu.memory_space<semaphore_mem>>) attributes {dimension_semantics = [#tpu.dimension_semantics<core_parallel>, #tpu.dimension_semantics<subcore_parallel>], iteration_bounds = array<i64: 2, 16>, scalar_prefetch = 0 : i64, scratch_operands = 10 : i64, tpu.core_type = #tpu.core_type<sc_vector_subcore>, window_params = [{transform_indices = #map}, {transform_indices = #map}, {transform_indices = #map}, {transform_indices = #map}, {transform_indices = #map}]} {
    %mul3A = arith.constant 2 : i32
    %mul3A_0 = arith.muli %arg1, %mul3A : i32
    %add3A = arith.addi %mul3A_0, %arg0 : i32
    %broadcast_in_dim3A = arith.constant 0.000000e+00 : f32
    %broadcast_in_dim3A_1 = vector.broadcast %broadcast_in_dim3A : f32 to vector<16xf32>
    %swap3A = arith.constant 0 : index
    %swap3A_2 = tpu.vector_load %arg9[%swap3A] {strides = array<i32>} : memref<16xf32, #tpu.memory_space<vmem>>, vector<16xf32>,
    tpu.vector_store %arg9[%swap3A], %broadcast_in_dim3A_1 {strides = array<i32>} : memref<16xf32, #tpu.memory_space<vmem>>, vector<16xf32>,
    %broadcast_in_dim3A_3 = arith.constant 0.000000e+00 : f32
    %broadcast_in_dim3A_4 = vector.broadcast %broadcast_in_dim3A_3 : f32 to vector<16xf32>
    %swap3A_5 = arith.constant 0 : index
    %swap3A_6 = tpu.vector_load %arg10[%swap3A_5] {strides = array<i32>} : memref<16xf32, #tpu.memory_space<vmem>>, vector<16xf32>,
    tpu.vector_store %arg10[%swap3A_5], %broadcast_in_dim3A_4 {strides = array<i32>} : memref<16xf32, #tpu.memory_space<vmem>>, vector<16xf32>,
    "tpu.region"() ({
      %run_scoped3A = tpu.sem_alloc : memref<!tpu.dma_semaphore, #tpu.memory_space<semaphore_mem>>
      %dma_start3A_201 = arith.constant 0 : i32
      %dma_start3A_202 = tpu.memref_slice %arg9[%dma_start3A_201] : memref<16xf32, #tpu.memory_space<vmem>> -> memref<3xf32, #tpu.memory_space<vmem>>
      %dma_start3A_203 = arith.constant 0 : i32
      %dma_start3A_204 = tpu.memref_slice %arg9[%dma_start3A_203] : memref<16xf32, #tpu.memory_space<vmem>> -> memref<3xf32, #tpu.memory_space<vmem>>
      tpu.enqueue_dma source(%arg3 : memref<3xf32, #tpu.memory_space<hbm>>) target(%dma_start3A_204 : memref<3xf32, #tpu.memory_space<vmem>>) target_semaphore(%run_scoped3A : memref<!tpu.dma_semaphore, #tpu.memory_space<semaphore_mem>>)
      %dma_wait3A_205 = arith.constant 0 : i32
      %dma_wait3A_206 = tpu.memref_slice %arg9[%dma_wait3A_205] : memref<16xf32, #tpu.memory_space<vmem>> -> memref<3xf32, #tpu.memory_space<vmem>>
      %dma_wait3A_207 = arith.constant 0 : i32
      %dma_wait3A_208 = tpu.memref_slice %arg9[%dma_wait3A_207] : memref<16xf32, #tpu.memory_space<vmem>> -> memref<3xf32, #tpu.memory_space<vmem>>
      tpu.wait_dma2 semaphore(%run_scoped3A : memref<!tpu.dma_semaphore, #tpu.memory_space<semaphore_mem>>) src(%arg3 : memref<3xf32, #tpu.memory_space<hbm>>) dst(%dma_wait3A_208 : memref<3xf32, #tpu.memory_space<vmem>>)
      tpu.yield
    }) : () -> ()
    "tpu.region"() ({
      %run_scoped3A = tpu.sem_alloc : memref<!tpu.dma_semaphore, #tpu.memory_space<semaphore_mem>>
      %dma_start3A_201 = arith.constant 0 : i32
      %dma_start3A_202 = tpu.memref_slice %arg10[%dma_start3A_201] : memref<16xf32, #tpu.memory_space<vmem>> -> memref<3xf32, #tpu.memory_space<vmem>>
      %dma_start3A_203 = arith.constant 0 : i32
      %dma_start3A_204 = tpu.memref_slice %arg10[%dma_start3A_203] : memref<16xf32, #tpu.memory_space<vmem>> -> memref<3xf32, #tpu.memory_space<vmem>>
      tpu.enqueue_dma source(%arg4 : memref<3xf32, #tpu.memory_space<hbm>>) target(%dma_start3A_204 : memref<3xf32, #tpu.memory_space<vmem>>) target_semaphore(%run_scoped3A : memref<!tpu.dma_semaphore, #tpu.memory_space<semaphore_mem>>)
      %dma_wait3A_205 = arith.constant 0 : i32
      %dma_wait3A_206 = tpu.memref_slice %arg10[%dma_wait3A_205] : memref<16xf32, #tpu.memory_space<vmem>> -> memref<3xf32, #tpu.memory_space<vmem>>
      %dma_wait3A_207 = arith.constant 0 : i32
      %dma_wait3A_208 = tpu.memref_slice %arg10[%dma_wait3A_207] : memref<16xf32, #tpu.memory_space<vmem>> -> memref<3xf32, #tpu.memory_space<vmem>>
      tpu.wait_dma2 semaphore(%run_scoped3A : memref<!tpu.dma_semaphore, #tpu.memory_space<semaphore_mem>>) src(%arg4 : memref<3xf32, #tpu.memory_space<hbm>>) dst(%dma_wait3A_208 : memref<3xf32, #tpu.memory_space<vmem>>)
      tpu.yield
    }) : () -> ()
    %get3A = arith.constant 0 : index
    %get3A_7 = tpu.vector_load %arg9[%get3A] {strides = array<i32>} : memref<16xf32, #tpu.memory_space<vmem>>, vector<16xf32>,
    %get3A_8 = arith.constant 0 : index
    %get3A_9 = tpu.vector_load %arg10[%get3A_8] {strides = array<i32>} : memref<16xf32, #tpu.memory_space<vmem>>, vector<16xf32>,
    %mul3A_10 = arith.mulf %get3A_7, %get3A_9 : vector<16xf32>
    %slice3A = vector.extract_strided_slice %mul3A_10 {offsets = [0], sizes = [1], strides = [1]} : vector<16xf32> to vector<1xf32>
    %squeeze3A = vector.extract %slice3A[0] : f32 from vector<1xf32>
    %slice3A_11 = vector.extract_strided_slice %mul3A_10 {offsets = [1], sizes = [1], strides = [1]} : vector<16xf32> to vector<1xf32>
    %squeeze3A_12 = vector.extract %slice3A_11[0] : f32 from vector<1xf32>
    %add3A_13 = arith.addf %squeeze3A, %squeeze3A_12 : f32
    %slice3A_14 = vector.extract_strided_slice %mul3A_10 {offsets = [2], sizes = [1], strides = [1]} : vector<16xf32> to vector<1xf32>
    %squeeze3A_15 = vector.extract %slice3A_14[0] : f32 from vector<1xf32>
    %add3A_16 = arith.addf %add3A_13, %squeeze3A_15 : f32
    %broadcast_in_dim3A_17 = vector.broadcast %add3A_16 : f32 to vector<16xf32>
    %neg3A = arith.constant 0.000000e+00 : f32
    %neg3A_18 = vector.broadcast %neg3A : f32 to vector<16xf32>
    %neg3A_19 = arith.subf %neg3A_18, %broadcast_in_dim3A_17 : vector<16xf32>
    %broadcast_in_dim3A_20 = arith.constant 8 : i32
    %broadcast_in_dim3A_21 = vector.broadcast %broadcast_in_dim3A_20 : i32 to vector<16xi32>
    %broadcast_in_dim3A_22 = arith.constant 4 : i32
    %broadcast_in_dim3A_23 = vector.broadcast %broadcast_in_dim3A_22 : i32 to vector<16xi32>
    %broadcast_in_dim3A_24 = arith.constant 2 : i32
    %broadcast_in_dim3A_25 = vector.broadcast %broadcast_in_dim3A_24 : i32 to vector<16xi32>
    %broadcast_in_dim3A_26 = arith.constant 1 : i32
    %broadcast_in_dim3A_27 = vector.broadcast %broadcast_in_dim3A_26 : i32 to vector<16xi32>
    %broadcast_in_dim3A_28 = arith.constant 0 : i32
    %broadcast_in_dim3A_29 = vector.broadcast %broadcast_in_dim3A_28 : i32 to vector<16xi32>
    %mul3A_30 = arith.constant 16 : i32
    %mul3A_31 = arith.muli %add3A, %mul3A_30 : i32
    %add3A_32 = arith.constant 0 : i32
    %add3A_33 = arith.addi %mul3A_31, %add3A_32 : i32
    %mul3A_34 = arith.constant 32768 : i32
    %mul3A_35 = arith.muli %add3A_33, %mul3A_34 : i32
    %dma_start3A = arith.constant 0 : i32
    %dma_start3A_36 = tpu.memref_slice %arg7[%dma_start3A] : memref<98304xf32, #tpu.memory_space<vmem>> -> memref<32768xf32, #tpu.memory_space<vmem>>
    %dma_start3A_37 = tpu.memref_slice %arg2[%mul3A_35] : memref<16777216xf32, #tpu.memory_space<hbm>> -> memref<32768xf32, #tpu.memory_space<hbm>>
    %dma_start3A_38 = arith.constant 0 : i32
    %dma_start3A_39 = tpu.memref_slice %arg7[%dma_start3A_38] : memref<98304xf32, #tpu.memory_space<vmem>> -> memref<32768xf32, #tpu.memory_space<vmem>>
    %dma_start3A_40 = tpu.memref_slice %arg2[%mul3A_35] : memref<16777216xf32, #tpu.memory_space<hbm>> -> memref<32768xf32, #tpu.memory_space<hbm>>
    tpu.enqueue_dma source(%dma_start3A_40 : memref<32768xf32, #tpu.memory_space<hbm>>) target(%dma_start3A_39 : memref<32768xf32, #tpu.memory_space<vmem>>) target_semaphore(%arg11 : memref<!tpu.dma_semaphore, #tpu.memory_space<semaphore_mem>>)
    %mul3A_41 = arith.constant 16 : i32
    %mul3A_42 = arith.muli %add3A, %mul3A_41 : i32
    %add3A_43 = arith.constant 1 : i32
    %add3A_44 = arith.addi %mul3A_42, %add3A_43 : i32
    %mul3A_45 = arith.constant 32768 : i32
    %mul3A_46 = arith.muli %add3A_44, %mul3A_45 : i32
    %dma_start3A_47 = arith.constant 32768 : i32
    %dma_start3A_48 = tpu.memref_slice %arg7[%dma_start3A_47] : memref<98304xf32, #tpu.memory_space<vmem>> -> memref<32768xf32, #tpu.memory_space<vmem>>
    %dma_start3A_49 = tpu.memref_slice %arg2[%mul3A_46] : memref<16777216xf32, #tpu.memory_space<hbm>> -> memref<32768xf32, #tpu.memory_space<hbm>>
    %dma_start3A_50 = arith.constant 32768 : i32
    %dma_start3A_51 = tpu.memref_slice %arg7[%dma_start3A_50] : memref<98304xf32, #tpu.memory_space<vmem>> -> memref<32768xf32, #tpu.memory_space<vmem>>
    %dma_start3A_52 = tpu.memref_slice %arg2[%mul3A_46] : memref<16777216xf32, #tpu.memory_space<hbm>> -> memref<32768xf32, #tpu.memory_space<hbm>>
    tpu.enqueue_dma source(%dma_start3A_52 : memref<32768xf32, #tpu.memory_space<hbm>>) target(%dma_start3A_51 : memref<32768xf32, #tpu.memory_space<vmem>>) target_semaphore(%arg12 : memref<!tpu.dma_semaphore, #tpu.memory_space<semaphore_mem>>)
    %scan3A = arith.constant 0 : i32
    %scan3A_53 = arith.constant 0 : i32
    %scan3A_54 = arith.constant 5 : i32
    %scan3A_55 = arith.addi %scan3A_53, %scan3A_54 : i32
    %scan3A_56 = arith.constant 1 : i32
    scf.for %scan3A_201 = %scan3A_53 to %scan3A_55 step %scan3A_56  : i32 {
      %mul3A_202 = arith.constant 3 : i32
      %mul3A_203 = arith.muli %mul3A_202, %scan3A_201 : i32
      %gt3A = arith.constant 0 : i32
      %gt3A_204 = arith.cmpi sgt, %scan3A_201, %gt3A : i32
      %convert_element_type3A = arith.extui %gt3A_204 : i1 to i32
      %cond3A = arith.constant 0 : i32
      %cond3A_205 = arith.cmpi ne, %convert_element_type3A, %cond3A : i32
      scf.if %cond3A_205 {
        %sub3A_505 = arith.constant 1 : i32
        %sub3A_506 = arith.subi %mul3A_203, %sub3A_505 : i32
        %mul3A_507 = arith.constant 16 : i32
        %mul3A_508 = arith.muli %add3A, %mul3A_507 : i32
        %add3A_509 = arith.addi %mul3A_508, %sub3A_506 : i32
        %mul3A_510 = arith.constant 32768 : i32
        %mul3A_511 = arith.muli %add3A_509, %mul3A_510 : i32
        %dma_wait3A_512 = arith.constant 65536 : i32
        %dma_wait3A_513 = tpu.memref_slice %arg7[%dma_wait3A_512] : memref<98304xf32, #tpu.memory_space<vmem>> -> memref<32768xf32, #tpu.memory_space<vmem>>
        %dma_wait3A_514 = tpu.memref_slice %arg5[%mul3A_511] : memref<16777216xf32, #tpu.memory_space<hbm>> -> memref<32768xf32, #tpu.memory_space<hbm>>
        %dma_wait3A_515 = tpu.memref_slice %arg5[%mul3A_511] : memref<16777216xf32, #tpu.memory_space<hbm>> -> memref<32768xf32, #tpu.memory_space<hbm>>
        %dma_wait3A_516 = arith.constant 65536 : i32
        %dma_wait3A_517 = tpu.memref_slice %arg7[%dma_wait3A_516] : memref<98304xf32, #tpu.memory_space<vmem>> -> memref<32768xf32, #tpu.memory_space<vmem>>
        tpu.wait_dma2 semaphore(%arg16 : memref<!tpu.dma_semaphore, #tpu.memory_space<semaphore_mem>>) src(%dma_wait3A_517 : memref<32768xf32, #tpu.memory_space<vmem>>) dst(%dma_wait3A_515 : memref<32768xf32, #tpu.memory_space<hbm>>)
        %mul3A_518 = arith.constant 8192 : i32
        %mul3A_519 = arith.muli %add3A_509, %mul3A_518 : i32
        %add3A_520 = arith.constant 0 : i32
        %add3A_521 = arith.addi %add3A_520, %mul3A_519 : i32
        %dma_wait3A_522 = arith.constant 16384 : i32
        %dma_wait3A_523 = tpu.memref_slice %arg8[%dma_wait3A_522] : memref<24576xi32, #tpu.memory_space<vmem>> -> memref<8192xi32, #tpu.memory_space<vmem>>
        %dma_wait3A_524 = tpu.memref_slice %arg6[%add3A_521] : memref<12582912xi32, #tpu.memory_space<hbm>> -> memref<8192xi32, #tpu.memory_space<hbm>>
        %dma_wait3A_525 = tpu.memref_slice %arg6[%add3A_521] : memref<12582912xi32, #tpu.memory_space<hbm>> -> memref<8192xi32, #tpu.memory_space<hbm>>
        %dma_wait3A_526 = arith.constant 16384 : i32
        %dma_wait3A_527 = tpu.memref_slice %arg8[%dma_wait3A_526] : memref<24576xi32, #tpu.memory_space<vmem>> -> memref<8192xi32, #tpu.memory_space<vmem>>
        tpu.wait_dma2 semaphore(%arg16 : memref<!tpu.dma_semaphore, #tpu.memory_space<semaphore_mem>>) src(%dma_wait3A_527 : memref<8192xi32, #tpu.memory_space<vmem>>) dst(%dma_wait3A_525 : memref<8192xi32, #tpu.memory_space<hbm>>)
        %mul3A_528 = arith.constant 8192 : i32
        %mul3A_529 = arith.muli %add3A_509, %mul3A_528 : i32
        %add3A_530 = arith.constant 4194304 : i32
        %add3A_531 = arith.addi %add3A_530, %mul3A_529 : i32
        %dma_wait3A_532 = arith.constant 16384 : i32
        %dma_wait3A_533 = tpu.memref_slice %arg8[%dma_wait3A_532] : memref<24576xi32, #tpu.memory_space<vmem>> -> memref<8192xi32, #tpu.memory_space<vmem>>
        %dma_wait3A_534 = tpu.memref_slice %arg6[%add3A_531] : memref<12582912xi32, #tpu.memory_space<hbm>> -> memref<8192xi32, #tpu.memory_space<hbm>>
        %dma_wait3A_535 = tpu.memref_slice %arg6[%add3A_531] : memref<12582912xi32, #tpu.memory_space<hbm>> -> memref<8192xi32, #tpu.memory_space<hbm>>
        %dma_wait3A_536 = arith.constant 16384 : i32
        %dma_wait3A_537 = tpu.memref_slice %arg8[%dma_wait3A_536] : memref<24576xi32, #tpu.memory_space<vmem>> -> memref<8192xi32, #tpu.memory_space<vmem>>
        tpu.wait_dma2 semaphore(%arg16 : memref<!tpu.dma_semaphore, #tpu.memory_space<semaphore_mem>>) src(%dma_wait3A_537 : memref<8192xi32, #tpu.memory_space<vmem>>) dst(%dma_wait3A_535 : memref<8192xi32, #tpu.memory_space<hbm>>)
        %mul3A_538 = arith.constant 8192 : i32
        %mul3A_539 = arith.muli %add3A_509, %mul3A_538 : i32
        %add3A_540 = arith.constant 8388608 : i32
        %add3A_541 = arith.addi %add3A_540, %mul3A_539 : i32
        %dma_wait3A_542 = arith.constant 16384 : i32
        %dma_wait3A_543 = tpu.memref_slice %arg8[%dma_wait3A_542] : memref<24576xi32, #tpu.memory_space<vmem>> -> memref<8192xi32, #tpu.memory_space<vmem>>
        %dma_wait3A_544 = tpu.memref_slice %arg6[%add3A_541] : memref<12582912xi32, #tpu.memory_space<hbm>> -> memref<8192xi32, #tpu.memory_space<hbm>>
        %dma_wait3A_545 = tpu.memref_slice %arg6[%add3A_541] : memref<12582912xi32, #tpu.memory_space<hbm>> -> memref<8192xi32, #tpu.memory_space<hbm>>
        %dma_wait3A_546 = arith.constant 16384 : i32
        %dma_wait3A_547 = tpu.memref_slice %arg8[%dma_wait3A_546] : memref<24576xi32, #tpu.memory_space<vmem>> -> memref<8192xi32, #tpu.memory_space<vmem>>
        tpu.wait_dma2 semaphore(%arg16 : memref<!tpu.dma_semaphore, #tpu.memory_space<semaphore_mem>>) src(%dma_wait3A_547 : memref<8192xi32, #tpu.memory_space<vmem>>) dst(%dma_wait3A_545 : memref<8192xi32, #tpu.memory_space<hbm>>)
      } else {
      }
      %add3A_206 = arith.constant 2 : i32
      %add3A_207 = arith.addi %mul3A_203, %add3A_206 : i32
      %mul3A_208 = arith.constant 16 : i32
      %mul3A_209 = arith.muli %add3A, %mul3A_208 : i32
      %add3A_210 = arith.addi %mul3A_209, %add3A_207 : i32
      %mul3A_211 = arith.constant 32768 : i32
      %mul3A_212 = arith.muli %add3A_210, %mul3A_211 : i32
      %dma_start3A_213 = arith.constant 65536 : i32
      %dma_start3A_214 = tpu.memref_slice %arg7[%dma_start3A_213] : memref<98304xf32, #tpu.memory_space<vmem>> -> memref<32768xf32, #tpu.memory_space<vmem>>
      %dma_start3A_215 = tpu.memref_slice %arg2[%mul3A_212] : memref<16777216xf32, #tpu.memory_space<hbm>> -> memref<32768xf32, #tpu.memory_space<hbm>>
      %dma_start3A_216 = arith.constant 65536 : i32
      %dma_start3A_217 = tpu.memref_slice %arg7[%dma_start3A_216] : memref<98304xf32, #tpu.memory_space<vmem>> -> memref<32768xf32, #tpu.memory_space<vmem>>
      %dma_start3A_218 = tpu.memref_slice %arg2[%mul3A_212] : memref<16777216xf32, #tpu.memory_space<hbm>> -> memref<32768xf32, #tpu.memory_space<hbm>>
      tpu.enqueue_dma source(%dma_start3A_218 : memref<32768xf32, #tpu.memory_space<hbm>>) target(%dma_start3A_217 : memref<32768xf32, #tpu.memory_space<vmem>>) target_semaphore(%arg13 : memref<!tpu.dma_semaphore, #tpu.memory_space<semaphore_mem>>)
      %add3A_219 = arith.constant 0 : i32
      %add3A_220 = arith.addi %mul3A_203, %add3A_219 : i32
      %mul3A_221 = arith.constant 16 : i32
      %mul3A_222 = arith.muli %add3A, %mul3A_221 : i32
      %add3A_223 = arith.addi %mul3A_222, %add3A_220 : i32
      %mul3A_224 = arith.constant 32768 : i32
      %mul3A_225 = arith.muli %add3A_223, %mul3A_224 : i32
      %dma_wait3A_226 = arith.constant 0 : i32
      %dma_wait3A_227 = tpu.memref_slice %arg7[%dma_wait3A_226] : memref<98304xf32, #tpu.memory_space<vmem>> -> memref<32768xf32, #tpu.memory_space<vmem>>
      %dma_wait3A_228 = tpu.memref_slice %arg2[%mul3A_225] : memref<16777216xf32, #tpu.memory_space<hbm>> -> memref<32768xf32, #tpu.memory_space<hbm>>
      %dma_wait3A_229 = arith.constant 0 : i32
      %dma_wait3A_230 = tpu.memref_slice %arg7[%dma_wait3A_229] : memref<98304xf32, #tpu.memory_space<vmem>> -> memref<32768xf32, #tpu.memory_space<vmem>>
      %dma_wait3A_231 = tpu.memref_slice %arg2[%mul3A_225] : memref<16777216xf32, #tpu.memory_space<hbm>> -> memref<32768xf32, #tpu.memory_space<hbm>>
      tpu.wait_dma2 semaphore(%arg11 : memref<!tpu.dma_semaphore, #tpu.memory_space<semaphore_mem>>) src(%dma_wait3A_231 : memref<32768xf32, #tpu.memory_space<hbm>>) dst(%dma_wait3A_230 : memref<32768xf32, #tpu.memory_space<vmem>>)
      %scan3A_232 = arith.constant 0 : i32
      %scan3A_233 = arith.constant 0 : i32
      %scan3A_234 = arith.constant 64 : i32
      %scan3A_235 = arith.addi %scan3A_233, %scan3A_234 : i32
      %scan3A_236 = arith.constant 1 : i32
      scf.for %scan3A_505 = %scan3A_233 to %scan3A_235 step %scan3A_236  : i32 {
        %shift_right_arithmetic3A = arith.constant 3 : i32
        %shift_right_arithmetic3A_506 = arith.shrsi %scan3A_505, %shift_right_arithmetic3A : i32
        %and3A = arith.constant 7 : i32
        %and3A_507 = arith.andi %scan3A_505, %and3A : i32
        %mul3A_508 = arith.constant 4096 : i32
        %mul3A_509 = arith.muli %and3A_507, %mul3A_508 : i32
        %add3A_510 = arith.constant 0 : i32
        %add3A_511 = arith.addi %add3A_510, %mul3A_509 : i32
        %mul3A_512 = arith.constant 512 : i32
        %mul3A_513 = arith.muli %shift_right_arithmetic3A_506, %mul3A_512 : i32
        %add3A_514 = arith.addi %add3A_511, %mul3A_513 : i32
        %mul3A_515 = arith.constant 128 : i32
        %mul3A_516 = arith.muli %scan3A_505, %mul3A_515 : i32
        %add3A_517 = arith.constant 0 : i32
        %add3A_518 = arith.addi %add3A_517, %mul3A_516 : i32
        %add3A_519 = arith.constant 0 : i32
        %add3A_520 = arith.addi %add3A_514, %add3A_519 : i32
        %get3A_521 = arith.index_cast %add3A_520 : i32 to index
        %get3A_522 = tpu.vector_load %arg7[%get3A_521] {strides = array<i32>} : memref<98304xf32, #tpu.memory_space<vmem>>, vector<16xf32>,
        %add3A_523 = arith.constant 128 : i32
        %add3A_524 = arith.addi %add3A_520, %add3A_523 : i32
        %get3A_525 = arith.index_cast %add3A_524 : i32 to index
        %get3A_526 = tpu.vector_load %arg7[%get3A_525] {strides = array<i32>} : memref<98304xf32, #tpu.memory_space<vmem>>, vector<16xf32>,
        %add3A_527 = arith.constant 256 : i32
        %add3A_528 = arith.addi %add3A_520, %add3A_527 : i32
        %get3A_529 = arith.index_cast %add3A_528 : i32 to index
        %get3A_530 = tpu.vector_load %arg7[%get3A_529] {strides = array<i32>} : memref<98304xf32, #tpu.memory_space<vmem>>, vector<16xf32>,
        %add3A_531 = arith.constant 384 : i32
        %add3A_532 = arith.addi %add3A_520, %add3A_531 : i32
        %get3A_533 = arith.index_cast %add3A_532 : i32 to index
        %get3A_534 = tpu.vector_load %arg7[%get3A_533] {strides = array<i32>} : memref<98304xf32, #tpu.memory_space<vmem>>, vector<16xf32>,
        %gt3A_535 = arith.constant 0.000000e+00 : f32
        %gt3A_536 = vector.broadcast %gt3A_535 : f32 to vector<16xf32>
        %gt3A_537 = arith.cmpf ogt, %get3A_522, %gt3A_536 : vector<16xf32>
        %gt3A_538 = arith.constant 0.000000e+00 : f32
        %gt3A_539 = vector.broadcast %gt3A_538 : f32 to vector<16xf32>
        %gt3A_540 = arith.cmpf ogt, %get3A_526, %gt3A_539 : vector<16xf32>
        %gt3A_541 = arith.constant 0.000000e+00 : f32
        %gt3A_542 = vector.broadcast %gt3A_541 : f32 to vector<16xf32>
        %gt3A_543 = arith.cmpf ogt, %get3A_530, %gt3A_542 : vector<16xf32>
        %gt3A_544 = arith.constant 0.000000e+00 : f32
        %gt3A_545 = vector.broadcast %gt3A_544 : f32 to vector<16xf32>
        %gt3A_546 = arith.cmpf ogt, %get3A_534, %gt3A_545 : vector<16xf32>
        %select_n3A = arith.select %gt3A_537, %broadcast_in_dim3A_17, %neg3A_19 : vector<16xi1>, vector<16xf32>
        %swap3A_547 = arith.index_cast %add3A_520 : i32 to index
        %swap3A_548 = tpu.vector_load %arg7[%swap3A_547] {strides = array<i32>} : memref<98304xf32, #tpu.memory_space<vmem>>, vector<16xf32>,
        tpu.vector_store %arg7[%swap3A_547], %select_n3A {strides = array<i32>} : memref<98304xf32, #tpu.memory_space<vmem>>, vector<16xf32>,
        %select_n3A_549 = arith.select %gt3A_540, %broadcast_in_dim3A_17, %neg3A_19 : vector<16xi1>, vector<16xf32>
        %add3A_550 = arith.constant 128 : i32
        %add3A_551 = arith.addi %add3A_520, %add3A_550 : i32
        %swap3A_552 = arith.index_cast %add3A_551 : i32 to index
        %swap3A_553 = tpu.vector_load %arg7[%swap3A_552] {strides = array<i32>} : memref<98304xf32, #tpu.memory_space<vmem>>, vector<16xf32>,
        tpu.vector_store %arg7[%swap3A_552], %select_n3A_549 {strides = array<i32>} : memref<98304xf32, #tpu.memory_space<vmem>>, vector<16xf32>,
        %select_n3A_554 = arith.select %gt3A_543, %broadcast_in_dim3A_17, %neg3A_19 : vector<16xi1>, vector<16xf32>
        %add3A_555 = arith.constant 256 : i32
        %add3A_556 = arith.addi %add3A_520, %add3A_555 : i32
        %swap3A_557 = arith.index_cast %add3A_556 : i32 to index
        %swap3A_558 = tpu.vector_load %arg7[%swap3A_557] {strides = array<i32>} : memref<98304xf32, #tpu.memory_space<vmem>>, vector<16xf32>,
        tpu.vector_store %arg7[%swap3A_557], %select_n3A_554 {strides = array<i32>} : memref<98304xf32, #tpu.memory_space<vmem>>, vector<16xf32>,
        %select_n3A_559 = arith.select %gt3A_546, %broadcast_in_dim3A_17, %neg3A_19 : vector<16xi1>, vector<16xf32>
        %add3A_560 = arith.constant 384 : i32
        %add3A_561 = arith.addi %add3A_520, %add3A_560 : i32
        %swap3A_562 = arith.index_cast %add3A_561 : i32 to index
        %swap3A_563 = tpu.vector_load %arg7[%swap3A_562] {strides = array<i32>} : memref<98304xf32, #tpu.memory_space<vmem>>, vector<16xf32>,
        tpu.vector_store %arg7[%swap3A_562], %select_n3A_559 {strides = array<i32>} : memref<98304xf32, #tpu.memory_space<vmem>>, vector<16xf32>,
        %select_n3A_564 = arith.select %gt3A_537, %broadcast_in_dim3A_21, %broadcast_in_dim3A_29 : vector<16xi1>, vector<16xi32>
        %select_n3A_565 = arith.select %gt3A_540, %broadcast_in_dim3A_23, %broadcast_in_dim3A_29 : vector<16xi1>, vector<16xi32>
        %add3A_566 = arith.addi %select_n3A_564, %select_n3A_565 : vector<16xi32>
        %select_n3A_567 = arith.select %gt3A_543, %broadcast_in_dim3A_25, %broadcast_in_dim3A_29 : vector<16xi1>, vector<16xi32>
        %add3A_568 = arith.addi %add3A_566, %select_n3A_567 : vector<16xi32>
        %select_n3A_569 = arith.select %gt3A_546, %broadcast_in_dim3A_27, %broadcast_in_dim3A_29 : vector<16xi1>, vector<16xi32>
        %add3A_570 = arith.addi %add3A_568, %select_n3A_569 : vector<16xi32>
        %add3A_571 = arith.constant 0 : i32
        %add3A_572 = arith.addi %add3A_518, %add3A_571 : i32
        %swap3A_573 = arith.index_cast %add3A_572 : i32 to index
        %swap3A_574 = tpu.vector_load %arg8[%swap3A_573] {strides = array<i32>} : memref<24576xi32, #tpu.memory_space<vmem>>, vector<16xi32>,
        tpu.vector_store %arg8[%swap3A_573], %add3A_570 {strides = array<i32>} : memref<24576xi32, #tpu.memory_space<vmem>>, vector<16xi32>,
        %add3A_575 = arith.constant 16 : i32
        %add3A_576 = arith.addi %add3A_514, %add3A_575 : i32
        %get3A_577 = arith.index_cast %add3A_576 : i32 to index
        %get3A_578 = tpu.vector_load %arg7[%get3A_577] {strides = array<i32>} : memref<98304xf32, #tpu.memory_space<vmem>>, vector<16xf32>,
        %add3A_579 = arith.constant 128 : i32
        %add3A_580 = arith.addi %add3A_576, %add3A_579 : i32
        %get3A_581 = arith.index_cast %add3A_580 : i32 to index
        %get3A_582 = tpu.vector_load %arg7[%get3A_581] {strides = array<i32>} : memref<98304xf32, #tpu.memory_space<vmem>>, vector<16xf32>,
        %add3A_583 = arith.constant 256 : i32
        %add3A_584 = arith.addi %add3A_576, %add3A_583 : i32
        %get3A_585 = arith.index_cast %add3A_584 : i32 to index
        %get3A_586 = tpu.vector_load %arg7[%get3A_585] {strides = array<i32>} : memref<98304xf32, #tpu.memory_space<vmem>>, vector<16xf32>,
        %add3A_587 = arith.constant 384 : i32
        %add3A_588 = arith.addi %add3A_576, %add3A_587 : i32
        %get3A_589 = arith.index_cast %add3A_588 : i32 to index
        %get3A_590 = tpu.vector_load %arg7[%get3A_589] {strides = array<i32>} : memref<98304xf32, #tpu.memory_space<vmem>>, vector<16xf32>,
        %gt3A_591 = arith.constant 0.000000e+00 : f32
        %gt3A_592 = vector.broadcast %gt3A_591 : f32 to vector<16xf32>
        %gt3A_593 = arith.cmpf ogt, %get3A_578, %gt3A_592 : vector<16xf32>
        %gt3A_594 = arith.constant 0.000000e+00 : f32
        %gt3A_595 = vector.broadcast %gt3A_594 : f32 to vector<16xf32>
        %gt3A_596 = arith.cmpf ogt, %get3A_582, %gt3A_595 : vector<16xf32>
        %gt3A_597 = arith.constant 0.000000e+00 : f32
        %gt3A_598 = vector.broadcast %gt3A_597 : f32 to vector<16xf32>
        %gt3A_599 = arith.cmpf ogt, %get3A_586, %gt3A_598 : vector<16xf32>
        %gt3A_600 = arith.constant 0.000000e+00 : f32
        %gt3A_601 = vector.broadcast %gt3A_600 : f32 to vector<16xf32>
        %gt3A_602 = arith.cmpf ogt, %get3A_590, %gt3A_601 : vector<16xf32>
        %select_n3A_603 = arith.select %gt3A_593, %broadcast_in_dim3A_17, %neg3A_19 : vector<16xi1>, vector<16xf32>
        %swap3A_604 = arith.index_cast %add3A_576 : i32 to index
        %swap3A_605 = tpu.vector_load %arg7[%swap3A_604] {strides = array<i32>} : memref<98304xf32, #tpu.memory_space<vmem>>, vector<16xf32>,
        tpu.vector_store %arg7[%swap3A_604], %select_n3A_603 {strides = array<i32>} : memref<98304xf32, #tpu.memory_space<vmem>>, vector<16xf32>,
        %select_n3A_606 = arith.select %gt3A_596, %broadcast_in_dim3A_17, %neg3A_19 : vector<16xi1>, vector<16xf32>
        %add3A_607 = arith.constant 128 : i32
        %add3A_608 = arith.addi %add3A_576, %add3A_607 : i32
        %swap3A_609 = arith.index_cast %add3A_608 : i32 to index
        %swap3A_610 = tpu.vector_load %arg7[%swap3A_609] {strides = array<i32>} : memref<98304xf32, #tpu.memory_space<vmem>>, vector<16xf32>,
        tpu.vector_store %arg7[%swap3A_609], %select_n3A_606 {strides = array<i32>} : memref<98304xf32, #tpu.memory_space<vmem>>, vector<16xf32>,
        %select_n3A_611 = arith.select %gt3A_599, %broadcast_in_dim3A_17, %neg3A_19 : vector<16xi1>, vector<16xf32>
        %add3A_612 = arith.constant 256 : i32
        %add3A_613 = arith.addi %add3A_576, %add3A_612 : i32
        %swap3A_614 = arith.index_cast %add3A_613 : i32 to index
        %swap3A_615 = tpu.vector_load %arg7[%swap3A_614] {strides = array<i32>} : memref<98304xf32, #tpu.memory_space<vmem>>, vector<16xf32>,
        tpu.vector_store %arg7[%swap3A_614], %select_n3A_611 {strides = array<i32>} : memref<98304xf32, #tpu.memory_space<vmem>>, vector<16xf32>,
        %select_n3A_616 = arith.select %gt3A_602, %broadcast_in_dim3A_17, %neg3A_19 : vector<16xi1>, vector<16xf32>
        %add3A_617 = arith.constant 384 : i32
        %add3A_618 = arith.addi %add3A_576, %add3A_617 : i32
        %swap3A_619 = arith.index_cast %add3A_618 : i32 to index
        %swap3A_620 = tpu.vector_load %arg7[%swap3A_619] {strides = array<i32>} : memref<98304xf32, #tpu.memory_space<vmem>>, vector<16xf32>,
        tpu.vector_store %arg7[%swap3A_619], %select_n3A_616 {strides = array<i32>} : memref<98304xf32, #tpu.memory_space<vmem>>, vector<16xf32>,
        %select_n3A_621 = arith.select %gt3A_593, %broadcast_in_dim3A_21, %broadcast_in_dim3A_29 : vector<16xi1>, vector<16xi32>
        %select_n3A_622 = arith.select %gt3A_596, %broadcast_in_dim3A_23, %broadcast_in_dim3A_29 : vector<16xi1>, vector<16xi32>
        %add3A_623 = arith.addi %select_n3A_621, %select_n3A_622 : vector<16xi32>
        %select_n3A_624 = arith.select %gt3A_599, %broadcast_in_dim3A_25, %broadcast_in_dim3A_29 : vector<16xi1>, vector<16xi32>
        %add3A_625 = arith.addi %add3A_623, %select_n3A_624 : vector<16xi32>
        %select_n3A_626 = arith.select %gt3A_602, %broadcast_in_dim3A_27, %broadcast_in_dim3A_29 : vector<16xi1>, vector<16xi32>
        %add3A_627 = arith.addi %add3A_625, %select_n3A_626 : vector<16xi32>
        %add3A_628 = arith.constant 16 : i32
        %add3A_629 = arith.addi %add3A_518, %add3A_628 : i32
        %swap3A_630 = arith.index_cast %add3A_629 : i32 to index
        %swap3A_631 = tpu.vector_load %arg8[%swap3A_630] {strides = array<i32>} : memref<24576xi32, #tpu.memory_space<vmem>>, vector<16xi32>,
        tpu.vector_store %arg8[%swap3A_630], %add3A_627 {strides = array<i32>} : memref<24576xi32, #tpu.memory_space<vmem>>, vector<16xi32>,
        %add3A_632 = arith.constant 32 : i32
        %add3A_633 = arith.addi %add3A_514, %add3A_632 : i32
        %get3A_634 = arith.index_cast %add3A_633 : i32 to index
        %get3A_635 = tpu.vector_load %arg7[%get3A_634] {strides = array<i32>} : memref<98304xf32, #tpu.memory_space<vmem>>, vector<16xf32>,
        %add3A_636 = arith.constant 128 : i32
        %add3A_637 = arith.addi %add3A_633, %add3A_636 : i32
        %get3A_638 = arith.index_cast %add3A_637 : i32 to index
        %get3A_639 = tpu.vector_load %arg7[%get3A_638] {strides = array<i32>} : memref<98304xf32, #tpu.memory_space<vmem>>, vector<16xf32>,
        %add3A_640 = arith.constant 256 : i32
        %add3A_641 = arith.addi %add3A_633, %add3A_640 : i32
        %get3A_642 = arith.index_cast %add3A_641 : i32 to index
        %get3A_643 = tpu.vector_load %arg7[%get3A_642] {strides = array<i32>} : memref<98304xf32, #tpu.memory_space<vmem>>, vector<16xf32>,
        %add3A_644 = arith.constant 384 : i32
        %add3A_645 = arith.addi %add3A_633, %add3A_644 : i32
        %get3A_646 = arith.index_cast %add3A_645 : i32 to index
        %get3A_647 = tpu.vector_load %arg7[%get3A_646] {strides = array<i32>} : memref<98304xf32, #tpu.memory_space<vmem>>, vector<16xf32>,
        %gt3A_648 = arith.constant 0.000000e+00 : f32
        %gt3A_649 = vector.broadcast %gt3A_648 : f32 to vector<16xf32>
        %gt3A_650 = arith.cmpf ogt, %get3A_635, %gt3A_649 : vector<16xf32>
        %gt3A_651 = arith.constant 0.000000e+00 : f32
        %gt3A_652 = vector.broadcast %gt3A_651 : f32 to vector<16xf32>
        %gt3A_653 = arith.cmpf ogt, %get3A_639, %gt3A_652 : vector<16xf32>
        %gt3A_654 = arith.constant 0.000000e+00 : f32
        %gt3A_655 = vector.broadcast %gt3A_654 : f32 to vector<16xf32>
        %gt3A_656 = arith.cmpf ogt, %get3A_643, %gt3A_655 : vector<16xf32>
        %gt3A_657 = arith.constant 0.000000e+00 : f32
        %gt3A_658 = vector.broadcast %gt3A_657 : f32 to vector<16xf32>
        %gt3A_659 = arith.cmpf ogt, %get3A_647, %gt3A_658 : vector<16xf32>
        %select_n3A_660 = arith.select %gt3A_650, %broadcast_in_dim3A_17, %neg3A_19 : vector<16xi1>, vector<16xf32>
        %swap3A_661 = arith.index_cast %add3A_633 : i32 to index
        %swap3A_662 = tpu.vector_load %arg7[%swap3A_661] {strides = array<i32>} : memref<98304xf32, #tpu.memory_space<vmem>>, vector<16xf32>,
        tpu.vector_store %arg7[%swap3A_661], %select_n3A_660 {strides = array<i32>} : memref<98304xf32, #tpu.memory_space<vmem>>, vector<16xf32>,
        %select_n3A_663 = arith.select %gt3A_653, %broadcast_in_dim3A_17, %neg3A_19 : vector<16xi1>, vector<16xf32>
        %add3A_664 = arith.constant 128 : i32
        %add3A_665 = arith.addi %add3A_633, %add3A_664 : i32
        %swap3A_666 = arith.index_cast %add3A_665 : i32 to index
        %swap3A_667 = tpu.vector_load %arg7[%swap3A_666] {strides = array<i32>} : memref<98304xf32, #tpu.memory_space<vmem>>, vector<16xf32>,
        tpu.vector_store %arg7[%swap3A_666], %select_n3A_663 {strides = array<i32>} : memref<98304xf32, #tpu.memory_space<vmem>>, vector<16xf32>,
        %select_n3A_668 = arith.select %gt3A_656, %broadcast_in_dim3A_17, %neg3A_19 : vector<16xi1>, vector<16xf32>
        %add3A_669 = arith.constant 256 : i32
        %add3A_670 = arith.addi %add3A_633, %add3A_669 : i32
        %swap3A_671 = arith.index_cast %add3A_670 : i32 to index
        %swap3A_672 = tpu.vector_load %arg7[%swap3A_671] {strides = array<i32>} : memref<98304xf32, #tpu.memory_space<vmem>>, vector<16xf32>,
        tpu.vector_store %arg7[%swap3A_671], %select_n3A_668 {strides = array<i32>} : memref<98304xf32, #tpu.memory_space<vmem>>, vector<16xf32>,
        %select_n3A_673 = arith.select %gt3A_659, %broadcast_in_dim3A_17, %neg3A_19 : vector<16xi1>, vector<16xf32>
        %add3A_674 = arith.constant 384 : i32
        %add3A_675 = arith.addi %add3A_633, %add3A_674 : i32
        %swap3A_676 = arith.index_cast %add3A_675 : i32 to index
        %swap3A_677 = tpu.vector_load %arg7[%swap3A_676] {strides = array<i32>} : memref<98304xf32, #tpu.memory_space<vmem>>, vector<16xf32>,
        tpu.vector_store %arg7[%swap3A_676], %select_n3A_673 {strides = array<i32>} : memref<98304xf32, #tpu.memory_space<vmem>>, vector<16xf32>,
        %select_n3A_678 = arith.select %gt3A_650, %broadcast_in_dim3A_21, %broadcast_in_dim3A_29 : vector<16xi1>, vector<16xi32>
        %select_n3A_679 = arith.select %gt3A_653, %broadcast_in_dim3A_23, %broadcast_in_dim3A_29 : vector<16xi1>, vector<16xi32>
        %add3A_680 = arith.addi %select_n3A_678, %select_n3A_679 : vector<16xi32>
        %select_n3A_681 = arith.select %gt3A_656, %broadcast_in_dim3A_25, %broadcast_in_dim3A_29 : vector<16xi1>, vector<16xi32>
        %add3A_682 = arith.addi %add3A_680, %select_n3A_681 : vector<16xi32>
        %select_n3A_683 = arith.select %gt3A_659, %broadcast_in_dim3A_27, %broadcast_in_dim3A_29 : vector<16xi1>, vector<16xi32>
        %add3A_684 = arith.addi %add3A_682, %select_n3A_683 : vector<16xi32>
        %add3A_685 = arith.constant 32 : i32
        %add3A_686 = arith.addi %add3A_518, %add3A_685 : i32
        %swap3A_687 = arith.index_cast %add3A_686 : i32 to index
        %swap3A_688 = tpu.vector_load %arg8[%swap3A_687] {strides = array<i32>} : memref<24576xi32, #tpu.memory_space<vmem>>, vector<16xi32>,
        tpu.vector_store %arg8[%swap3A_687], %add3A_684 {strides = array<i32>} : memref<24576xi32, #tpu.memory_space<vmem>>, vector<16xi32>,
        %add3A_689 = arith.constant 48 : i32
        %add3A_690 = arith.addi %add3A_514, %add3A_689 : i32
        %get3A_691 = arith.index_cast %add3A_690 : i32 to index
        %get3A_692 = tpu.vector_load %arg7[%get3A_691] {strides = array<i32>} : memref<98304xf32, #tpu.memory_space<vmem>>, vector<16xf32>,
        %add3A_693 = arith.constant 128 : i32
        %add3A_694 = arith.addi %add3A_690, %add3A_693 : i32
        %get3A_695 = arith.index_cast %add3A_694 : i32 to index
        %get3A_696 = tpu.vector_load %arg7[%get3A_695] {strides = array<i32>} : memref<98304xf32, #tpu.memory_space<vmem>>, vector<16xf32>,
        %add3A_697 = arith.constant 256 : i32
        %add3A_698 = arith.addi %add3A_690, %add3A_697 : i32
        %get3A_699 = arith.index_cast %add3A_698 : i32 to index
        %get3A_700 = tpu.vector_load %arg7[%get3A_699] {strides = array<i32>} : memref<98304xf32, #tpu.memory_space<vmem>>, vector<16xf32>,
        %add3A_701 = arith.constant 384 : i32
        %add3A_702 = arith.addi %add3A_690, %add3A_701 : i32
        %get3A_703 = arith.index_cast %add3A_702 : i32 to index
        %get3A_704 = tpu.vector_load %arg7[%get3A_703] {strides = array<i32>} : memref<98304xf32, #tpu.memory_space<vmem>>, vector<16xf32>,
        %gt3A_705 = arith.constant 0.000000e+00 : f32
        %gt3A_706 = vector.broadcast %gt3A_705 : f32 to vector<16xf32>
        %gt3A_707 = arith.cmpf ogt, %get3A_692, %gt3A_706 : vector<16xf32>
        %gt3A_708 = arith.constant 0.000000e+00 : f32
        %gt3A_709 = vector.broadcast %gt3A_708 : f32 to vector<16xf32>
        %gt3A_710 = arith.cmpf ogt, %get3A_696, %gt3A_709 : vector<16xf32>
        %gt3A_711 = arith.constant 0.000000e+00 : f32
        %gt3A_712 = vector.broadcast %gt3A_711 : f32 to vector<16xf32>
        %gt3A_713 = arith.cmpf ogt, %get3A_700, %gt3A_712 : vector<16xf32>
        %gt3A_714 = arith.constant 0.000000e+00 : f32
        %gt3A_715 = vector.broadcast %gt3A_714 : f32 to vector<16xf32>
        %gt3A_716 = arith.cmpf ogt, %get3A_704, %gt3A_715 : vector<16xf32>
        %select_n3A_717 = arith.select %gt3A_707, %broadcast_in_dim3A_17, %neg3A_19 : vector<16xi1>, vector<16xf32>
        %swap3A_718 = arith.index_cast %add3A_690 : i32 to index
        %swap3A_719 = tpu.vector_load %arg7[%swap3A_718] {strides = array<i32>} : memref<98304xf32, #tpu.memory_space<vmem>>, vector<16xf32>,
        tpu.vector_store %arg7[%swap3A_718], %select_n3A_717 {strides = array<i32>} : memref<98304xf32, #tpu.memory_space<vmem>>, vector<16xf32>,
        %select_n3A_720 = arith.select %gt3A_710, %broadcast_in_dim3A_17, %neg3A_19 : vector<16xi1>, vector<16xf32>
        %add3A_721 = arith.constant 128 : i32
        %add3A_722 = arith.addi %add3A_690, %add3A_721 : i32
        %swap3A_723 = arith.index_cast %add3A_722 : i32 to index
        %swap3A_724 = tpu.vector_load %arg7[%swap3A_723] {strides = array<i32>} : memref<98304xf32, #tpu.memory_space<vmem>>, vector<16xf32>,
        tpu.vector_store %arg7[%swap3A_723], %select_n3A_720 {strides = array<i32>} : memref<98304xf32, #tpu.memory_space<vmem>>, vector<16xf32>,
        %select_n3A_725 = arith.select %gt3A_713, %broadcast_in_dim3A_17, %neg3A_19 : vector<16xi1>, vector<16xf32>
        %add3A_726 = arith.constant 256 : i32
        %add3A_727 = arith.addi %add3A_690, %add3A_726 : i32
        %swap3A_728 = arith.index_cast %add3A_727 : i32 to index
        %swap3A_729 = tpu.vector_load %arg7[%swap3A_728] {strides = array<i32>} : memref<98304xf32, #tpu.memory_space<vmem>>, vector<16xf32>,
        tpu.vector_store %arg7[%swap3A_728], %select_n3A_725 {strides = array<i32>} : memref<98304xf32, #tpu.memory_space<vmem>>, vector<16xf32>,
        %select_n3A_730 = arith.select %gt3A_716, %broadcast_in_dim3A_17, %neg3A_19 : vector<16xi1>, vector<16xf32>
        %add3A_731 = arith.constant 384 : i32
        %add3A_732 = arith.addi %add3A_690, %add3A_731 : i32
        %swap3A_733 = arith.index_cast %add3A_732 : i32 to index
        %swap3A_734 = tpu.vector_load %arg7[%swap3A_733] {strides = array<i32>} : memref<98304xf32, #tpu.memory_space<vmem>>, vector<16xf32>,
        tpu.vector_store %arg7[%swap3A_733], %select_n3A_730 {strides = array<i32>} : memref<98304xf32, #tpu.memory_space<vmem>>, vector<16xf32>,
        %select_n3A_735 = arith.select %gt3A_707, %broadcast_in_dim3A_21, %broadcast_in_dim3A_29 : vector<16xi1>, vector<16xi32>
        %select_n3A_736 = arith.select %gt3A_710, %broadcast_in_dim3A_23, %broadcast_in_dim3A_29 : vector<16xi1>, vector<16xi32>
        %add3A_737 = arith.addi %select_n3A_735, %select_n3A_736 : vector<16xi32>
        %select_n3A_738 = arith.select %gt3A_713, %broadcast_in_dim3A_25, %broadcast_in_dim3A_29 : vector<16xi1>, vector<16xi32>
        %add3A_739 = arith.addi %add3A_737, %select_n3A_738 : vector<16xi32>
        %select_n3A_740 = arith.select %gt3A_716, %broadcast_in_dim3A_27, %broadcast_in_dim3A_29 : vector<16xi1>, vector<16xi32>
        %add3A_741 = arith.addi %add3A_739, %select_n3A_740 : vector<16xi32>
        %add3A_742 = arith.constant 48 : i32
        %add3A_743 = arith.addi %add3A_518, %add3A_742 : i32
        %swap3A_744 = arith.index_cast %add3A_743 : i32 to index
        %swap3A_745 = tpu.vector_load %arg8[%swap3A_744] {strides = array<i32>} : memref<24576xi32, #tpu.memory_space<vmem>>, vector<16xi32>,
        tpu.vector_store %arg8[%swap3A_744], %add3A_741 {strides = array<i32>} : memref<24576xi32, #tpu.memory_space<vmem>>, vector<16xi32>,
        %add3A_746 = arith.constant 64 : i32
        %add3A_747 = arith.addi %add3A_514, %add3A_746 : i32
        %get3A_748 = arith.index_cast %add3A_747 : i32 to index
        %get3A_749 = tpu.vector_load %arg7[%get3A_748] {strides = array<i32>} : memref<98304xf32, #tpu.memory_space<vmem>>, vector<16xf32>,
        %add3A_750 = arith.constant 128 : i32
        %add3A_751 = arith.addi %add3A_747, %add3A_750 : i32
        %get3A_752 = arith.index_cast %add3A_751 : i32 to index
        %get3A_753 = tpu.vector_load %arg7[%get3A_752] {strides = array<i32>} : memref<98304xf32, #tpu.memory_space<vmem>>, vector<16xf32>,
        %add3A_754 = arith.constant 256 : i32
        %add3A_755 = arith.addi %add3A_747, %add3A_754 : i32
        %get3A_756 = arith.index_cast %add3A_755 : i32 to index
        %get3A_757 = tpu.vector_load %arg7[%get3A_756] {strides = array<i32>} : memref<98304xf32, #tpu.memory_space<vmem>>, vector<16xf32>,
        %add3A_758 = arith.constant 384 : i32
        %add3A_759 = arith.addi %add3A_747, %add3A_758 : i32
        %get3A_760 = arith.index_cast %add3A_759 : i32 to index
        %get3A_761 = tpu.vector_load %arg7[%get3A_760] {strides = array<i32>} : memref<98304xf32, #tpu.memory_space<vmem>>, vector<16xf32>,
        %gt3A_762 = arith.constant 0.000000e+00 : f32
        %gt3A_763 = vector.broadcast %gt3A_762 : f32 to vector<16xf32>
        %gt3A_764 = arith.cmpf ogt, %get3A_749, %gt3A_763 : vector<16xf32>
        %gt3A_765 = arith.constant 0.000000e+00 : f32
        %gt3A_766 = vector.broadcast %gt3A_765 : f32 to vector<16xf32>
        %gt3A_767 = arith.cmpf ogt, %get3A_753, %gt3A_766 : vector<16xf32>
        %gt3A_768 = arith.constant 0.000000e+00 : f32
        %gt3A_769 = vector.broadcast %gt3A_768 : f32 to vector<16xf32>
        %gt3A_770 = arith.cmpf ogt, %get3A_757, %gt3A_769 : vector<16xf32>
        %gt3A_771 = arith.constant 0.000000e+00 : f32
        %gt3A_772 = vector.broadcast %gt3A_771 : f32 to vector<16xf32>
        %gt3A_773 = arith.cmpf ogt, %get3A_761, %gt3A_772 : vector<16xf32>
        %select_n3A_774 = arith.select %gt3A_764, %broadcast_in_dim3A_17, %neg3A_19 : vector<16xi1>, vector<16xf32>
        %swap3A_775 = arith.index_cast %add3A_747 : i32 to index
        %swap3A_776 = tpu.vector_load %arg7[%swap3A_775] {strides = array<i32>} : memref<98304xf32, #tpu.memory_space<vmem>>, vector<16xf32>,
        tpu.vector_store %arg7[%swap3A_775], %select_n3A_774 {strides = array<i32>} : memref<98304xf32, #tpu.memory_space<vmem>>, vector<16xf32>,
        %select_n3A_777 = arith.select %gt3A_767, %broadcast_in_dim3A_17, %neg3A_19 : vector<16xi1>, vector<16xf32>
        %add3A_778 = arith.constant 128 : i32
        %add3A_779 = arith.addi %add3A_747, %add3A_778 : i32
        %swap3A_780 = arith.index_cast %add3A_779 : i32 to index
        %swap3A_781 = tpu.vector_load %arg7[%swap3A_780] {strides = array<i32>} : memref<98304xf32, #tpu.memory_space<vmem>>, vector<16xf32>,
        tpu.vector_store %arg7[%swap3A_780], %select_n3A_777 {strides = array<i32>} : memref<98304xf32, #tpu.memory_space<vmem>>, vector<16xf32>,
        %select_n3A_782 = arith.select %gt3A_770, %broadcast_in_dim3A_17, %neg3A_19 : vector<16xi1>, vector<16xf32>
        %add3A_783 = arith.constant 256 : i32
        %add3A_784 = arith.addi %add3A_747, %add3A_783 : i32
        %swap3A_785 = arith.index_cast %add3A_784 : i32 to index
        %swap3A_786 = tpu.vector_load %arg7[%swap3A_785] {strides = array<i32>} : memref<98304xf32, #tpu.memory_space<vmem>>, vector<16xf32>,
        tpu.vector_store %arg7[%swap3A_785], %select_n3A_782 {strides = array<i32>} : memref<98304xf32, #tpu.memory_space<vmem>>, vector<16xf32>,
        %select_n3A_787 = arith.select %gt3A_773, %broadcast_in_dim3A_17, %neg3A_19 : vector<16xi1>, vector<16xf32>
        %add3A_788 = arith.constant 384 : i32
        %add3A_789 = arith.addi %add3A_747, %add3A_788 : i32
        %swap3A_790 = arith.index_cast %add3A_789 : i32 to index
        %swap3A_791 = tpu.vector_load %arg7[%swap3A_790] {strides = array<i32>} : memref<98304xf32, #tpu.memory_space<vmem>>, vector<16xf32>,
        tpu.vector_store %arg7[%swap3A_790], %select_n3A_787 {strides = array<i32>} : memref<98304xf32, #tpu.memory_space<vmem>>, vector<16xf32>,
        %select_n3A_792 = arith.select %gt3A_764, %broadcast_in_dim3A_21, %broadcast_in_dim3A_29 : vector<16xi1>, vector<16xi32>
        %select_n3A_793 = arith.select %gt3A_767, %broadcast_in_dim3A_23, %broadcast_in_dim3A_29 : vector<16xi1>, vector<16xi32>
        %add3A_794 = arith.addi %select_n3A_792, %select_n3A_793 : vector<16xi32>
        %select_n3A_795 = arith.select %gt3A_770, %broadcast_in_dim3A_25, %broadcast_in_dim3A_29 : vector<16xi1>, vector<16xi32>
        %add3A_796 = arith.addi %add3A_794, %select_n3A_795 : vector<16xi32>
        %select_n3A_797 = arith.select %gt3A_773, %broadcast_in_dim3A_27, %broadcast_in_dim3A_29 : vector<16xi1>, vector<16xi32>
        %add3A_798 = arith.addi %add3A_796, %select_n3A_797 : vector<16xi32>
        %add3A_799 = arith.constant 64 : i32
        %add3A_800 = arith.addi %add3A_518, %add3A_799 : i32
        %swap3A_801 = arith.index_cast %add3A_800 : i32 to index
        %swap3A_802 = tpu.vector_load %arg8[%swap3A_801] {strides = array<i32>} : memref<24576xi32, #tpu.memory_space<vmem>>, vector<16xi32>,
        tpu.vector_store %arg8[%swap3A_801], %add3A_798 {strides = array<i32>} : memref<24576xi32, #tpu.memory_space<vmem>>, vector<16xi32>,
        %add3A_803 = arith.constant 80 : i32
        %add3A_804 = arith.addi %add3A_514, %add3A_803 : i32
        %get3A_805 = arith.index_cast %add3A_804 : i32 to index
        %get3A_806 = tpu.vector_load %arg7[%get3A_805] {strides = array<i32>} : memref<98304xf32, #tpu.memory_space<vmem>>, vector<16xf32>,
        %add3A_807 = arith.constant 128 : i32
        %add3A_808 = arith.addi %add3A_804, %add3A_807 : i32
        %get3A_809 = arith.index_cast %add3A_808 : i32 to index
        %get3A_810 = tpu.vector_load %arg7[%get3A_809] {strides = array<i32>} : memref<98304xf32, #tpu.memory_space<vmem>>, vector<16xf32>,
        %add3A_811 = arith.constant 256 : i32
        %add3A_812 = arith.addi %add3A_804, %add3A_811 : i32
        %get3A_813 = arith.index_cast %add3A_812 : i32 to index
        %get3A_814 = tpu.vector_load %arg7[%get3A_813] {strides = array<i32>} : memref<98304xf32, #tpu.memory_space<vmem>>, vector<16xf32>,
        %add3A_815 = arith.constant 384 : i32
        %add3A_816 = arith.addi %add3A_804, %add3A_815 : i32
        %get3A_817 = arith.index_cast %add3A_816 : i32 to index
        %get3A_818 = tpu.vector_load %arg7[%get3A_817] {strides = array<i32>} : memref<98304xf32, #tpu.memory_space<vmem>>, vector<16xf32>,
        %gt3A_819 = arith.constant 0.000000e+00 : f32
        %gt3A_820 = vector.broadcast %gt3A_819 : f32 to vector<16xf32>
        %gt3A_821 = arith.cmpf ogt, %get3A_806, %gt3A_820 : vector<16xf32>
        %gt3A_822 = arith.constant 0.000000e+00 : f32
        %gt3A_823 = vector.broadcast %gt3A_822 : f32 to vector<16xf32>
        %gt3A_824 = arith.cmpf ogt, %get3A_810, %gt3A_823 : vector<16xf32>
        %gt3A_825 = arith.constant 0.000000e+00 : f32
        %gt3A_826 = vector.broadcast %gt3A_825 : f32 to vector<16xf32>
        %gt3A_827 = arith.cmpf ogt, %get3A_814, %gt3A_826 : vector<16xf32>
        %gt3A_828 = arith.constant 0.000000e+00 : f32
        %gt3A_829 = vector.broadcast %gt3A_828 : f32 to vector<16xf32>
        %gt3A_830 = arith.cmpf ogt, %get3A_818, %gt3A_829 : vector<16xf32>
        %select_n3A_831 = arith.select %gt3A_821, %broadcast_in_dim3A_17, %neg3A_19 : vector<16xi1>, vector<16xf32>
        %swap3A_832 = arith.index_cast %add3A_804 : i32 to index
        %swap3A_833 = tpu.vector_load %arg7[%swap3A_832] {strides = array<i32>} : memref<98304xf32, #tpu.memory_space<vmem>>, vector<16xf32>,
        tpu.vector_store %arg7[%swap3A_832], %select_n3A_831 {strides = array<i32>} : memref<98304xf32, #tpu.memory_space<vmem>>, vector<16xf32>,
        %select_n3A_834 = arith.select %gt3A_824, %broadcast_in_dim3A_17, %neg3A_19 : vector<16xi1>, vector<16xf32>
        %add3A_835 = arith.constant 128 : i32
        %add3A_836 = arith.addi %add3A_804, %add3A_835 : i32
        %swap3A_837 = arith.index_cast %add3A_836 : i32 to index
        %swap3A_838 = tpu.vector_load %arg7[%swap3A_837] {strides = array<i32>} : memref<98304xf32, #tpu.memory_space<vmem>>, vector<16xf32>,
        tpu.vector_store %arg7[%swap3A_837], %select_n3A_834 {strides = array<i32>} : memref<98304xf32, #tpu.memory_space<vmem>>, vector<16xf32>,
        %select_n3A_839 = arith.select %gt3A_827, %broadcast_in_dim3A_17, %neg3A_19 : vector<16xi1>, vector<16xf32>
        %add3A_840 = arith.constant 256 : i32
        %add3A_841 = arith.addi %add3A_804, %add3A_840 : i32
        %swap3A_842 = arith.index_cast %add3A_841 : i32 to index
        %swap3A_843 = tpu.vector_load %arg7[%swap3A_842] {strides = array<i32>} : memref<98304xf32, #tpu.memory_space<vmem>>, vector<16xf32>,
        tpu.vector_store %arg7[%swap3A_842], %select_n3A_839 {strides = array<i32>} : memref<98304xf32, #tpu.memory_space<vmem>>, vector<16xf32>,
        %select_n3A_844 = arith.select %gt3A_830, %broadcast_in_dim3A_17, %neg3A_19 : vector<16xi1>, vector<16xf32>
        %add3A_845 = arith.constant 384 : i32
        %add3A_846 = arith.addi %add3A_804, %add3A_845 : i32
        %swap3A_847 = arith.index_cast %add3A_846 : i32 to index
        %swap3A_848 = tpu.vector_load %arg7[%swap3A_847] {strides = array<i32>} : memref<98304xf32, #tpu.memory_space<vmem>>, vector<16xf32>,
        tpu.vector_store %arg7[%swap3A_847], %select_n3A_844 {strides = array<i32>} : memref<98304xf32, #tpu.memory_space<vmem>>, vector<16xf32>,
        %select_n3A_849 = arith.select %gt3A_821, %broadcast_in_dim3A_21, %broadcast_in_dim3A_29 : vector<16xi1>, vector<16xi32>
        %select_n3A_850 = arith.select %gt3A_824, %broadcast_in_dim3A_23, %broadcast_in_dim3A_29 : vector<16xi1>, vector<16xi32>
        %add3A_851 = arith.addi %select_n3A_849, %select_n3A_850 : vector<16xi32>
        %select_n3A_852 = arith.select %gt3A_827, %broadcast_in_dim3A_25, %broadcast_in_dim3A_29 : vector<16xi1>, vector<16xi32>
        %add3A_853 = arith.addi %add3A_851, %select_n3A_852 : vector<16xi32>
        %select_n3A_854 = arith.select %gt3A_830, %broadcast_in_dim3A_27, %broadcast_in_dim3A_29 : vector<16xi1>, vector<16xi32>
        %add3A_855 = arith.addi %add3A_853, %select_n3A_854 : vector<16xi32>
        %add3A_856 = arith.constant 80 : i32
        %add3A_857 = arith.addi %add3A_518, %add3A_856 : i32
        %swap3A_858 = arith.index_cast %add3A_857 : i32 to index
        %swap3A_859 = tpu.vector_load %arg8[%swap3A_858] {strides = array<i32>} : memref<24576xi32, #tpu.memory_space<vmem>>, vector<16xi32>,
        tpu.vector_store %arg8[%swap3A_858], %add3A_855 {strides = array<i32>} : memref<24576xi32, #tpu.memory_space<vmem>>, vector<16xi32>,
        %add3A_860 = arith.constant 96 : i32
        %add3A_861 = arith.addi %add3A_514, %add3A_860 : i32
        %get3A_862 = arith.index_cast %add3A_861 : i32 to index
        %get3A_863 = tpu.vector_load %arg7[%get3A_862] {strides = array<i32>} : memref<98304xf32, #tpu.memory_space<vmem>>, vector<16xf32>,
        %add3A_864 = arith.constant 128 : i32
        %add3A_865 = arith.addi %add3A_861, %add3A_864 : i32
        %get3A_866 = arith.index_cast %add3A_865 : i32 to index
        %get3A_867 = tpu.vector_load %arg7[%get3A_866] {strides = array<i32>} : memref<98304xf32, #tpu.memory_space<vmem>>, vector<16xf32>,
        %add3A_868 = arith.constant 256 : i32
        %add3A_869 = arith.addi %add3A_861, %add3A_868 : i32
        %get3A_870 = arith.index_cast %add3A_869 : i32 to index
        %get3A_871 = tpu.vector_load %arg7[%get3A_870] {strides = array<i32>} : memref<98304xf32, #tpu.memory_space<vmem>>, vector<16xf32>,
        %add3A_872 = arith.constant 384 : i32
        %add3A_873 = arith.addi %add3A_861, %add3A_872 : i32
        %get3A_874 = arith.index_cast %add3A_873 : i32 to index
        %get3A_875 = tpu.vector_load %arg7[%get3A_874] {strides = array<i32>} : memref<98304xf32, #tpu.memory_space<vmem>>, vector<16xf32>,
        %gt3A_876 = arith.constant 0.000000e+00 : f32
        %gt3A_877 = vector.broadcast %gt3A_876 : f32 to vector<16xf32>
        %gt3A_878 = arith.cmpf ogt, %get3A_863, %gt3A_877 : vector<16xf32>
        %gt3A_879 = arith.constant 0.000000e+00 : f32
        %gt3A_880 = vector.broadcast %gt3A_879 : f32 to vector<16xf32>
        %gt3A_881 = arith.cmpf ogt, %get3A_867, %gt3A_880 : vector<16xf32>
        %gt3A_882 = arith.constant 0.000000e+00 : f32
        %gt3A_883 = vector.broadcast %gt3A_882 : f32 to vector<16xf32>
        %gt3A_884 = arith.cmpf ogt, %get3A_871, %gt3A_883 : vector<16xf32>
        %gt3A_885 = arith.constant 0.000000e+00 : f32
        %gt3A_886 = vector.broadcast %gt3A_885 : f32 to vector<16xf32>
        %gt3A_887 = arith.cmpf ogt, %get3A_875, %gt3A_886 : vector<16xf32>
        %select_n3A_888 = arith.select %gt3A_878, %broadcast_in_dim3A_17, %neg3A_19 : vector<16xi1>, vector<16xf32>
        %swap3A_889 = arith.index_cast %add3A_861 : i32 to index
        %swap3A_890 = tpu.vector_load %arg7[%swap3A_889] {strides = array<i32>} : memref<98304xf32, #tpu.memory_space<vmem>>, vector<16xf32>,
        tpu.vector_store %arg7[%swap3A_889], %select_n3A_888 {strides = array<i32>} : memref<98304xf32, #tpu.memory_space<vmem>>, vector<16xf32>,
        %select_n3A_891 = arith.select %gt3A_881, %broadcast_in_dim3A_17, %neg3A_19 : vector<16xi1>, vector<16xf32>
        %add3A_892 = arith.constant 128 : i32
        %add3A_893 = arith.addi %add3A_861, %add3A_892 : i32
        %swap3A_894 = arith.index_cast %add3A_893 : i32 to index
        %swap3A_895 = tpu.vector_load %arg7[%swap3A_894] {strides = array<i32>} : memref<98304xf32, #tpu.memory_space<vmem>>, vector<16xf32>,
        tpu.vector_store %arg7[%swap3A_894], %select_n3A_891 {strides = array<i32>} : memref<98304xf32, #tpu.memory_space<vmem>>, vector<16xf32>,
        %select_n3A_896 = arith.select %gt3A_884, %broadcast_in_dim3A_17, %neg3A_19 : vector<16xi1>, vector<16xf32>
        %add3A_897 = arith.constant 256 : i32
        %add3A_898 = arith.addi %add3A_861, %add3A_897 : i32
        %swap3A_899 = arith.index_cast %add3A_898 : i32 to index
        %swap3A_900 = tpu.vector_load %arg7[%swap3A_899] {strides = array<i32>} : memref<98304xf32, #tpu.memory_space<vmem>>, vector<16xf32>,
        tpu.vector_store %arg7[%swap3A_899], %select_n3A_896 {strides = array<i32>} : memref<98304xf32, #tpu.memory_space<vmem>>, vector<16xf32>,
        %select_n3A_901 = arith.select %gt3A_887, %broadcast_in_dim3A_17, %neg3A_19 : vector<16xi1>, vector<16xf32>
        %add3A_902 = arith.constant 384 : i32
        %add3A_903 = arith.addi %add3A_861, %add3A_902 : i32
        %swap3A_904 = arith.index_cast %add3A_903 : i32 to index
        %swap3A_905 = tpu.vector_load %arg7[%swap3A_904] {strides = array<i32>} : memref<98304xf32, #tpu.memory_space<vmem>>, vector<16xf32>,
        tpu.vector_store %arg7[%swap3A_904], %select_n3A_901 {strides = array<i32>} : memref<98304xf32, #tpu.memory_space<vmem>>, vector<16xf32>,
        %select_n3A_906 = arith.select %gt3A_878, %broadcast_in_dim3A_21, %broadcast_in_dim3A_29 : vector<16xi1>, vector<16xi32>
        %select_n3A_907 = arith.select %gt3A_881, %broadcast_in_dim3A_23, %broadcast_in_dim3A_29 : vector<16xi1>, vector<16xi32>
        %add3A_908 = arith.addi %select_n3A_906, %select_n3A_907 : vector<16xi32>
        %select_n3A_909 = arith.select %gt3A_884, %broadcast_in_dim3A_25, %broadcast_in_dim3A_29 : vector<16xi1>, vector<16xi32>
        %add3A_910 = arith.addi %add3A_908, %select_n3A_909 : vector<16xi32>
        %select_n3A_911 = arith.select %gt3A_887, %broadcast_in_dim3A_27, %broadcast_in_dim3A_29 : vector<16xi1>, vector<16xi32>
        %add3A_912 = arith.addi %add3A_910, %select_n3A_911 : vector<16xi32>
        %add3A_913 = arith.constant 96 : i32
        %add3A_914 = arith.addi %add3A_518, %add3A_913 : i32
        %swap3A_915 = arith.index_cast %add3A_914 : i32 to index
        %swap3A_916 = tpu.vector_load %arg8[%swap3A_915] {strides = array<i32>} : memref<24576xi32, #tpu.memory_space<vmem>>, vector<16xi32>,
        tpu.vector_store %arg8[%swap3A_915], %add3A_912 {strides = array<i32>} : memref<24576xi32, #tpu.memory_space<vmem>>, vector<16xi32>,
        %add3A_917 = arith.constant 112 : i32
        %add3A_918 = arith.addi %add3A_514, %add3A_917 : i32
        %get3A_919 = arith.index_cast %add3A_918 : i32 to index
        %get3A_920 = tpu.vector_load %arg7[%get3A_919] {strides = array<i32>} : memref<98304xf32, #tpu.memory_space<vmem>>, vector<16xf32>,
        %add3A_921 = arith.constant 128 : i32
        %add3A_922 = arith.addi %add3A_918, %add3A_921 : i32
        %get3A_923 = arith.index_cast %add3A_922 : i32 to index
        %get3A_924 = tpu.vector_load %arg7[%get3A_923] {strides = array<i32>} : memref<98304xf32, #tpu.memory_space<vmem>>, vector<16xf32>,
        %add3A_925 = arith.constant 256 : i32
        %add3A_926 = arith.addi %add3A_918, %add3A_925 : i32
        %get3A_927 = arith.index_cast %add3A_926 : i32 to index
        %get3A_928 = tpu.vector_load %arg7[%get3A_927] {strides = array<i32>} : memref<98304xf32, #tpu.memory_space<vmem>>, vector<16xf32>,
        %add3A_929 = arith.constant 384 : i32
        %add3A_930 = arith.addi %add3A_918, %add3A_929 : i32
        %get3A_931 = arith.index_cast %add3A_930 : i32 to index
        %get3A_932 = tpu.vector_load %arg7[%get3A_931] {strides = array<i32>} : memref<98304xf32, #tpu.memory_space<vmem>>, vector<16xf32>,
        %gt3A_933 = arith.constant 0.000000e+00 : f32
        %gt3A_934 = vector.broadcast %gt3A_933 : f32 to vector<16xf32>
        %gt3A_935 = arith.cmpf ogt, %get3A_920, %gt3A_934 : vector<16xf32>
        %gt3A_936 = arith.constant 0.000000e+00 : f32
        %gt3A_937 = vector.broadcast %gt3A_936 : f32 to vector<16xf32>
        %gt3A_938 = arith.cmpf ogt, %get3A_924, %gt3A_937 : vector<16xf32>
        %gt3A_939 = arith.constant 0.000000e+00 : f32
        %gt3A_940 = vector.broadcast %gt3A_939 : f32 to vector<16xf32>
        %gt3A_941 = arith.cmpf ogt, %get3A_928, %gt3A_940 : vector<16xf32>
        %gt3A_942 = arith.constant 0.000000e+00 : f32
        %gt3A_943 = vector.broadcast %gt3A_942 : f32 to vector<16xf32>
        %gt3A_944 = arith.cmpf ogt, %get3A_932, %gt3A_943 : vector<16xf32>
        %select_n3A_945 = arith.select %gt3A_935, %broadcast_in_dim3A_17, %neg3A_19 : vector<16xi1>, vector<16xf32>
        %swap3A_946 = arith.index_cast %add3A_918 : i32 to index
        %swap3A_947 = tpu.vector_load %arg7[%swap3A_946] {strides = array<i32>} : memref<98304xf32, #tpu.memory_space<vmem>>, vector<16xf32>,
        tpu.vector_store %arg7[%swap3A_946], %select_n3A_945 {strides = array<i32>} : memref<98304xf32, #tpu.memory_space<vmem>>, vector<16xf32>,
        %select_n3A_948 = arith.select %gt3A_938, %broadcast_in_dim3A_17, %neg3A_19 : vector<16xi1>, vector<16xf32>
        %add3A_949 = arith.constant 128 : i32
        %add3A_950 = arith.addi %add3A_918, %add3A_949 : i32
        %swap3A_951 = arith.index_cast %add3A_950 : i32 to index
        %swap3A_952 = tpu.vector_load %arg7[%swap3A_951] {strides = array<i32>} : memref<98304xf32, #tpu.memory_space<vmem>>, vector<16xf32>,
        tpu.vector_store %arg7[%swap3A_951], %select_n3A_948 {strides = array<i32>} : memref<98304xf32, #tpu.memory_space<vmem>>, vector<16xf32>,
        %select_n3A_953 = arith.select %gt3A_941, %broadcast_in_dim3A_17, %neg3A_19 : vector<16xi1>, vector<16xf32>
        %add3A_954 = arith.constant 256 : i32
        %add3A_955 = arith.addi %add3A_918, %add3A_954 : i32
        %swap3A_956 = arith.index_cast %add3A_955 : i32 to index
        %swap3A_957 = tpu.vector_load %arg7[%swap3A_956] {strides = array<i32>} : memref<98304xf32, #tpu.memory_space<vmem>>, vector<16xf32>,
        tpu.vector_store %arg7[%swap3A_956], %select_n3A_953 {strides = array<i32>} : memref<98304xf32, #tpu.memory_space<vmem>>, vector<16xf32>,
        %select_n3A_958 = arith.select %gt3A_944, %broadcast_in_dim3A_17, %neg3A_19 : vector<16xi1>, vector<16xf32>
        %add3A_959 = arith.constant 384 : i32
        %add3A_960 = arith.addi %add3A_918, %add3A_959 : i32
        %swap3A_961 = arith.index_cast %add3A_960 : i32 to index
        %swap3A_962 = tpu.vector_load %arg7[%swap3A_961] {strides = array<i32>} : memref<98304xf32, #tpu.memory_space<vmem>>, vector<16xf32>,
        tpu.vector_store %arg7[%swap3A_961], %select_n3A_958 {strides = array<i32>} : memref<98304xf32, #tpu.memory_space<vmem>>, vector<16xf32>,
        %select_n3A_963 = arith.select %gt3A_935, %broadcast_in_dim3A_21, %broadcast_in_dim3A_29 : vector<16xi1>, vector<16xi32>
        %select_n3A_964 = arith.select %gt3A_938, %broadcast_in_dim3A_23, %broadcast_in_dim3A_29 : vector<16xi1>, vector<16xi32>
        %add3A_965 = arith.addi %select_n3A_963, %select_n3A_964 : vector<16xi32>
        %select_n3A_966 = arith.select %gt3A_941, %broadcast_in_dim3A_25, %broadcast_in_dim3A_29 : vector<16xi1>, vector<16xi32>
        %add3A_967 = arith.addi %add3A_965, %select_n3A_966 : vector<16xi32>
        %select_n3A_968 = arith.select %gt3A_944, %broadcast_in_dim3A_27, %broadcast_in_dim3A_29 : vector<16xi1>, vector<16xi32>
        %add3A_969 = arith.addi %add3A_967, %select_n3A_968 : vector<16xi32>
        %add3A_970 = arith.constant 112 : i32
        %add3A_971 = arith.addi %add3A_518, %add3A_970 : i32
        %swap3A_972 = arith.index_cast %add3A_971 : i32 to index
        %swap3A_973 = tpu.vector_load %arg8[%swap3A_972] {strides = array<i32>} : memref<24576xi32, #tpu.memory_space<vmem>>, vector<16xi32>,
        tpu.vector_store %arg8[%swap3A_972], %add3A_969 {strides = array<i32>} : memref<24576xi32, #tpu.memory_space<vmem>>, vector<16xi32>,
      }
      %scan3A_237 = arith.constant 64 : i32
      %mul3A_238 = arith.constant 16 : i32
      %mul3A_239 = arith.muli %add3A, %mul3A_238 : i32
      %add3A_240 = arith.addi %mul3A_239, %add3A_220 : i32
      %mul3A_241 = arith.constant 32768 : i32
      %mul3A_242 = arith.muli %add3A_240, %mul3A_241 : i32
      %dma_start3A_243 = arith.constant 0 : i32
      %dma_start3A_244 = tpu.memref_slice %arg7[%dma_start3A_243] : memref<98304xf32, #tpu.memory_space<vmem>> -> memref<32768xf32, #tpu.memory_space<vmem>>
      %dma_start3A_245 = tpu.memref_slice %arg5[%mul3A_242] : memref<16777216xf32, #tpu.memory_space<hbm>> -> memref<32768xf32, #tpu.memory_space<hbm>>
      %dma_start3A_246 = tpu.memref_slice %arg5[%mul3A_242] : memref<16777216xf32, #tpu.memory_space<hbm>> -> memref<32768xf32, #tpu.memory_space<hbm>>
      %dma_start3A_247 = arith.constant 0 : i32
      %dma_start3A_248 = tpu.memref_slice %arg7[%dma_start3A_247] : memref<98304xf32, #tpu.memory_space<vmem>> -> memref<32768xf32, #tpu.memory_space<vmem>>
      tpu.enqueue_dma source(%dma_start3A_248 : memref<32768xf32, #tpu.memory_space<vmem>>) target(%dma_start3A_246 : memref<32768xf32, #tpu.memory_space<hbm>>) target_semaphore(%arg14 : memref<!tpu.dma_semaphore, #tpu.memory_space<semaphore_mem>>)
      %mul3A_249 = arith.constant 8192 : i32
      %mul3A_250 = arith.muli %add3A_240, %mul3A_249 : i32
      %add3A_251 = arith.constant 0 : i32
      %add3A_252 = arith.addi %add3A_251, %mul3A_250 : i32
      %dma_start3A_253 = arith.constant 0 : i32
      %dma_start3A_254 = tpu.memref_slice %arg8[%dma_start3A_253] : memref<24576xi32, #tpu.memory_space<vmem>> -> memref<8192xi32, #tpu.memory_space<vmem>>
      %dma_start3A_255 = tpu.memref_slice %arg6[%add3A_252] : memref<12582912xi32, #tpu.memory_space<hbm>> -> memref<8192xi32, #tpu.memory_space<hbm>>
      %dma_start3A_256 = tpu.memref_slice %arg6[%add3A_252] : memref<12582912xi32, #tpu.memory_space<hbm>> -> memref<8192xi32, #tpu.memory_space<hbm>>
      %dma_start3A_257 = arith.constant 0 : i32
      %dma_start3A_258 = tpu.memref_slice %arg8[%dma_start3A_257] : memref<24576xi32, #tpu.memory_space<vmem>> -> memref<8192xi32, #tpu.memory_space<vmem>>
      tpu.enqueue_dma source(%dma_start3A_258 : memref<8192xi32, #tpu.memory_space<vmem>>) target(%dma_start3A_256 : memref<8192xi32, #tpu.memory_space<hbm>>) target_semaphore(%arg14 : memref<!tpu.dma_semaphore, #tpu.memory_space<semaphore_mem>>)
      %mul3A_259 = arith.constant 8192 : i32
      %mul3A_260 = arith.muli %add3A_240, %mul3A_259 : i32
      %add3A_261 = arith.constant 4194304 : i32
      %add3A_262 = arith.addi %add3A_261, %mul3A_260 : i32
      %dma_start3A_263 = arith.constant 0 : i32
      %dma_start3A_264 = tpu.memref_slice %arg8[%dma_start3A_263] : memref<24576xi32, #tpu.memory_space<vmem>> -> memref<8192xi32, #tpu.memory_space<vmem>>
      %dma_start3A_265 = tpu.memref_slice %arg6[%add3A_262] : memref<12582912xi32, #tpu.memory_space<hbm>> -> memref<8192xi32, #tpu.memory_space<hbm>>
      %dma_start3A_266 = tpu.memref_slice %arg6[%add3A_262] : memref<12582912xi32, #tpu.memory_space<hbm>> -> memref<8192xi32, #tpu.memory_space<hbm>>
      %dma_start3A_267 = arith.constant 0 : i32
      %dma_start3A_268 = tpu.memref_slice %arg8[%dma_start3A_267] : memref<24576xi32, #tpu.memory_space<vmem>> -> memref<8192xi32, #tpu.memory_space<vmem>>
      tpu.enqueue_dma source(%dma_start3A_268 : memref<8192xi32, #tpu.memory_space<vmem>>) target(%dma_start3A_266 : memref<8192xi32, #tpu.memory_space<hbm>>) target_semaphore(%arg14 : memref<!tpu.dma_semaphore, #tpu.memory_space<semaphore_mem>>)
      %mul3A_269 = arith.constant 8192 : i32
      %mul3A_270 = arith.muli %add3A_240, %mul3A_269 : i32
      %add3A_271 = arith.constant 8388608 : i32
      %add3A_272 = arith.addi %add3A_271, %mul3A_270 : i32
      %dma_start3A_273 = arith.constant 0 : i32
      %dma_start3A_274 = tpu.memref_slice %arg8[%dma_start3A_273] : memref<24576xi32, #tpu.memory_space<vmem>> -> memref<8192xi32, #tpu.memory_space<vmem>>
      %dma_start3A_275 = tpu.memref_slice %arg6[%add3A_272] : memref<12582912xi32, #tpu.memory_space<hbm>> -> memref<8192xi32, #tpu.memory_space<hbm>>
      %dma_start3A_276 = tpu.memref_slice %arg6[%add3A_272] : memref<12582912xi32, #tpu.memory_space<hbm>> -> memref<8192xi32, #tpu.memory_space<hbm>>
      %dma_start3A_277 = arith.constant 0 : i32
      %dma_start3A_278 = tpu.memref_slice %arg8[%dma_start3A_277] : memref<24576xi32, #tpu.memory_space<vmem>> -> memref<8192xi32, #tpu.memory_space<vmem>>
      tpu.enqueue_dma source(%dma_start3A_278 : memref<8192xi32, #tpu.memory_space<vmem>>) target(%dma_start3A_276 : memref<8192xi32, #tpu.memory_space<hbm>>) target_semaphore(%arg14 : memref<!tpu.dma_semaphore, #tpu.memory_space<semaphore_mem>>)
      %add3A_279 = arith.constant 1 : i32
      %add3A_280 = arith.addi %mul3A_203, %add3A_279 : i32
      %mul3A_281 = arith.constant 16 : i32
      %mul3A_282 = arith.muli %add3A, %mul3A_281 : i32
      %add3A_283 = arith.addi %mul3A_282, %add3A_280 : i32
      %mul3A_284 = arith.constant 32768 : i32
      %mul3A_285 = arith.muli %add3A_283, %mul3A_284 : i32
      %dma_wait3A_286 = arith.constant 32768 : i32
      %dma_wait3A_287 = tpu.memref_slice %arg7[%dma_wait3A_286] : memref<98304xf32, #tpu.memory_space<vmem>> -> memref<32768xf32, #tpu.memory_space<vmem>>
      %dma_wait3A_288 = tpu.memref_slice %arg2[%mul3A_285] : memref<16777216xf32, #tpu.memory_space<hbm>> -> memref<32768xf32, #tpu.memory_space<hbm>>
      %dma_wait3A_289 = arith.constant 32768 : i32
      %dma_wait3A_290 = tpu.memref_slice %arg7[%dma_wait3A_289] : memref<98304xf32, #tpu.memory_space<vmem>> -> memref<32768xf32, #tpu.memory_space<vmem>>
      %dma_wait3A_291 = tpu.memref_slice %arg2[%mul3A_285] : memref<16777216xf32, #tpu.memory_space<hbm>> -> memref<32768xf32, #tpu.memory_space<hbm>>
      tpu.wait_dma2 semaphore(%arg12 : memref<!tpu.dma_semaphore, #tpu.memory_space<semaphore_mem>>) src(%dma_wait3A_291 : memref<32768xf32, #tpu.memory_space<hbm>>) dst(%dma_wait3A_290 : memref<32768xf32, #tpu.memory_space<vmem>>)
      %scan3A_292 = arith.constant 0 : i32
      %scan3A_293 = arith.constant 0 : i32
      %scan3A_294 = arith.constant 64 : i32
      %scan3A_295 = arith.addi %scan3A_293, %scan3A_294 : i32
      %scan3A_296 = arith.constant 1 : i32
      scf.for %scan3A_505 = %scan3A_293 to %scan3A_295 step %scan3A_296  : i32 {
        %shift_right_arithmetic3A = arith.constant 3 : i32
        %shift_right_arithmetic3A_506 = arith.shrsi %scan3A_505, %shift_right_arithmetic3A : i32
        %and3A = arith.constant 7 : i32
        %and3A_507 = arith.andi %scan3A_505, %and3A : i32
        %mul3A_508 = arith.constant 4096 : i32
        %mul3A_509 = arith.muli %and3A_507, %mul3A_508 : i32
        %add3A_510 = arith.constant 32768 : i32
        %add3A_511 = arith.addi %add3A_510, %mul3A_509 : i32
        %mul3A_512 = arith.constant 512 : i32
        %mul3A_513 = arith.muli %shift_right_arithmetic3A_506, %mul3A_512 : i32
        %add3A_514 = arith.addi %add3A_511, %mul3A_513 : i32
        %mul3A_515 = arith.constant 128 : i32
        %mul3A_516 = arith.muli %scan3A_505, %mul3A_515 : i32
        %add3A_517 = arith.constant 8192 : i32
        %add3A_518 = arith.addi %add3A_517, %mul3A_516 : i32
        %add3A_519 = arith.constant 0 : i32
        %add3A_520 = arith.addi %add3A_514, %add3A_519 : i32
        %get3A_521 = arith.index_cast %add3A_520 : i32 to index
        %get3A_522 = tpu.vector_load %arg7[%get3A_521] {strides = array<i32>} : memref<98304xf32, #tpu.memory_space<vmem>>, vector<16xf32>,
        %add3A_523 = arith.constant 128 : i32
        %add3A_524 = arith.addi %add3A_520, %add3A_523 : i32
        %get3A_525 = arith.index_cast %add3A_524 : i32 to index
        %get3A_526 = tpu.vector_load %arg7[%get3A_525] {strides = array<i32>} : memref<98304xf32, #tpu.memory_space<vmem>>, vector<16xf32>,
        %add3A_527 = arith.constant 256 : i32
        %add3A_528 = arith.addi %add3A_520, %add3A_527 : i32
        %get3A_529 = arith.index_cast %add3A_528 : i32 to index
        %get3A_530 = tpu.vector_load %arg7[%get3A_529] {strides = array<i32>} : memref<98304xf32, #tpu.memory_space<vmem>>, vector<16xf32>,
        %add3A_531 = arith.constant 384 : i32
        %add3A_532 = arith.addi %add3A_520, %add3A_531 : i32
        %get3A_533 = arith.index_cast %add3A_532 : i32 to index
        %get3A_534 = tpu.vector_load %arg7[%get3A_533] {strides = array<i32>} : memref<98304xf32, #tpu.memory_space<vmem>>, vector<16xf32>,
        %gt3A_535 = arith.constant 0.000000e+00 : f32
        %gt3A_536 = vector.broadcast %gt3A_535 : f32 to vector<16xf32>
        %gt3A_537 = arith.cmpf ogt, %get3A_522, %gt3A_536 : vector<16xf32>
        %gt3A_538 = arith.constant 0.000000e+00 : f32
        %gt3A_539 = vector.broadcast %gt3A_538 : f32 to vector<16xf32>
        %gt3A_540 = arith.cmpf ogt, %get3A_526, %gt3A_539 : vector<16xf32>
        %gt3A_541 = arith.constant 0.000000e+00 : f32
        %gt3A_542 = vector.broadcast %gt3A_541 : f32 to vector<16xf32>
        %gt3A_543 = arith.cmpf ogt, %get3A_530, %gt3A_542 : vector<16xf32>
        %gt3A_544 = arith.constant 0.000000e+00 : f32
        %gt3A_545 = vector.broadcast %gt3A_544 : f32 to vector<16xf32>
        %gt3A_546 = arith.cmpf ogt, %get3A_534, %gt3A_545 : vector<16xf32>
        %select_n3A = arith.select %gt3A_537, %broadcast_in_dim3A_17, %neg3A_19 : vector<16xi1>, vector<16xf32>
        %swap3A_547 = arith.index_cast %add3A_520 : i32 to index
        %swap3A_548 = tpu.vector_load %arg7[%swap3A_547] {strides = array<i32>} : memref<98304xf32, #tpu.memory_space<vmem>>, vector<16xf32>,
        tpu.vector_store %arg7[%swap3A_547], %select_n3A {strides = array<i32>} : memref<98304xf32, #tpu.memory_space<vmem>>, vector<16xf32>,
        %select_n3A_549 = arith.select %gt3A_540, %broadcast_in_dim3A_17, %neg3A_19 : vector<16xi1>, vector<16xf32>
        %add3A_550 = arith.constant 128 : i32
        %add3A_551 = arith.addi %add3A_520, %add3A_550 : i32
        %swap3A_552 = arith.index_cast %add3A_551 : i32 to index
        %swap3A_553 = tpu.vector_load %arg7[%swap3A_552] {strides = array<i32>} : memref<98304xf32, #tpu.memory_space<vmem>>, vector<16xf32>,
        tpu.vector_store %arg7[%swap3A_552], %select_n3A_549 {strides = array<i32>} : memref<98304xf32, #tpu.memory_space<vmem>>, vector<16xf32>,
        %select_n3A_554 = arith.select %gt3A_543, %broadcast_in_dim3A_17, %neg3A_19 : vector<16xi1>, vector<16xf32>
        %add3A_555 = arith.constant 256 : i32
        %add3A_556 = arith.addi %add3A_520, %add3A_555 : i32
        %swap3A_557 = arith.index_cast %add3A_556 : i32 to index
        %swap3A_558 = tpu.vector_load %arg7[%swap3A_557] {strides = array<i32>} : memref<98304xf32, #tpu.memory_space<vmem>>, vector<16xf32>,
        tpu.vector_store %arg7[%swap3A_557], %select_n3A_554 {strides = array<i32>} : memref<98304xf32, #tpu.memory_space<vmem>>, vector<16xf32>,
        %select_n3A_559 = arith.select %gt3A_546, %broadcast_in_dim3A_17, %neg3A_19 : vector<16xi1>, vector<16xf32>
        %add3A_560 = arith.constant 384 : i32
        %add3A_561 = arith.addi %add3A_520, %add3A_560 : i32
        %swap3A_562 = arith.index_cast %add3A_561 : i32 to index
        %swap3A_563 = tpu.vector_load %arg7[%swap3A_562] {strides = array<i32>} : memref<98304xf32, #tpu.memory_space<vmem>>, vector<16xf32>,
        tpu.vector_store %arg7[%swap3A_562], %select_n3A_559 {strides = array<i32>} : memref<98304xf32, #tpu.memory_space<vmem>>, vector<16xf32>,
        %select_n3A_564 = arith.select %gt3A_537, %broadcast_in_dim3A_21, %broadcast_in_dim3A_29 : vector<16xi1>, vector<16xi32>
        %select_n3A_565 = arith.select %gt3A_540, %broadcast_in_dim3A_23, %broadcast_in_dim3A_29 : vector<16xi1>, vector<16xi32>
        %add3A_566 = arith.addi %select_n3A_564, %select_n3A_565 : vector<16xi32>
        %select_n3A_567 = arith.select %gt3A_543, %broadcast_in_dim3A_25, %broadcast_in_dim3A_29 : vector<16xi1>, vector<16xi32>
        %add3A_568 = arith.addi %add3A_566, %select_n3A_567 : vector<16xi32>
        %select_n3A_569 = arith.select %gt3A_546, %broadcast_in_dim3A_27, %broadcast_in_dim3A_29 : vector<16xi1>, vector<16xi32>
        %add3A_570 = arith.addi %add3A_568, %select_n3A_569 : vector<16xi32>
        %add3A_571 = arith.constant 0 : i32
        %add3A_572 = arith.addi %add3A_518, %add3A_571 : i32
        %swap3A_573 = arith.index_cast %add3A_572 : i32 to index
        %swap3A_574 = tpu.vector_load %arg8[%swap3A_573] {strides = array<i32>} : memref<24576xi32, #tpu.memory_space<vmem>>, vector<16xi32>,
        tpu.vector_store %arg8[%swap3A_573], %add3A_570 {strides = array<i32>} : memref<24576xi32, #tpu.memory_space<vmem>>, vector<16xi32>,
        %add3A_575 = arith.constant 16 : i32
        %add3A_576 = arith.addi %add3A_514, %add3A_575 : i32
        %get3A_577 = arith.index_cast %add3A_576 : i32 to index
        %get3A_578 = tpu.vector_load %arg7[%get3A_577] {strides = array<i32>} : memref<98304xf32, #tpu.memory_space<vmem>>, vector<16xf32>,
        %add3A_579 = arith.constant 128 : i32
        %add3A_580 = arith.addi %add3A_576, %add3A_579 : i32
        %get3A_581 = arith.index_cast %add3A_580 : i32 to index
        %get3A_582 = tpu.vector_load %arg7[%get3A_581] {strides = array<i32>} : memref<98304xf32, #tpu.memory_space<vmem>>, vector<16xf32>,
        %add3A_583 = arith.constant 256 : i32
        %add3A_584 = arith.addi %add3A_576, %add3A_583 : i32
        %get3A_585 = arith.index_cast %add3A_584 : i32 to index
        %get3A_586 = tpu.vector_load %arg7[%get3A_585] {strides = array<i32>} : memref<98304xf32, #tpu.memory_space<vmem>>, vector<16xf32>,
        %add3A_587 = arith.constant 384 : i32
        %add3A_588 = arith.addi %add3A_576, %add3A_587 : i32
        %get3A_589 = arith.index_cast %add3A_588 : i32 to index
        %get3A_590 = tpu.vector_load %arg7[%get3A_589] {strides = array<i32>} : memref<98304xf32, #tpu.memory_space<vmem>>, vector<16xf32>,
        %gt3A_591 = arith.constant 0.000000e+00 : f32
        %gt3A_592 = vector.broadcast %gt3A_591 : f32 to vector<16xf32>
        %gt3A_593 = arith.cmpf ogt, %get3A_578, %gt3A_592 : vector<16xf32>
        %gt3A_594 = arith.constant 0.000000e+00 : f32
        %gt3A_595 = vector.broadcast %gt3A_594 : f32 to vector<16xf32>
        %gt3A_596 = arith.cmpf ogt, %get3A_582, %gt3A_595 : vector<16xf32>
        %gt3A_597 = arith.constant 0.000000e+00 : f32
        %gt3A_598 = vector.broadcast %gt3A_597 : f32 to vector<16xf32>
        %gt3A_599 = arith.cmpf ogt, %get3A_586, %gt3A_598 : vector<16xf32>
        %gt3A_600 = arith.constant 0.000000e+00 : f32
        %gt3A_601 = vector.broadcast %gt3A_600 : f32 to vector<16xf32>
        %gt3A_602 = arith.cmpf ogt, %get3A_590, %gt3A_601 : vector<16xf32>
        %select_n3A_603 = arith.select %gt3A_593, %broadcast_in_dim3A_17, %neg3A_19 : vector<16xi1>, vector<16xf32>
        %swap3A_604 = arith.index_cast %add3A_576 : i32 to index
        %swap3A_605 = tpu.vector_load %arg7[%swap3A_604] {strides = array<i32>} : memref<98304xf32, #tpu.memory_space<vmem>>, vector<16xf32>,
        tpu.vector_store %arg7[%swap3A_604], %select_n3A_603 {strides = array<i32>} : memref<98304xf32, #tpu.memory_space<vmem>>, vector<16xf32>,
        %select_n3A_606 = arith.select %gt3A_596, %broadcast_in_dim3A_17, %neg3A_19 : vector<16xi1>, vector<16xf32>
        %add3A_607 = arith.constant 128 : i32
        %add3A_608 = arith.addi %add3A_576, %add3A_607 : i32
        %swap3A_609 = arith.index_cast %add3A_608 : i32 to index
        %swap3A_610 = tpu.vector_load %arg7[%swap3A_609] {strides = array<i32>} : memref<98304xf32, #tpu.memory_space<vmem>>, vector<16xf32>,
        tpu.vector_store %arg7[%swap3A_609], %select_n3A_606 {strides = array<i32>} : memref<98304xf32, #tpu.memory_space<vmem>>, vector<16xf32>,
        %select_n3A_611 = arith.select %gt3A_599, %broadcast_in_dim3A_17, %neg3A_19 : vector<16xi1>, vector<16xf32>
        %add3A_612 = arith.constant 256 : i32
        %add3A_613 = arith.addi %add3A_576, %add3A_612 : i32
        %swap3A_614 = arith.index_cast %add3A_613 : i32 to index
        %swap3A_615 = tpu.vector_load %arg7[%swap3A_614] {strides = array<i32>} : memref<98304xf32, #tpu.memory_space<vmem>>, vector<16xf32>,
        tpu.vector_store %arg7[%swap3A_614], %select_n3A_611 {strides = array<i32>} : memref<98304xf32, #tpu.memory_space<vmem>>, vector<16xf32>,
        %select_n3A_616 = arith.select %gt3A_602, %broadcast_in_dim3A_17, %neg3A_19 : vector<16xi1>, vector<16xf32>
        %add3A_617 = arith.constant 384 : i32
        %add3A_618 = arith.addi %add3A_576, %add3A_617 : i32
        %swap3A_619 = arith.index_cast %add3A_618 : i32 to index
        %swap3A_620 = tpu.vector_load %arg7[%swap3A_619] {strides = array<i32>} : memref<98304xf32, #tpu.memory_space<vmem>>, vector<16xf32>,
        tpu.vector_store %arg7[%swap3A_619], %select_n3A_616 {strides = array<i32>} : memref<98304xf32, #tpu.memory_space<vmem>>, vector<16xf32>,
        %select_n3A_621 = arith.select %gt3A_593, %broadcast_in_dim3A_21, %broadcast_in_dim3A_29 : vector<16xi1>, vector<16xi32>
        %select_n3A_622 = arith.select %gt3A_596, %broadcast_in_dim3A_23, %broadcast_in_dim3A_29 : vector<16xi1>, vector<16xi32>
        %add3A_623 = arith.addi %select_n3A_621, %select_n3A_622 : vector<16xi32>
        %select_n3A_624 = arith.select %gt3A_599, %broadcast_in_dim3A_25, %broadcast_in_dim3A_29 : vector<16xi1>, vector<16xi32>
        %add3A_625 = arith.addi %add3A_623, %select_n3A_624 : vector<16xi32>
        %select_n3A_626 = arith.select %gt3A_602, %broadcast_in_dim3A_27, %broadcast_in_dim3A_29 : vector<16xi1>, vector<16xi32>
        %add3A_627 = arith.addi %add3A_625, %select_n3A_626 : vector<16xi32>
        %add3A_628 = arith.constant 16 : i32
        %add3A_629 = arith.addi %add3A_518, %add3A_628 : i32
        %swap3A_630 = arith.index_cast %add3A_629 : i32 to index
        %swap3A_631 = tpu.vector_load %arg8[%swap3A_630] {strides = array<i32>} : memref<24576xi32, #tpu.memory_space<vmem>>, vector<16xi32>,
        tpu.vector_store %arg8[%swap3A_630], %add3A_627 {strides = array<i32>} : memref<24576xi32, #tpu.memory_space<vmem>>, vector<16xi32>,
        %add3A_632 = arith.constant 32 : i32
        %add3A_633 = arith.addi %add3A_514, %add3A_632 : i32
        %get3A_634 = arith.index_cast %add3A_633 : i32 to index
        %get3A_635 = tpu.vector_load %arg7[%get3A_634] {strides = array<i32>} : memref<98304xf32, #tpu.memory_space<vmem>>, vector<16xf32>,
        %add3A_636 = arith.constant 128 : i32
        %add3A_637 = arith.addi %add3A_633, %add3A_636 : i32
        %get3A_638 = arith.index_cast %add3A_637 : i32 to index
        %get3A_639 = tpu.vector_load %arg7[%get3A_638] {strides = array<i32>} : memref<98304xf32, #tpu.memory_space<vmem>>, vector<16xf32>,
        %add3A_640 = arith.constant 256 : i32
        %add3A_641 = arith.addi %add3A_633, %add3A_640 : i32
        %get3A_642 = arith.index_cast %add3A_641 : i32 to index
        %get3A_643 = tpu.vector_load %arg7[%get3A_642] {strides = array<i32>} : memref<98304xf32, #tpu.memory_space<vmem>>, vector<16xf32>,
        %add3A_644 = arith.constant 384 : i32
        %add3A_645 = arith.addi %add3A_633, %add3A_644 : i32
        %get3A_646 = arith.index_cast %add3A_645 : i32 to index
        %get3A_647 = tpu.vector_load %arg7[%get3A_646] {strides = array<i32>} : memref<98304xf32, #tpu.memory_space<vmem>>, vector<16xf32>,
        %gt3A_648 = arith.constant 0.000000e+00 : f32
        %gt3A_649 = vector.broadcast %gt3A_648 : f32 to vector<16xf32>
        %gt3A_650 = arith.cmpf ogt, %get3A_635, %gt3A_649 : vector<16xf32>
        %gt3A_651 = arith.constant 0.000000e+00 : f32
        %gt3A_652 = vector.broadcast %gt3A_651 : f32 to vector<16xf32>
        %gt3A_653 = arith.cmpf ogt, %get3A_639, %gt3A_652 : vector<16xf32>
        %gt3A_654 = arith.constant 0.000000e+00 : f32
        %gt3A_655 = vector.broadcast %gt3A_654 : f32 to vector<16xf32>
        %gt3A_656 = arith.cmpf ogt, %get3A_643, %gt3A_655 : vector<16xf32>
        %gt3A_657 = arith.constant 0.000000e+00 : f32
        %gt3A_658 = vector.broadcast %gt3A_657 : f32 to vector<16xf32>
        %gt3A_659 = arith.cmpf ogt, %get3A_647, %gt3A_658 : vector<16xf32>
        %select_n3A_660 = arith.select %gt3A_650, %broadcast_in_dim3A_17, %neg3A_19 : vector<16xi1>, vector<16xf32>
        %swap3A_661 = arith.index_cast %add3A_633 : i32 to index
        %swap3A_662 = tpu.vector_load %arg7[%swap3A_661] {strides = array<i32>} : memref<98304xf32, #tpu.memory_space<vmem>>, vector<16xf32>,
        tpu.vector_store %arg7[%swap3A_661], %select_n3A_660 {strides = array<i32>} : memref<98304xf32, #tpu.memory_space<vmem>>, vector<16xf32>,
        %select_n3A_663 = arith.select %gt3A_653, %broadcast_in_dim3A_17, %neg3A_19 : vector<16xi1>, vector<16xf32>
        %add3A_664 = arith.constant 128 : i32
        %add3A_665 = arith.addi %add3A_633, %add3A_664 : i32
        %swap3A_666 = arith.index_cast %add3A_665 : i32 to index
        %swap3A_667 = tpu.vector_load %arg7[%swap3A_666] {strides = array<i32>} : memref<98304xf32, #tpu.memory_space<vmem>>, vector<16xf32>,
        tpu.vector_store %arg7[%swap3A_666], %select_n3A_663 {strides = array<i32>} : memref<98304xf32, #tpu.memory_space<vmem>>, vector<16xf32>,
        %select_n3A_668 = arith.select %gt3A_656, %broadcast_in_dim3A_17, %neg3A_19 : vector<16xi1>, vector<16xf32>
        %add3A_669 = arith.constant 256 : i32
        %add3A_670 = arith.addi %add3A_633, %add3A_669 : i32
        %swap3A_671 = arith.index_cast %add3A_670 : i32 to index
        %swap3A_672 = tpu.vector_load %arg7[%swap3A_671] {strides = array<i32>} : memref<98304xf32, #tpu.memory_space<vmem>>, vector<16xf32>,
        tpu.vector_store %arg7[%swap3A_671], %select_n3A_668 {strides = array<i32>} : memref<98304xf32, #tpu.memory_space<vmem>>, vector<16xf32>,
        %select_n3A_673 = arith.select %gt3A_659, %broadcast_in_dim3A_17, %neg3A_19 : vector<16xi1>, vector<16xf32>
        %add3A_674 = arith.constant 384 : i32
        %add3A_675 = arith.addi %add3A_633, %add3A_674 : i32
        %swap3A_676 = arith.index_cast %add3A_675 : i32 to index
        %swap3A_677 = tpu.vector_load %arg7[%swap3A_676] {strides = array<i32>} : memref<98304xf32, #tpu.memory_space<vmem>>, vector<16xf32>,
        tpu.vector_store %arg7[%swap3A_676], %select_n3A_673 {strides = array<i32>} : memref<98304xf32, #tpu.memory_space<vmem>>, vector<16xf32>,
        %select_n3A_678 = arith.select %gt3A_650, %broadcast_in_dim3A_21, %broadcast_in_dim3A_29 : vector<16xi1>, vector<16xi32>
        %select_n3A_679 = arith.select %gt3A_653, %broadcast_in_dim3A_23, %broadcast_in_dim3A_29 : vector<16xi1>, vector<16xi32>
        %add3A_680 = arith.addi %select_n3A_678, %select_n3A_679 : vector<16xi32>
        %select_n3A_681 = arith.select %gt3A_656, %broadcast_in_dim3A_25, %broadcast_in_dim3A_29 : vector<16xi1>, vector<16xi32>
        %add3A_682 = arith.addi %add3A_680, %select_n3A_681 : vector<16xi32>
        %select_n3A_683 = arith.select %gt3A_659, %broadcast_in_dim3A_27, %broadcast_in_dim3A_29 : vector<16xi1>, vector<16xi32>
        %add3A_684 = arith.addi %add3A_682, %select_n3A_683 : vector<16xi32>
        %add3A_685 = arith.constant 32 : i32
        %add3A_686 = arith.addi %add3A_518, %add3A_685 : i32
        %swap3A_687 = arith.index_cast %add3A_686 : i32 to index
        %swap3A_688 = tpu.vector_load %arg8[%swap3A_687] {strides = array<i32>} : memref<24576xi32, #tpu.memory_space<vmem>>, vector<16xi32>,
        tpu.vector_store %arg8[%swap3A_687], %add3A_684 {strides = array<i32>} : memref<24576xi32, #tpu.memory_space<vmem>>, vector<16xi32>,
        %add3A_689 = arith.constant 48 : i32
        %add3A_690 = arith.addi %add3A_514, %add3A_689 : i32
        %get3A_691 = arith.index_cast %add3A_690 : i32 to index
        %get3A_692 = tpu.vector_load %arg7[%get3A_691] {strides = array<i32>} : memref<98304xf32, #tpu.memory_space<vmem>>, vector<16xf32>,
        %add3A_693 = arith.constant 128 : i32
        %add3A_694 = arith.addi %add3A_690, %add3A_693 : i32
        %get3A_695 = arith.index_cast %add3A_694 : i32 to index
        %get3A_696 = tpu.vector_load %arg7[%get3A_695] {strides = array<i32>} : memref<98304xf32, #tpu.memory_space<vmem>>, vector<16xf32>,
        %add3A_697 = arith.constant 256 : i32
        %add3A_698 = arith.addi %add3A_690, %add3A_697 : i32
        %get3A_699 = arith.index_cast %add3A_698 : i32 to index
        %get3A_700 = tpu.vector_load %arg7[%get3A_699] {strides = array<i32>} : memref<98304xf32, #tpu.memory_space<vmem>>, vector<16xf32>,
        %add3A_701 = arith.constant 384 : i32
        %add3A_702 = arith.addi %add3A_690, %add3A_701 : i32
        %get3A_703 = arith.index_cast %add3A_702 : i32 to index
        %get3A_704 = tpu.vector_load %arg7[%get3A_703] {strides = array<i32>} : memref<98304xf32, #tpu.memory_space<vmem>>, vector<16xf32>,
        %gt3A_705 = arith.constant 0.000000e+00 : f32
        %gt3A_706 = vector.broadcast %gt3A_705 : f32 to vector<16xf32>
        %gt3A_707 = arith.cmpf ogt, %get3A_692, %gt3A_706 : vector<16xf32>
        %gt3A_708 = arith.constant 0.000000e+00 : f32
        %gt3A_709 = vector.broadcast %gt3A_708 : f32 to vector<16xf32>
        %gt3A_710 = arith.cmpf ogt, %get3A_696, %gt3A_709 : vector<16xf32>
        %gt3A_711 = arith.constant 0.000000e+00 : f32
        %gt3A_712 = vector.broadcast %gt3A_711 : f32 to vector<16xf32>
        %gt3A_713 = arith.cmpf ogt, %get3A_700, %gt3A_712 : vector<16xf32>
        %gt3A_714 = arith.constant 0.000000e+00 : f32
        %gt3A_715 = vector.broadcast %gt3A_714 : f32 to vector<16xf32>
        %gt3A_716 = arith.cmpf ogt, %get3A_704, %gt3A_715 : vector<16xf32>
        %select_n3A_717 = arith.select %gt3A_707, %broadcast_in_dim3A_17, %neg3A_19 : vector<16xi1>, vector<16xf32>
        %swap3A_718 = arith.index_cast %add3A_690 : i32 to index
        %swap3A_719 = tpu.vector_load %arg7[%swap3A_718] {strides = array<i32>} : memref<98304xf32, #tpu.memory_space<vmem>>, vector<16xf32>,
        tpu.vector_store %arg7[%swap3A_718], %select_n3A_717 {strides = array<i32>} : memref<98304xf32, #tpu.memory_space<vmem>>, vector<16xf32>,
        %select_n3A_720 = arith.select %gt3A_710, %broadcast_in_dim3A_17, %neg3A_19 : vector<16xi1>, vector<16xf32>
        %add3A_721 = arith.constant 128 : i32
        %add3A_722 = arith.addi %add3A_690, %add3A_721 : i32
        %swap3A_723 = arith.index_cast %add3A_722 : i32 to index
        %swap3A_724 = tpu.vector_load %arg7[%swap3A_723] {strides = array<i32>} : memref<98304xf32, #tpu.memory_space<vmem>>, vector<16xf32>,
        tpu.vector_store %arg7[%swap3A_723], %select_n3A_720 {strides = array<i32>} : memref<98304xf32, #tpu.memory_space<vmem>>, vector<16xf32>,
        %select_n3A_725 = arith.select %gt3A_713, %broadcast_in_dim3A_17, %neg3A_19 : vector<16xi1>, vector<16xf32>
        %add3A_726 = arith.constant 256 : i32
        %add3A_727 = arith.addi %add3A_690, %add3A_726 : i32
        %swap3A_728 = arith.index_cast %add3A_727 : i32 to index
        %swap3A_729 = tpu.vector_load %arg7[%swap3A_728] {strides = array<i32>} : memref<98304xf32, #tpu.memory_space<vmem>>, vector<16xf32>,
        tpu.vector_store %arg7[%swap3A_728], %select_n3A_725 {strides = array<i32>} : memref<98304xf32, #tpu.memory_space<vmem>>, vector<16xf32>,
        %select_n3A_730 = arith.select %gt3A_716, %broadcast_in_dim3A_17, %neg3A_19 : vector<16xi1>, vector<16xf32>
        %add3A_731 = arith.constant 384 : i32
        %add3A_732 = arith.addi %add3A_690, %add3A_731 : i32
        %swap3A_733 = arith.index_cast %add3A_732 : i32 to index
        %swap3A_734 = tpu.vector_load %arg7[%swap3A_733] {strides = array<i32>} : memref<98304xf32, #tpu.memory_space<vmem>>, vector<16xf32>,
        tpu.vector_store %arg7[%swap3A_733], %select_n3A_730 {strides = array<i32>} : memref<98304xf32, #tpu.memory_space<vmem>>, vector<16xf32>,
        %select_n3A_735 = arith.select %gt3A_707, %broadcast_in_dim3A_21, %broadcast_in_dim3A_29 : vector<16xi1>, vector<16xi32>
        %select_n3A_736 = arith.select %gt3A_710, %broadcast_in_dim3A_23, %broadcast_in_dim3A_29 : vector<16xi1>, vector<16xi32>
        %add3A_737 = arith.addi %select_n3A_735, %select_n3A_736 : vector<16xi32>
        %select_n3A_738 = arith.select %gt3A_713, %broadcast_in_dim3A_25, %broadcast_in_dim3A_29 : vector<16xi1>, vector<16xi32>
        %add3A_739 = arith.addi %add3A_737, %select_n3A_738 : vector<16xi32>
        %select_n3A_740 = arith.select %gt3A_716, %broadcast_in_dim3A_27, %broadcast_in_dim3A_29 : vector<16xi1>, vector<16xi32>
        %add3A_741 = arith.addi %add3A_739, %select_n3A_740 : vector<16xi32>
        %add3A_742 = arith.constant 48 : i32
        %add3A_743 = arith.addi %add3A_518, %add3A_742 : i32
        %swap3A_744 = arith.index_cast %add3A_743 : i32 to index
        %swap3A_745 = tpu.vector_load %arg8[%swap3A_744] {strides = array<i32>} : memref<24576xi32, #tpu.memory_space<vmem>>, vector<16xi32>,
        tpu.vector_store %arg8[%swap3A_744], %add3A_741 {strides = array<i32>} : memref<24576xi32, #tpu.memory_space<vmem>>, vector<16xi32>,
        %add3A_746 = arith.constant 64 : i32
        %add3A_747 = arith.addi %add3A_514, %add3A_746 : i32
        %get3A_748 = arith.index_cast %add3A_747 : i32 to index
        %get3A_749 = tpu.vector_load %arg7[%get3A_748] {strides = array<i32>} : memref<98304xf32, #tpu.memory_space<vmem>>, vector<16xf32>,
        %add3A_750 = arith.constant 128 : i32
        %add3A_751 = arith.addi %add3A_747, %add3A_750 : i32
        %get3A_752 = arith.index_cast %add3A_751 : i32 to index
        %get3A_753 = tpu.vector_load %arg7[%get3A_752] {strides = array<i32>} : memref<98304xf32, #tpu.memory_space<vmem>>, vector<16xf32>,
        %add3A_754 = arith.constant 256 : i32
        %add3A_755 = arith.addi %add3A_747, %add3A_754 : i32
        %get3A_756 = arith.index_cast %add3A_755 : i32 to index
        %get3A_757 = tpu.vector_load %arg7[%get3A_756] {strides = array<i32>} : memref<98304xf32, #tpu.memory_space<vmem>>, vector<16xf32>,
        %add3A_758 = arith.constant 384 : i32
        %add3A_759 = arith.addi %add3A_747, %add3A_758 : i32
        %get3A_760 = arith.index_cast %add3A_759 : i32 to index
        %get3A_761 = tpu.vector_load %arg7[%get3A_760] {strides = array<i32>} : memref<98304xf32, #tpu.memory_space<vmem>>, vector<16xf32>,
        %gt3A_762 = arith.constant 0.000000e+00 : f32
        %gt3A_763 = vector.broadcast %gt3A_762 : f32 to vector<16xf32>
        %gt3A_764 = arith.cmpf ogt, %get3A_749, %gt3A_763 : vector<16xf32>
        %gt3A_765 = arith.constant 0.000000e+00 : f32
        %gt3A_766 = vector.broadcast %gt3A_765 : f32 to vector<16xf32>
        %gt3A_767 = arith.cmpf ogt, %get3A_753, %gt3A_766 : vector<16xf32>
        %gt3A_768 = arith.constant 0.000000e+00 : f32
        %gt3A_769 = vector.broadcast %gt3A_768 : f32 to vector<16xf32>
        %gt3A_770 = arith.cmpf ogt, %get3A_757, %gt3A_769 : vector<16xf32>
        %gt3A_771 = arith.constant 0.000000e+00 : f32
        %gt3A_772 = vector.broadcast %gt3A_771 : f32 to vector<16xf32>
        %gt3A_773 = arith.cmpf ogt, %get3A_761, %gt3A_772 : vector<16xf32>
        %select_n3A_774 = arith.select %gt3A_764, %broadcast_in_dim3A_17, %neg3A_19 : vector<16xi1>, vector<16xf32>
        %swap3A_775 = arith.index_cast %add3A_747 : i32 to index
        %swap3A_776 = tpu.vector_load %arg7[%swap3A_775] {strides = array<i32>} : memref<98304xf32, #tpu.memory_space<vmem>>, vector<16xf32>,
        tpu.vector_store %arg7[%swap3A_775], %select_n3A_774 {strides = array<i32>} : memref<98304xf32, #tpu.memory_space<vmem>>, vector<16xf32>,
        %select_n3A_777 = arith.select %gt3A_767, %broadcast_in_dim3A_17, %neg3A_19 : vector<16xi1>, vector<16xf32>
        %add3A_778 = arith.constant 128 : i32
        %add3A_779 = arith.addi %add3A_747, %add3A_778 : i32
        %swap3A_780 = arith.index_cast %add3A_779 : i32 to index
        %swap3A_781 = tpu.vector_load %arg7[%swap3A_780] {strides = array<i32>} : memref<98304xf32, #tpu.memory_space<vmem>>, vector<16xf32>,
        tpu.vector_store %arg7[%swap3A_780], %select_n3A_777 {strides = array<i32>} : memref<98304xf32, #tpu.memory_space<vmem>>, vector<16xf32>,
        %select_n3A_782 = arith.select %gt3A_770, %broadcast_in_dim3A_17, %neg3A_19 : vector<16xi1>, vector<16xf32>
        %add3A_783 = arith.constant 256 : i32
        %add3A_784 = arith.addi %add3A_747, %add3A_783 : i32
        %swap3A_785 = arith.index_cast %add3A_784 : i32 to index
        %swap3A_786 = tpu.vector_load %arg7[%swap3A_785] {strides = array<i32>} : memref<98304xf32, #tpu.memory_space<vmem>>, vector<16xf32>,
        tpu.vector_store %arg7[%swap3A_785], %select_n3A_782 {strides = array<i32>} : memref<98304xf32, #tpu.memory_space<vmem>>, vector<16xf32>,
        %select_n3A_787 = arith.select %gt3A_773, %broadcast_in_dim3A_17, %neg3A_19 : vector<16xi1>, vector<16xf32>
        %add3A_788 = arith.constant 384 : i32
        %add3A_789 = arith.addi %add3A_747, %add3A_788 : i32
        %swap3A_790 = arith.index_cast %add3A_789 : i32 to index
        %swap3A_791 = tpu.vector_load %arg7[%swap3A_790] {strides = array<i32>} : memref<98304xf32, #tpu.memory_space<vmem>>, vector<16xf32>,
        tpu.vector_store %arg7[%swap3A_790], %select_n3A_787 {strides = array<i32>} : memref<98304xf32, #tpu.memory_space<vmem>>, vector<16xf32>,
        %select_n3A_792 = arith.select %gt3A_764, %broadcast_in_dim3A_21, %broadcast_in_dim3A_29 : vector<16xi1>, vector<16xi32>
        %select_n3A_793 = arith.select %gt3A_767, %broadcast_in_dim3A_23, %broadcast_in_dim3A_29 : vector<16xi1>, vector<16xi32>
        %add3A_794 = arith.addi %select_n3A_792, %select_n3A_793 : vector<16xi32>
        %select_n3A_795 = arith.select %gt3A_770, %broadcast_in_dim3A_25, %broadcast_in_dim3A_29 : vector<16xi1>, vector<16xi32>
        %add3A_796 = arith.addi %add3A_794, %select_n3A_795 : vector<16xi32>
        %select_n3A_797 = arith.select %gt3A_773, %broadcast_in_dim3A_27, %broadcast_in_dim3A_29 : vector<16xi1>, vector<16xi32>
        %add3A_798 = arith.addi %add3A_796, %select_n3A_797 : vector<16xi32>
        %add3A_799 = arith.constant 64 : i32
        %add3A_800 = arith.addi %add3A_518, %add3A_799 : i32
        %swap3A_801 = arith.index_cast %add3A_800 : i32 to index
        %swap3A_802 = tpu.vector_load %arg8[%swap3A_801] {strides = array<i32>} : memref<24576xi32, #tpu.memory_space<vmem>>, vector<16xi32>,
        tpu.vector_store %arg8[%swap3A_801], %add3A_798 {strides = array<i32>} : memref<24576xi32, #tpu.memory_space<vmem>>, vector<16xi32>,
        %add3A_803 = arith.constant 80 : i32
        %add3A_804 = arith.addi %add3A_514, %add3A_803 : i32
        %get3A_805 = arith.index_cast %add3A_804 : i32 to index
        %get3A_806 = tpu.vector_load %arg7[%get3A_805] {strides = array<i32>} : memref<98304xf32, #tpu.memory_space<vmem>>, vector<16xf32>,
        %add3A_807 = arith.constant 128 : i32
        %add3A_808 = arith.addi %add3A_804, %add3A_807 : i32
        %get3A_809 = arith.index_cast %add3A_808 : i32 to index
        %get3A_810 = tpu.vector_load %arg7[%get3A_809] {strides = array<i32>} : memref<98304xf32, #tpu.memory_space<vmem>>, vector<16xf32>,
        %add3A_811 = arith.constant 256 : i32
        %add3A_812 = arith.addi %add3A_804, %add3A_811 : i32
        %get3A_813 = arith.index_cast %add3A_812 : i32 to index
        %get3A_814 = tpu.vector_load %arg7[%get3A_813] {strides = array<i32>} : memref<98304xf32, #tpu.memory_space<vmem>>, vector<16xf32>,
        %add3A_815 = arith.constant 384 : i32
        %add3A_816 = arith.addi %add3A_804, %add3A_815 : i32
        %get3A_817 = arith.index_cast %add3A_816 : i32 to index
        %get3A_818 = tpu.vector_load %arg7[%get3A_817] {strides = array<i32>} : memref<98304xf32, #tpu.memory_space<vmem>>, vector<16xf32>,
        %gt3A_819 = arith.constant 0.000000e+00 : f32
        %gt3A_820 = vector.broadcast %gt3A_819 : f32 to vector<16xf32>
        %gt3A_821 = arith.cmpf ogt, %get3A_806, %gt3A_820 : vector<16xf32>
        %gt3A_822 = arith.constant 0.000000e+00 : f32
        %gt3A_823 = vector.broadcast %gt3A_822 : f32 to vector<16xf32>
        %gt3A_824 = arith.cmpf ogt, %get3A_810, %gt3A_823 : vector<16xf32>
        %gt3A_825 = arith.constant 0.000000e+00 : f32
        %gt3A_826 = vector.broadcast %gt3A_825 : f32 to vector<16xf32>
        %gt3A_827 = arith.cmpf ogt, %get3A_814, %gt3A_826 : vector<16xf32>
        %gt3A_828 = arith.constant 0.000000e+00 : f32
        %gt3A_829 = vector.broadcast %gt3A_828 : f32 to vector<16xf32>
        %gt3A_830 = arith.cmpf ogt, %get3A_818, %gt3A_829 : vector<16xf32>
        %select_n3A_831 = arith.select %gt3A_821, %broadcast_in_dim3A_17, %neg3A_19 : vector<16xi1>, vector<16xf32>
        %swap3A_832 = arith.index_cast %add3A_804 : i32 to index
        %swap3A_833 = tpu.vector_load %arg7[%swap3A_832] {strides = array<i32>} : memref<98304xf32, #tpu.memory_space<vmem>>, vector<16xf32>,
        tpu.vector_store %arg7[%swap3A_832], %select_n3A_831 {strides = array<i32>} : memref<98304xf32, #tpu.memory_space<vmem>>, vector<16xf32>,
        %select_n3A_834 = arith.select %gt3A_824, %broadcast_in_dim3A_17, %neg3A_19 : vector<16xi1>, vector<16xf32>
        %add3A_835 = arith.constant 128 : i32
        %add3A_836 = arith.addi %add3A_804, %add3A_835 : i32
        %swap3A_837 = arith.index_cast %add3A_836 : i32 to index
        %swap3A_838 = tpu.vector_load %arg7[%swap3A_837] {strides = array<i32>} : memref<98304xf32, #tpu.memory_space<vmem>>, vector<16xf32>,
        tpu.vector_store %arg7[%swap3A_837], %select_n3A_834 {strides = array<i32>} : memref<98304xf32, #tpu.memory_space<vmem>>, vector<16xf32>,
        %select_n3A_839 = arith.select %gt3A_827, %broadcast_in_dim3A_17, %neg3A_19 : vector<16xi1>, vector<16xf32>
        %add3A_840 = arith.constant 256 : i32
        %add3A_841 = arith.addi %add3A_804, %add3A_840 : i32
        %swap3A_842 = arith.index_cast %add3A_841 : i32 to index
        %swap3A_843 = tpu.vector_load %arg7[%swap3A_842] {strides = array<i32>} : memref<98304xf32, #tpu.memory_space<vmem>>, vector<16xf32>,
        tpu.vector_store %arg7[%swap3A_842], %select_n3A_839 {strides = array<i32>} : memref<98304xf32, #tpu.memory_space<vmem>>, vector<16xf32>,
        %select_n3A_844 = arith.select %gt3A_830, %broadcast_in_dim3A_17, %neg3A_19 : vector<16xi1>, vector<16xf32>
        %add3A_845 = arith.constant 384 : i32
        %add3A_846 = arith.addi %add3A_804, %add3A_845 : i32
        %swap3A_847 = arith.index_cast %add3A_846 : i32 to index
        %swap3A_848 = tpu.vector_load %arg7[%swap3A_847] {strides = array<i32>} : memref<98304xf32, #tpu.memory_space<vmem>>, vector<16xf32>,
        tpu.vector_store %arg7[%swap3A_847], %select_n3A_844 {strides = array<i32>} : memref<98304xf32, #tpu.memory_space<vmem>>, vector<16xf32>,
        %select_n3A_849 = arith.select %gt3A_821, %broadcast_in_dim3A_21, %broadcast_in_dim3A_29 : vector<16xi1>, vector<16xi32>
        %select_n3A_850 = arith.select %gt3A_824, %broadcast_in_dim3A_23, %broadcast_in_dim3A_29 : vector<16xi1>, vector<16xi32>
        %add3A_851 = arith.addi %select_n3A_849, %select_n3A_850 : vector<16xi32>
        %select_n3A_852 = arith.select %gt3A_827, %broadcast_in_dim3A_25, %broadcast_in_dim3A_29 : vector<16xi1>, vector<16xi32>
        %add3A_853 = arith.addi %add3A_851, %select_n3A_852 : vector<16xi32>
        %select_n3A_854 = arith.select %gt3A_830, %broadcast_in_dim3A_27, %broadcast_in_dim3A_29 : vector<16xi1>, vector<16xi32>
        %add3A_855 = arith.addi %add3A_853, %select_n3A_854 : vector<16xi32>
        %add3A_856 = arith.constant 80 : i32
        %add3A_857 = arith.addi %add3A_518, %add3A_856 : i32
        %swap3A_858 = arith.index_cast %add3A_857 : i32 to index
        %swap3A_859 = tpu.vector_load %arg8[%swap3A_858] {strides = array<i32>} : memref<24576xi32, #tpu.memory_space<vmem>>, vector<16xi32>,
        tpu.vector_store %arg8[%swap3A_858], %add3A_855 {strides = array<i32>} : memref<24576xi32, #tpu.memory_space<vmem>>, vector<16xi32>,
        %add3A_860 = arith.constant 96 : i32
        %add3A_861 = arith.addi %add3A_514, %add3A_860 : i32
        %get3A_862 = arith.index_cast %add3A_861 : i32 to index
        %get3A_863 = tpu.vector_load %arg7[%get3A_862] {strides = array<i32>} : memref<98304xf32, #tpu.memory_space<vmem>>, vector<16xf32>,
        %add3A_864 = arith.constant 128 : i32
        %add3A_865 = arith.addi %add3A_861, %add3A_864 : i32
        %get3A_866 = arith.index_cast %add3A_865 : i32 to index
        %get3A_867 = tpu.vector_load %arg7[%get3A_866] {strides = array<i32>} : memref<98304xf32, #tpu.memory_space<vmem>>, vector<16xf32>,
        %add3A_868 = arith.constant 256 : i32
        %add3A_869 = arith.addi %add3A_861, %add3A_868 : i32
        %get3A_870 = arith.index_cast %add3A_869 : i32 to index
        %get3A_871 = tpu.vector_load %arg7[%get3A_870] {strides = array<i32>} : memref<98304xf32, #tpu.memory_space<vmem>>, vector<16xf32>,
        %add3A_872 = arith.constant 384 : i32
        %add3A_873 = arith.addi %add3A_861, %add3A_872 : i32
        %get3A_874 = arith.index_cast %add3A_873 : i32 to index
        %get3A_875 = tpu.vector_load %arg7[%get3A_874] {strides = array<i32>} : memref<98304xf32, #tpu.memory_space<vmem>>, vector<16xf32>,
        %gt3A_876 = arith.constant 0.000000e+00 : f32
        %gt3A_877 = vector.broadcast %gt3A_876 : f32 to vector<16xf32>
        %gt3A_878 = arith.cmpf ogt, %get3A_863, %gt3A_877 : vector<16xf32>
        %gt3A_879 = arith.constant 0.000000e+00 : f32
        %gt3A_880 = vector.broadcast %gt3A_879 : f32 to vector<16xf32>
        %gt3A_881 = arith.cmpf ogt, %get3A_867, %gt3A_880 : vector<16xf32>
        %gt3A_882 = arith.constant 0.000000e+00 : f32
        %gt3A_883 = vector.broadcast %gt3A_882 : f32 to vector<16xf32>
        %gt3A_884 = arith.cmpf ogt, %get3A_871, %gt3A_883 : vector<16xf32>
        %gt3A_885 = arith.constant 0.000000e+00 : f32
        %gt3A_886 = vector.broadcast %gt3A_885 : f32 to vector<16xf32>
        %gt3A_887 = arith.cmpf ogt, %get3A_875, %gt3A_886 : vector<16xf32>
        %select_n3A_888 = arith.select %gt3A_878, %broadcast_in_dim3A_17, %neg3A_19 : vector<16xi1>, vector<16xf32>
        %swap3A_889 = arith.index_cast %add3A_861 : i32 to index
        %swap3A_890 = tpu.vector_load %arg7[%swap3A_889] {strides = array<i32>} : memref<98304xf32, #tpu.memory_space<vmem>>, vector<16xf32>,
        tpu.vector_store %arg7[%swap3A_889], %select_n3A_888 {strides = array<i32>} : memref<98304xf32, #tpu.memory_space<vmem>>, vector<16xf32>,
        %select_n3A_891 = arith.select %gt3A_881, %broadcast_in_dim3A_17, %neg3A_19 : vector<16xi1>, vector<16xf32>
        %add3A_892 = arith.constant 128 : i32
        %add3A_893 = arith.addi %add3A_861, %add3A_892 : i32
        %swap3A_894 = arith.index_cast %add3A_893 : i32 to index
        %swap3A_895 = tpu.vector_load %arg7[%swap3A_894] {strides = array<i32>} : memref<98304xf32, #tpu.memory_space<vmem>>, vector<16xf32>,
        tpu.vector_store %arg7[%swap3A_894], %select_n3A_891 {strides = array<i32>} : memref<98304xf32, #tpu.memory_space<vmem>>, vector<16xf32>,
        %select_n3A_896 = arith.select %gt3A_884, %broadcast_in_dim3A_17, %neg3A_19 : vector<16xi1>, vector<16xf32>
        %add3A_897 = arith.constant 256 : i32
        %add3A_898 = arith.addi %add3A_861, %add3A_897 : i32
        %swap3A_899 = arith.index_cast %add3A_898 : i32 to index
        %swap3A_900 = tpu.vector_load %arg7[%swap3A_899] {strides = array<i32>} : memref<98304xf32, #tpu.memory_space<vmem>>, vector<16xf32>,
        tpu.vector_store %arg7[%swap3A_899], %select_n3A_896 {strides = array<i32>} : memref<98304xf32, #tpu.memory_space<vmem>>, vector<16xf32>,
        %select_n3A_901 = arith.select %gt3A_887, %broadcast_in_dim3A_17, %neg3A_19 : vector<16xi1>, vector<16xf32>
        %add3A_902 = arith.constant 384 : i32
        %add3A_903 = arith.addi %add3A_861, %add3A_902 : i32
        %swap3A_904 = arith.index_cast %add3A_903 : i32 to index
        %swap3A_905 = tpu.vector_load %arg7[%swap3A_904] {strides = array<i32>} : memref<98304xf32, #tpu.memory_space<vmem>>, vector<16xf32>,
        tpu.vector_store %arg7[%swap3A_904], %select_n3A_901 {strides = array<i32>} : memref<98304xf32, #tpu.memory_space<vmem>>, vector<16xf32>,
        %select_n3A_906 = arith.select %gt3A_878, %broadcast_in_dim3A_21, %broadcast_in_dim3A_29 : vector<16xi1>, vector<16xi32>
        %select_n3A_907 = arith.select %gt3A_881, %broadcast_in_dim3A_23, %broadcast_in_dim3A_29 : vector<16xi1>, vector<16xi32>
        %add3A_908 = arith.addi %select_n3A_906, %select_n3A_907 : vector<16xi32>
        %select_n3A_909 = arith.select %gt3A_884, %broadcast_in_dim3A_25, %broadcast_in_dim3A_29 : vector<16xi1>, vector<16xi32>
        %add3A_910 = arith.addi %add3A_908, %select_n3A_909 : vector<16xi32>
        %select_n3A_911 = arith.select %gt3A_887, %broadcast_in_dim3A_27, %broadcast_in_dim3A_29 : vector<16xi1>, vector<16xi32>
        %add3A_912 = arith.addi %add3A_910, %select_n3A_911 : vector<16xi32>
        %add3A_913 = arith.constant 96 : i32
        %add3A_914 = arith.addi %add3A_518, %add3A_913 : i32
        %swap3A_915 = arith.index_cast %add3A_914 : i32 to index
        %swap3A_916 = tpu.vector_load %arg8[%swap3A_915] {strides = array<i32>} : memref<24576xi32, #tpu.memory_space<vmem>>, vector<16xi32>,
        tpu.vector_store %arg8[%swap3A_915], %add3A_912 {strides = array<i32>} : memref<24576xi32, #tpu.memory_space<vmem>>, vector<16xi32>,
        %add3A_917 = arith.constant 112 : i32
        %add3A_918 = arith.addi %add3A_514, %add3A_917 : i32
        %get3A_919 = arith.index_cast %add3A_918 : i32 to index
        %get3A_920 = tpu.vector_load %arg7[%get3A_919] {strides = array<i32>} : memref<98304xf32, #tpu.memory_space<vmem>>, vector<16xf32>,
        %add3A_921 = arith.constant 128 : i32
        %add3A_922 = arith.addi %add3A_918, %add3A_921 : i32
        %get3A_923 = arith.index_cast %add3A_922 : i32 to index
        %get3A_924 = tpu.vector_load %arg7[%get3A_923] {strides = array<i32>} : memref<98304xf32, #tpu.memory_space<vmem>>, vector<16xf32>,
        %add3A_925 = arith.constant 256 : i32
        %add3A_926 = arith.addi %add3A_918, %add3A_925 : i32
        %get3A_927 = arith.index_cast %add3A_926 : i32 to index
        %get3A_928 = tpu.vector_load %arg7[%get3A_927] {strides = array<i32>} : memref<98304xf32, #tpu.memory_space<vmem>>, vector<16xf32>,
        %add3A_929 = arith.constant 384 : i32
        %add3A_930 = arith.addi %add3A_918, %add3A_929 : i32
        %get3A_931 = arith.index_cast %add3A_930 : i32 to index
        %get3A_932 = tpu.vector_load %arg7[%get3A_931] {strides = array<i32>} : memref<98304xf32, #tpu.memory_space<vmem>>, vector<16xf32>,
        %gt3A_933 = arith.constant 0.000000e+00 : f32
        %gt3A_934 = vector.broadcast %gt3A_933 : f32 to vector<16xf32>
        %gt3A_935 = arith.cmpf ogt, %get3A_920, %gt3A_934 : vector<16xf32>
        %gt3A_936 = arith.constant 0.000000e+00 : f32
        %gt3A_937 = vector.broadcast %gt3A_936 : f32 to vector<16xf32>
        %gt3A_938 = arith.cmpf ogt, %get3A_924, %gt3A_937 : vector<16xf32>
        %gt3A_939 = arith.constant 0.000000e+00 : f32
        %gt3A_940 = vector.broadcast %gt3A_939 : f32 to vector<16xf32>
        %gt3A_941 = arith.cmpf ogt, %get3A_928, %gt3A_940 : vector<16xf32>
        %gt3A_942 = arith.constant 0.000000e+00 : f32
        %gt3A_943 = vector.broadcast %gt3A_942 : f32 to vector<16xf32>
        %gt3A_944 = arith.cmpf ogt, %get3A_932, %gt3A_943 : vector<16xf32>
        %select_n3A_945 = arith.select %gt3A_935, %broadcast_in_dim3A_17, %neg3A_19 : vector<16xi1>, vector<16xf32>
        %swap3A_946 = arith.index_cast %add3A_918 : i32 to index
        %swap3A_947 = tpu.vector_load %arg7[%swap3A_946] {strides = array<i32>} : memref<98304xf32, #tpu.memory_space<vmem>>, vector<16xf32>,
        tpu.vector_store %arg7[%swap3A_946], %select_n3A_945 {strides = array<i32>} : memref<98304xf32, #tpu.memory_space<vmem>>, vector<16xf32>,
        %select_n3A_948 = arith.select %gt3A_938, %broadcast_in_dim3A_17, %neg3A_19 : vector<16xi1>, vector<16xf32>
        %add3A_949 = arith.constant 128 : i32
        %add3A_950 = arith.addi %add3A_918, %add3A_949 : i32
        %swap3A_951 = arith.index_cast %add3A_950 : i32 to index
        %swap3A_952 = tpu.vector_load %arg7[%swap3A_951] {strides = array<i32>} : memref<98304xf32, #tpu.memory_space<vmem>>, vector<16xf32>,
        tpu.vector_store %arg7[%swap3A_951], %select_n3A_948 {strides = array<i32>} : memref<98304xf32, #tpu.memory_space<vmem>>, vector<16xf32>,
        %select_n3A_953 = arith.select %gt3A_941, %broadcast_in_dim3A_17, %neg3A_19 : vector<16xi1>, vector<16xf32>
        %add3A_954 = arith.constant 256 : i32
        %add3A_955 = arith.addi %add3A_918, %add3A_954 : i32
        %swap3A_956 = arith.index_cast %add3A_955 : i32 to index
        %swap3A_957 = tpu.vector_load %arg7[%swap3A_956] {strides = array<i32>} : memref<98304xf32, #tpu.memory_space<vmem>>, vector<16xf32>,
        tpu.vector_store %arg7[%swap3A_956], %select_n3A_953 {strides = array<i32>} : memref<98304xf32, #tpu.memory_space<vmem>>, vector<16xf32>,
        %select_n3A_958 = arith.select %gt3A_944, %broadcast_in_dim3A_17, %neg3A_19 : vector<16xi1>, vector<16xf32>
        %add3A_959 = arith.constant 384 : i32
        %add3A_960 = arith.addi %add3A_918, %add3A_959 : i32
        %swap3A_961 = arith.index_cast %add3A_960 : i32 to index
        %swap3A_962 = tpu.vector_load %arg7[%swap3A_961] {strides = array<i32>} : memref<98304xf32, #tpu.memory_space<vmem>>, vector<16xf32>,
        tpu.vector_store %arg7[%swap3A_961], %select_n3A_958 {strides = array<i32>} : memref<98304xf32, #tpu.memory_space<vmem>>, vector<16xf32>,
        %select_n3A_963 = arith.select %gt3A_935, %broadcast_in_dim3A_21, %broadcast_in_dim3A_29 : vector<16xi1>, vector<16xi32>
        %select_n3A_964 = arith.select %gt3A_938, %broadcast_in_dim3A_23, %broadcast_in_dim3A_29 : vector<16xi1>, vector<16xi32>
        %add3A_965 = arith.addi %select_n3A_963, %select_n3A_964 : vector<16xi32>
        %select_n3A_966 = arith.select %gt3A_941, %broadcast_in_dim3A_25, %broadcast_in_dim3A_29 : vector<16xi1>, vector<16xi32>
        %add3A_967 = arith.addi %add3A_965, %select_n3A_966 : vector<16xi32>
        %select_n3A_968 = arith.select %gt3A_944, %broadcast_in_dim3A_27, %broadcast_in_dim3A_29 : vector<16xi1>, vector<16xi32>
        %add3A_969 = arith.addi %add3A_967, %select_n3A_968 : vector<16xi32>
        %add3A_970 = arith.constant 112 : i32
        %add3A_971 = arith.addi %add3A_518, %add3A_970 : i32
        %swap3A_972 = arith.index_cast %add3A_971 : i32 to index
        %swap3A_973 = tpu.vector_load %arg8[%swap3A_972] {strides = array<i32>} : memref<24576xi32, #tpu.memory_space<vmem>>, vector<16xi32>,
        tpu.vector_store %arg8[%swap3A_972], %add3A_969 {strides = array<i32>} : memref<24576xi32, #tpu.memory_space<vmem>>, vector<16xi32>,
      }
      %scan3A_297 = arith.constant 64 : i32
      %mul3A_298 = arith.constant 16 : i32
      %mul3A_299 = arith.muli %add3A, %mul3A_298 : i32
      %add3A_300 = arith.addi %mul3A_299, %add3A_280 : i32
      %mul3A_301 = arith.constant 32768 : i32
      %mul3A_302 = arith.muli %add3A_300, %mul3A_301 : i32
      %dma_start3A_303 = arith.constant 32768 : i32
      %dma_start3A_304 = tpu.memref_slice %arg7[%dma_start3A_303] : memref<98304xf32, #tpu.memory_space<vmem>> -> memref<32768xf32, #tpu.memory_space<vmem>>
      %dma_start3A_305 = tpu.memref_slice %arg5[%mul3A_302] : memref<16777216xf32, #tpu.memory_space<hbm>> -> memref<32768xf32, #tpu.memory_space<hbm>>
      %dma_start3A_306 = tpu.memref_slice %arg5[%mul3A_302] : memref<16777216xf32, #tpu.memory_space<hbm>> -> memref<32768xf32, #tpu.memory_space<hbm>>
      %dma_start3A_307 = arith.constant 32768 : i32
      %dma_start3A_308 = tpu.memref_slice %arg7[%dma_start3A_307] : memref<98304xf32, #tpu.memory_space<vmem>> -> memref<32768xf32, #tpu.memory_space<vmem>>
      tpu.enqueue_dma source(%dma_start3A_308 : memref<32768xf32, #tpu.memory_space<vmem>>) target(%dma_start3A_306 : memref<32768xf32, #tpu.memory_space<hbm>>) target_semaphore(%arg15 : memref<!tpu.dma_semaphore, #tpu.memory_space<semaphore_mem>>)
      %mul3A_309 = arith.constant 8192 : i32
      %mul3A_310 = arith.muli %add3A_300, %mul3A_309 : i32
      %add3A_311 = arith.constant 0 : i32
      %add3A_312 = arith.addi %add3A_311, %mul3A_310 : i32
      %dma_start3A_313 = arith.constant 8192 : i32
      %dma_start3A_314 = tpu.memref_slice %arg8[%dma_start3A_313] : memref<24576xi32, #tpu.memory_space<vmem>> -> memref<8192xi32, #tpu.memory_space<vmem>>
      %dma_start3A_315 = tpu.memref_slice %arg6[%add3A_312] : memref<12582912xi32, #tpu.memory_space<hbm>> -> memref<8192xi32, #tpu.memory_space<hbm>>
      %dma_start3A_316 = tpu.memref_slice %arg6[%add3A_312] : memref<12582912xi32, #tpu.memory_space<hbm>> -> memref<8192xi32, #tpu.memory_space<hbm>>
      %dma_start3A_317 = arith.constant 8192 : i32
      %dma_start3A_318 = tpu.memref_slice %arg8[%dma_start3A_317] : memref<24576xi32, #tpu.memory_space<vmem>> -> memref<8192xi32, #tpu.memory_space<vmem>>
      tpu.enqueue_dma source(%dma_start3A_318 : memref<8192xi32, #tpu.memory_space<vmem>>) target(%dma_start3A_316 : memref<8192xi32, #tpu.memory_space<hbm>>) target_semaphore(%arg15 : memref<!tpu.dma_semaphore, #tpu.memory_space<semaphore_mem>>)
      %mul3A_319 = arith.constant 8192 : i32
      %mul3A_320 = arith.muli %add3A_300, %mul3A_319 : i32
      %add3A_321 = arith.constant 4194304 : i32
      %add3A_322 = arith.addi %add3A_321, %mul3A_320 : i32
      %dma_start3A_323 = arith.constant 8192 : i32
      %dma_start3A_324 = tpu.memref_slice %arg8[%dma_start3A_323] : memref<24576xi32, #tpu.memory_space<vmem>> -> memref<8192xi32, #tpu.memory_space<vmem>>
      %dma_start3A_325 = tpu.memref_slice %arg6[%add3A_322] : memref<12582912xi32, #tpu.memory_space<hbm>> -> memref<8192xi32, #tpu.memory_space<hbm>>
      %dma_start3A_326 = tpu.memref_slice %arg6[%add3A_322] : memref<12582912xi32, #tpu.memory_space<hbm>> -> memref<8192xi32, #tpu.memory_space<hbm>>
      %dma_start3A_327 = arith.constant 8192 : i32
      %dma_start3A_328 = tpu.memref_slice %arg8[%dma_start3A_327] : memref<24576xi32, #tpu.memory_space<vmem>> -> memref<8192xi32, #tpu.memory_space<vmem>>
      tpu.enqueue_dma source(%dma_start3A_328 : memref<8192xi32, #tpu.memory_space<vmem>>) target(%dma_start3A_326 : memref<8192xi32, #tpu.memory_space<hbm>>) target_semaphore(%arg15 : memref<!tpu.dma_semaphore, #tpu.memory_space<semaphore_mem>>)
      %mul3A_329 = arith.constant 8192 : i32
      %mul3A_330 = arith.muli %add3A_300, %mul3A_329 : i32
      %add3A_331 = arith.constant 8388608 : i32
      %add3A_332 = arith.addi %add3A_331, %mul3A_330 : i32
      %dma_start3A_333 = arith.constant 8192 : i32
      %dma_start3A_334 = tpu.memref_slice %arg8[%dma_start3A_333] : memref<24576xi32, #tpu.memory_space<vmem>> -> memref<8192xi32, #tpu.memory_space<vmem>>
      %dma_start3A_335 = tpu.memref_slice %arg6[%add3A_332] : memref<12582912xi32, #tpu.memory_space<hbm>> -> memref<8192xi32, #tpu.memory_space<hbm>>
      %dma_start3A_336 = tpu.memref_slice %arg6[%add3A_332] : memref<12582912xi32, #tpu.memory_space<hbm>> -> memref<8192xi32, #tpu.memory_space<hbm>>
      %dma_start3A_337 = arith.constant 8192 : i32
      %dma_start3A_338 = tpu.memref_slice %arg8[%dma_start3A_337] : memref<24576xi32, #tpu.memory_space<vmem>> -> memref<8192xi32, #tpu.memory_space<vmem>>
      tpu.enqueue_dma source(%dma_start3A_338 : memref<8192xi32, #tpu.memory_space<vmem>>) target(%dma_start3A_336 : memref<8192xi32, #tpu.memory_space<hbm>>) target_semaphore(%arg15 : memref<!tpu.dma_semaphore, #tpu.memory_space<semaphore_mem>>)
      %sub3A = arith.constant 1 : i32
      %sub3A_339 = arith.subi %add3A_280, %sub3A : i32
      %mul3A_340 = arith.constant 16 : i32
      %mul3A_341 = arith.muli %add3A, %mul3A_340 : i32
      %add3A_342 = arith.addi %mul3A_341, %sub3A_339 : i32
      %mul3A_343 = arith.constant 32768 : i32
      %mul3A_344 = arith.muli %add3A_342, %mul3A_343 : i32
      %dma_wait3A_345 = arith.constant 0 : i32
      %dma_wait3A_346 = tpu.memref_slice %arg7[%dma_wait3A_345] : memref<98304xf32, #tpu.memory_space<vmem>> -> memref<32768xf32, #tpu.memory_space<vmem>>
      %dma_wait3A_347 = tpu.memref_slice %arg5[%mul3A_344] : memref<16777216xf32, #tpu.memory_space<hbm>> -> memref<32768xf32, #tpu.memory_space<hbm>>
      %dma_wait3A_348 = tpu.memref_slice %arg5[%mul3A_344] : memref<16777216xf32, #tpu.memory_space<hbm>> -> memref<32768xf32, #tpu.memory_space<hbm>>
      %dma_wait3A_349 = arith.constant 0 : i32
      %dma_wait3A_350 = tpu.memref_slice %arg7[%dma_wait3A_349] : memref<98304xf32, #tpu.memory_space<vmem>> -> memref<32768xf32, #tpu.memory_space<vmem>>
      tpu.wait_dma2 semaphore(%arg14 : memref<!tpu.dma_semaphore, #tpu.memory_space<semaphore_mem>>) src(%dma_wait3A_350 : memref<32768xf32, #tpu.memory_space<vmem>>) dst(%dma_wait3A_348 : memref<32768xf32, #tpu.memory_space<hbm>>)
      %mul3A_351 = arith.constant 8192 : i32
      %mul3A_352 = arith.muli %add3A_342, %mul3A_351 : i32
      %add3A_353 = arith.constant 0 : i32
      %add3A_354 = arith.addi %add3A_353, %mul3A_352 : i32
      %dma_wait3A_355 = arith.constant 0 : i32
      %dma_wait3A_356 = tpu.memref_slice %arg8[%dma_wait3A_355] : memref<24576xi32, #tpu.memory_space<vmem>> -> memref<8192xi32, #tpu.memory_space<vmem>>
      %dma_wait3A_357 = tpu.memref_slice %arg6[%add3A_354] : memref<12582912xi32, #tpu.memory_space<hbm>> -> memref<8192xi32, #tpu.memory_space<hbm>>
      %dma_wait3A_358 = tpu.memref_slice %arg6[%add3A_354] : memref<12582912xi32, #tpu.memory_space<hbm>> -> memref<8192xi32, #tpu.memory_space<hbm>>
      %dma_wait3A_359 = arith.constant 0 : i32
      %dma_wait3A_360 = tpu.memref_slice %arg8[%dma_wait3A_359] : memref<24576xi32, #tpu.memory_space<vmem>> -> memref<8192xi32, #tpu.memory_space<vmem>>
      tpu.wait_dma2 semaphore(%arg14 : memref<!tpu.dma_semaphore, #tpu.memory_space<semaphore_mem>>) src(%dma_wait3A_360 : memref<8192xi32, #tpu.memory_space<vmem>>) dst(%dma_wait3A_358 : memref<8192xi32, #tpu.memory_space<hbm>>)
      %mul3A_361 = arith.constant 8192 : i32
      %mul3A_362 = arith.muli %add3A_342, %mul3A_361 : i32
      %add3A_363 = arith.constant 4194304 : i32
      %add3A_364 = arith.addi %add3A_363, %mul3A_362 : i32
      %dma_wait3A_365 = arith.constant 0 : i32
      %dma_wait3A_366 = tpu.memref_slice %arg8[%dma_wait3A_365] : memref<24576xi32, #tpu.memory_space<vmem>> -> memref<8192xi32, #tpu.memory_space<vmem>>
      %dma_wait3A_367 = tpu.memref_slice %arg6[%add3A_364] : memref<12582912xi32, #tpu.memory_space<hbm>> -> memref<8192xi32, #tpu.memory_space<hbm>>
      %dma_wait3A_368 = tpu.memref_slice %arg6[%add3A_364] : memref<12582912xi32, #tpu.memory_space<hbm>> -> memref<8192xi32, #tpu.memory_space<hbm>>
      %dma_wait3A_369 = arith.constant 0 : i32
      %dma_wait3A_370 = tpu.memref_slice %arg8[%dma_wait3A_369] : memref<24576xi32, #tpu.memory_space<vmem>> -> memref<8192xi32, #tpu.memory_space<vmem>>
      tpu.wait_dma2 semaphore(%arg14 : memref<!tpu.dma_semaphore, #tpu.memory_space<semaphore_mem>>) src(%dma_wait3A_370 : memref<8192xi32, #tpu.memory_space<vmem>>) dst(%dma_wait3A_368 : memref<8192xi32, #tpu.memory_space<hbm>>)
      %mul3A_371 = arith.constant 8192 : i32
      %mul3A_372 = arith.muli %add3A_342, %mul3A_371 : i32
      %add3A_373 = arith.constant 8388608 : i32
      %add3A_374 = arith.addi %add3A_373, %mul3A_372 : i32
      %dma_wait3A_375 = arith.constant 0 : i32
      %dma_wait3A_376 = tpu.memref_slice %arg8[%dma_wait3A_375] : memref<24576xi32, #tpu.memory_space<vmem>> -> memref<8192xi32, #tpu.memory_space<vmem>>
      %dma_wait3A_377 = tpu.memref_slice %arg6[%add3A_374] : memref<12582912xi32, #tpu.memory_space<hbm>> -> memref<8192xi32, #tpu.memory_space<hbm>>
      %dma_wait3A_378 = tpu.memref_slice %arg6[%add3A_374] : memref<12582912xi32, #tpu.memory_space<hbm>> -> memref<8192xi32, #tpu.memory_space<hbm>>
      %dma_wait3A_379 = arith.constant 0 : i32
      %dma_wait3A_380 = tpu.memref_slice %arg8[%dma_wait3A_379] : memref<24576xi32, #tpu.memory_space<vmem>> -> memref<8192xi32, #tpu.memory_space<vmem>>
      tpu.wait_dma2 semaphore(%arg14 : memref<!tpu.dma_semaphore, #tpu.memory_space<semaphore_mem>>) src(%dma_wait3A_380 : memref<8192xi32, #tpu.memory_space<vmem>>) dst(%dma_wait3A_378 : memref<8192xi32, #tpu.memory_space<hbm>>)
      %add3A_381 = arith.constant 2 : i32
      %add3A_382 = arith.addi %add3A_280, %add3A_381 : i32
      %mul3A_383 = arith.constant 16 : i32
      %mul3A_384 = arith.muli %add3A, %mul3A_383 : i32
      %add3A_385 = arith.addi %mul3A_384, %add3A_382 : i32
      %mul3A_386 = arith.constant 32768 : i32
      %mul3A_387 = arith.muli %add3A_385, %mul3A_386 : i32
      %dma_start3A_388 = arith.constant 0 : i32
      %dma_start3A_389 = tpu.memref_slice %arg7[%dma_start3A_388] : memref<98304xf32, #tpu.memory_space<vmem>> -> memref<32768xf32, #tpu.memory_space<vmem>>
      %dma_start3A_390 = tpu.memref_slice %arg2[%mul3A_387] : memref<16777216xf32, #tpu.memory_space<hbm>> -> memref<32768xf32, #tpu.memory_space<hbm>>
      %dma_start3A_391 = arith.constant 0 : i32
      %dma_start3A_392 = tpu.memref_slice %arg7[%dma_start3A_391] : memref<98304xf32, #tpu.memory_space<vmem>> -> memref<32768xf32, #tpu.memory_space<vmem>>
      %dma_start3A_393 = tpu.memref_slice %arg2[%mul3A_387] : memref<16777216xf32, #tpu.memory_space<hbm>> -> memref<32768xf32, #tpu.memory_space<hbm>>
      tpu.enqueue_dma source(%dma_start3A_393 : memref<32768xf32, #tpu.memory_space<hbm>>) target(%dma_start3A_392 : memref<32768xf32, #tpu.memory_space<vmem>>) target_semaphore(%arg11 : memref<!tpu.dma_semaphore, #tpu.memory_space<semaphore_mem>>)
      %add3A_394 = arith.constant 2 : i32
      %add3A_395 = arith.addi %mul3A_203, %add3A_394 : i32
      %mul3A_396 = arith.constant 16 : i32
      %mul3A_397 = arith.muli %add3A, %mul3A_396 : i32
      %add3A_398 = arith.addi %mul3A_397, %add3A_395 : i32
      %mul3A_399 = arith.constant 32768 : i32
      %mul3A_400 = arith.muli %add3A_398, %mul3A_399 : i32
      %dma_wait3A_401 = arith.constant 65536 : i32
      %dma_wait3A_402 = tpu.memref_slice %arg7[%dma_wait3A_401] : memref<98304xf32, #tpu.memory_space<vmem>> -> memref<32768xf32, #tpu.memory_space<vmem>>
      %dma_wait3A_403 = tpu.memref_slice %arg2[%mul3A_400] : memref<16777216xf32, #tpu.memory_space<hbm>> -> memref<32768xf32, #tpu.memory_space<hbm>>
      %dma_wait3A_404 = arith.constant 65536 : i32
      %dma_wait3A_405 = tpu.memref_slice %arg7[%dma_wait3A_404] : memref<98304xf32, #tpu.memory_space<vmem>> -> memref<32768xf32, #tpu.memory_space<vmem>>
      %dma_wait3A_406 = tpu.memref_slice %arg2[%mul3A_400] : memref<16777216xf32, #tpu.memory_space<hbm>> -> memref<32768xf32, #tpu.memory_space<hbm>>
      tpu.wait_dma2 semaphore(%arg13 : memref<!tpu.dma_semaphore, #tpu.memory_space<semaphore_mem>>) src(%dma_wait3A_406 : memref<32768xf32, #tpu.memory_space<hbm>>) dst(%dma_wait3A_405 : memref<32768xf32, #tpu.memory_space<vmem>>)
      %add3A_407 = arith.constant 2 : i32
      %add3A_408 = arith.addi %mul3A_203, %add3A_407 : i32
      %scan3A_409 = arith.constant 0 : i32
      %scan3A_410 = arith.constant 0 : i32
      %scan3A_411 = arith.constant 64 : i32
      %scan3A_412 = arith.addi %scan3A_410, %scan3A_411 : i32
      %scan3A_413 = arith.constant 1 : i32
      scf.for %scan3A_505 = %scan3A_410 to %scan3A_412 step %scan3A_413  : i32 {
        %shift_right_arithmetic3A = arith.constant 3 : i32
        %shift_right_arithmetic3A_506 = arith.shrsi %scan3A_505, %shift_right_arithmetic3A : i32
        %and3A = arith.constant 7 : i32
        %and3A_507 = arith.andi %scan3A_505, %and3A : i32
        %mul3A_508 = arith.constant 4096 : i32
        %mul3A_509 = arith.muli %and3A_507, %mul3A_508 : i32
        %add3A_510 = arith.constant 65536 : i32
        %add3A_511 = arith.addi %add3A_510, %mul3A_509 : i32
        %mul3A_512 = arith.constant 512 : i32
        %mul3A_513 = arith.muli %shift_right_arithmetic3A_506, %mul3A_512 : i32
        %add3A_514 = arith.addi %add3A_511, %mul3A_513 : i32
        %mul3A_515 = arith.constant 128 : i32
        %mul3A_516 = arith.muli %scan3A_505, %mul3A_515 : i32
        %add3A_517 = arith.constant 16384 : i32
        %add3A_518 = arith.addi %add3A_517, %mul3A_516 : i32
        %add3A_519 = arith.constant 0 : i32
        %add3A_520 = arith.addi %add3A_514, %add3A_519 : i32
        %get3A_521 = arith.index_cast %add3A_520 : i32 to index
        %get3A_522 = tpu.vector_load %arg7[%get3A_521] {strides = array<i32>} : memref<98304xf32, #tpu.memory_space<vmem>>, vector<16xf32>,
        %add3A_523 = arith.constant 128 : i32
        %add3A_524 = arith.addi %add3A_520, %add3A_523 : i32
        %get3A_525 = arith.index_cast %add3A_524 : i32 to index
        %get3A_526 = tpu.vector_load %arg7[%get3A_525] {strides = array<i32>} : memref<98304xf32, #tpu.memory_space<vmem>>, vector<16xf32>,
        %add3A_527 = arith.constant 256 : i32
        %add3A_528 = arith.addi %add3A_520, %add3A_527 : i32
        %get3A_529 = arith.index_cast %add3A_528 : i32 to index
        %get3A_530 = tpu.vector_load %arg7[%get3A_529] {strides = array<i32>} : memref<98304xf32, #tpu.memory_space<vmem>>, vector<16xf32>,
        %add3A_531 = arith.constant 384 : i32
        %add3A_532 = arith.addi %add3A_520, %add3A_531 : i32
        %get3A_533 = arith.index_cast %add3A_532 : i32 to index
        %get3A_534 = tpu.vector_load %arg7[%get3A_533] {strides = array<i32>} : memref<98304xf32, #tpu.memory_space<vmem>>, vector<16xf32>,
        %gt3A_535 = arith.constant 0.000000e+00 : f32
        %gt3A_536 = vector.broadcast %gt3A_535 : f32 to vector<16xf32>
        %gt3A_537 = arith.cmpf ogt, %get3A_522, %gt3A_536 : vector<16xf32>
        %gt3A_538 = arith.constant 0.000000e+00 : f32
        %gt3A_539 = vector.broadcast %gt3A_538 : f32 to vector<16xf32>
        %gt3A_540 = arith.cmpf ogt, %get3A_526, %gt3A_539 : vector<16xf32>
        %gt3A_541 = arith.constant 0.000000e+00 : f32
        %gt3A_542 = vector.broadcast %gt3A_541 : f32 to vector<16xf32>
        %gt3A_543 = arith.cmpf ogt, %get3A_530, %gt3A_542 : vector<16xf32>
        %gt3A_544 = arith.constant 0.000000e+00 : f32
        %gt3A_545 = vector.broadcast %gt3A_544 : f32 to vector<16xf32>
        %gt3A_546 = arith.cmpf ogt, %get3A_534, %gt3A_545 : vector<16xf32>
        %select_n3A = arith.select %gt3A_537, %broadcast_in_dim3A_17, %neg3A_19 : vector<16xi1>, vector<16xf32>
        %swap3A_547 = arith.index_cast %add3A_520 : i32 to index
        %swap3A_548 = tpu.vector_load %arg7[%swap3A_547] {strides = array<i32>} : memref<98304xf32, #tpu.memory_space<vmem>>, vector<16xf32>,
        tpu.vector_store %arg7[%swap3A_547], %select_n3A {strides = array<i32>} : memref<98304xf32, #tpu.memory_space<vmem>>, vector<16xf32>,
        %select_n3A_549 = arith.select %gt3A_540, %broadcast_in_dim3A_17, %neg3A_19 : vector<16xi1>, vector<16xf32>
        %add3A_550 = arith.constant 128 : i32
        %add3A_551 = arith.addi %add3A_520, %add3A_550 : i32
        %swap3A_552 = arith.index_cast %add3A_551 : i32 to index
        %swap3A_553 = tpu.vector_load %arg7[%swap3A_552] {strides = array<i32>} : memref<98304xf32, #tpu.memory_space<vmem>>, vector<16xf32>,
        tpu.vector_store %arg7[%swap3A_552], %select_n3A_549 {strides = array<i32>} : memref<98304xf32, #tpu.memory_space<vmem>>, vector<16xf32>,
        %select_n3A_554 = arith.select %gt3A_543, %broadcast_in_dim3A_17, %neg3A_19 : vector<16xi1>, vector<16xf32>
        %add3A_555 = arith.constant 256 : i32
        %add3A_556 = arith.addi %add3A_520, %add3A_555 : i32
        %swap3A_557 = arith.index_cast %add3A_556 : i32 to index
        %swap3A_558 = tpu.vector_load %arg7[%swap3A_557] {strides = array<i32>} : memref<98304xf32, #tpu.memory_space<vmem>>, vector<16xf32>,
        tpu.vector_store %arg7[%swap3A_557], %select_n3A_554 {strides = array<i32>} : memref<98304xf32, #tpu.memory_space<vmem>>, vector<16xf32>,
        %select_n3A_559 = arith.select %gt3A_546, %broadcast_in_dim3A_17, %neg3A_19 : vector<16xi1>, vector<16xf32>
        %add3A_560 = arith.constant 384 : i32
        %add3A_561 = arith.addi %add3A_520, %add3A_560 : i32
        %swap3A_562 = arith.index_cast %add3A_561 : i32 to index
        %swap3A_563 = tpu.vector_load %arg7[%swap3A_562] {strides = array<i32>} : memref<98304xf32, #tpu.memory_space<vmem>>, vector<16xf32>,
        tpu.vector_store %arg7[%swap3A_562], %select_n3A_559 {strides = array<i32>} : memref<98304xf32, #tpu.memory_space<vmem>>, vector<16xf32>,
        %select_n3A_564 = arith.select %gt3A_537, %broadcast_in_dim3A_21, %broadcast_in_dim3A_29 : vector<16xi1>, vector<16xi32>
        %select_n3A_565 = arith.select %gt3A_540, %broadcast_in_dim3A_23, %broadcast_in_dim3A_29 : vector<16xi1>, vector<16xi32>
        %add3A_566 = arith.addi %select_n3A_564, %select_n3A_565 : vector<16xi32>
        %select_n3A_567 = arith.select %gt3A_543, %broadcast_in_dim3A_25, %broadcast_in_dim3A_29 : vector<16xi1>, vector<16xi32>
        %add3A_568 = arith.addi %add3A_566, %select_n3A_567 : vector<16xi32>
        %select_n3A_569 = arith.select %gt3A_546, %broadcast_in_dim3A_27, %broadcast_in_dim3A_29 : vector<16xi1>, vector<16xi32>
        %add3A_570 = arith.addi %add3A_568, %select_n3A_569 : vector<16xi32>
        %add3A_571 = arith.constant 0 : i32
        %add3A_572 = arith.addi %add3A_518, %add3A_571 : i32
        %swap3A_573 = arith.index_cast %add3A_572 : i32 to index
        %swap3A_574 = tpu.vector_load %arg8[%swap3A_573] {strides = array<i32>} : memref<24576xi32, #tpu.memory_space<vmem>>, vector<16xi32>,
        tpu.vector_store %arg8[%swap3A_573], %add3A_570 {strides = array<i32>} : memref<24576xi32, #tpu.memory_space<vmem>>, vector<16xi32>,
        %add3A_575 = arith.constant 16 : i32
        %add3A_576 = arith.addi %add3A_514, %add3A_575 : i32
        %get3A_577 = arith.index_cast %add3A_576 : i32 to index
        %get3A_578 = tpu.vector_load %arg7[%get3A_577] {strides = array<i32>} : memref<98304xf32, #tpu.memory_space<vmem>>, vector<16xf32>,
        %add3A_579 = arith.constant 128 : i32
        %add3A_580 = arith.addi %add3A_576, %add3A_579 : i32
        %get3A_581 = arith.index_cast %add3A_580 : i32 to index
        %get3A_582 = tpu.vector_load %arg7[%get3A_581] {strides = array<i32>} : memref<98304xf32, #tpu.memory_space<vmem>>, vector<16xf32>,
        %add3A_583 = arith.constant 256 : i32
        %add3A_584 = arith.addi %add3A_576, %add3A_583 : i32
        %get3A_585 = arith.index_cast %add3A_584 : i32 to index
        %get3A_586 = tpu.vector_load %arg7[%get3A_585] {strides = array<i32>} : memref<98304xf32, #tpu.memory_space<vmem>>, vector<16xf32>,
        %add3A_587 = arith.constant 384 : i32
        %add3A_588 = arith.addi %add3A_576, %add3A_587 : i32
        %get3A_589 = arith.index_cast %add3A_588 : i32 to index
        %get3A_590 = tpu.vector_load %arg7[%get3A_589] {strides = array<i32>} : memref<98304xf32, #tpu.memory_space<vmem>>, vector<16xf32>,
        %gt3A_591 = arith.constant 0.000000e+00 : f32
        %gt3A_592 = vector.broadcast %gt3A_591 : f32 to vector<16xf32>
        %gt3A_593 = arith.cmpf ogt, %get3A_578, %gt3A_592 : vector<16xf32>
        %gt3A_594 = arith.constant 0.000000e+00 : f32
        %gt3A_595 = vector.broadcast %gt3A_594 : f32 to vector<16xf32>
        %gt3A_596 = arith.cmpf ogt, %get3A_582, %gt3A_595 : vector<16xf32>
        %gt3A_597 = arith.constant 0.000000e+00 : f32
        %gt3A_598 = vector.broadcast %gt3A_597 : f32 to vector<16xf32>
        %gt3A_599 = arith.cmpf ogt, %get3A_586, %gt3A_598 : vector<16xf32>
        %gt3A_600 = arith.constant 0.000000e+00 : f32
        %gt3A_601 = vector.broadcast %gt3A_600 : f32 to vector<16xf32>
        %gt3A_602 = arith.cmpf ogt, %get3A_590, %gt3A_601 : vector<16xf32>
        %select_n3A_603 = arith.select %gt3A_593, %broadcast_in_dim3A_17, %neg3A_19 : vector<16xi1>, vector<16xf32>
        %swap3A_604 = arith.index_cast %add3A_576 : i32 to index
        %swap3A_605 = tpu.vector_load %arg7[%swap3A_604] {strides = array<i32>} : memref<98304xf32, #tpu.memory_space<vmem>>, vector<16xf32>,
        tpu.vector_store %arg7[%swap3A_604], %select_n3A_603 {strides = array<i32>} : memref<98304xf32, #tpu.memory_space<vmem>>, vector<16xf32>,
        %select_n3A_606 = arith.select %gt3A_596, %broadcast_in_dim3A_17, %neg3A_19 : vector<16xi1>, vector<16xf32>
        %add3A_607 = arith.constant 128 : i32
        %add3A_608 = arith.addi %add3A_576, %add3A_607 : i32
        %swap3A_609 = arith.index_cast %add3A_608 : i32 to index
        %swap3A_610 = tpu.vector_load %arg7[%swap3A_609] {strides = array<i32>} : memref<98304xf32, #tpu.memory_space<vmem>>, vector<16xf32>,
        tpu.vector_store %arg7[%swap3A_609], %select_n3A_606 {strides = array<i32>} : memref<98304xf32, #tpu.memory_space<vmem>>, vector<16xf32>,
        %select_n3A_611 = arith.select %gt3A_599, %broadcast_in_dim3A_17, %neg3A_19 : vector<16xi1>, vector<16xf32>
        %add3A_612 = arith.constant 256 : i32
        %add3A_613 = arith.addi %add3A_576, %add3A_612 : i32
        %swap3A_614 = arith.index_cast %add3A_613 : i32 to index
        %swap3A_615 = tpu.vector_load %arg7[%swap3A_614] {strides = array<i32>} : memref<98304xf32, #tpu.memory_space<vmem>>, vector<16xf32>,
        tpu.vector_store %arg7[%swap3A_614], %select_n3A_611 {strides = array<i32>} : memref<98304xf32, #tpu.memory_space<vmem>>, vector<16xf32>,
        %select_n3A_616 = arith.select %gt3A_602, %broadcast_in_dim3A_17, %neg3A_19 : vector<16xi1>, vector<16xf32>
        %add3A_617 = arith.constant 384 : i32
        %add3A_618 = arith.addi %add3A_576, %add3A_617 : i32
        %swap3A_619 = arith.index_cast %add3A_618 : i32 to index
        %swap3A_620 = tpu.vector_load %arg7[%swap3A_619] {strides = array<i32>} : memref<98304xf32, #tpu.memory_space<vmem>>, vector<16xf32>,
        tpu.vector_store %arg7[%swap3A_619], %select_n3A_616 {strides = array<i32>} : memref<98304xf32, #tpu.memory_space<vmem>>, vector<16xf32>,
        %select_n3A_621 = arith.select %gt3A_593, %broadcast_in_dim3A_21, %broadcast_in_dim3A_29 : vector<16xi1>, vector<16xi32>
        %select_n3A_622 = arith.select %gt3A_596, %broadcast_in_dim3A_23, %broadcast_in_dim3A_29 : vector<16xi1>, vector<16xi32>
        %add3A_623 = arith.addi %select_n3A_621, %select_n3A_622 : vector<16xi32>
        %select_n3A_624 = arith.select %gt3A_599, %broadcast_in_dim3A_25, %broadcast_in_dim3A_29 : vector<16xi1>, vector<16xi32>
        %add3A_625 = arith.addi %add3A_623, %select_n3A_624 : vector<16xi32>
        %select_n3A_626 = arith.select %gt3A_602, %broadcast_in_dim3A_27, %broadcast_in_dim3A_29 : vector<16xi1>, vector<16xi32>
        %add3A_627 = arith.addi %add3A_625, %select_n3A_626 : vector<16xi32>
        %add3A_628 = arith.constant 16 : i32
        %add3A_629 = arith.addi %add3A_518, %add3A_628 : i32
        %swap3A_630 = arith.index_cast %add3A_629 : i32 to index
        %swap3A_631 = tpu.vector_load %arg8[%swap3A_630] {strides = array<i32>} : memref<24576xi32, #tpu.memory_space<vmem>>, vector<16xi32>,
        tpu.vector_store %arg8[%swap3A_630], %add3A_627 {strides = array<i32>} : memref<24576xi32, #tpu.memory_space<vmem>>, vector<16xi32>,
        %add3A_632 = arith.constant 32 : i32
        %add3A_633 = arith.addi %add3A_514, %add3A_632 : i32
        %get3A_634 = arith.index_cast %add3A_633 : i32 to index
        %get3A_635 = tpu.vector_load %arg7[%get3A_634] {strides = array<i32>} : memref<98304xf32, #tpu.memory_space<vmem>>, vector<16xf32>,
        %add3A_636 = arith.constant 128 : i32
        %add3A_637 = arith.addi %add3A_633, %add3A_636 : i32
        %get3A_638 = arith.index_cast %add3A_637 : i32 to index
        %get3A_639 = tpu.vector_load %arg7[%get3A_638] {strides = array<i32>} : memref<98304xf32, #tpu.memory_space<vmem>>, vector<16xf32>,
        %add3A_640 = arith.constant 256 : i32
        %add3A_641 = arith.addi %add3A_633, %add3A_640 : i32
        %get3A_642 = arith.index_cast %add3A_641 : i32 to index
        %get3A_643 = tpu.vector_load %arg7[%get3A_642] {strides = array<i32>} : memref<98304xf32, #tpu.memory_space<vmem>>, vector<16xf32>,
        %add3A_644 = arith.constant 384 : i32
        %add3A_645 = arith.addi %add3A_633, %add3A_644 : i32
        %get3A_646 = arith.index_cast %add3A_645 : i32 to index
        %get3A_647 = tpu.vector_load %arg7[%get3A_646] {strides = array<i32>} : memref<98304xf32, #tpu.memory_space<vmem>>, vector<16xf32>,
        %gt3A_648 = arith.constant 0.000000e+00 : f32
        %gt3A_649 = vector.broadcast %gt3A_648 : f32 to vector<16xf32>
        %gt3A_650 = arith.cmpf ogt, %get3A_635, %gt3A_649 : vector<16xf32>
        %gt3A_651 = arith.constant 0.000000e+00 : f32
        %gt3A_652 = vector.broadcast %gt3A_651 : f32 to vector<16xf32>
        %gt3A_653 = arith.cmpf ogt, %get3A_639, %gt3A_652 : vector<16xf32>
        %gt3A_654 = arith.constant 0.000000e+00 : f32
        %gt3A_655 = vector.broadcast %gt3A_654 : f32 to vector<16xf32>
        %gt3A_656 = arith.cmpf ogt, %get3A_643, %gt3A_655 : vector<16xf32>
        %gt3A_657 = arith.constant 0.000000e+00 : f32
        %gt3A_658 = vector.broadcast %gt3A_657 : f32 to vector<16xf32>
        %gt3A_659 = arith.cmpf ogt, %get3A_647, %gt3A_658 : vector<16xf32>
        %select_n3A_660 = arith.select %gt3A_650, %broadcast_in_dim3A_17, %neg3A_19 : vector<16xi1>, vector<16xf32>
        %swap3A_661 = arith.index_cast %add3A_633 : i32 to index
        %swap3A_662 = tpu.vector_load %arg7[%swap3A_661] {strides = array<i32>} : memref<98304xf32, #tpu.memory_space<vmem>>, vector<16xf32>,
        tpu.vector_store %arg7[%swap3A_661], %select_n3A_660 {strides = array<i32>} : memref<98304xf32, #tpu.memory_space<vmem>>, vector<16xf32>,
        %select_n3A_663 = arith.select %gt3A_653, %broadcast_in_dim3A_17, %neg3A_19 : vector<16xi1>, vector<16xf32>
        %add3A_664 = arith.constant 128 : i32
        %add3A_665 = arith.addi %add3A_633, %add3A_664 : i32
        %swap3A_666 = arith.index_cast %add3A_665 : i32 to index
        %swap3A_667 = tpu.vector_load %arg7[%swap3A_666] {strides = array<i32>} : memref<98304xf32, #tpu.memory_space<vmem>>, vector<16xf32>,
        tpu.vector_store %arg7[%swap3A_666], %select_n3A_663 {strides = array<i32>} : memref<98304xf32, #tpu.memory_space<vmem>>, vector<16xf32>,
        %select_n3A_668 = arith.select %gt3A_656, %broadcast_in_dim3A_17, %neg3A_19 : vector<16xi1>, vector<16xf32>
        %add3A_669 = arith.constant 256 : i32
        %add3A_670 = arith.addi %add3A_633, %add3A_669 : i32
        %swap3A_671 = arith.index_cast %add3A_670 : i32 to index
        %swap3A_672 = tpu.vector_load %arg7[%swap3A_671] {strides = array<i32>} : memref<98304xf32, #tpu.memory_space<vmem>>, vector<16xf32>,
        tpu.vector_store %arg7[%swap3A_671], %select_n3A_668 {strides = array<i32>} : memref<98304xf32, #tpu.memory_space<vmem>>, vector<16xf32>,
        %select_n3A_673 = arith.select %gt3A_659, %broadcast_in_dim3A_17, %neg3A_19 : vector<16xi1>, vector<16xf32>
        %add3A_674 = arith.constant 384 : i32
        %add3A_675 = arith.addi %add3A_633, %add3A_674 : i32
        %swap3A_676 = arith.index_cast %add3A_675 : i32 to index
        %swap3A_677 = tpu.vector_load %arg7[%swap3A_676] {strides = array<i32>} : memref<98304xf32, #tpu.memory_space<vmem>>, vector<16xf32>,
        tpu.vector_store %arg7[%swap3A_676], %select_n3A_673 {strides = array<i32>} : memref<98304xf32, #tpu.memory_space<vmem>>, vector<16xf32>,
        %select_n3A_678 = arith.select %gt3A_650, %broadcast_in_dim3A_21, %broadcast_in_dim3A_29 : vector<16xi1>, vector<16xi32>
        %select_n3A_679 = arith.select %gt3A_653, %broadcast_in_dim3A_23, %broadcast_in_dim3A_29 : vector<16xi1>, vector<16xi32>
        %add3A_680 = arith.addi %select_n3A_678, %select_n3A_679 : vector<16xi32>
        %select_n3A_681 = arith.select %gt3A_656, %broadcast_in_dim3A_25, %broadcast_in_dim3A_29 : vector<16xi1>, vector<16xi32>
        %add3A_682 = arith.addi %add3A_680, %select_n3A_681 : vector<16xi32>
        %select_n3A_683 = arith.select %gt3A_659, %broadcast_in_dim3A_27, %broadcast_in_dim3A_29 : vector<16xi1>, vector<16xi32>
        %add3A_684 = arith.addi %add3A_682, %select_n3A_683 : vector<16xi32>
        %add3A_685 = arith.constant 32 : i32
        %add3A_686 = arith.addi %add3A_518, %add3A_685 : i32
        %swap3A_687 = arith.index_cast %add3A_686 : i32 to index
        %swap3A_688 = tpu.vector_load %arg8[%swap3A_687] {strides = array<i32>} : memref<24576xi32, #tpu.memory_space<vmem>>, vector<16xi32>,
        tpu.vector_store %arg8[%swap3A_687], %add3A_684 {strides = array<i32>} : memref<24576xi32, #tpu.memory_space<vmem>>, vector<16xi32>,
        %add3A_689 = arith.constant 48 : i32
        %add3A_690 = arith.addi %add3A_514, %add3A_689 : i32
        %get3A_691 = arith.index_cast %add3A_690 : i32 to index
        %get3A_692 = tpu.vector_load %arg7[%get3A_691] {strides = array<i32>} : memref<98304xf32, #tpu.memory_space<vmem>>, vector<16xf32>,
        %add3A_693 = arith.constant 128 : i32
        %add3A_694 = arith.addi %add3A_690, %add3A_693 : i32
        %get3A_695 = arith.index_cast %add3A_694 : i32 to index
        %get3A_696 = tpu.vector_load %arg7[%get3A_695] {strides = array<i32>} : memref<98304xf32, #tpu.memory_space<vmem>>, vector<16xf32>,
        %add3A_697 = arith.constant 256 : i32
        %add3A_698 = arith.addi %add3A_690, %add3A_697 : i32
        %get3A_699 = arith.index_cast %add3A_698 : i32 to index
        %get3A_700 = tpu.vector_load %arg7[%get3A_699] {strides = array<i32>} : memref<98304xf32, #tpu.memory_space<vmem>>, vector<16xf32>,
        %add3A_701 = arith.constant 384 : i32
        %add3A_702 = arith.addi %add3A_690, %add3A_701 : i32
        %get3A_703 = arith.index_cast %add3A_702 : i32 to index
        %get3A_704 = tpu.vector_load %arg7[%get3A_703] {strides = array<i32>} : memref<98304xf32, #tpu.memory_space<vmem>>, vector<16xf32>,
        %gt3A_705 = arith.constant 0.000000e+00 : f32
        %gt3A_706 = vector.broadcast %gt3A_705 : f32 to vector<16xf32>
        %gt3A_707 = arith.cmpf ogt, %get3A_692, %gt3A_706 : vector<16xf32>
        %gt3A_708 = arith.constant 0.000000e+00 : f32
        %gt3A_709 = vector.broadcast %gt3A_708 : f32 to vector<16xf32>
        %gt3A_710 = arith.cmpf ogt, %get3A_696, %gt3A_709 : vector<16xf32>
        %gt3A_711 = arith.constant 0.000000e+00 : f32
        %gt3A_712 = vector.broadcast %gt3A_711 : f32 to vector<16xf32>
        %gt3A_713 = arith.cmpf ogt, %get3A_700, %gt3A_712 : vector<16xf32>
        %gt3A_714 = arith.constant 0.000000e+00 : f32
        %gt3A_715 = vector.broadcast %gt3A_714 : f32 to vector<16xf32>
        %gt3A_716 = arith.cmpf ogt, %get3A_704, %gt3A_715 : vector<16xf32>
        %select_n3A_717 = arith.select %gt3A_707, %broadcast_in_dim3A_17, %neg3A_19 : vector<16xi1>, vector<16xf32>
        %swap3A_718 = arith.index_cast %add3A_690 : i32 to index
        %swap3A_719 = tpu.vector_load %arg7[%swap3A_718] {strides = array<i32>} : memref<98304xf32, #tpu.memory_space<vmem>>, vector<16xf32>,
        tpu.vector_store %arg7[%swap3A_718], %select_n3A_717 {strides = array<i32>} : memref<98304xf32, #tpu.memory_space<vmem>>, vector<16xf32>,
        %select_n3A_720 = arith.select %gt3A_710, %broadcast_in_dim3A_17, %neg3A_19 : vector<16xi1>, vector<16xf32>
        %add3A_721 = arith.constant 128 : i32
        %add3A_722 = arith.addi %add3A_690, %add3A_721 : i32
        %swap3A_723 = arith.index_cast %add3A_722 : i32 to index
        %swap3A_724 = tpu.vector_load %arg7[%swap3A_723] {strides = array<i32>} : memref<98304xf32, #tpu.memory_space<vmem>>, vector<16xf32>,
        tpu.vector_store %arg7[%swap3A_723], %select_n3A_720 {strides = array<i32>} : memref<98304xf32, #tpu.memory_space<vmem>>, vector<16xf32>,
        %select_n3A_725 = arith.select %gt3A_713, %broadcast_in_dim3A_17, %neg3A_19 : vector<16xi1>, vector<16xf32>
        %add3A_726 = arith.constant 256 : i32
        %add3A_727 = arith.addi %add3A_690, %add3A_726 : i32
        %swap3A_728 = arith.index_cast %add3A_727 : i32 to index
        %swap3A_729 = tpu.vector_load %arg7[%swap3A_728] {strides = array<i32>} : memref<98304xf32, #tpu.memory_space<vmem>>, vector<16xf32>,
        tpu.vector_store %arg7[%swap3A_728], %select_n3A_725 {strides = array<i32>} : memref<98304xf32, #tpu.memory_space<vmem>>, vector<16xf32>,
        %select_n3A_730 = arith.select %gt3A_716, %broadcast_in_dim3A_17, %neg3A_19 : vector<16xi1>, vector<16xf32>
        %add3A_731 = arith.constant 384 : i32
        %add3A_732 = arith.addi %add3A_690, %add3A_731 : i32
        %swap3A_733 = arith.index_cast %add3A_732 : i32 to index
        %swap3A_734 = tpu.vector_load %arg7[%swap3A_733] {strides = array<i32>} : memref<98304xf32, #tpu.memory_space<vmem>>, vector<16xf32>,
        tpu.vector_store %arg7[%swap3A_733], %select_n3A_730 {strides = array<i32>} : memref<98304xf32, #tpu.memory_space<vmem>>, vector<16xf32>,
        %select_n3A_735 = arith.select %gt3A_707, %broadcast_in_dim3A_21, %broadcast_in_dim3A_29 : vector<16xi1>, vector<16xi32>
        %select_n3A_736 = arith.select %gt3A_710, %broadcast_in_dim3A_23, %broadcast_in_dim3A_29 : vector<16xi1>, vector<16xi32>
        %add3A_737 = arith.addi %select_n3A_735, %select_n3A_736 : vector<16xi32>
        %select_n3A_738 = arith.select %gt3A_713, %broadcast_in_dim3A_25, %broadcast_in_dim3A_29 : vector<16xi1>, vector<16xi32>
        %add3A_739 = arith.addi %add3A_737, %select_n3A_738 : vector<16xi32>
        %select_n3A_740 = arith.select %gt3A_716, %broadcast_in_dim3A_27, %broadcast_in_dim3A_29 : vector<16xi1>, vector<16xi32>
        %add3A_741 = arith.addi %add3A_739, %select_n3A_740 : vector<16xi32>
        %add3A_742 = arith.constant 48 : i32
        %add3A_743 = arith.addi %add3A_518, %add3A_742 : i32
        %swap3A_744 = arith.index_cast %add3A_743 : i32 to index
        %swap3A_745 = tpu.vector_load %arg8[%swap3A_744] {strides = array<i32>} : memref<24576xi32, #tpu.memory_space<vmem>>, vector<16xi32>,
        tpu.vector_store %arg8[%swap3A_744], %add3A_741 {strides = array<i32>} : memref<24576xi32, #tpu.memory_space<vmem>>, vector<16xi32>,
        %add3A_746 = arith.constant 64 : i32
        %add3A_747 = arith.addi %add3A_514, %add3A_746 : i32
        %get3A_748 = arith.index_cast %add3A_747 : i32 to index
        %get3A_749 = tpu.vector_load %arg7[%get3A_748] {strides = array<i32>} : memref<98304xf32, #tpu.memory_space<vmem>>, vector<16xf32>,
        %add3A_750 = arith.constant 128 : i32
        %add3A_751 = arith.addi %add3A_747, %add3A_750 : i32
        %get3A_752 = arith.index_cast %add3A_751 : i32 to index
        %get3A_753 = tpu.vector_load %arg7[%get3A_752] {strides = array<i32>} : memref<98304xf32, #tpu.memory_space<vmem>>, vector<16xf32>,
        %add3A_754 = arith.constant 256 : i32
        %add3A_755 = arith.addi %add3A_747, %add3A_754 : i32
        %get3A_756 = arith.index_cast %add3A_755 : i32 to index
        %get3A_757 = tpu.vector_load %arg7[%get3A_756] {strides = array<i32>} : memref<98304xf32, #tpu.memory_space<vmem>>, vector<16xf32>,
        %add3A_758 = arith.constant 384 : i32
        %add3A_759 = arith.addi %add3A_747, %add3A_758 : i32
        %get3A_760 = arith.index_cast %add3A_759 : i32 to index
        %get3A_761 = tpu.vector_load %arg7[%get3A_760] {strides = array<i32>} : memref<98304xf32, #tpu.memory_space<vmem>>, vector<16xf32>,
        %gt3A_762 = arith.constant 0.000000e+00 : f32
        %gt3A_763 = vector.broadcast %gt3A_762 : f32 to vector<16xf32>
        %gt3A_764 = arith.cmpf ogt, %get3A_749, %gt3A_763 : vector<16xf32>
        %gt3A_765 = arith.constant 0.000000e+00 : f32
        %gt3A_766 = vector.broadcast %gt3A_765 : f32 to vector<16xf32>
        %gt3A_767 = arith.cmpf ogt, %get3A_753, %gt3A_766 : vector<16xf32>
        %gt3A_768 = arith.constant 0.000000e+00 : f32
        %gt3A_769 = vector.broadcast %gt3A_768 : f32 to vector<16xf32>
        %gt3A_770 = arith.cmpf ogt, %get3A_757, %gt3A_769 : vector<16xf32>
        %gt3A_771 = arith.constant 0.000000e+00 : f32
        %gt3A_772 = vector.broadcast %gt3A_771 : f32 to vector<16xf32>
        %gt3A_773 = arith.cmpf ogt, %get3A_761, %gt3A_772 : vector<16xf32>
        %select_n3A_774 = arith.select %gt3A_764, %broadcast_in_dim3A_17, %neg3A_19 : vector<16xi1>, vector<16xf32>
        %swap3A_775 = arith.index_cast %add3A_747 : i32 to index
        %swap3A_776 = tpu.vector_load %arg7[%swap3A_775] {strides = array<i32>} : memref<98304xf32, #tpu.memory_space<vmem>>, vector<16xf32>,
        tpu.vector_store %arg7[%swap3A_775], %select_n3A_774 {strides = array<i32>} : memref<98304xf32, #tpu.memory_space<vmem>>, vector<16xf32>,
        %select_n3A_777 = arith.select %gt3A_767, %broadcast_in_dim3A_17, %neg3A_19 : vector<16xi1>, vector<16xf32>
        %add3A_778 = arith.constant 128 : i32
        %add3A_779 = arith.addi %add3A_747, %add3A_778 : i32
        %swap3A_780 = arith.index_cast %add3A_779 : i32 to index
        %swap3A_781 = tpu.vector_load %arg7[%swap3A_780] {strides = array<i32>} : memref<98304xf32, #tpu.memory_space<vmem>>, vector<16xf32>,
        tpu.vector_store %arg7[%swap3A_780], %select_n3A_777 {strides = array<i32>} : memref<98304xf32, #tpu.memory_space<vmem>>, vector<16xf32>,
        %select_n3A_782 = arith.select %gt3A_770, %broadcast_in_dim3A_17, %neg3A_19 : vector<16xi1>, vector<16xf32>
        %add3A_783 = arith.constant 256 : i32
        %add3A_784 = arith.addi %add3A_747, %add3A_783 : i32
        %swap3A_785 = arith.index_cast %add3A_784 : i32 to index
        %swap3A_786 = tpu.vector_load %arg7[%swap3A_785] {strides = array<i32>} : memref<98304xf32, #tpu.memory_space<vmem>>, vector<16xf32>,
        tpu.vector_store %arg7[%swap3A_785], %select_n3A_782 {strides = array<i32>} : memref<98304xf32, #tpu.memory_space<vmem>>, vector<16xf32>,
        %select_n3A_787 = arith.select %gt3A_773, %broadcast_in_dim3A_17, %neg3A_19 : vector<16xi1>, vector<16xf32>
        %add3A_788 = arith.constant 384 : i32
        %add3A_789 = arith.addi %add3A_747, %add3A_788 : i32
        %swap3A_790 = arith.index_cast %add3A_789 : i32 to index
        %swap3A_791 = tpu.vector_load %arg7[%swap3A_790] {strides = array<i32>} : memref<98304xf32, #tpu.memory_space<vmem>>, vector<16xf32>,
        tpu.vector_store %arg7[%swap3A_790], %select_n3A_787 {strides = array<i32>} : memref<98304xf32, #tpu.memory_space<vmem>>, vector<16xf32>,
        %select_n3A_792 = arith.select %gt3A_764, %broadcast_in_dim3A_21, %broadcast_in_dim3A_29 : vector<16xi1>, vector<16xi32>
        %select_n3A_793 = arith.select %gt3A_767, %broadcast_in_dim3A_23, %broadcast_in_dim3A_29 : vector<16xi1>, vector<16xi32>
        %add3A_794 = arith.addi %select_n3A_792, %select_n3A_793 : vector<16xi32>
        %select_n3A_795 = arith.select %gt3A_770, %broadcast_in_dim3A_25, %broadcast_in_dim3A_29 : vector<16xi1>, vector<16xi32>
        %add3A_796 = arith.addi %add3A_794, %select_n3A_795 : vector<16xi32>
        %select_n3A_797 = arith.select %gt3A_773, %broadcast_in_dim3A_27, %broadcast_in_dim3A_29 : vector<16xi1>, vector<16xi32>
        %add3A_798 = arith.addi %add3A_796, %select_n3A_797 : vector<16xi32>
        %add3A_799 = arith.constant 64 : i32
        %add3A_800 = arith.addi %add3A_518, %add3A_799 : i32
        %swap3A_801 = arith.index_cast %add3A_800 : i32 to index
        %swap3A_802 = tpu.vector_load %arg8[%swap3A_801] {strides = array<i32>} : memref<24576xi32, #tpu.memory_space<vmem>>, vector<16xi32>,
        tpu.vector_store %arg8[%swap3A_801], %add3A_798 {strides = array<i32>} : memref<24576xi32, #tpu.memory_space<vmem>>, vector<16xi32>,
        %add3A_803 = arith.constant 80 : i32
        %add3A_804 = arith.addi %add3A_514, %add3A_803 : i32
        %get3A_805 = arith.index_cast %add3A_804 : i32 to index
        %get3A_806 = tpu.vector_load %arg7[%get3A_805] {strides = array<i32>} : memref<98304xf32, #tpu.memory_space<vmem>>, vector<16xf32>,
        %add3A_807 = arith.constant 128 : i32
        %add3A_808 = arith.addi %add3A_804, %add3A_807 : i32
        %get3A_809 = arith.index_cast %add3A_808 : i32 to index
        %get3A_810 = tpu.vector_load %arg7[%get3A_809] {strides = array<i32>} : memref<98304xf32, #tpu.memory_space<vmem>>, vector<16xf32>,
        %add3A_811 = arith.constant 256 : i32
        %add3A_812 = arith.addi %add3A_804, %add3A_811 : i32
        %get3A_813 = arith.index_cast %add3A_812 : i32 to index
        %get3A_814 = tpu.vector_load %arg7[%get3A_813] {strides = array<i32>} : memref<98304xf32, #tpu.memory_space<vmem>>, vector<16xf32>,
        %add3A_815 = arith.constant 384 : i32
        %add3A_816 = arith.addi %add3A_804, %add3A_815 : i32
        %get3A_817 = arith.index_cast %add3A_816 : i32 to index
        %get3A_818 = tpu.vector_load %arg7[%get3A_817] {strides = array<i32>} : memref<98304xf32, #tpu.memory_space<vmem>>, vector<16xf32>,
        %gt3A_819 = arith.constant 0.000000e+00 : f32
        %gt3A_820 = vector.broadcast %gt3A_819 : f32 to vector<16xf32>
        %gt3A_821 = arith.cmpf ogt, %get3A_806, %gt3A_820 : vector<16xf32>
        %gt3A_822 = arith.constant 0.000000e+00 : f32
        %gt3A_823 = vector.broadcast %gt3A_822 : f32 to vector<16xf32>
        %gt3A_824 = arith.cmpf ogt, %get3A_810, %gt3A_823 : vector<16xf32>
        %gt3A_825 = arith.constant 0.000000e+00 : f32
        %gt3A_826 = vector.broadcast %gt3A_825 : f32 to vector<16xf32>
        %gt3A_827 = arith.cmpf ogt, %get3A_814, %gt3A_826 : vector<16xf32>
        %gt3A_828 = arith.constant 0.000000e+00 : f32
        %gt3A_829 = vector.broadcast %gt3A_828 : f32 to vector<16xf32>
        %gt3A_830 = arith.cmpf ogt, %get3A_818, %gt3A_829 : vector<16xf32>
        %select_n3A_831 = arith.select %gt3A_821, %broadcast_in_dim3A_17, %neg3A_19 : vector<16xi1>, vector<16xf32>
        %swap3A_832 = arith.index_cast %add3A_804 : i32 to index
        %swap3A_833 = tpu.vector_load %arg7[%swap3A_832] {strides = array<i32>} : memref<98304xf32, #tpu.memory_space<vmem>>, vector<16xf32>,
        tpu.vector_store %arg7[%swap3A_832], %select_n3A_831 {strides = array<i32>} : memref<98304xf32, #tpu.memory_space<vmem>>, vector<16xf32>,
        %select_n3A_834 = arith.select %gt3A_824, %broadcast_in_dim3A_17, %neg3A_19 : vector<16xi1>, vector<16xf32>
        %add3A_835 = arith.constant 128 : i32
        %add3A_836 = arith.addi %add3A_804, %add3A_835 : i32
        %swap3A_837 = arith.index_cast %add3A_836 : i32 to index
        %swap3A_838 = tpu.vector_load %arg7[%swap3A_837] {strides = array<i32>} : memref<98304xf32, #tpu.memory_space<vmem>>, vector<16xf32>,
        tpu.vector_store %arg7[%swap3A_837], %select_n3A_834 {strides = array<i32>} : memref<98304xf32, #tpu.memory_space<vmem>>, vector<16xf32>,
        %select_n3A_839 = arith.select %gt3A_827, %broadcast_in_dim3A_17, %neg3A_19 : vector<16xi1>, vector<16xf32>
        %add3A_840 = arith.constant 256 : i32
        %add3A_841 = arith.addi %add3A_804, %add3A_840 : i32
        %swap3A_842 = arith.index_cast %add3A_841 : i32 to index
        %swap3A_843 = tpu.vector_load %arg7[%swap3A_842] {strides = array<i32>} : memref<98304xf32, #tpu.memory_space<vmem>>, vector<16xf32>,
        tpu.vector_store %arg7[%swap3A_842], %select_n3A_839 {strides = array<i32>} : memref<98304xf32, #tpu.memory_space<vmem>>, vector<16xf32>,
        %select_n3A_844 = arith.select %gt3A_830, %broadcast_in_dim3A_17, %neg3A_19 : vector<16xi1>, vector<16xf32>
        %add3A_845 = arith.constant 384 : i32
        %add3A_846 = arith.addi %add3A_804, %add3A_845 : i32
        %swap3A_847 = arith.index_cast %add3A_846 : i32 to index
        %swap3A_848 = tpu.vector_load %arg7[%swap3A_847] {strides = array<i32>} : memref<98304xf32, #tpu.memory_space<vmem>>, vector<16xf32>,
        tpu.vector_store %arg7[%swap3A_847], %select_n3A_844 {strides = array<i32>} : memref<98304xf32, #tpu.memory_space<vmem>>, vector<16xf32>,
        %select_n3A_849 = arith.select %gt3A_821, %broadcast_in_dim3A_21, %broadcast_in_dim3A_29 : vector<16xi1>, vector<16xi32>
        %select_n3A_850 = arith.select %gt3A_824, %broadcast_in_dim3A_23, %broadcast_in_dim3A_29 : vector<16xi1>, vector<16xi32>
        %add3A_851 = arith.addi %select_n3A_849, %select_n3A_850 : vector<16xi32>
        %select_n3A_852 = arith.select %gt3A_827, %broadcast_in_dim3A_25, %broadcast_in_dim3A_29 : vector<16xi1>, vector<16xi32>
        %add3A_853 = arith.addi %add3A_851, %select_n3A_852 : vector<16xi32>
        %select_n3A_854 = arith.select %gt3A_830, %broadcast_in_dim3A_27, %broadcast_in_dim3A_29 : vector<16xi1>, vector<16xi32>
        %add3A_855 = arith.addi %add3A_853, %select_n3A_854 : vector<16xi32>
        %add3A_856 = arith.constant 80 : i32
        %add3A_857 = arith.addi %add3A_518, %add3A_856 : i32
        %swap3A_858 = arith.index_cast %add3A_857 : i32 to index
        %swap3A_859 = tpu.vector_load %arg8[%swap3A_858] {strides = array<i32>} : memref<24576xi32, #tpu.memory_space<vmem>>, vector<16xi32>,
        tpu.vector_store %arg8[%swap3A_858], %add3A_855 {strides = array<i32>} : memref<24576xi32, #tpu.memory_space<vmem>>, vector<16xi32>,
        %add3A_860 = arith.constant 96 : i32
        %add3A_861 = arith.addi %add3A_514, %add3A_860 : i32
        %get3A_862 = arith.index_cast %add3A_861 : i32 to index
        %get3A_863 = tpu.vector_load %arg7[%get3A_862] {strides = array<i32>} : memref<98304xf32, #tpu.memory_space<vmem>>, vector<16xf32>,
        %add3A_864 = arith.constant 128 : i32
        %add3A_865 = arith.addi %add3A_861, %add3A_864 : i32
        %get3A_866 = arith.index_cast %add3A_865 : i32 to index
        %get3A_867 = tpu.vector_load %arg7[%get3A_866] {strides = array<i32>} : memref<98304xf32, #tpu.memory_space<vmem>>, vector<16xf32>,
        %add3A_868 = arith.constant 256 : i32
        %add3A_869 = arith.addi %add3A_861, %add3A_868 : i32
        %get3A_870 = arith.index_cast %add3A_869 : i32 to index
        %get3A_871 = tpu.vector_load %arg7[%get3A_870] {strides = array<i32>} : memref<98304xf32, #tpu.memory_space<vmem>>, vector<16xf32>,
        %add3A_872 = arith.constant 384 : i32
        %add3A_873 = arith.addi %add3A_861, %add3A_872 : i32
        %get3A_874 = arith.index_cast %add3A_873 : i32 to index
        %get3A_875 = tpu.vector_load %arg7[%get3A_874] {strides = array<i32>} : memref<98304xf32, #tpu.memory_space<vmem>>, vector<16xf32>,
        %gt3A_876 = arith.constant 0.000000e+00 : f32
        %gt3A_877 = vector.broadcast %gt3A_876 : f32 to vector<16xf32>
        %gt3A_878 = arith.cmpf ogt, %get3A_863, %gt3A_877 : vector<16xf32>
        %gt3A_879 = arith.constant 0.000000e+00 : f32
        %gt3A_880 = vector.broadcast %gt3A_879 : f32 to vector<16xf32>
        %gt3A_881 = arith.cmpf ogt, %get3A_867, %gt3A_880 : vector<16xf32>
        %gt3A_882 = arith.constant 0.000000e+00 : f32
        %gt3A_883 = vector.broadcast %gt3A_882 : f32 to vector<16xf32>
        %gt3A_884 = arith.cmpf ogt, %get3A_871, %gt3A_883 : vector<16xf32>
        %gt3A_885 = arith.constant 0.000000e+00 : f32
        %gt3A_886 = vector.broadcast %gt3A_885 : f32 to vector<16xf32>
        %gt3A_887 = arith.cmpf ogt, %get3A_875, %gt3A_886 : vector<16xf32>
        %select_n3A_888 = arith.select %gt3A_878, %broadcast_in_dim3A_17, %neg3A_19 : vector<16xi1>, vector<16xf32>
        %swap3A_889 = arith.index_cast %add3A_861 : i32 to index
        %swap3A_890 = tpu.vector_load %arg7[%swap3A_889] {strides = array<i32>} : memref<98304xf32, #tpu.memory_space<vmem>>, vector<16xf32>,
        tpu.vector_store %arg7[%swap3A_889], %select_n3A_888 {strides = array<i32>} : memref<98304xf32, #tpu.memory_space<vmem>>, vector<16xf32>,
        %select_n3A_891 = arith.select %gt3A_881, %broadcast_in_dim3A_17, %neg3A_19 : vector<16xi1>, vector<16xf32>
        %add3A_892 = arith.constant 128 : i32
        %add3A_893 = arith.addi %add3A_861, %add3A_892 : i32
        %swap3A_894 = arith.index_cast %add3A_893 : i32 to index
        %swap3A_895 = tpu.vector_load %arg7[%swap3A_894] {strides = array<i32>} : memref<98304xf32, #tpu.memory_space<vmem>>, vector<16xf32>,
        tpu.vector_store %arg7[%swap3A_894], %select_n3A_891 {strides = array<i32>} : memref<98304xf32, #tpu.memory_space<vmem>>, vector<16xf32>,
        %select_n3A_896 = arith.select %gt3A_884, %broadcast_in_dim3A_17, %neg3A_19 : vector<16xi1>, vector<16xf32>
        %add3A_897 = arith.constant 256 : i32
        %add3A_898 = arith.addi %add3A_861, %add3A_897 : i32
        %swap3A_899 = arith.index_cast %add3A_898 : i32 to index
        %swap3A_900 = tpu.vector_load %arg7[%swap3A_899] {strides = array<i32>} : memref<98304xf32, #tpu.memory_space<vmem>>, vector<16xf32>,
        tpu.vector_store %arg7[%swap3A_899], %select_n3A_896 {strides = array<i32>} : memref<98304xf32, #tpu.memory_space<vmem>>, vector<16xf32>,
        %select_n3A_901 = arith.select %gt3A_887, %broadcast_in_dim3A_17, %neg3A_19 : vector<16xi1>, vector<16xf32>
        %add3A_902 = arith.constant 384 : i32
        %add3A_903 = arith.addi %add3A_861, %add3A_902 : i32
        %swap3A_904 = arith.index_cast %add3A_903 : i32 to index
        %swap3A_905 = tpu.vector_load %arg7[%swap3A_904] {strides = array<i32>} : memref<98304xf32, #tpu.memory_space<vmem>>, vector<16xf32>,
        tpu.vector_store %arg7[%swap3A_904], %select_n3A_901 {strides = array<i32>} : memref<98304xf32, #tpu.memory_space<vmem>>, vector<16xf32>,
        %select_n3A_906 = arith.select %gt3A_878, %broadcast_in_dim3A_21, %broadcast_in_dim3A_29 : vector<16xi1>, vector<16xi32>
        %select_n3A_907 = arith.select %gt3A_881, %broadcast_in_dim3A_23, %broadcast_in_dim3A_29 : vector<16xi1>, vector<16xi32>
        %add3A_908 = arith.addi %select_n3A_906, %select_n3A_907 : vector<16xi32>
        %select_n3A_909 = arith.select %gt3A_884, %broadcast_in_dim3A_25, %broadcast_in_dim3A_29 : vector<16xi1>, vector<16xi32>
        %add3A_910 = arith.addi %add3A_908, %select_n3A_909 : vector<16xi32>
        %select_n3A_911 = arith.select %gt3A_887, %broadcast_in_dim3A_27, %broadcast_in_dim3A_29 : vector<16xi1>, vector<16xi32>
        %add3A_912 = arith.addi %add3A_910, %select_n3A_911 : vector<16xi32>
        %add3A_913 = arith.constant 96 : i32
        %add3A_914 = arith.addi %add3A_518, %add3A_913 : i32
        %swap3A_915 = arith.index_cast %add3A_914 : i32 to index
        %swap3A_916 = tpu.vector_load %arg8[%swap3A_915] {strides = array<i32>} : memref<24576xi32, #tpu.memory_space<vmem>>, vector<16xi32>,
        tpu.vector_store %arg8[%swap3A_915], %add3A_912 {strides = array<i32>} : memref<24576xi32, #tpu.memory_space<vmem>>, vector<16xi32>,
        %add3A_917 = arith.constant 112 : i32
        %add3A_918 = arith.addi %add3A_514, %add3A_917 : i32
        %get3A_919 = arith.index_cast %add3A_918 : i32 to index
        %get3A_920 = tpu.vector_load %arg7[%get3A_919] {strides = array<i32>} : memref<98304xf32, #tpu.memory_space<vmem>>, vector<16xf32>,
        %add3A_921 = arith.constant 128 : i32
        %add3A_922 = arith.addi %add3A_918, %add3A_921 : i32
        %get3A_923 = arith.index_cast %add3A_922 : i32 to index
        %get3A_924 = tpu.vector_load %arg7[%get3A_923] {strides = array<i32>} : memref<98304xf32, #tpu.memory_space<vmem>>, vector<16xf32>,
        %add3A_925 = arith.constant 256 : i32
        %add3A_926 = arith.addi %add3A_918, %add3A_925 : i32
        %get3A_927 = arith.index_cast %add3A_926 : i32 to index
        %get3A_928 = tpu.vector_load %arg7[%get3A_927] {strides = array<i32>} : memref<98304xf32, #tpu.memory_space<vmem>>, vector<16xf32>,
        %add3A_929 = arith.constant 384 : i32
        %add3A_930 = arith.addi %add3A_918, %add3A_929 : i32
        %get3A_931 = arith.index_cast %add3A_930 : i32 to index
        %get3A_932 = tpu.vector_load %arg7[%get3A_931] {strides = array<i32>} : memref<98304xf32, #tpu.memory_space<vmem>>, vector<16xf32>,
        %gt3A_933 = arith.constant 0.000000e+00 : f32
        %gt3A_934 = vector.broadcast %gt3A_933 : f32 to vector<16xf32>
        %gt3A_935 = arith.cmpf ogt, %get3A_920, %gt3A_934 : vector<16xf32>
        %gt3A_936 = arith.constant 0.000000e+00 : f32
        %gt3A_937 = vector.broadcast %gt3A_936 : f32 to vector<16xf32>
        %gt3A_938 = arith.cmpf ogt, %get3A_924, %gt3A_937 : vector<16xf32>
        %gt3A_939 = arith.constant 0.000000e+00 : f32
        %gt3A_940 = vector.broadcast %gt3A_939 : f32 to vector<16xf32>
        %gt3A_941 = arith.cmpf ogt, %get3A_928, %gt3A_940 : vector<16xf32>
        %gt3A_942 = arith.constant 0.000000e+00 : f32
        %gt3A_943 = vector.broadcast %gt3A_942 : f32 to vector<16xf32>
        %gt3A_944 = arith.cmpf ogt, %get3A_932, %gt3A_943 : vector<16xf32>
        %select_n3A_945 = arith.select %gt3A_935, %broadcast_in_dim3A_17, %neg3A_19 : vector<16xi1>, vector<16xf32>
        %swap3A_946 = arith.index_cast %add3A_918 : i32 to index
        %swap3A_947 = tpu.vector_load %arg7[%swap3A_946] {strides = array<i32>} : memref<98304xf32, #tpu.memory_space<vmem>>, vector<16xf32>,
        tpu.vector_store %arg7[%swap3A_946], %select_n3A_945 {strides = array<i32>} : memref<98304xf32, #tpu.memory_space<vmem>>, vector<16xf32>,
        %select_n3A_948 = arith.select %gt3A_938, %broadcast_in_dim3A_17, %neg3A_19 : vector<16xi1>, vector<16xf32>
        %add3A_949 = arith.constant 128 : i32
        %add3A_950 = arith.addi %add3A_918, %add3A_949 : i32
        %swap3A_951 = arith.index_cast %add3A_950 : i32 to index
        %swap3A_952 = tpu.vector_load %arg7[%swap3A_951] {strides = array<i32>} : memref<98304xf32, #tpu.memory_space<vmem>>, vector<16xf32>,
        tpu.vector_store %arg7[%swap3A_951], %select_n3A_948 {strides = array<i32>} : memref<98304xf32, #tpu.memory_space<vmem>>, vector<16xf32>,
        %select_n3A_953 = arith.select %gt3A_941, %broadcast_in_dim3A_17, %neg3A_19 : vector<16xi1>, vector<16xf32>
        %add3A_954 = arith.constant 256 : i32
        %add3A_955 = arith.addi %add3A_918, %add3A_954 : i32
        %swap3A_956 = arith.index_cast %add3A_955 : i32 to index
        %swap3A_957 = tpu.vector_load %arg7[%swap3A_956] {strides = array<i32>} : memref<98304xf32, #tpu.memory_space<vmem>>, vector<16xf32>,
        tpu.vector_store %arg7[%swap3A_956], %select_n3A_953 {strides = array<i32>} : memref<98304xf32, #tpu.memory_space<vmem>>, vector<16xf32>,
        %select_n3A_958 = arith.select %gt3A_944, %broadcast_in_dim3A_17, %neg3A_19 : vector<16xi1>, vector<16xf32>
        %add3A_959 = arith.constant 384 : i32
        %add3A_960 = arith.addi %add3A_918, %add3A_959 : i32
        %swap3A_961 = arith.index_cast %add3A_960 : i32 to index
        %swap3A_962 = tpu.vector_load %arg7[%swap3A_961] {strides = array<i32>} : memref<98304xf32, #tpu.memory_space<vmem>>, vector<16xf32>,
        tpu.vector_store %arg7[%swap3A_961], %select_n3A_958 {strides = array<i32>} : memref<98304xf32, #tpu.memory_space<vmem>>, vector<16xf32>,
        %select_n3A_963 = arith.select %gt3A_935, %broadcast_in_dim3A_21, %broadcast_in_dim3A_29 : vector<16xi1>, vector<16xi32>
        %select_n3A_964 = arith.select %gt3A_938, %broadcast_in_dim3A_23, %broadcast_in_dim3A_29 : vector<16xi1>, vector<16xi32>
        %add3A_965 = arith.addi %select_n3A_963, %select_n3A_964 : vector<16xi32>
        %select_n3A_966 = arith.select %gt3A_941, %broadcast_in_dim3A_25, %broadcast_in_dim3A_29 : vector<16xi1>, vector<16xi32>
        %add3A_967 = arith.addi %add3A_965, %select_n3A_966 : vector<16xi32>
        %select_n3A_968 = arith.select %gt3A_944, %broadcast_in_dim3A_27, %broadcast_in_dim3A_29 : vector<16xi1>, vector<16xi32>
        %add3A_969 = arith.addi %add3A_967, %select_n3A_968 : vector<16xi32>
        %add3A_970 = arith.constant 112 : i32
        %add3A_971 = arith.addi %add3A_518, %add3A_970 : i32
        %swap3A_972 = arith.index_cast %add3A_971 : i32 to index
        %swap3A_973 = tpu.vector_load %arg8[%swap3A_972] {strides = array<i32>} : memref<24576xi32, #tpu.memory_space<vmem>>, vector<16xi32>,
        tpu.vector_store %arg8[%swap3A_972], %add3A_969 {strides = array<i32>} : memref<24576xi32, #tpu.memory_space<vmem>>, vector<16xi32>,
      }
      %scan3A_414 = arith.constant 64 : i32
      %add3A_415 = arith.constant 2 : i32
      %add3A_416 = arith.addi %mul3A_203, %add3A_415 : i32
      %mul3A_417 = arith.constant 16 : i32
      %mul3A_418 = arith.muli %add3A, %mul3A_417 : i32
      %add3A_419 = arith.addi %mul3A_418, %add3A_416 : i32
      %mul3A_420 = arith.constant 32768 : i32
      %mul3A_421 = arith.muli %add3A_419, %mul3A_420 : i32
      %dma_start3A_422 = arith.constant 65536 : i32
      %dma_start3A_423 = tpu.memref_slice %arg7[%dma_start3A_422] : memref<98304xf32, #tpu.memory_space<vmem>> -> memref<32768xf32, #tpu.memory_space<vmem>>
      %dma_start3A_424 = tpu.memref_slice %arg5[%mul3A_421] : memref<16777216xf32, #tpu.memory_space<hbm>> -> memref<32768xf32, #tpu.memory_space<hbm>>
      %dma_start3A_425 = tpu.memref_slice %arg5[%mul3A_421] : memref<16777216xf32, #tpu.memory_space<hbm>> -> memref<32768xf32, #tpu.memory_space<hbm>>
      %dma_start3A_426 = arith.constant 65536 : i32
      %dma_start3A_427 = tpu.memref_slice %arg7[%dma_start3A_426] : memref<98304xf32, #tpu.memory_space<vmem>> -> memref<32768xf32, #tpu.memory_space<vmem>>
      tpu.enqueue_dma source(%dma_start3A_427 : memref<32768xf32, #tpu.memory_space<vmem>>) target(%dma_start3A_425 : memref<32768xf32, #tpu.memory_space<hbm>>) target_semaphore(%arg16 : memref<!tpu.dma_semaphore, #tpu.memory_space<semaphore_mem>>)
      %mul3A_428 = arith.constant 8192 : i32
      %mul3A_429 = arith.muli %add3A_419, %mul3A_428 : i32
      %add3A_430 = arith.constant 0 : i32
      %add3A_431 = arith.addi %add3A_430, %mul3A_429 : i32
      %dma_start3A_432 = arith.constant 16384 : i32
      %dma_start3A_433 = tpu.memref_slice %arg8[%dma_start3A_432] : memref<24576xi32, #tpu.memory_space<vmem>> -> memref<8192xi32, #tpu.memory_space<vmem>>
      %dma_start3A_434 = tpu.memref_slice %arg6[%add3A_431] : memref<12582912xi32, #tpu.memory_space<hbm>> -> memref<8192xi32, #tpu.memory_space<hbm>>
      %dma_start3A_435 = tpu.memref_slice %arg6[%add3A_431] : memref<12582912xi32, #tpu.memory_space<hbm>> -> memref<8192xi32, #tpu.memory_space<hbm>>
      %dma_start3A_436 = arith.constant 16384 : i32
      %dma_start3A_437 = tpu.memref_slice %arg8[%dma_start3A_436] : memref<24576xi32, #tpu.memory_space<vmem>> -> memref<8192xi32, #tpu.memory_space<vmem>>
      tpu.enqueue_dma source(%dma_start3A_437 : memref<8192xi32, #tpu.memory_space<vmem>>) target(%dma_start3A_435 : memref<8192xi32, #tpu.memory_space<hbm>>) target_semaphore(%arg16 : memref<!tpu.dma_semaphore, #tpu.memory_space<semaphore_mem>>)
      %mul3A_438 = arith.constant 8192 : i32
      %mul3A_439 = arith.muli %add3A_419, %mul3A_438 : i32
      %add3A_440 = arith.constant 4194304 : i32
      %add3A_441 = arith.addi %add3A_440, %mul3A_439 : i32
      %dma_start3A_442 = arith.constant 16384 : i32
      %dma_start3A_443 = tpu.memref_slice %arg8[%dma_start3A_442] : memref<24576xi32, #tpu.memory_space<vmem>> -> memref<8192xi32, #tpu.memory_space<vmem>>
      %dma_start3A_444 = tpu.memref_slice %arg6[%add3A_441] : memref<12582912xi32, #tpu.memory_space<hbm>> -> memref<8192xi32, #tpu.memory_space<hbm>>
      %dma_start3A_445 = tpu.memref_slice %arg6[%add3A_441] : memref<12582912xi32, #tpu.memory_space<hbm>> -> memref<8192xi32, #tpu.memory_space<hbm>>
      %dma_start3A_446 = arith.constant 16384 : i32
      %dma_start3A_447 = tpu.memref_slice %arg8[%dma_start3A_446] : memref<24576xi32, #tpu.memory_space<vmem>> -> memref<8192xi32, #tpu.memory_space<vmem>>
      tpu.enqueue_dma source(%dma_start3A_447 : memref<8192xi32, #tpu.memory_space<vmem>>) target(%dma_start3A_445 : memref<8192xi32, #tpu.memory_space<hbm>>) target_semaphore(%arg16 : memref<!tpu.dma_semaphore, #tpu.memory_space<semaphore_mem>>)
      %mul3A_448 = arith.constant 8192 : i32
      %mul3A_449 = arith.muli %add3A_419, %mul3A_448 : i32
      %add3A_450 = arith.constant 8388608 : i32
      %add3A_451 = arith.addi %add3A_450, %mul3A_449 : i32
      %dma_start3A_452 = arith.constant 16384 : i32
      %dma_start3A_453 = tpu.memref_slice %arg8[%dma_start3A_452] : memref<24576xi32, #tpu.memory_space<vmem>> -> memref<8192xi32, #tpu.memory_space<vmem>>
      %dma_start3A_454 = tpu.memref_slice %arg6[%add3A_451] : memref<12582912xi32, #tpu.memory_space<hbm>> -> memref<8192xi32, #tpu.memory_space<hbm>>
      %dma_start3A_455 = tpu.memref_slice %arg6[%add3A_451] : memref<12582912xi32, #tpu.memory_space<hbm>> -> memref<8192xi32, #tpu.memory_space<hbm>>
      %dma_start3A_456 = arith.constant 16384 : i32
      %dma_start3A_457 = tpu.memref_slice %arg8[%dma_start3A_456] : memref<24576xi32, #tpu.memory_space<vmem>> -> memref<8192xi32, #tpu.memory_space<vmem>>
      tpu.enqueue_dma source(%dma_start3A_457 : memref<8192xi32, #tpu.memory_space<vmem>>) target(%dma_start3A_455 : memref<8192xi32, #tpu.memory_space<hbm>>) target_semaphore(%arg16 : memref<!tpu.dma_semaphore, #tpu.memory_space<semaphore_mem>>)
      %add3A_458 = arith.constant 1 : i32
      %add3A_459 = arith.addi %mul3A_203, %add3A_458 : i32
      %mul3A_460 = arith.constant 16 : i32
      %mul3A_461 = arith.muli %add3A, %mul3A_460 : i32
      %add3A_462 = arith.addi %mul3A_461, %add3A_459 : i32
      %mul3A_463 = arith.constant 32768 : i32
      %mul3A_464 = arith.muli %add3A_462, %mul3A_463 : i32
      %dma_wait3A_465 = arith.constant 32768 : i32
      %dma_wait3A_466 = tpu.memref_slice %arg7[%dma_wait3A_465] : memref<98304xf32, #tpu.memory_space<vmem>> -> memref<32768xf32, #tpu.memory_space<vmem>>
      %dma_wait3A_467 = tpu.memref_slice %arg5[%mul3A_464] : memref<16777216xf32, #tpu.memory_space<hbm>> -> memref<32768xf32, #tpu.memory_space<hbm>>
      %dma_wait3A_468 = tpu.memref_slice %arg5[%mul3A_464] : memref<16777216xf32, #tpu.memory_space<hbm>> -> memref<32768xf32, #tpu.memory_space<hbm>>
      %dma_wait3A_469 = arith.constant 32768 : i32
      %dma_wait3A_470 = tpu.memref_slice %arg7[%dma_wait3A_469] : memref<98304xf32, #tpu.memory_space<vmem>> -> memref<32768xf32, #tpu.memory_space<vmem>>
      tpu.wait_dma2 semaphore(%arg15 : memref<!tpu.dma_semaphore, #tpu.memory_space<semaphore_mem>>) src(%dma_wait3A_470 : memref<32768xf32, #tpu.memory_space<vmem>>) dst(%dma_wait3A_468 : memref<32768xf32, #tpu.memory_space<hbm>>)
      %mul3A_471 = arith.constant 8192 : i32
      %mul3A_472 = arith.muli %add3A_462, %mul3A_471 : i32
      %add3A_473 = arith.constant 0 : i32
      %add3A_474 = arith.addi %add3A_473, %mul3A_472 : i32
      %dma_wait3A_475 = arith.constant 8192 : i32
      %dma_wait3A_476 = tpu.memref_slice %arg8[%dma_wait3A_475] : memref<24576xi32, #tpu.memory_space<vmem>> -> memref<8192xi32, #tpu.memory_space<vmem>>
      %dma_wait3A_477 = tpu.memref_slice %arg6[%add3A_474] : memref<12582912xi32, #tpu.memory_space<hbm>> -> memref<8192xi32, #tpu.memory_space<hbm>>
      %dma_wait3A_478 = tpu.memref_slice %arg6[%add3A_474] : memref<12582912xi32, #tpu.memory_space<hbm>> -> memref<8192xi32, #tpu.memory_space<hbm>>
      %dma_wait3A_479 = arith.constant 8192 : i32
      %dma_wait3A_480 = tpu.memref_slice %arg8[%dma_wait3A_479] : memref<24576xi32, #tpu.memory_space<vmem>> -> memref<8192xi32, #tpu.memory_space<vmem>>
      tpu.wait_dma2 semaphore(%arg15 : memref<!tpu.dma_semaphore, #tpu.memory_space<semaphore_mem>>) src(%dma_wait3A_480 : memref<8192xi32, #tpu.memory_space<vmem>>) dst(%dma_wait3A_478 : memref<8192xi32, #tpu.memory_space<hbm>>)
      %mul3A_481 = arith.constant 8192 : i32
      %mul3A_482 = arith.muli %add3A_462, %mul3A_481 : i32
      %add3A_483 = arith.constant 4194304 : i32
      %add3A_484 = arith.addi %add3A_483, %mul3A_482 : i32
      %dma_wait3A_485 = arith.constant 8192 : i32
      %dma_wait3A_486 = tpu.memref_slice %arg8[%dma_wait3A_485] : memref<24576xi32, #tpu.memory_space<vmem>> -> memref<8192xi32, #tpu.memory_space<vmem>>
      %dma_wait3A_487 = tpu.memref_slice %arg6[%add3A_484] : memref<12582912xi32, #tpu.memory_space<hbm>> -> memref<8192xi32, #tpu.memory_space<hbm>>
      %dma_wait3A_488 = tpu.memref_slice %arg6[%add3A_484] : memref<12582912xi32, #tpu.memory_space<hbm>> -> memref<8192xi32, #tpu.memory_space<hbm>>
      %dma_wait3A_489 = arith.constant 8192 : i32
      %dma_wait3A_490 = tpu.memref_slice %arg8[%dma_wait3A_489] : memref<24576xi32, #tpu.memory_space<vmem>> -> memref<8192xi32, #tpu.memory_space<vmem>>
      tpu.wait_dma2 semaphore(%arg15 : memref<!tpu.dma_semaphore, #tpu.memory_space<semaphore_mem>>) src(%dma_wait3A_490 : memref<8192xi32, #tpu.memory_space<vmem>>) dst(%dma_wait3A_488 : memref<8192xi32, #tpu.memory_space<hbm>>)
      %mul3A_491 = arith.constant 8192 : i32
      %mul3A_492 = arith.muli %add3A_462, %mul3A_491 : i32
      %add3A_493 = arith.constant 8388608 : i32
      %add3A_494 = arith.addi %add3A_493, %mul3A_492 : i32
      %dma_wait3A_495 = arith.constant 8192 : i32
      %dma_wait3A_496 = tpu.memref_slice %arg8[%dma_wait3A_495] : memref<24576xi32, #tpu.memory_space<vmem>> -> memref<8192xi32, #tpu.memory_space<vmem>>
      %dma_wait3A_497 = tpu.memref_slice %arg6[%add3A_494] : memref<12582912xi32, #tpu.memory_space<hbm>> -> memref<8192xi32, #tpu.memory_space<hbm>>
      %dma_wait3A_498 = tpu.memref_slice %arg6[%add3A_494] : memref<12582912xi32, #tpu.memory_space<hbm>> -> memref<8192xi32, #tpu.memory_space<hbm>>
      %dma_wait3A_499 = arith.constant 8192 : i32
      %dma_wait3A_500 = tpu.memref_slice %arg8[%dma_wait3A_499] : memref<24576xi32, #tpu.memory_space<vmem>> -> memref<8192xi32, #tpu.memory_space<vmem>>
      tpu.wait_dma2 semaphore(%arg15 : memref<!tpu.dma_semaphore, #tpu.memory_space<semaphore_mem>>) src(%dma_wait3A_500 : memref<8192xi32, #tpu.memory_space<vmem>>) dst(%dma_wait3A_498 : memref<8192xi32, #tpu.memory_space<hbm>>)
      %lt3A = arith.constant 4 : i32
      %lt3A_501 = arith.cmpi slt, %scan3A_201, %lt3A : i32
      %convert_element_type3A_502 = arith.extui %lt3A_501 : i1 to i32
      %cond3A_503 = arith.constant 0 : i32
      %cond3A_504 = arith.cmpi ne, %convert_element_type3A_502, %cond3A_503 : i32
      scf.if %cond3A_504 {
        %add3A_505 = arith.constant 4 : i32
        %add3A_506 = arith.addi %mul3A_203, %add3A_505 : i32
        %mul3A_507 = arith.constant 16 : i32
        %mul3A_508 = arith.muli %add3A, %mul3A_507 : i32
        %add3A_509 = arith.addi %mul3A_508, %add3A_506 : i32
        %mul3A_510 = arith.constant 32768 : i32
        %mul3A_511 = arith.muli %add3A_509, %mul3A_510 : i32
        %dma_start3A_512 = arith.constant 32768 : i32
        %dma_start3A_513 = tpu.memref_slice %arg7[%dma_start3A_512] : memref<98304xf32, #tpu.memory_space<vmem>> -> memref<32768xf32, #tpu.memory_space<vmem>>
        %dma_start3A_514 = tpu.memref_slice %arg2[%mul3A_511] : memref<16777216xf32, #tpu.memory_space<hbm>> -> memref<32768xf32, #tpu.memory_space<hbm>>
        %dma_start3A_515 = arith.constant 32768 : i32
        %dma_start3A_516 = tpu.memref_slice %arg7[%dma_start3A_515] : memref<98304xf32, #tpu.memory_space<vmem>> -> memref<32768xf32, #tpu.memory_space<vmem>>
        %dma_start3A_517 = tpu.memref_slice %arg2[%mul3A_511] : memref<16777216xf32, #tpu.memory_space<hbm>> -> memref<32768xf32, #tpu.memory_space<hbm>>
        tpu.enqueue_dma source(%dma_start3A_517 : memref<32768xf32, #tpu.memory_space<hbm>>) target(%dma_start3A_516 : memref<32768xf32, #tpu.memory_space<vmem>>) target_semaphore(%arg12 : memref<!tpu.dma_semaphore, #tpu.memory_space<semaphore_mem>>)
      } else {
      }
    }
    %scan3A_57 = arith.constant 5 : i32
    %mul3A_58 = arith.constant 16 : i32
    %mul3A_59 = arith.muli %add3A, %mul3A_58 : i32
    %add3A_60 = arith.constant 15 : i32
    %add3A_61 = arith.addi %mul3A_59, %add3A_60 : i32
    %mul3A_62 = arith.constant 32768 : i32
    %mul3A_63 = arith.muli %add3A_61, %mul3A_62 : i32
    %dma_wait3A = arith.constant 0 : i32
    %dma_wait3A_64 = tpu.memref_slice %arg7[%dma_wait3A] : memref<98304xf32, #tpu.memory_space<vmem>> -> memref<32768xf32, #tpu.memory_space<vmem>>
    %dma_wait3A_65 = tpu.memref_slice %arg2[%mul3A_63] : memref<16777216xf32, #tpu.memory_space<hbm>> -> memref<32768xf32, #tpu.memory_space<hbm>>
    %dma_wait3A_66 = arith.constant 0 : i32
    %dma_wait3A_67 = tpu.memref_slice %arg7[%dma_wait3A_66] : memref<98304xf32, #tpu.memory_space<vmem>> -> memref<32768xf32, #tpu.memory_space<vmem>>
    %dma_wait3A_68 = tpu.memref_slice %arg2[%mul3A_63] : memref<16777216xf32, #tpu.memory_space<hbm>> -> memref<32768xf32, #tpu.memory_space<hbm>>
    tpu.wait_dma2 semaphore(%arg11 : memref<!tpu.dma_semaphore, #tpu.memory_space<semaphore_mem>>) src(%dma_wait3A_68 : memref<32768xf32, #tpu.memory_space<hbm>>) dst(%dma_wait3A_67 : memref<32768xf32, #tpu.memory_space<vmem>>)
    %scan3A_69 = arith.constant 0 : i32
    %scan3A_70 = arith.constant 0 : i32
    %scan3A_71 = arith.constant 64 : i32
    %scan3A_72 = arith.addi %scan3A_70, %scan3A_71 : i32
    %scan3A_73 = arith.constant 1 : i32
    scf.for %scan3A_201 = %scan3A_70 to %scan3A_72 step %scan3A_73  : i32 {
      %shift_right_arithmetic3A = arith.constant 3 : i32
      %shift_right_arithmetic3A_202 = arith.shrsi %scan3A_201, %shift_right_arithmetic3A : i32
      %and3A = arith.constant 7 : i32
      %and3A_203 = arith.andi %scan3A_201, %and3A : i32
      %mul3A_204 = arith.constant 4096 : i32
      %mul3A_205 = arith.muli %and3A_203, %mul3A_204 : i32
      %add3A_206 = arith.constant 0 : i32
      %add3A_207 = arith.addi %add3A_206, %mul3A_205 : i32
      %mul3A_208 = arith.constant 512 : i32
      %mul3A_209 = arith.muli %shift_right_arithmetic3A_202, %mul3A_208 : i32
      %add3A_210 = arith.addi %add3A_207, %mul3A_209 : i32
      %mul3A_211 = arith.constant 128 : i32
      %mul3A_212 = arith.muli %scan3A_201, %mul3A_211 : i32
      %add3A_213 = arith.constant 0 : i32
      %add3A_214 = arith.addi %add3A_213, %mul3A_212 : i32
      %add3A_215 = arith.constant 0 : i32
      %add3A_216 = arith.addi %add3A_210, %add3A_215 : i32
      %get3A_217 = arith.index_cast %add3A_216 : i32 to index
      %get3A_218 = tpu.vector_load %arg7[%get3A_217] {strides = array<i32>} : memref<98304xf32, #tpu.memory_space<vmem>>, vector<16xf32>,
      %add3A_219 = arith.constant 128 : i32
      %add3A_220 = arith.addi %add3A_216, %add3A_219 : i32
      %get3A_221 = arith.index_cast %add3A_220 : i32 to index
      %get3A_222 = tpu.vector_load %arg7[%get3A_221] {strides = array<i32>} : memref<98304xf32, #tpu.memory_space<vmem>>, vector<16xf32>,
      %add3A_223 = arith.constant 256 : i32
      %add3A_224 = arith.addi %add3A_216, %add3A_223 : i32
      %get3A_225 = arith.index_cast %add3A_224 : i32 to index
      %get3A_226 = tpu.vector_load %arg7[%get3A_225] {strides = array<i32>} : memref<98304xf32, #tpu.memory_space<vmem>>, vector<16xf32>,
      %add3A_227 = arith.constant 384 : i32
      %add3A_228 = arith.addi %add3A_216, %add3A_227 : i32
      %get3A_229 = arith.index_cast %add3A_228 : i32 to index
      %get3A_230 = tpu.vector_load %arg7[%get3A_229] {strides = array<i32>} : memref<98304xf32, #tpu.memory_space<vmem>>, vector<16xf32>,
      %gt3A = arith.constant 0.000000e+00 : f32
      %gt3A_231 = vector.broadcast %gt3A : f32 to vector<16xf32>
      %gt3A_232 = arith.cmpf ogt, %get3A_218, %gt3A_231 : vector<16xf32>
      %gt3A_233 = arith.constant 0.000000e+00 : f32
      %gt3A_234 = vector.broadcast %gt3A_233 : f32 to vector<16xf32>
      %gt3A_235 = arith.cmpf ogt, %get3A_222, %gt3A_234 : vector<16xf32>
      %gt3A_236 = arith.constant 0.000000e+00 : f32
      %gt3A_237 = vector.broadcast %gt3A_236 : f32 to vector<16xf32>
      %gt3A_238 = arith.cmpf ogt, %get3A_226, %gt3A_237 : vector<16xf32>
      %gt3A_239 = arith.constant 0.000000e+00 : f32
      %gt3A_240 = vector.broadcast %gt3A_239 : f32 to vector<16xf32>
      %gt3A_241 = arith.cmpf ogt, %get3A_230, %gt3A_240 : vector<16xf32>
      %select_n3A = arith.select %gt3A_232, %broadcast_in_dim3A_17, %neg3A_19 : vector<16xi1>, vector<16xf32>
      %swap3A_242 = arith.index_cast %add3A_216 : i32 to index
      %swap3A_243 = tpu.vector_load %arg7[%swap3A_242] {strides = array<i32>} : memref<98304xf32, #tpu.memory_space<vmem>>, vector<16xf32>,
      tpu.vector_store %arg7[%swap3A_242], %select_n3A {strides = array<i32>} : memref<98304xf32, #tpu.memory_space<vmem>>, vector<16xf32>,
      %select_n3A_244 = arith.select %gt3A_235, %broadcast_in_dim3A_17, %neg3A_19 : vector<16xi1>, vector<16xf32>
      %add3A_245 = arith.constant 128 : i32
      %add3A_246 = arith.addi %add3A_216, %add3A_245 : i32
      %swap3A_247 = arith.index_cast %add3A_246 : i32 to index
      %swap3A_248 = tpu.vector_load %arg7[%swap3A_247] {strides = array<i32>} : memref<98304xf32, #tpu.memory_space<vmem>>, vector<16xf32>,
      tpu.vector_store %arg7[%swap3A_247], %select_n3A_244 {strides = array<i32>} : memref<98304xf32, #tpu.memory_space<vmem>>, vector<16xf32>,
      %select_n3A_249 = arith.select %gt3A_238, %broadcast_in_dim3A_17, %neg3A_19 : vector<16xi1>, vector<16xf32>
      %add3A_250 = arith.constant 256 : i32
      %add3A_251 = arith.addi %add3A_216, %add3A_250 : i32
      %swap3A_252 = arith.index_cast %add3A_251 : i32 to index
      %swap3A_253 = tpu.vector_load %arg7[%swap3A_252] {strides = array<i32>} : memref<98304xf32, #tpu.memory_space<vmem>>, vector<16xf32>,
      tpu.vector_store %arg7[%swap3A_252], %select_n3A_249 {strides = array<i32>} : memref<98304xf32, #tpu.memory_space<vmem>>, vector<16xf32>,
      %select_n3A_254 = arith.select %gt3A_241, %broadcast_in_dim3A_17, %neg3A_19 : vector<16xi1>, vector<16xf32>
      %add3A_255 = arith.constant 384 : i32
      %add3A_256 = arith.addi %add3A_216, %add3A_255 : i32
      %swap3A_257 = arith.index_cast %add3A_256 : i32 to index
      %swap3A_258 = tpu.vector_load %arg7[%swap3A_257] {strides = array<i32>} : memref<98304xf32, #tpu.memory_space<vmem>>, vector<16xf32>,
      tpu.vector_store %arg7[%swap3A_257], %select_n3A_254 {strides = array<i32>} : memref<98304xf32, #tpu.memory_space<vmem>>, vector<16xf32>,
      %select_n3A_259 = arith.select %gt3A_232, %broadcast_in_dim3A_21, %broadcast_in_dim3A_29 : vector<16xi1>, vector<16xi32>
      %select_n3A_260 = arith.select %gt3A_235, %broadcast_in_dim3A_23, %broadcast_in_dim3A_29 : vector<16xi1>, vector<16xi32>
      %add3A_261 = arith.addi %select_n3A_259, %select_n3A_260 : vector<16xi32>
      %select_n3A_262 = arith.select %gt3A_238, %broadcast_in_dim3A_25, %broadcast_in_dim3A_29 : vector<16xi1>, vector<16xi32>
      %add3A_263 = arith.addi %add3A_261, %select_n3A_262 : vector<16xi32>
      %select_n3A_264 = arith.select %gt3A_241, %broadcast_in_dim3A_27, %broadcast_in_dim3A_29 : vector<16xi1>, vector<16xi32>
      %add3A_265 = arith.addi %add3A_263, %select_n3A_264 : vector<16xi32>
      %add3A_266 = arith.constant 0 : i32
      %add3A_267 = arith.addi %add3A_214, %add3A_266 : i32
      %swap3A_268 = arith.index_cast %add3A_267 : i32 to index
      %swap3A_269 = tpu.vector_load %arg8[%swap3A_268] {strides = array<i32>} : memref<24576xi32, #tpu.memory_space<vmem>>, vector<16xi32>,
      tpu.vector_store %arg8[%swap3A_268], %add3A_265 {strides = array<i32>} : memref<24576xi32, #tpu.memory_space<vmem>>, vector<16xi32>,
      %add3A_270 = arith.constant 16 : i32
      %add3A_271 = arith.addi %add3A_210, %add3A_270 : i32
      %get3A_272 = arith.index_cast %add3A_271 : i32 to index
      %get3A_273 = tpu.vector_load %arg7[%get3A_272] {strides = array<i32>} : memref<98304xf32, #tpu.memory_space<vmem>>, vector<16xf32>,
      %add3A_274 = arith.constant 128 : i32
      %add3A_275 = arith.addi %add3A_271, %add3A_274 : i32
      %get3A_276 = arith.index_cast %add3A_275 : i32 to index
      %get3A_277 = tpu.vector_load %arg7[%get3A_276] {strides = array<i32>} : memref<98304xf32, #tpu.memory_space<vmem>>, vector<16xf32>,
      %add3A_278 = arith.constant 256 : i32
      %add3A_279 = arith.addi %add3A_271, %add3A_278 : i32
      %get3A_280 = arith.index_cast %add3A_279 : i32 to index
      %get3A_281 = tpu.vector_load %arg7[%get3A_280] {strides = array<i32>} : memref<98304xf32, #tpu.memory_space<vmem>>, vector<16xf32>,
      %add3A_282 = arith.constant 384 : i32
      %add3A_283 = arith.addi %add3A_271, %add3A_282 : i32
      %get3A_284 = arith.index_cast %add3A_283 : i32 to index
      %get3A_285 = tpu.vector_load %arg7[%get3A_284] {strides = array<i32>} : memref<98304xf32, #tpu.memory_space<vmem>>, vector<16xf32>,
      %gt3A_286 = arith.constant 0.000000e+00 : f32
      %gt3A_287 = vector.broadcast %gt3A_286 : f32 to vector<16xf32>
      %gt3A_288 = arith.cmpf ogt, %get3A_273, %gt3A_287 : vector<16xf32>
      %gt3A_289 = arith.constant 0.000000e+00 : f32
      %gt3A_290 = vector.broadcast %gt3A_289 : f32 to vector<16xf32>
      %gt3A_291 = arith.cmpf ogt, %get3A_277, %gt3A_290 : vector<16xf32>
      %gt3A_292 = arith.constant 0.000000e+00 : f32
      %gt3A_293 = vector.broadcast %gt3A_292 : f32 to vector<16xf32>
      %gt3A_294 = arith.cmpf ogt, %get3A_281, %gt3A_293 : vector<16xf32>
      %gt3A_295 = arith.constant 0.000000e+00 : f32
      %gt3A_296 = vector.broadcast %gt3A_295 : f32 to vector<16xf32>
      %gt3A_297 = arith.cmpf ogt, %get3A_285, %gt3A_296 : vector<16xf32>
      %select_n3A_298 = arith.select %gt3A_288, %broadcast_in_dim3A_17, %neg3A_19 : vector<16xi1>, vector<16xf32>
      %swap3A_299 = arith.index_cast %add3A_271 : i32 to index
      %swap3A_300 = tpu.vector_load %arg7[%swap3A_299] {strides = array<i32>} : memref<98304xf32, #tpu.memory_space<vmem>>, vector<16xf32>,
      tpu.vector_store %arg7[%swap3A_299], %select_n3A_298 {strides = array<i32>} : memref<98304xf32, #tpu.memory_space<vmem>>, vector<16xf32>,
      %select_n3A_301 = arith.select %gt3A_291, %broadcast_in_dim3A_17, %neg3A_19 : vector<16xi1>, vector<16xf32>
      %add3A_302 = arith.constant 128 : i32
      %add3A_303 = arith.addi %add3A_271, %add3A_302 : i32
      %swap3A_304 = arith.index_cast %add3A_303 : i32 to index
      %swap3A_305 = tpu.vector_load %arg7[%swap3A_304] {strides = array<i32>} : memref<98304xf32, #tpu.memory_space<vmem>>, vector<16xf32>,
      tpu.vector_store %arg7[%swap3A_304], %select_n3A_301 {strides = array<i32>} : memref<98304xf32, #tpu.memory_space<vmem>>, vector<16xf32>,
      %select_n3A_306 = arith.select %gt3A_294, %broadcast_in_dim3A_17, %neg3A_19 : vector<16xi1>, vector<16xf32>
      %add3A_307 = arith.constant 256 : i32
      %add3A_308 = arith.addi %add3A_271, %add3A_307 : i32
      %swap3A_309 = arith.index_cast %add3A_308 : i32 to index
      %swap3A_310 = tpu.vector_load %arg7[%swap3A_309] {strides = array<i32>} : memref<98304xf32, #tpu.memory_space<vmem>>, vector<16xf32>,
      tpu.vector_store %arg7[%swap3A_309], %select_n3A_306 {strides = array<i32>} : memref<98304xf32, #tpu.memory_space<vmem>>, vector<16xf32>,
      %select_n3A_311 = arith.select %gt3A_297, %broadcast_in_dim3A_17, %neg3A_19 : vector<16xi1>, vector<16xf32>
      %add3A_312 = arith.constant 384 : i32
      %add3A_313 = arith.addi %add3A_271, %add3A_312 : i32
      %swap3A_314 = arith.index_cast %add3A_313 : i32 to index
      %swap3A_315 = tpu.vector_load %arg7[%swap3A_314] {strides = array<i32>} : memref<98304xf32, #tpu.memory_space<vmem>>, vector<16xf32>,
      tpu.vector_store %arg7[%swap3A_314], %select_n3A_311 {strides = array<i32>} : memref<98304xf32, #tpu.memory_space<vmem>>, vector<16xf32>,
      %select_n3A_316 = arith.select %gt3A_288, %broadcast_in_dim3A_21, %broadcast_in_dim3A_29 : vector<16xi1>, vector<16xi32>
      %select_n3A_317 = arith.select %gt3A_291, %broadcast_in_dim3A_23, %broadcast_in_dim3A_29 : vector<16xi1>, vector<16xi32>
      %add3A_318 = arith.addi %select_n3A_316, %select_n3A_317 : vector<16xi32>
      %select_n3A_319 = arith.select %gt3A_294, %broadcast_in_dim3A_25, %broadcast_in_dim3A_29 : vector<16xi1>, vector<16xi32>
      %add3A_320 = arith.addi %add3A_318, %select_n3A_319 : vector<16xi32>
      %select_n3A_321 = arith.select %gt3A_297, %broadcast_in_dim3A_27, %broadcast_in_dim3A_29 : vector<16xi1>, vector<16xi32>
      %add3A_322 = arith.addi %add3A_320, %select_n3A_321 : vector<16xi32>
      %add3A_323 = arith.constant 16 : i32
      %add3A_324 = arith.addi %add3A_214, %add3A_323 : i32
      %swap3A_325 = arith.index_cast %add3A_324 : i32 to index
      %swap3A_326 = tpu.vector_load %arg8[%swap3A_325] {strides = array<i32>} : memref<24576xi32, #tpu.memory_space<vmem>>, vector<16xi32>,
      tpu.vector_store %arg8[%swap3A_325], %add3A_322 {strides = array<i32>} : memref<24576xi32, #tpu.memory_space<vmem>>, vector<16xi32>,
      %add3A_327 = arith.constant 32 : i32
      %add3A_328 = arith.addi %add3A_210, %add3A_327 : i32
      %get3A_329 = arith.index_cast %add3A_328 : i32 to index
      %get3A_330 = tpu.vector_load %arg7[%get3A_329] {strides = array<i32>} : memref<98304xf32, #tpu.memory_space<vmem>>, vector<16xf32>,
      %add3A_331 = arith.constant 128 : i32
      %add3A_332 = arith.addi %add3A_328, %add3A_331 : i32
      %get3A_333 = arith.index_cast %add3A_332 : i32 to index
      %get3A_334 = tpu.vector_load %arg7[%get3A_333] {strides = array<i32>} : memref<98304xf32, #tpu.memory_space<vmem>>, vector<16xf32>,
      %add3A_335 = arith.constant 256 : i32
      %add3A_336 = arith.addi %add3A_328, %add3A_335 : i32
      %get3A_337 = arith.index_cast %add3A_336 : i32 to index
      %get3A_338 = tpu.vector_load %arg7[%get3A_337] {strides = array<i32>} : memref<98304xf32, #tpu.memory_space<vmem>>, vector<16xf32>,
      %add3A_339 = arith.constant 384 : i32
      %add3A_340 = arith.addi %add3A_328, %add3A_339 : i32
      %get3A_341 = arith.index_cast %add3A_340 : i32 to index
      %get3A_342 = tpu.vector_load %arg7[%get3A_341] {strides = array<i32>} : memref<98304xf32, #tpu.memory_space<vmem>>, vector<16xf32>,
      %gt3A_343 = arith.constant 0.000000e+00 : f32
      %gt3A_344 = vector.broadcast %gt3A_343 : f32 to vector<16xf32>
      %gt3A_345 = arith.cmpf ogt, %get3A_330, %gt3A_344 : vector<16xf32>
      %gt3A_346 = arith.constant 0.000000e+00 : f32
      %gt3A_347 = vector.broadcast %gt3A_346 : f32 to vector<16xf32>
      %gt3A_348 = arith.cmpf ogt, %get3A_334, %gt3A_347 : vector<16xf32>
      %gt3A_349 = arith.constant 0.000000e+00 : f32
      %gt3A_350 = vector.broadcast %gt3A_349 : f32 to vector<16xf32>
      %gt3A_351 = arith.cmpf ogt, %get3A_338, %gt3A_350 : vector<16xf32>
      %gt3A_352 = arith.constant 0.000000e+00 : f32
      %gt3A_353 = vector.broadcast %gt3A_352 : f32 to vector<16xf32>
      %gt3A_354 = arith.cmpf ogt, %get3A_342, %gt3A_353 : vector<16xf32>
      %select_n3A_355 = arith.select %gt3A_345, %broadcast_in_dim3A_17, %neg3A_19 : vector<16xi1>, vector<16xf32>
      %swap3A_356 = arith.index_cast %add3A_328 : i32 to index
      %swap3A_357 = tpu.vector_load %arg7[%swap3A_356] {strides = array<i32>} : memref<98304xf32, #tpu.memory_space<vmem>>, vector<16xf32>,
      tpu.vector_store %arg7[%swap3A_356], %select_n3A_355 {strides = array<i32>} : memref<98304xf32, #tpu.memory_space<vmem>>, vector<16xf32>,
      %select_n3A_358 = arith.select %gt3A_348, %broadcast_in_dim3A_17, %neg3A_19 : vector<16xi1>, vector<16xf32>
      %add3A_359 = arith.constant 128 : i32
      %add3A_360 = arith.addi %add3A_328, %add3A_359 : i32
      %swap3A_361 = arith.index_cast %add3A_360 : i32 to index
      %swap3A_362 = tpu.vector_load %arg7[%swap3A_361] {strides = array<i32>} : memref<98304xf32, #tpu.memory_space<vmem>>, vector<16xf32>,
      tpu.vector_store %arg7[%swap3A_361], %select_n3A_358 {strides = array<i32>} : memref<98304xf32, #tpu.memory_space<vmem>>, vector<16xf32>,
      %select_n3A_363 = arith.select %gt3A_351, %broadcast_in_dim3A_17, %neg3A_19 : vector<16xi1>, vector<16xf32>
      %add3A_364 = arith.constant 256 : i32
      %add3A_365 = arith.addi %add3A_328, %add3A_364 : i32
      %swap3A_366 = arith.index_cast %add3A_365 : i32 to index
      %swap3A_367 = tpu.vector_load %arg7[%swap3A_366] {strides = array<i32>} : memref<98304xf32, #tpu.memory_space<vmem>>, vector<16xf32>,
      tpu.vector_store %arg7[%swap3A_366], %select_n3A_363 {strides = array<i32>} : memref<98304xf32, #tpu.memory_space<vmem>>, vector<16xf32>,
      %select_n3A_368 = arith.select %gt3A_354, %broadcast_in_dim3A_17, %neg3A_19 : vector<16xi1>, vector<16xf32>
      %add3A_369 = arith.constant 384 : i32
      %add3A_370 = arith.addi %add3A_328, %add3A_369 : i32
      %swap3A_371 = arith.index_cast %add3A_370 : i32 to index
      %swap3A_372 = tpu.vector_load %arg7[%swap3A_371] {strides = array<i32>} : memref<98304xf32, #tpu.memory_space<vmem>>, vector<16xf32>,
      tpu.vector_store %arg7[%swap3A_371], %select_n3A_368 {strides = array<i32>} : memref<98304xf32, #tpu.memory_space<vmem>>, vector<16xf32>,
      %select_n3A_373 = arith.select %gt3A_345, %broadcast_in_dim3A_21, %broadcast_in_dim3A_29 : vector<16xi1>, vector<16xi32>
      %select_n3A_374 = arith.select %gt3A_348, %broadcast_in_dim3A_23, %broadcast_in_dim3A_29 : vector<16xi1>, vector<16xi32>
      %add3A_375 = arith.addi %select_n3A_373, %select_n3A_374 : vector<16xi32>
      %select_n3A_376 = arith.select %gt3A_351, %broadcast_in_dim3A_25, %broadcast_in_dim3A_29 : vector<16xi1>, vector<16xi32>
      %add3A_377 = arith.addi %add3A_375, %select_n3A_376 : vector<16xi32>
      %select_n3A_378 = arith.select %gt3A_354, %broadcast_in_dim3A_27, %broadcast_in_dim3A_29 : vector<16xi1>, vector<16xi32>
      %add3A_379 = arith.addi %add3A_377, %select_n3A_378 : vector<16xi32>
      %add3A_380 = arith.constant 32 : i32
      %add3A_381 = arith.addi %add3A_214, %add3A_380 : i32
      %swap3A_382 = arith.index_cast %add3A_381 : i32 to index
      %swap3A_383 = tpu.vector_load %arg8[%swap3A_382] {strides = array<i32>} : memref<24576xi32, #tpu.memory_space<vmem>>, vector<16xi32>,
      tpu.vector_store %arg8[%swap3A_382], %add3A_379 {strides = array<i32>} : memref<24576xi32, #tpu.memory_space<vmem>>, vector<16xi32>,
      %add3A_384 = arith.constant 48 : i32
      %add3A_385 = arith.addi %add3A_210, %add3A_384 : i32
      %get3A_386 = arith.index_cast %add3A_385 : i32 to index
      %get3A_387 = tpu.vector_load %arg7[%get3A_386] {strides = array<i32>} : memref<98304xf32, #tpu.memory_space<vmem>>, vector<16xf32>,
      %add3A_388 = arith.constant 128 : i32
      %add3A_389 = arith.addi %add3A_385, %add3A_388 : i32
      %get3A_390 = arith.index_cast %add3A_389 : i32 to index
      %get3A_391 = tpu.vector_load %arg7[%get3A_390] {strides = array<i32>} : memref<98304xf32, #tpu.memory_space<vmem>>, vector<16xf32>,
      %add3A_392 = arith.constant 256 : i32
      %add3A_393 = arith.addi %add3A_385, %add3A_392 : i32
      %get3A_394 = arith.index_cast %add3A_393 : i32 to index
      %get3A_395 = tpu.vector_load %arg7[%get3A_394] {strides = array<i32>} : memref<98304xf32, #tpu.memory_space<vmem>>, vector<16xf32>,
      %add3A_396 = arith.constant 384 : i32
      %add3A_397 = arith.addi %add3A_385, %add3A_396 : i32
      %get3A_398 = arith.index_cast %add3A_397 : i32 to index
      %get3A_399 = tpu.vector_load %arg7[%get3A_398] {strides = array<i32>} : memref<98304xf32, #tpu.memory_space<vmem>>, vector<16xf32>,
      %gt3A_400 = arith.constant 0.000000e+00 : f32
      %gt3A_401 = vector.broadcast %gt3A_400 : f32 to vector<16xf32>
      %gt3A_402 = arith.cmpf ogt, %get3A_387, %gt3A_401 : vector<16xf32>
      %gt3A_403 = arith.constant 0.000000e+00 : f32
      %gt3A_404 = vector.broadcast %gt3A_403 : f32 to vector<16xf32>
      %gt3A_405 = arith.cmpf ogt, %get3A_391, %gt3A_404 : vector<16xf32>
      %gt3A_406 = arith.constant 0.000000e+00 : f32
      %gt3A_407 = vector.broadcast %gt3A_406 : f32 to vector<16xf32>
      %gt3A_408 = arith.cmpf ogt, %get3A_395, %gt3A_407 : vector<16xf32>
      %gt3A_409 = arith.constant 0.000000e+00 : f32
      %gt3A_410 = vector.broadcast %gt3A_409 : f32 to vector<16xf32>
      %gt3A_411 = arith.cmpf ogt, %get3A_399, %gt3A_410 : vector<16xf32>
      %select_n3A_412 = arith.select %gt3A_402, %broadcast_in_dim3A_17, %neg3A_19 : vector<16xi1>, vector<16xf32>
      %swap3A_413 = arith.index_cast %add3A_385 : i32 to index
      %swap3A_414 = tpu.vector_load %arg7[%swap3A_413] {strides = array<i32>} : memref<98304xf32, #tpu.memory_space<vmem>>, vector<16xf32>,
      tpu.vector_store %arg7[%swap3A_413], %select_n3A_412 {strides = array<i32>} : memref<98304xf32, #tpu.memory_space<vmem>>, vector<16xf32>,
      %select_n3A_415 = arith.select %gt3A_405, %broadcast_in_dim3A_17, %neg3A_19 : vector<16xi1>, vector<16xf32>
      %add3A_416 = arith.constant 128 : i32
      %add3A_417 = arith.addi %add3A_385, %add3A_416 : i32
      %swap3A_418 = arith.index_cast %add3A_417 : i32 to index
      %swap3A_419 = tpu.vector_load %arg7[%swap3A_418] {strides = array<i32>} : memref<98304xf32, #tpu.memory_space<vmem>>, vector<16xf32>,
      tpu.vector_store %arg7[%swap3A_418], %select_n3A_415 {strides = array<i32>} : memref<98304xf32, #tpu.memory_space<vmem>>, vector<16xf32>,
      %select_n3A_420 = arith.select %gt3A_408, %broadcast_in_dim3A_17, %neg3A_19 : vector<16xi1>, vector<16xf32>
      %add3A_421 = arith.constant 256 : i32
      %add3A_422 = arith.addi %add3A_385, %add3A_421 : i32
      %swap3A_423 = arith.index_cast %add3A_422 : i32 to index
      %swap3A_424 = tpu.vector_load %arg7[%swap3A_423] {strides = array<i32>} : memref<98304xf32, #tpu.memory_space<vmem>>, vector<16xf32>,
      tpu.vector_store %arg7[%swap3A_423], %select_n3A_420 {strides = array<i32>} : memref<98304xf32, #tpu.memory_space<vmem>>, vector<16xf32>,
      %select_n3A_425 = arith.select %gt3A_411, %broadcast_in_dim3A_17, %neg3A_19 : vector<16xi1>, vector<16xf32>
      %add3A_426 = arith.constant 384 : i32
      %add3A_427 = arith.addi %add3A_385, %add3A_426 : i32
      %swap3A_428 = arith.index_cast %add3A_427 : i32 to index
      %swap3A_429 = tpu.vector_load %arg7[%swap3A_428] {strides = array<i32>} : memref<98304xf32, #tpu.memory_space<vmem>>, vector<16xf32>,
      tpu.vector_store %arg7[%swap3A_428], %select_n3A_425 {strides = array<i32>} : memref<98304xf32, #tpu.memory_space<vmem>>, vector<16xf32>,
      %select_n3A_430 = arith.select %gt3A_402, %broadcast_in_dim3A_21, %broadcast_in_dim3A_29 : vector<16xi1>, vector<16xi32>
      %select_n3A_431 = arith.select %gt3A_405, %broadcast_in_dim3A_23, %broadcast_in_dim3A_29 : vector<16xi1>, vector<16xi32>
      %add3A_432 = arith.addi %select_n3A_430, %select_n3A_431 : vector<16xi32>
      %select_n3A_433 = arith.select %gt3A_408, %broadcast_in_dim3A_25, %broadcast_in_dim3A_29 : vector<16xi1>, vector<16xi32>
      %add3A_434 = arith.addi %add3A_432, %select_n3A_433 : vector<16xi32>
      %select_n3A_435 = arith.select %gt3A_411, %broadcast_in_dim3A_27, %broadcast_in_dim3A_29 : vector<16xi1>, vector<16xi32>
      %add3A_436 = arith.addi %add3A_434, %select_n3A_435 : vector<16xi32>
      %add3A_437 = arith.constant 48 : i32
      %add3A_438 = arith.addi %add3A_214, %add3A_437 : i32
      %swap3A_439 = arith.index_cast %add3A_438 : i32 to index
      %swap3A_440 = tpu.vector_load %arg8[%swap3A_439] {strides = array<i32>} : memref<24576xi32, #tpu.memory_space<vmem>>, vector<16xi32>,
      tpu.vector_store %arg8[%swap3A_439], %add3A_436 {strides = array<i32>} : memref<24576xi32, #tpu.memory_space<vmem>>, vector<16xi32>,
      %add3A_441 = arith.constant 64 : i32
      %add3A_442 = arith.addi %add3A_210, %add3A_441 : i32
      %get3A_443 = arith.index_cast %add3A_442 : i32 to index
      %get3A_444 = tpu.vector_load %arg7[%get3A_443] {strides = array<i32>} : memref<98304xf32, #tpu.memory_space<vmem>>, vector<16xf32>,
      %add3A_445 = arith.constant 128 : i32
      %add3A_446 = arith.addi %add3A_442, %add3A_445 : i32
      %get3A_447 = arith.index_cast %add3A_446 : i32 to index
      %get3A_448 = tpu.vector_load %arg7[%get3A_447] {strides = array<i32>} : memref<98304xf32, #tpu.memory_space<vmem>>, vector<16xf32>,
      %add3A_449 = arith.constant 256 : i32
      %add3A_450 = arith.addi %add3A_442, %add3A_449 : i32
      %get3A_451 = arith.index_cast %add3A_450 : i32 to index
      %get3A_452 = tpu.vector_load %arg7[%get3A_451] {strides = array<i32>} : memref<98304xf32, #tpu.memory_space<vmem>>, vector<16xf32>,
      %add3A_453 = arith.constant 384 : i32
      %add3A_454 = arith.addi %add3A_442, %add3A_453 : i32
      %get3A_455 = arith.index_cast %add3A_454 : i32 to index
      %get3A_456 = tpu.vector_load %arg7[%get3A_455] {strides = array<i32>} : memref<98304xf32, #tpu.memory_space<vmem>>, vector<16xf32>,
      %gt3A_457 = arith.constant 0.000000e+00 : f32
      %gt3A_458 = vector.broadcast %gt3A_457 : f32 to vector<16xf32>
      %gt3A_459 = arith.cmpf ogt, %get3A_444, %gt3A_458 : vector<16xf32>
      %gt3A_460 = arith.constant 0.000000e+00 : f32
      %gt3A_461 = vector.broadcast %gt3A_460 : f32 to vector<16xf32>
      %gt3A_462 = arith.cmpf ogt, %get3A_448, %gt3A_461 : vector<16xf32>
      %gt3A_463 = arith.constant 0.000000e+00 : f32
      %gt3A_464 = vector.broadcast %gt3A_463 : f32 to vector<16xf32>
      %gt3A_465 = arith.cmpf ogt, %get3A_452, %gt3A_464 : vector<16xf32>
      %gt3A_466 = arith.constant 0.000000e+00 : f32
      %gt3A_467 = vector.broadcast %gt3A_466 : f32 to vector<16xf32>
      %gt3A_468 = arith.cmpf ogt, %get3A_456, %gt3A_467 : vector<16xf32>
      %select_n3A_469 = arith.select %gt3A_459, %broadcast_in_dim3A_17, %neg3A_19 : vector<16xi1>, vector<16xf32>
      %swap3A_470 = arith.index_cast %add3A_442 : i32 to index
      %swap3A_471 = tpu.vector_load %arg7[%swap3A_470] {strides = array<i32>} : memref<98304xf32, #tpu.memory_space<vmem>>, vector<16xf32>,
      tpu.vector_store %arg7[%swap3A_470], %select_n3A_469 {strides = array<i32>} : memref<98304xf32, #tpu.memory_space<vmem>>, vector<16xf32>,
      %select_n3A_472 = arith.select %gt3A_462, %broadcast_in_dim3A_17, %neg3A_19 : vector<16xi1>, vector<16xf32>
      %add3A_473 = arith.constant 128 : i32
      %add3A_474 = arith.addi %add3A_442, %add3A_473 : i32
      %swap3A_475 = arith.index_cast %add3A_474 : i32 to index
      %swap3A_476 = tpu.vector_load %arg7[%swap3A_475] {strides = array<i32>} : memref<98304xf32, #tpu.memory_space<vmem>>, vector<16xf32>,
      tpu.vector_store %arg7[%swap3A_475], %select_n3A_472 {strides = array<i32>} : memref<98304xf32, #tpu.memory_space<vmem>>, vector<16xf32>,
      %select_n3A_477 = arith.select %gt3A_465, %broadcast_in_dim3A_17, %neg3A_19 : vector<16xi1>, vector<16xf32>
      %add3A_478 = arith.constant 256 : i32
      %add3A_479 = arith.addi %add3A_442, %add3A_478 : i32
      %swap3A_480 = arith.index_cast %add3A_479 : i32 to index
      %swap3A_481 = tpu.vector_load %arg7[%swap3A_480] {strides = array<i32>} : memref<98304xf32, #tpu.memory_space<vmem>>, vector<16xf32>,
      tpu.vector_store %arg7[%swap3A_480], %select_n3A_477 {strides = array<i32>} : memref<98304xf32, #tpu.memory_space<vmem>>, vector<16xf32>,
      %select_n3A_482 = arith.select %gt3A_468, %broadcast_in_dim3A_17, %neg3A_19 : vector<16xi1>, vector<16xf32>
      %add3A_483 = arith.constant 384 : i32
      %add3A_484 = arith.addi %add3A_442, %add3A_483 : i32
      %swap3A_485 = arith.index_cast %add3A_484 : i32 to index
      %swap3A_486 = tpu.vector_load %arg7[%swap3A_485] {strides = array<i32>} : memref<98304xf32, #tpu.memory_space<vmem>>, vector<16xf32>,
      tpu.vector_store %arg7[%swap3A_485], %select_n3A_482 {strides = array<i32>} : memref<98304xf32, #tpu.memory_space<vmem>>, vector<16xf32>,
      %select_n3A_487 = arith.select %gt3A_459, %broadcast_in_dim3A_21, %broadcast_in_dim3A_29 : vector<16xi1>, vector<16xi32>
      %select_n3A_488 = arith.select %gt3A_462, %broadcast_in_dim3A_23, %broadcast_in_dim3A_29 : vector<16xi1>, vector<16xi32>
      %add3A_489 = arith.addi %select_n3A_487, %select_n3A_488 : vector<16xi32>
      %select_n3A_490 = arith.select %gt3A_465, %broadcast_in_dim3A_25, %broadcast_in_dim3A_29 : vector<16xi1>, vector<16xi32>
      %add3A_491 = arith.addi %add3A_489, %select_n3A_490 : vector<16xi32>
      %select_n3A_492 = arith.select %gt3A_468, %broadcast_in_dim3A_27, %broadcast_in_dim3A_29 : vector<16xi1>, vector<16xi32>
      %add3A_493 = arith.addi %add3A_491, %select_n3A_492 : vector<16xi32>
      %add3A_494 = arith.constant 64 : i32
      %add3A_495 = arith.addi %add3A_214, %add3A_494 : i32
      %swap3A_496 = arith.index_cast %add3A_495 : i32 to index
      %swap3A_497 = tpu.vector_load %arg8[%swap3A_496] {strides = array<i32>} : memref<24576xi32, #tpu.memory_space<vmem>>, vector<16xi32>,
      tpu.vector_store %arg8[%swap3A_496], %add3A_493 {strides = array<i32>} : memref<24576xi32, #tpu.memory_space<vmem>>, vector<16xi32>,
      %add3A_498 = arith.constant 80 : i32
      %add3A_499 = arith.addi %add3A_210, %add3A_498 : i32
      %get3A_500 = arith.index_cast %add3A_499 : i32 to index
      %get3A_501 = tpu.vector_load %arg7[%get3A_500] {strides = array<i32>} : memref<98304xf32, #tpu.memory_space<vmem>>, vector<16xf32>,
      %add3A_502 = arith.constant 128 : i32
      %add3A_503 = arith.addi %add3A_499, %add3A_502 : i32
      %get3A_504 = arith.index_cast %add3A_503 : i32 to index
      %get3A_505 = tpu.vector_load %arg7[%get3A_504] {strides = array<i32>} : memref<98304xf32, #tpu.memory_space<vmem>>, vector<16xf32>,
      %add3A_506 = arith.constant 256 : i32
      %add3A_507 = arith.addi %add3A_499, %add3A_506 : i32
      %get3A_508 = arith.index_cast %add3A_507 : i32 to index
      %get3A_509 = tpu.vector_load %arg7[%get3A_508] {strides = array<i32>} : memref<98304xf32, #tpu.memory_space<vmem>>, vector<16xf32>,
      %add3A_510 = arith.constant 384 : i32
      %add3A_511 = arith.addi %add3A_499, %add3A_510 : i32
      %get3A_512 = arith.index_cast %add3A_511 : i32 to index
      %get3A_513 = tpu.vector_load %arg7[%get3A_512] {strides = array<i32>} : memref<98304xf32, #tpu.memory_space<vmem>>, vector<16xf32>,
      %gt3A_514 = arith.constant 0.000000e+00 : f32
      %gt3A_515 = vector.broadcast %gt3A_514 : f32 to vector<16xf32>
      %gt3A_516 = arith.cmpf ogt, %get3A_501, %gt3A_515 : vector<16xf32>
      %gt3A_517 = arith.constant 0.000000e+00 : f32
      %gt3A_518 = vector.broadcast %gt3A_517 : f32 to vector<16xf32>
      %gt3A_519 = arith.cmpf ogt, %get3A_505, %gt3A_518 : vector<16xf32>
      %gt3A_520 = arith.constant 0.000000e+00 : f32
      %gt3A_521 = vector.broadcast %gt3A_520 : f32 to vector<16xf32>
      %gt3A_522 = arith.cmpf ogt, %get3A_509, %gt3A_521 : vector<16xf32>
      %gt3A_523 = arith.constant 0.000000e+00 : f32
      %gt3A_524 = vector.broadcast %gt3A_523 : f32 to vector<16xf32>
      %gt3A_525 = arith.cmpf ogt, %get3A_513, %gt3A_524 : vector<16xf32>
      %select_n3A_526 = arith.select %gt3A_516, %broadcast_in_dim3A_17, %neg3A_19 : vector<16xi1>, vector<16xf32>
      %swap3A_527 = arith.index_cast %add3A_499 : i32 to index
      %swap3A_528 = tpu.vector_load %arg7[%swap3A_527] {strides = array<i32>} : memref<98304xf32, #tpu.memory_space<vmem>>, vector<16xf32>,
      tpu.vector_store %arg7[%swap3A_527], %select_n3A_526 {strides = array<i32>} : memref<98304xf32, #tpu.memory_space<vmem>>, vector<16xf32>,
      %select_n3A_529 = arith.select %gt3A_519, %broadcast_in_dim3A_17, %neg3A_19 : vector<16xi1>, vector<16xf32>
      %add3A_530 = arith.constant 128 : i32
      %add3A_531 = arith.addi %add3A_499, %add3A_530 : i32
      %swap3A_532 = arith.index_cast %add3A_531 : i32 to index
      %swap3A_533 = tpu.vector_load %arg7[%swap3A_532] {strides = array<i32>} : memref<98304xf32, #tpu.memory_space<vmem>>, vector<16xf32>,
      tpu.vector_store %arg7[%swap3A_532], %select_n3A_529 {strides = array<i32>} : memref<98304xf32, #tpu.memory_space<vmem>>, vector<16xf32>,
      %select_n3A_534 = arith.select %gt3A_522, %broadcast_in_dim3A_17, %neg3A_19 : vector<16xi1>, vector<16xf32>
      %add3A_535 = arith.constant 256 : i32
      %add3A_536 = arith.addi %add3A_499, %add3A_535 : i32
      %swap3A_537 = arith.index_cast %add3A_536 : i32 to index
      %swap3A_538 = tpu.vector_load %arg7[%swap3A_537] {strides = array<i32>} : memref<98304xf32, #tpu.memory_space<vmem>>, vector<16xf32>,
      tpu.vector_store %arg7[%swap3A_537], %select_n3A_534 {strides = array<i32>} : memref<98304xf32, #tpu.memory_space<vmem>>, vector<16xf32>,
      %select_n3A_539 = arith.select %gt3A_525, %broadcast_in_dim3A_17, %neg3A_19 : vector<16xi1>, vector<16xf32>
      %add3A_540 = arith.constant 384 : i32
      %add3A_541 = arith.addi %add3A_499, %add3A_540 : i32
      %swap3A_542 = arith.index_cast %add3A_541 : i32 to index
      %swap3A_543 = tpu.vector_load %arg7[%swap3A_542] {strides = array<i32>} : memref<98304xf32, #tpu.memory_space<vmem>>, vector<16xf32>,
      tpu.vector_store %arg7[%swap3A_542], %select_n3A_539 {strides = array<i32>} : memref<98304xf32, #tpu.memory_space<vmem>>, vector<16xf32>,
      %select_n3A_544 = arith.select %gt3A_516, %broadcast_in_dim3A_21, %broadcast_in_dim3A_29 : vector<16xi1>, vector<16xi32>
      %select_n3A_545 = arith.select %gt3A_519, %broadcast_in_dim3A_23, %broadcast_in_dim3A_29 : vector<16xi1>, vector<16xi32>
      %add3A_546 = arith.addi %select_n3A_544, %select_n3A_545 : vector<16xi32>
      %select_n3A_547 = arith.select %gt3A_522, %broadcast_in_dim3A_25, %broadcast_in_dim3A_29 : vector<16xi1>, vector<16xi32>
      %add3A_548 = arith.addi %add3A_546, %select_n3A_547 : vector<16xi32>
      %select_n3A_549 = arith.select %gt3A_525, %broadcast_in_dim3A_27, %broadcast_in_dim3A_29 : vector<16xi1>, vector<16xi32>
      %add3A_550 = arith.addi %add3A_548, %select_n3A_549 : vector<16xi32>
      %add3A_551 = arith.constant 80 : i32
      %add3A_552 = arith.addi %add3A_214, %add3A_551 : i32
      %swap3A_553 = arith.index_cast %add3A_552 : i32 to index
      %swap3A_554 = tpu.vector_load %arg8[%swap3A_553] {strides = array<i32>} : memref<24576xi32, #tpu.memory_space<vmem>>, vector<16xi32>,
      tpu.vector_store %arg8[%swap3A_553], %add3A_550 {strides = array<i32>} : memref<24576xi32, #tpu.memory_space<vmem>>, vector<16xi32>,
      %add3A_555 = arith.constant 96 : i32
      %add3A_556 = arith.addi %add3A_210, %add3A_555 : i32
      %get3A_557 = arith.index_cast %add3A_556 : i32 to index
      %get3A_558 = tpu.vector_load %arg7[%get3A_557] {strides = array<i32>} : memref<98304xf32, #tpu.memory_space<vmem>>, vector<16xf32>,
      %add3A_559 = arith.constant 128 : i32
      %add3A_560 = arith.addi %add3A_556, %add3A_559 : i32
      %get3A_561 = arith.index_cast %add3A_560 : i32 to index
      %get3A_562 = tpu.vector_load %arg7[%get3A_561] {strides = array<i32>} : memref<98304xf32, #tpu.memory_space<vmem>>, vector<16xf32>,
      %add3A_563 = arith.constant 256 : i32
      %add3A_564 = arith.addi %add3A_556, %add3A_563 : i32
      %get3A_565 = arith.index_cast %add3A_564 : i32 to index
      %get3A_566 = tpu.vector_load %arg7[%get3A_565] {strides = array<i32>} : memref<98304xf32, #tpu.memory_space<vmem>>, vector<16xf32>,
      %add3A_567 = arith.constant 384 : i32
      %add3A_568 = arith.addi %add3A_556, %add3A_567 : i32
      %get3A_569 = arith.index_cast %add3A_568 : i32 to index
      %get3A_570 = tpu.vector_load %arg7[%get3A_569] {strides = array<i32>} : memref<98304xf32, #tpu.memory_space<vmem>>, vector<16xf32>,
      %gt3A_571 = arith.constant 0.000000e+00 : f32
      %gt3A_572 = vector.broadcast %gt3A_571 : f32 to vector<16xf32>
      %gt3A_573 = arith.cmpf ogt, %get3A_558, %gt3A_572 : vector<16xf32>
      %gt3A_574 = arith.constant 0.000000e+00 : f32
      %gt3A_575 = vector.broadcast %gt3A_574 : f32 to vector<16xf32>
      %gt3A_576 = arith.cmpf ogt, %get3A_562, %gt3A_575 : vector<16xf32>
      %gt3A_577 = arith.constant 0.000000e+00 : f32
      %gt3A_578 = vector.broadcast %gt3A_577 : f32 to vector<16xf32>
      %gt3A_579 = arith.cmpf ogt, %get3A_566, %gt3A_578 : vector<16xf32>
      %gt3A_580 = arith.constant 0.000000e+00 : f32
      %gt3A_581 = vector.broadcast %gt3A_580 : f32 to vector<16xf32>
      %gt3A_582 = arith.cmpf ogt, %get3A_570, %gt3A_581 : vector<16xf32>
      %select_n3A_583 = arith.select %gt3A_573, %broadcast_in_dim3A_17, %neg3A_19 : vector<16xi1>, vector<16xf32>
      %swap3A_584 = arith.index_cast %add3A_556 : i32 to index
      %swap3A_585 = tpu.vector_load %arg7[%swap3A_584] {strides = array<i32>} : memref<98304xf32, #tpu.memory_space<vmem>>, vector<16xf32>,
      tpu.vector_store %arg7[%swap3A_584], %select_n3A_583 {strides = array<i32>} : memref<98304xf32, #tpu.memory_space<vmem>>, vector<16xf32>,
      %select_n3A_586 = arith.select %gt3A_576, %broadcast_in_dim3A_17, %neg3A_19 : vector<16xi1>, vector<16xf32>
      %add3A_587 = arith.constant 128 : i32
      %add3A_588 = arith.addi %add3A_556, %add3A_587 : i32
      %swap3A_589 = arith.index_cast %add3A_588 : i32 to index
      %swap3A_590 = tpu.vector_load %arg7[%swap3A_589] {strides = array<i32>} : memref<98304xf32, #tpu.memory_space<vmem>>, vector<16xf32>,
      tpu.vector_store %arg7[%swap3A_589], %select_n3A_586 {strides = array<i32>} : memref<98304xf32, #tpu.memory_space<vmem>>, vector<16xf32>,
      %select_n3A_591 = arith.select %gt3A_579, %broadcast_in_dim3A_17, %neg3A_19 : vector<16xi1>, vector<16xf32>
      %add3A_592 = arith.constant 256 : i32
      %add3A_593 = arith.addi %add3A_556, %add3A_592 : i32
      %swap3A_594 = arith.index_cast %add3A_593 : i32 to index
      %swap3A_595 = tpu.vector_load %arg7[%swap3A_594] {strides = array<i32>} : memref<98304xf32, #tpu.memory_space<vmem>>, vector<16xf32>,
      tpu.vector_store %arg7[%swap3A_594], %select_n3A_591 {strides = array<i32>} : memref<98304xf32, #tpu.memory_space<vmem>>, vector<16xf32>,
      %select_n3A_596 = arith.select %gt3A_582, %broadcast_in_dim3A_17, %neg3A_19 : vector<16xi1>, vector<16xf32>
      %add3A_597 = arith.constant 384 : i32
      %add3A_598 = arith.addi %add3A_556, %add3A_597 : i32
      %swap3A_599 = arith.index_cast %add3A_598 : i32 to index
      %swap3A_600 = tpu.vector_load %arg7[%swap3A_599] {strides = array<i32>} : memref<98304xf32, #tpu.memory_space<vmem>>, vector<16xf32>,
      tpu.vector_store %arg7[%swap3A_599], %select_n3A_596 {strides = array<i32>} : memref<98304xf32, #tpu.memory_space<vmem>>, vector<16xf32>,
      %select_n3A_601 = arith.select %gt3A_573, %broadcast_in_dim3A_21, %broadcast_in_dim3A_29 : vector<16xi1>, vector<16xi32>
      %select_n3A_602 = arith.select %gt3A_576, %broadcast_in_dim3A_23, %broadcast_in_dim3A_29 : vector<16xi1>, vector<16xi32>
      %add3A_603 = arith.addi %select_n3A_601, %select_n3A_602 : vector<16xi32>
      %select_n3A_604 = arith.select %gt3A_579, %broadcast_in_dim3A_25, %broadcast_in_dim3A_29 : vector<16xi1>, vector<16xi32>
      %add3A_605 = arith.addi %add3A_603, %select_n3A_604 : vector<16xi32>
      %select_n3A_606 = arith.select %gt3A_582, %broadcast_in_dim3A_27, %broadcast_in_dim3A_29 : vector<16xi1>, vector<16xi32>
      %add3A_607 = arith.addi %add3A_605, %select_n3A_606 : vector<16xi32>
      %add3A_608 = arith.constant 96 : i32
      %add3A_609 = arith.addi %add3A_214, %add3A_608 : i32
      %swap3A_610 = arith.index_cast %add3A_609 : i32 to index
      %swap3A_611 = tpu.vector_load %arg8[%swap3A_610] {strides = array<i32>} : memref<24576xi32, #tpu.memory_space<vmem>>, vector<16xi32>,
      tpu.vector_store %arg8[%swap3A_610], %add3A_607 {strides = array<i32>} : memref<24576xi32, #tpu.memory_space<vmem>>, vector<16xi32>,
      %add3A_612 = arith.constant 112 : i32
      %add3A_613 = arith.addi %add3A_210, %add3A_612 : i32
      %get3A_614 = arith.index_cast %add3A_613 : i32 to index
      %get3A_615 = tpu.vector_load %arg7[%get3A_614] {strides = array<i32>} : memref<98304xf32, #tpu.memory_space<vmem>>, vector<16xf32>,
      %add3A_616 = arith.constant 128 : i32
      %add3A_617 = arith.addi %add3A_613, %add3A_616 : i32
      %get3A_618 = arith.index_cast %add3A_617 : i32 to index
      %get3A_619 = tpu.vector_load %arg7[%get3A_618] {strides = array<i32>} : memref<98304xf32, #tpu.memory_space<vmem>>, vector<16xf32>,
      %add3A_620 = arith.constant 256 : i32
      %add3A_621 = arith.addi %add3A_613, %add3A_620 : i32
      %get3A_622 = arith.index_cast %add3A_621 : i32 to index
      %get3A_623 = tpu.vector_load %arg7[%get3A_622] {strides = array<i32>} : memref<98304xf32, #tpu.memory_space<vmem>>, vector<16xf32>,
      %add3A_624 = arith.constant 384 : i32
      %add3A_625 = arith.addi %add3A_613, %add3A_624 : i32
      %get3A_626 = arith.index_cast %add3A_625 : i32 to index
      %get3A_627 = tpu.vector_load %arg7[%get3A_626] {strides = array<i32>} : memref<98304xf32, #tpu.memory_space<vmem>>, vector<16xf32>,
      %gt3A_628 = arith.constant 0.000000e+00 : f32
      %gt3A_629 = vector.broadcast %gt3A_628 : f32 to vector<16xf32>
      %gt3A_630 = arith.cmpf ogt, %get3A_615, %gt3A_629 : vector<16xf32>
      %gt3A_631 = arith.constant 0.000000e+00 : f32
      %gt3A_632 = vector.broadcast %gt3A_631 : f32 to vector<16xf32>
      %gt3A_633 = arith.cmpf ogt, %get3A_619, %gt3A_632 : vector<16xf32>
      %gt3A_634 = arith.constant 0.000000e+00 : f32
      %gt3A_635 = vector.broadcast %gt3A_634 : f32 to vector<16xf32>
      %gt3A_636 = arith.cmpf ogt, %get3A_623, %gt3A_635 : vector<16xf32>
      %gt3A_637 = arith.constant 0.000000e+00 : f32
      %gt3A_638 = vector.broadcast %gt3A_637 : f32 to vector<16xf32>
      %gt3A_639 = arith.cmpf ogt, %get3A_627, %gt3A_638 : vector<16xf32>
      %select_n3A_640 = arith.select %gt3A_630, %broadcast_in_dim3A_17, %neg3A_19 : vector<16xi1>, vector<16xf32>
      %swap3A_641 = arith.index_cast %add3A_613 : i32 to index
      %swap3A_642 = tpu.vector_load %arg7[%swap3A_641] {strides = array<i32>} : memref<98304xf32, #tpu.memory_space<vmem>>, vector<16xf32>,
      tpu.vector_store %arg7[%swap3A_641], %select_n3A_640 {strides = array<i32>} : memref<98304xf32, #tpu.memory_space<vmem>>, vector<16xf32>,
      %select_n3A_643 = arith.select %gt3A_633, %broadcast_in_dim3A_17, %neg3A_19 : vector<16xi1>, vector<16xf32>
      %add3A_644 = arith.constant 128 : i32
      %add3A_645 = arith.addi %add3A_613, %add3A_644 : i32
      %swap3A_646 = arith.index_cast %add3A_645 : i32 to index
      %swap3A_647 = tpu.vector_load %arg7[%swap3A_646] {strides = array<i32>} : memref<98304xf32, #tpu.memory_space<vmem>>, vector<16xf32>,
      tpu.vector_store %arg7[%swap3A_646], %select_n3A_643 {strides = array<i32>} : memref<98304xf32, #tpu.memory_space<vmem>>, vector<16xf32>,
      %select_n3A_648 = arith.select %gt3A_636, %broadcast_in_dim3A_17, %neg3A_19 : vector<16xi1>, vector<16xf32>
      %add3A_649 = arith.constant 256 : i32
      %add3A_650 = arith.addi %add3A_613, %add3A_649 : i32
      %swap3A_651 = arith.index_cast %add3A_650 : i32 to index
      %swap3A_652 = tpu.vector_load %arg7[%swap3A_651] {strides = array<i32>} : memref<98304xf32, #tpu.memory_space<vmem>>, vector<16xf32>,
      tpu.vector_store %arg7[%swap3A_651], %select_n3A_648 {strides = array<i32>} : memref<98304xf32, #tpu.memory_space<vmem>>, vector<16xf32>,
      %select_n3A_653 = arith.select %gt3A_639, %broadcast_in_dim3A_17, %neg3A_19 : vector<16xi1>, vector<16xf32>
      %add3A_654 = arith.constant 384 : i32
      %add3A_655 = arith.addi %add3A_613, %add3A_654 : i32
      %swap3A_656 = arith.index_cast %add3A_655 : i32 to index
      %swap3A_657 = tpu.vector_load %arg7[%swap3A_656] {strides = array<i32>} : memref<98304xf32, #tpu.memory_space<vmem>>, vector<16xf32>,
      tpu.vector_store %arg7[%swap3A_656], %select_n3A_653 {strides = array<i32>} : memref<98304xf32, #tpu.memory_space<vmem>>, vector<16xf32>,
      %select_n3A_658 = arith.select %gt3A_630, %broadcast_in_dim3A_21, %broadcast_in_dim3A_29 : vector<16xi1>, vector<16xi32>
      %select_n3A_659 = arith.select %gt3A_633, %broadcast_in_dim3A_23, %broadcast_in_dim3A_29 : vector<16xi1>, vector<16xi32>
      %add3A_660 = arith.addi %select_n3A_658, %select_n3A_659 : vector<16xi32>
      %select_n3A_661 = arith.select %gt3A_636, %broadcast_in_dim3A_25, %broadcast_in_dim3A_29 : vector<16xi1>, vector<16xi32>
      %add3A_662 = arith.addi %add3A_660, %select_n3A_661 : vector<16xi32>
      %select_n3A_663 = arith.select %gt3A_639, %broadcast_in_dim3A_27, %broadcast_in_dim3A_29 : vector<16xi1>, vector<16xi32>
      %add3A_664 = arith.addi %add3A_662, %select_n3A_663 : vector<16xi32>
      %add3A_665 = arith.constant 112 : i32
      %add3A_666 = arith.addi %add3A_214, %add3A_665 : i32
      %swap3A_667 = arith.index_cast %add3A_666 : i32 to index
      %swap3A_668 = tpu.vector_load %arg8[%swap3A_667] {strides = array<i32>} : memref<24576xi32, #tpu.memory_space<vmem>>, vector<16xi32>,
      tpu.vector_store %arg8[%swap3A_667], %add3A_664 {strides = array<i32>} : memref<24576xi32, #tpu.memory_space<vmem>>, vector<16xi32>,
    }
    %scan3A_74 = arith.constant 64 : i32
    %mul3A_75 = arith.constant 16 : i32
    %mul3A_76 = arith.muli %add3A, %mul3A_75 : i32
    %add3A_77 = arith.constant 15 : i32
    %add3A_78 = arith.addi %mul3A_76, %add3A_77 : i32
    %mul3A_79 = arith.constant 32768 : i32
    %mul3A_80 = arith.muli %add3A_78, %mul3A_79 : i32
    %dma_start3A_81 = arith.constant 0 : i32
    %dma_start3A_82 = tpu.memref_slice %arg7[%dma_start3A_81] : memref<98304xf32, #tpu.memory_space<vmem>> -> memref<32768xf32, #tpu.memory_space<vmem>>
    %dma_start3A_83 = tpu.memref_slice %arg5[%mul3A_80] : memref<16777216xf32, #tpu.memory_space<hbm>> -> memref<32768xf32, #tpu.memory_space<hbm>>
    %dma_start3A_84 = tpu.memref_slice %arg5[%mul3A_80] : memref<16777216xf32, #tpu.memory_space<hbm>> -> memref<32768xf32, #tpu.memory_space<hbm>>
    %dma_start3A_85 = arith.constant 0 : i32
    %dma_start3A_86 = tpu.memref_slice %arg7[%dma_start3A_85] : memref<98304xf32, #tpu.memory_space<vmem>> -> memref<32768xf32, #tpu.memory_space<vmem>>
    tpu.enqueue_dma source(%dma_start3A_86 : memref<32768xf32, #tpu.memory_space<vmem>>) target(%dma_start3A_84 : memref<32768xf32, #tpu.memory_space<hbm>>) target_semaphore(%arg14 : memref<!tpu.dma_semaphore, #tpu.memory_space<semaphore_mem>>)
    %mul3A_87 = arith.constant 8192 : i32
    %mul3A_88 = arith.muli %add3A_78, %mul3A_87 : i32
    %add3A_89 = arith.constant 0 : i32
    %add3A_90 = arith.addi %add3A_89, %mul3A_88 : i32
    %dma_start3A_91 = arith.constant 0 : i32
    %dma_start3A_92 = tpu.memref_slice %arg8[%dma_start3A_91] : memref<24576xi32, #tpu.memory_space<vmem>> -> memref<8192xi32, #tpu.memory_space<vmem>>
    %dma_start3A_93 = tpu.memref_slice %arg6[%add3A_90] : memref<12582912xi32, #tpu.memory_space<hbm>> -> memref<8192xi32, #tpu.memory_space<hbm>>
    %dma_start3A_94 = tpu.memref_slice %arg6[%add3A_90] : memref<12582912xi32, #tpu.memory_space<hbm>> -> memref<8192xi32, #tpu.memory_space<hbm>>
    %dma_start3A_95 = arith.constant 0 : i32
    %dma_start3A_96 = tpu.memref_slice %arg8[%dma_start3A_95] : memref<24576xi32, #tpu.memory_space<vmem>> -> memref<8192xi32, #tpu.memory_space<vmem>>
    tpu.enqueue_dma source(%dma_start3A_96 : memref<8192xi32, #tpu.memory_space<vmem>>) target(%dma_start3A_94 : memref<8192xi32, #tpu.memory_space<hbm>>) target_semaphore(%arg14 : memref<!tpu.dma_semaphore, #tpu.memory_space<semaphore_mem>>)
    %mul3A_97 = arith.constant 8192 : i32
    %mul3A_98 = arith.muli %add3A_78, %mul3A_97 : i32
    %add3A_99 = arith.constant 4194304 : i32
    %add3A_100 = arith.addi %add3A_99, %mul3A_98 : i32
    %dma_start3A_101 = arith.constant 0 : i32
    %dma_start3A_102 = tpu.memref_slice %arg8[%dma_start3A_101] : memref<24576xi32, #tpu.memory_space<vmem>> -> memref<8192xi32, #tpu.memory_space<vmem>>
    %dma_start3A_103 = tpu.memref_slice %arg6[%add3A_100] : memref<12582912xi32, #tpu.memory_space<hbm>> -> memref<8192xi32, #tpu.memory_space<hbm>>
    %dma_start3A_104 = tpu.memref_slice %arg6[%add3A_100] : memref<12582912xi32, #tpu.memory_space<hbm>> -> memref<8192xi32, #tpu.memory_space<hbm>>
    %dma_start3A_105 = arith.constant 0 : i32
    %dma_start3A_106 = tpu.memref_slice %arg8[%dma_start3A_105] : memref<24576xi32, #tpu.memory_space<vmem>> -> memref<8192xi32, #tpu.memory_space<vmem>>
    tpu.enqueue_dma source(%dma_start3A_106 : memref<8192xi32, #tpu.memory_space<vmem>>) target(%dma_start3A_104 : memref<8192xi32, #tpu.memory_space<hbm>>) target_semaphore(%arg14 : memref<!tpu.dma_semaphore, #tpu.memory_space<semaphore_mem>>)
    %mul3A_107 = arith.constant 8192 : i32
    %mul3A_108 = arith.muli %add3A_78, %mul3A_107 : i32
    %add3A_109 = arith.constant 8388608 : i32
    %add3A_110 = arith.addi %add3A_109, %mul3A_108 : i32
    %dma_start3A_111 = arith.constant 0 : i32
    %dma_start3A_112 = tpu.memref_slice %arg8[%dma_start3A_111] : memref<24576xi32, #tpu.memory_space<vmem>> -> memref<8192xi32, #tpu.memory_space<vmem>>
    %dma_start3A_113 = tpu.memref_slice %arg6[%add3A_110] : memref<12582912xi32, #tpu.memory_space<hbm>> -> memref<8192xi32, #tpu.memory_space<hbm>>
    %dma_start3A_114 = tpu.memref_slice %arg6[%add3A_110] : memref<12582912xi32, #tpu.memory_space<hbm>> -> memref<8192xi32, #tpu.memory_space<hbm>>
    %dma_start3A_115 = arith.constant 0 : i32
    %dma_start3A_116 = tpu.memref_slice %arg8[%dma_start3A_115] : memref<24576xi32, #tpu.memory_space<vmem>> -> memref<8192xi32, #tpu.memory_space<vmem>>
    tpu.enqueue_dma source(%dma_start3A_116 : memref<8192xi32, #tpu.memory_space<vmem>>) target(%dma_start3A_114 : memref<8192xi32, #tpu.memory_space<hbm>>) target_semaphore(%arg14 : memref<!tpu.dma_semaphore, #tpu.memory_space<semaphore_mem>>)
    %mul3A_117 = arith.constant 16 : i32
    %mul3A_118 = arith.muli %add3A, %mul3A_117 : i32
    %add3A_119 = arith.constant 14 : i32
    %add3A_120 = arith.addi %mul3A_118, %add3A_119 : i32
    %mul3A_121 = arith.constant 32768 : i32
    %mul3A_122 = arith.muli %add3A_120, %mul3A_121 : i32
    %dma_wait3A_123 = arith.constant 65536 : i32
    %dma_wait3A_124 = tpu.memref_slice %arg7[%dma_wait3A_123] : memref<98304xf32, #tpu.memory_space<vmem>> -> memref<32768xf32, #tpu.memory_space<vmem>>
    %dma_wait3A_125 = tpu.memref_slice %arg5[%mul3A_122] : memref<16777216xf32, #tpu.memory_space<hbm>> -> memref<32768xf32, #tpu.memory_space<hbm>>
    %dma_wait3A_126 = tpu.memref_slice %arg5[%mul3A_122] : memref<16777216xf32, #tpu.memory_space<hbm>> -> memref<32768xf32, #tpu.memory_space<hbm>>
    %dma_wait3A_127 = arith.constant 65536 : i32
    %dma_wait3A_128 = tpu.memref_slice %arg7[%dma_wait3A_127] : memref<98304xf32, #tpu.memory_space<vmem>> -> memref<32768xf32, #tpu.memory_space<vmem>>
    tpu.wait_dma2 semaphore(%arg16 : memref<!tpu.dma_semaphore, #tpu.memory_space<semaphore_mem>>) src(%dma_wait3A_128 : memref<32768xf32, #tpu.memory_space<vmem>>) dst(%dma_wait3A_126 : memref<32768xf32, #tpu.memory_space<hbm>>)
    %mul3A_129 = arith.constant 8192 : i32
    %mul3A_130 = arith.muli %add3A_120, %mul3A_129 : i32
    %add3A_131 = arith.constant 0 : i32
    %add3A_132 = arith.addi %add3A_131, %mul3A_130 : i32
    %dma_wait3A_133 = arith.constant 16384 : i32
    %dma_wait3A_134 = tpu.memref_slice %arg8[%dma_wait3A_133] : memref<24576xi32, #tpu.memory_space<vmem>> -> memref<8192xi32, #tpu.memory_space<vmem>>
    %dma_wait3A_135 = tpu.memref_slice %arg6[%add3A_132] : memref<12582912xi32, #tpu.memory_space<hbm>> -> memref<8192xi32, #tpu.memory_space<hbm>>
    %dma_wait3A_136 = tpu.memref_slice %arg6[%add3A_132] : memref<12582912xi32, #tpu.memory_space<hbm>> -> memref<8192xi32, #tpu.memory_space<hbm>>
    %dma_wait3A_137 = arith.constant 16384 : i32
    %dma_wait3A_138 = tpu.memref_slice %arg8[%dma_wait3A_137] : memref<24576xi32, #tpu.memory_space<vmem>> -> memref<8192xi32, #tpu.memory_space<vmem>>
    tpu.wait_dma2 semaphore(%arg16 : memref<!tpu.dma_semaphore, #tpu.memory_space<semaphore_mem>>) src(%dma_wait3A_138 : memref<8192xi32, #tpu.memory_space<vmem>>) dst(%dma_wait3A_136 : memref<8192xi32, #tpu.memory_space<hbm>>)
    %mul3A_139 = arith.constant 8192 : i32
    %mul3A_140 = arith.muli %add3A_120, %mul3A_139 : i32
    %add3A_141 = arith.constant 4194304 : i32
    %add3A_142 = arith.addi %add3A_141, %mul3A_140 : i32
    %dma_wait3A_143 = arith.constant 16384 : i32
    %dma_wait3A_144 = tpu.memref_slice %arg8[%dma_wait3A_143] : memref<24576xi32, #tpu.memory_space<vmem>> -> memref<8192xi32, #tpu.memory_space<vmem>>
    %dma_wait3A_145 = tpu.memref_slice %arg6[%add3A_142] : memref<12582912xi32, #tpu.memory_space<hbm>> -> memref<8192xi32, #tpu.memory_space<hbm>>
    %dma_wait3A_146 = tpu.memref_slice %arg6[%add3A_142] : memref<12582912xi32, #tpu.memory_space<hbm>> -> memref<8192xi32, #tpu.memory_space<hbm>>
    %dma_wait3A_147 = arith.constant 16384 : i32
    %dma_wait3A_148 = tpu.memref_slice %arg8[%dma_wait3A_147] : memref<24576xi32, #tpu.memory_space<vmem>> -> memref<8192xi32, #tpu.memory_space<vmem>>
    tpu.wait_dma2 semaphore(%arg16 : memref<!tpu.dma_semaphore, #tpu.memory_space<semaphore_mem>>) src(%dma_wait3A_148 : memref<8192xi32, #tpu.memory_space<vmem>>) dst(%dma_wait3A_146 : memref<8192xi32, #tpu.memory_space<hbm>>)
    %mul3A_149 = arith.constant 8192 : i32
    %mul3A_150 = arith.muli %add3A_120, %mul3A_149 : i32
    %add3A_151 = arith.constant 8388608 : i32
    %add3A_152 = arith.addi %add3A_151, %mul3A_150 : i32
    %dma_wait3A_153 = arith.constant 16384 : i32
    %dma_wait3A_154 = tpu.memref_slice %arg8[%dma_wait3A_153] : memref<24576xi32, #tpu.memory_space<vmem>> -> memref<8192xi32, #tpu.memory_space<vmem>>
    %dma_wait3A_155 = tpu.memref_slice %arg6[%add3A_152] : memref<12582912xi32, #tpu.memory_space<hbm>> -> memref<8192xi32, #tpu.memory_space<hbm>>
    %dma_wait3A_156 = tpu.memref_slice %arg6[%add3A_152] : memref<12582912xi32, #tpu.memory_space<hbm>> -> memref<8192xi32, #tpu.memory_space<hbm>>
    %dma_wait3A_157 = arith.constant 16384 : i32
    %dma_wait3A_158 = tpu.memref_slice %arg8[%dma_wait3A_157] : memref<24576xi32, #tpu.memory_space<vmem>> -> memref<8192xi32, #tpu.memory_space<vmem>>
    tpu.wait_dma2 semaphore(%arg16 : memref<!tpu.dma_semaphore, #tpu.memory_space<semaphore_mem>>) src(%dma_wait3A_158 : memref<8192xi32, #tpu.memory_space<vmem>>) dst(%dma_wait3A_156 : memref<8192xi32, #tpu.memory_space<hbm>>)
    %mul3A_159 = arith.constant 16 : i32
    %mul3A_160 = arith.muli %add3A, %mul3A_159 : i32
    %add3A_161 = arith.constant 15 : i32
    %add3A_162 = arith.addi %mul3A_160, %add3A_161 : i32
    %mul3A_163 = arith.constant 32768 : i32
    %mul3A_164 = arith.muli %add3A_162, %mul3A_163 : i32
    %dma_wait3A_165 = arith.constant 0 : i32
    %dma_wait3A_166 = tpu.memref_slice %arg7[%dma_wait3A_165] : memref<98304xf32, #tpu.memory_space<vmem>> -> memref<32768xf32, #tpu.memory_space<vmem>>
    %dma_wait3A_167 = tpu.memref_slice %arg5[%mul3A_164] : memref<16777216xf32, #tpu.memory_space<hbm>> -> memref<32768xf32, #tpu.memory_space<hbm>>
    %dma_wait3A_168 = tpu.memref_slice %arg5[%mul3A_164] : memref<16777216xf32, #tpu.memory_space<hbm>> -> memref<32768xf32, #tpu.memory_space<hbm>>
    %dma_wait3A_169 = arith.constant 0 : i32
    %dma_wait3A_170 = tpu.memref_slice %arg7[%dma_wait3A_169] : memref<98304xf32, #tpu.memory_space<vmem>> -> memref<32768xf32, #tpu.memory_space<vmem>>
    tpu.wait_dma2 semaphore(%arg14 : memref<!tpu.dma_semaphore, #tpu.memory_space<semaphore_mem>>) src(%dma_wait3A_170 : memref<32768xf32, #tpu.memory_space<vmem>>) dst(%dma_wait3A_168 : memref<32768xf32, #tpu.memory_space<hbm>>)
    %mul3A_171 = arith.constant 8192 : i32
    %mul3A_172 = arith.muli %add3A_162, %mul3A_171 : i32
    %add3A_173 = arith.constant 0 : i32
    %add3A_174 = arith.addi %add3A_173, %mul3A_172 : i32
    %dma_wait3A_175 = arith.constant 0 : i32
    %dma_wait3A_176 = tpu.memref_slice %arg8[%dma_wait3A_175] : memref<24576xi32, #tpu.memory_space<vmem>> -> memref<8192xi32, #tpu.memory_space<vmem>>
    %dma_wait3A_177 = tpu.memref_slice %arg6[%add3A_174] : memref<12582912xi32, #tpu.memory_space<hbm>> -> memref<8192xi32, #tpu.memory_space<hbm>>
    %dma_wait3A_178 = tpu.memref_slice %arg6[%add3A_174] : memref<12582912xi32, #tpu.memory_space<hbm>> -> memref<8192xi32, #tpu.memory_space<hbm>>
    %dma_wait3A_179 = arith.constant 0 : i32
    %dma_wait3A_180 = tpu.memref_slice %arg8[%dma_wait3A_179] : memref<24576xi32, #tpu.memory_space<vmem>> -> memref<8192xi32, #tpu.memory_space<vmem>>
    tpu.wait_dma2 semaphore(%arg14 : memref<!tpu.dma_semaphore, #tpu.memory_space<semaphore_mem>>) src(%dma_wait3A_180 : memref<8192xi32, #tpu.memory_space<vmem>>) dst(%dma_wait3A_178 : memref<8192xi32, #tpu.memory_space<hbm>>)
    %mul3A_181 = arith.constant 8192 : i32
    %mul3A_182 = arith.muli %add3A_162, %mul3A_181 : i32
    %add3A_183 = arith.constant 4194304 : i32
    %add3A_184 = arith.addi %add3A_183, %mul3A_182 : i32
    %dma_wait3A_185 = arith.constant 0 : i32
    %dma_wait3A_186 = tpu.memref_slice %arg8[%dma_wait3A_185] : memref<24576xi32, #tpu.memory_space<vmem>> -> memref<8192xi32, #tpu.memory_space<vmem>>
    %dma_wait3A_187 = tpu.memref_slice %arg6[%add3A_184] : memref<12582912xi32, #tpu.memory_space<hbm>> -> memref<8192xi32, #tpu.memory_space<hbm>>
    %dma_wait3A_188 = tpu.memref_slice %arg6[%add3A_184] : memref<12582912xi32, #tpu.memory_space<hbm>> -> memref<8192xi32, #tpu.memory_space<hbm>>
    %dma_wait3A_189 = arith.constant 0 : i32
    %dma_wait3A_190 = tpu.memref_slice %arg8[%dma_wait3A_189] : memref<24576xi32, #tpu.memory_space<vmem>> -> memref<8192xi32, #tpu.memory_space<vmem>>
    tpu.wait_dma2 semaphore(%arg14 : memref<!tpu.dma_semaphore, #tpu.memory_space<semaphore_mem>>) src(%dma_wait3A_190 : memref<8192xi32, #tpu.memory_space<vmem>>) dst(%dma_wait3A_188 : memref<8192xi32, #tpu.memory_space<hbm>>)
    %mul3A_191 = arith.constant 8192 : i32
    %mul3A_192 = arith.muli %add3A_162, %mul3A_191 : i32
    %add3A_193 = arith.constant 8388608 : i32
    %add3A_194 = arith.addi %add3A_193, %mul3A_192 : i32
    %dma_wait3A_195 = arith.constant 0 : i32
    %dma_wait3A_196 = tpu.memref_slice %arg8[%dma_wait3A_195] : memref<24576xi32, #tpu.memory_space<vmem>> -> memref<8192xi32, #tpu.memory_space<vmem>>
    %dma_wait3A_197 = tpu.memref_slice %arg6[%add3A_194] : memref<12582912xi32, #tpu.memory_space<hbm>> -> memref<8192xi32, #tpu.memory_space<hbm>>
    %dma_wait3A_198 = tpu.memref_slice %arg6[%add3A_194] : memref<12582912xi32, #tpu.memory_space<hbm>> -> memref<8192xi32, #tpu.memory_space<hbm>>
    %dma_wait3A_199 = arith.constant 0 : i32
    %dma_wait3A_200 = tpu.memref_slice %arg8[%dma_wait3A_199] : memref<24576xi32, #tpu.memory_space<vmem>> -> memref<8192xi32, #tpu.memory_space<vmem>>
    tpu.wait_dma2 semaphore(%arg14 : memref<!tpu.dma_semaphore, #tpu.memory_space<semaphore_mem>>) src(%dma_wait3A_200 : memref<8192xi32, #tpu.memory_space<vmem>>) dst(%dma_wait3A_198 : memref<8192xi32, #tpu.memory_space<hbm>>)
    return
  }
}

</mosaic_0001>

<sc_bundles>
// kernel: kernel.3.cloned.1.call-start
scs
__scs_entry_jumppad:
0x0: {  	(pc) =	sbr.rel $0x88, $3  }
0x1: {  	(tag) =	ssettag $0x0;
	lr =	simm.s32 $0x1  }
0x2: {  	[smem:$0x3F9E] =	sst lr;
	_ =	strace $0xD0000000  }
0x3: {  	_ = 	snop  }
0x4: {  	_ = 	snop  }
0x5: {  	_ = 	snop  }
0x6: {  	_ = 	snop  }
0x7: {  	_ = 	snop  }
__scs_overlays_trampoline_lowered:
0x8: {  	[smem:$0x3FAD] =	sst s0  }
0x9: {  	[smem:$0x3FAE] =	sst s1  }
0xa: {  	[smem:$0x3FAF] =	sst s2  }
0xb: {  	[smem:$0x3FB0] =	sst s3  }
0xc: {  	[smem:$0x3FB1] =	sst s4  }
0xd: {  	[smem:$0x3FB2] =	sst s5  }
0xe: {  	[smem:$0x3FB3] =	sst s6  }
0xf: {  	[smem:$0x3FB4] =	sst s7  }
0x10: {  	[smem:$0x3FB5] =	sst s8  }
0x11: {  	[smem:$0x3FB6] =	sst s9;
	s0 =	simm.s32 @!p0 $0x0  }
0x12: {  	s1 =	sld [smem:$0x3F9C];
	s0 =	simm.s32 @p0 $0x1  }
0x13: {  	[smem:$0x3FB7] =	sst s0;
	s0 =	simm.s32 @!p1 $0x0  }
0x14: {  	s2 =	sld [smem:$0x3F9B];
	s0 =	simm.s32 @p1 $0x1  }
0x15: {  	[smem:$0x3FB8] =	sst s0;
	s0 =	simm.s32 @!p2 $0x0  }
0x16: {  	s3 =	sld [smem:$0x3FDB];
	s0 =	simm.s32 @p2 $0x1  }
0x17: {  	s4 =	simm.s32 $0x1BF5;
	[smem:$0x3FBA] =	sst s0  }
0x18: {  	s0 =	sld [smem:$0x3F9D];
	_ =	swait.ge [sflag:s4], $0x0  }
0x19: {  	s7 =	sld [smem:$0x3F9E]  }
0x1a: {  	s8 =	sadd.s32 $0xFFFFE003, lr  }
0x1b: {  	s9 =	sadd.s32 $0xFFFFFEF7, lr;
	s5 =	simm.s32 $0xFFFFFFFF;
	p2 =	slt.u32 s8, $0xFFFFF086  }
0x1c: {  	p1 =	slt.u32 s9, $0xF7A;
	s5 =	simm.s32 @!p2 $0x0  }
0x1d: {  	s5 =	simm.s32 @p1 $0x1;
	p0 =	seq.s32 s7, s2  }
0x1e: {  	s7 =	smul.u32 @!p0 $0xF7A, s2;
	p2 =	seq.s32 @!p0 s5, $0x0  }
0x1f: {  	s9 =	smul.u32 $0xF7A, s1;
	s8 =	simm.s32 @!p0 $0x1BF5;
	p2 =	por !p2, p0  }
0x20: {  	[sflag:s8] =	ssyncset.s32 @!p0 $0xFFFFF086;
	s6 =	sadd.s32 @!p0 s3, s7;
	s7 =	simm.s32 @!p0 $0x108  }
0x21: {  	s3 =	sadd.s32 s3, s9;
	s6 =	sadd.s32 @!p0 $0x88, s6;
	s7 =	simm.s32 @p2 $0x1082  }
0x22: {  	[simem:s7], [sflag:s8] =	dma.local @!p0 [hbm:s6], $0xF7A  }
0x23: {  	s9 =	sor.u32 $0xD0000000, s2;
	s6 =	simm.s32 $0x108;
	_ =	swait.ge @!p0 [sflag:s8], $0x0  }
0x24: {  	s3 =	sadd.s32 $0x88, s3;
	s6 =	simm.s32 @!p1 $0x1082;
	[sflag:s4] =	ssyncset.s32 $0xFFFFF086  }
0x25: {  	[simem:s6], [sflag:s4] =	dma.local [hbm:s3], $0xF7A  }
0x26: {  	[smem:$0x3F9E] =	sst s1;
	(tag) =	ssettag s2;
	_ =	strace s9  }
0x27: {  	s1 =	sld [smem:$0x3FAE]  }
0x28: {  	s2 =	sld [smem:$0x3FAF]  }
0x29: {  	s4 =	sld [smem:$0x3FB1]  }
0x2a: {  	p0 =	seq.s32 s5, $0x0;
	s5 =	sld [smem:$0x3FB2]  }
0x2b: {  	s6 =	sld [smem:$0x3FB3]  }
0x2c: {  	s7 =	sld [smem:$0x3FB4]  }
0x2d: {  	s3 =	simm.s32 $0x108;
	s8 =	sld [smem:$0x3FB5]  }
0x2e: {  	s3 =	simm.s32 @!p0 $0x1082;
	s9 =	sld [smem:$0x3FB6]  }
0x2f: {  	lr =	sadd.s32 s0, s3;
	s0 =	sld [smem:$0x3FAD]  }
0x30: {  	s3 =	sld [smem:$0x3FB0]  }
0x31: {  	[smem:$0x3FB9] =	sst s10  }
0x32: {  	s10 =	sld [smem:$0x3FB7];
	_ =	sdelay $0x3  }
0x33: {  	p0 =	seq.s32 s10, $0x1;
	s10 =	sld [smem:$0x3FB9];
	_ =	sdelay $0x3  }
0x34: {  	[smem:$0x3FB9] =	sst s10  }
0x35: {  	s10 =	sld [smem:$0x3FB8];
	_ =	sdelay $0x3  }
0x36: {  	p1 =	seq.s32 s10, $0x1;
	s10 =	sld [smem:$0x3FB9];
	_ =	sdelay $0x3  }
0x37: {  	[smem:$0x3FB9] =	sst s10  }
0x38: {  	s10 =	sld [smem:$0x3FBA]  }
0x39: {  	_ = 	snop;
	(pc) =	sbr.ind lr, $3  }
0x3a: {  	_ = 	snop  }
0x3b: {  	_ = 	snop  }
0x3c: {  	p2 =	seq.s32 s10, $0x1;
	s10 =	sld [smem:$0x3FB9]  }
0x3d: {  	_ =	shalt  }
0x3e: {  	_ =	shalt  }
0x3f: {  	_ =	shalt  }
0x40: {  	_ =	shalt  }
0x41: {  	_ =	shalt  }
0x42: {  	_ =	shalt  }
0x43: {  	_ =	shalt  }
0x44: {  	_ =	shalt  }
0x45: {  	_ =	shalt  }
0x46: {  	_ =	shalt  }
0x47: {  	_ =	shalt  }
0x48: {  	_ =	shalt  }
0x49: {  	_ =	shalt  }
0x4a: {  	_ =	shalt  }
0x4b: {  	_ =	shalt  }
0x4c: {  	_ =	shalt  }
0x4d: {  	_ =	shalt  }
0x4e: {  	_ =	shalt  }
0x4f: {  	_ =	shalt  }
0x50: {  	_ =	shalt  }
0x51: {  	_ =	shalt  }
0x52: {  	_ =	shalt  }
0x53: {  	_ =	shalt  }
0x54: {  	_ =	shalt  }
0x55: {  	_ =	shalt  }
0x56: {  	_ =	shalt  }
0x57: {  	_ =	shalt  }
0x58: {  	_ =	shalt  }
0x59: {  	_ =	shalt  }
0x5a: {  	_ =	shalt  }
0x5b: {  	_ =	shalt  }
0x5c: {  	_ =	shalt  }
0x5d: {  	_ =	shalt  }
0x5e: {  	_ =	shalt  }
0x5f: {  	_ =	shalt  }
0x60: {  	_ =	shalt  }
0x61: {  	_ =	shalt  }
0x62: {  	_ =	shalt  }
0x63: {  	_ =	shalt  }
0x64: {  	_ =	shalt  }
0x65: {  	_ =	shalt  }
0x66: {  	_ =	shalt  }
0x67: {  	_ =	shalt  }
0x68: {  	_ =	shalt  }
0x69: {  	_ =	shalt  }
0x6a: {  	_ =	shalt  }
0x6b: {  	_ =	shalt  }
0x6c: {  	_ =	shalt  }
0x6d: {  	_ =	shalt  }
0x6e: {  	_ =	shalt  }
0x6f: {  	_ =	shalt  }
0x70: {  	_ =	shalt  }
0x71: {  	_ =	shalt  }
0x72: {  	_ =	shalt  }
0x73: {  	_ =	shalt  }
0x74: {  	_ =	shalt  }
0x75: {  	_ =	shalt  }
0x76: {  	_ =	shalt  }
0x77: {  	_ =	shalt  }
0x78: {  	_ =	shalt  }
0x79: {  	_ =	shalt  }
0x7a: {  	_ =	shalt  }
0x7b: {  	_ =	shalt  }
0x7c: {  	_ =	shalt  }
0x7d: {  	_ =	shalt  }
0x7e: {  	_ =	shalt  }
0x7f: {  	_ =	shalt  }
0x80: {  	_ =	shalt  }
0x81: {  	_ =	shalt  }
0x82: {  	_ =	shalt  }
0x83: {  	_ =	shalt  }
0x84: {  	_ =	shalt  }
0x85: {  	_ =	shalt  }
0x86: {  	_ =	shalt  }
0x87: {  	_ =	shalt  }
.Lfunc_end0:
.L_simem_size_0:
called_computation_lowered:
.L_overlay_start_0:
0x88: {  	s2 =	sld [smem:$0x3FD9]  }
0x89: {  	s3 =	sld [smem:$0x3FFE];
	_ =	sdelay $0x1  }
0x8a: {  	s1 =	srdreg.scid  }
0x8b: {  	s0 =	sand.u32 $0x1, s1  }
0x8c: {  	s15 =	sshll.u32 s0, $0xA;
	s2 =	sadd.s32 s3, s2  }
0x8d: {  	s2 =	sadd.s32 s2, s15  }
0x8e: {  	[smem:$0x3FC5] =	sst s2  }
0x8f: {  	_ = 	snop  }
0x90: {  	s2 =	sld [smem:$0x3FD0]  }
0x91: {  	s16 =	sld [smem:$0x3FC9]  }
0x92: {  	s4 =	sld [smem:$0x3FC8]  }
0x93: {  	s6 =	simm.s32 $0xA;
	s7 =	simm.s32 $0x10;
	s5 =	sld [smem:$0x3FC7]  }
0x94: {  	[smem:s7], [sflag:s6] =	dma.local [hbm:s2], $0x1  }
0x95: {  	_ =	swait.eq [sflag:s6], $0x1  }
0x96: {  	[sflag:s6] =	ssyncset.done $0x0  }
0x97: {  	s17 =	sld [smem:$0x10];
	[sflag:s6] =	ssyncadd.s32 $0xFFFFFFFF  }
0x98: {  	s18 =	sld [smem:$0x11];
	(tm) =	ssettm $0x1  }
0x99: {  	s19 =	sld [smem:$0x3FFB];
	_ =	sdelay $0x3  }
0x9a: {  	_ =	strace s19  }
0x9b: {  	s7 =	sld [smem:$0x3FFC];
	_ =	sdelay $0x3  }
0x9c: {  	_ =	strace s7  }
0x9d: {  	s7 =	sld [smem:$0x3FFD];
	_ =	sdelay $0x3  }
0x9e: {  	_ =	strace s7  }
0x9f: {  	_ =	strace $0x8FFFFFFF  }
0xa0: {  	s20 =	sld [smem:$0x3FDB];
	_ =	sdelay $0x1  }
0xa1: {  	s8 =	simm.s32 $_scs_section_size  }
0xa2: {  	s9 =	simm.s32 $_size__tile_overlayer_lowered;
	s10 =	simm.s32 $_tile_overlayer_lowered  }
0xa3: {  	s23 =	simm.s32 $0x1BFF;
	s22 =	sshll.u32 s10, $0x1;
	s7 =	sadd.s32 s8, s20  }
0xa4: {  	s11 =	simm.s32 $0x0;
	s21 =	sshll.u32 s9, $0x1;
	s9 =	sadd.s32 s22, s7  }
0xa5: {  	[timem:s11], [sflag:s23] =	dma.local [hbm:s9], s21  }
0xa6: {  	_ =	swait.ge [sflag:s23], s21  }
0xa7: {  	s8 =	ssub.s32 $0x0, s21;
	[sflag:s23] =	ssyncset.done $0x0  }
0xa8: {  	[sflag:s23] =	ssyncadd.s32 s8;
	_ =	sdelay $0x1  }
0xa9: {  	s24 =	simm.s32 $0x1B8B  }
0xaa: {  	_ =	swait.ge [sflag:s24], $0x1  }
0xab: {  	[sflag:s24] =	ssyncset.done $0x0  }
0xac: {  	s25 =	simm.s32 $0x1B8E;
	[sflag:s24] =	ssyncadd.s32 $0xFFFFFFFF  }
0xad: {  	s26 =	simm.s32 $execute0_lowered;
	[smem:$0x3FD2] =	sst s25  }
0xae: {  	s8 =	sshll.u32 s26, $0x1;
	_ =	strace $0x80000046;
	[dreg:$0x1] =	wrdreg $0xFFFFFFFF  }
0xaf: {  	s28 =	simm.s32 $_size_execute0_lowered;
	s7 =	sadd.s32 s7, s8;
	[dreg:$0x0] =	wrdreg $0x0  }
0xb0: {  	s8 =	sshll.u32 s28, $0x1;
	[dreg:$0x2] =	wrdreg s7  }
0xb1: {  	[dreg:$0x3] =	wrdreg s8  }
0xb2: {  	[dreg:$0x4] =	wrdreg $0xC0  }
0xb3: {  	_ =	task [dreg:s11], $0x5FFFF  }
0xb4: {  	[dreg:$0x1] =	wrdreg $0xFFFFFFFF  }
0xb5: {  	[dreg:$0x0] =	wrdreg $0x60  }
0xb6: {  	[dreg:$0x2] =	wrdreg s16  }
0xb7: {  	[dreg:$0x3] =	wrdreg s4  }
0xb8: {  	[dreg:$0x4] =	wrdreg s5  }
0xb9: {  	[dreg:$0x5] =	wrdreg s17  }
0xba: {  	[dreg:$0x6] =	wrdreg s18  }
0xbb: {  	[dreg:$0x7] =	wrdreg $0x9  }
0xbc: {  	_ =	task.clear_ibuf [dreg:s11], $0x8FFFF;
	_ =	strace $0x90000046  }
0xbd: {  	s29 =	simm.s32 $0x9;
	_ =	strace $0x80000048  }
0xbe: {  	_ =	swait.ge [sflag:s29], $0x1  }
0xbf: {  	[sflag:s29] =	ssyncadd.s32 $0xFFFFFFFF  }
0xc0: {  	_ =	strace $0x90000048  }
0xc1: {  	_ =	sfence  }
0xc2: {  	s30 =	sld [smem:$0x0];
	_ =	sdelay $0x2  }
0xc3: {  	s31 =	sshll.u32 s1, $0xD;
	s1 =	sshrl.u32 s1, $0x2  }
0xc4: {  	s3 =	sand.u32 $0x4000, s31;
	s1 =	sadd.s32 s1, s30  }
0xc5: {  	s0 =	sor.u32 s3, s0;
	s1 =	sshll.u32 s1, $0x11  }
0xc6: {  	s0 =	sor.u32 s1, s0  }
0xc7: {  	s0 =	sadd.s32 $0x8F2B, s0  }
0xc8: {  	[sflag:s0] =	ssyncadd.remote.s32 $0x1  }
0xc9: {  	_ =	sfence.sel $0xFFFF  }
0xca: {  	[dreg:$0x0] =	wrdreg $0xFFFFFFFF;
	(pc) =	sbr.abs _section_cstart, $3  }
0xcb: {  	[dreg:$0x1] =	wrdreg $0xFFFFFFFF  }
0xcc: {  	_ =	task.clear_ibuf [dreg:s11], $0x2FFFF;
	_ =	strace $0x9FFFFFFF  }
0xcd: {  	(tm) =	ssettm $0x7FFFFFFF  }
tec
execute0_lowered:
.L_overlay_start_1:
0x0: {  	(tag) =	ssettag $0x1  }
0x1: {  	s1 =	rddreg [dreg:$0x0]  }
0x2: {  	s5 =	rddreg [dreg:$0x3]  }
0x3: {  	s6 =	rddreg [dreg:$0x4]  }
0x4: {  	s0 =	srdreg.scid;
	s2 =	stileid.u32  }
0x5: {  	s7 =	simm.s32 $0x0;
	s28 =	simm.s32 $0x18000;
	s29 =	simm.s32 $0x2  }
0x6: {  	s30 =	simm.s32 $0x1A000;
	s31 =	simm.s32 $0x4;
	s8 =	simm.s32 $0x0  }
0x7: {  	s0 =	sand.u32 $0x1, s0;
	s2 =	sshll.u32 s2, $0x1;
	[smem:$0x7FF] =	sst s7  }
0x8: {  	s12 =	sadd.s32 $0x80000, s6;
	s2 =	sor.u32 s0, s2;
	s0 =	ssub.s32 $0x2, s0  }
0x9: {  	_ =	strace $0x80000047;
	s3 =	sshll.u32 s2, $0x10;
	s4 =	sshrl.u32 s0, $0x1  }
0xa: {  	s9 =	sshll.u32 s2, $0x4;
	s2 =	sshllo.u32 s2, $0x4;
	s3 =	sadd.s32 s1, s3  }
0xb: {  	s0 =	ssub.s32 s0, s4;
	s11 =	sor.u32 $0x2, s9;
	s13 =	sor.u32 $0x1, s9  }
0xc: {  	s23 =	sshll.u32 s2, $0xC;
	s24 =	sor.u32 $0x4, s9;
	[dreg:$0x6] =	wrdreg s3  }
0xd: {  	s2 =	sshll.u32 s2, $0xA;
	s3 =	sadd.s32 $0x1000, s3;
	[dreg:$0x8] =	wrdreg s24  }
0xe: {  	s25 =	sadd.s32 s6, s2;
	s2 =	sadd.s32 s2, s12;
	[dreg:$0x7] =	wrdreg s3  }
0xf: {  	s14 =	sor.u32 $0x3, s9;
	s4 =	simm.s32 $0x1C000;
	[dreg:$0xb] =	wrdreg s2  }
0x10: {  	s0 =	smax.u32 s0, $0x1;
	s24 =	simm.s32 $0x8000;
	[dreg:$0xa] =	wrdreg s25  }
0x11: {  	s3 =	sadd.s32 s5, s23;
	s26 =	sadd.s32 $0x100000, s25;
	[dreg:$0xd] =	wrdreg s0  }
0x12: {  	s25 =	simm.s32 $0x10000;
	s0 =	simm.s32 $0x3;
	[dreg:$0x9] =	wrdreg s3  }
0x13: {  	v0 =	vimm.f32 $0.0e+00;
	v1 =	vimm.s32 $0x0;
	s2 =	simm.s32 $0x5;
	[dreg:$0xc] =	wrdreg s26;
	s26 =	simm.s32 $0x1  }
.LBB2_1:
0x14: {  	[dreg:$0xe] =	wrdreg s8;
	[tilespmem:$0x1E000] =	vst v0  }
0x15: {  	[tilespmem:$0x1E080] =	vst v0;
	s3 =	rddreg [dreg:$0x1];
	s16 =	simm.s32 $0x1E000;
	s17 =	simm.s32 $0x7  }
0x16: {  	[tilespmem:s16], [sflag:$0x7] =	stream.linear.gather [hbm4b:s3+s7], $0x3, $0x38;
	[tilespmem:$0x1E100] =	vst v63  }
0x17: {  	_ =	swait.ge [sflag:s17], $0x3  }
0x18: {  	[sflag:s17] =	ssyncset.done $0x0  }
0x19: {  	[sflag:s17] =	ssyncadd.s32 $0xFFFFFFFD  }
0x1a: {  	s10 =	simm.s32 $0x1E080;
	s18 =	rddreg [dreg:$0x2]  }
0x1b: {  	[tilespmem:s10], [sflag:$0x7] =	stream.linear.gather [hbm4b:s18+s7], $0x3, $0x38;
	[tilespmem:$0x1E100] =	vst v63  }
0x1c: {  	_ =	swait.ge [sflag:s17], $0x3  }
0x1d: {  	[sflag:s17] =	ssyncset.done $0x0  }
0x1e: {  	[sflag:s17] =	ssyncadd.s32 $0xFFFFFFFD  }
0x1f: {  	v2 =	vld [tilespmem:$0x1E000]  }
0x20: {  	v3 =	vld [tilespmem:$0x1E080];
	_ =	sdelay $0x4  }
0x21: {  	v2 =	vmul.f32 v3, v2;
	_ =	sdelay $0x1  }
0x22: {  	(v2sf) =	vpush v2, $0x0  }
0x23: {  	(v2sf) =	vpush v2, $0x1;
	_ =	sdelay $0x1  }
0x24: {  	(v2sf) =	vpush v2, $0x2;
	_ =	sdelay $0xb  }
0x25: {  	s19 =	spop (v2sf)  }
0x26: {  	s20 =	spop (v2sf)  }
0x27: {  	s3 =	sadd.f32 s20, s19  }
0x28: {  	s22 =	rddreg [dreg:$0x6];
	s21 =	spop (v2sf)  }
0x29: {  	s3 =	sadd.f32 s3, s21  }
0x2a: {  	[tilespmem:s7], [sflag:$0x1] =	stream.linear.gather [hbm4b:s22+s7], $0x8000, $0x38;
	[tilespmem:$0x1E100] =	vst v63  }
0x2b: {  	s23 =	rddreg [dreg:$0x7];
	v2 =	vmov s3  }
0x2c: {  	[tilespmem:s24], [sflag:$0x2] =	stream.linear.gather [hbm4b:s23+s7], $0x8000, $0x38;
	v3 =	vsub.f32 $0.0e+00, v2;
	[tilespmem:$0x1E100] =	vst v63  }
0x2d: {  	s23 =	simm.s32 $0x0  }
.LBB2_2:
0x2e: {  	p0 =	seq.s32 s23, $0x0  }
0x2f: {  	s3 =	simm.s32 @!p0 $0x6  }
0x30: {  	_ =	swait.ge @!p0 [sflag:s3], $0x8000  }
0x31: {  	[sflag:s3] =	ssyncset.done @!p0 $0x0  }
0x32: {  	[sflag:s3] =	ssyncadd.s32 @!p0 $0xFFFF8000  }
0x33: {  	_ =	swait.ge @!p0 [sflag:s3], $0x2000  }
0x34: {  	[sflag:s3] =	ssyncset.done @!p0 $0x0  }
0x35: {  	[sflag:s3] =	ssyncadd.s32 @!p0 $0xFFFFE000  }
0x36: {  	s10 =	smul.u32 $0x3, s23;
	_ =	swait.ge @!p0 [sflag:s3], $0x2000  }
0x37: {  	[sflag:s3] =	ssyncset.done @!p0 $0x0  }
0x38: {  	s16 =	sadd.s32 s10, s11;
	[sflag:s3] =	ssyncadd.s32 @!p0 $0xFFFFE000  }
0x39: {  	s8 =	sshll.u32 s16, $0xC;
	_ =	swait.ge @!p0 [sflag:s3], $0x2000  }
0x3a: {  	s18 =	sand.u32 $0x1FFFF000, s8;
	[sflag:s3] =	ssyncset.done @!p0 $0x0  }
0x3b: {  	s20 =	simm.s32 $0x0;
	s19 =	sadd.s32 s1, s18;
	[sflag:s3] =	ssyncadd.s32 @!p0 $0xFFFFE000  }
0x3c: {  	[tilespmem:s25], [sflag:$0x3] =	stream.linear.gather [hbm4b:s19+s20], $0x8000, $0x38;
	[tilespmem:$0x1E100] =	vst v63  }
0x3d: {  	_ =	swait.ge [sflag:s26], $0x8000  }
0x3e: {  	s21 =	sand.u32 $0x7000, s20;
	s22 =	sand.u32 $0xE00, s20;
	[sflag:s26] =	ssyncset.done $0x0  }
0x3f: {  	s19 =	sor.u32 s22, s21;
	[sflag:s26] =	ssyncadd.s32 $0xFFFF8000  }
0x40: {  	v4 =	vld [tilespmem:s19+$0x100]  }
0x41: {  	v5 =	vld [tilespmem:s19+$0x0]  }
0x42: {  	v6 =	vld [tilespmem:s19+$0x80];
	_ =	sdelay $0x1  }
0x43: {  	v7 =	vld [tilespmem:s19+$0x180];
	_ =	sdelay $0x1  }
0x44: {  	vm0 =	vgt.f32 v5, $0.0e+00;
	vm1 =	vgt.f32 v4, $0.0e+00  }
0x45: {  	vm2 =	vgt.f32 v6, $0.0e+00;
	v4 =	vsel vm1, v2, v3;
	v5 =	vsel vm1, $0x2, v1  }
0x46: {  	v6 =	vsel vm0, v2, v3;
	v8 =	vsel vm2, $0x4, v1;
	[tilespmem:s19+$0x100] =	vst v4;
	v4 =	vsel vm0, $0x8, v1  }
0x47: {  	vm0 =	vgt.f32 v7, $0.0e+00;
	[tilespmem:s19+$0x0] =	vst v6;
	v6 =	vsel vm2, v2, v3;
	v4 =	vor.u32 v4, v8  }
0x48: {  	v7 =	vsel vm0, v2, v3;
	[tilespmem:s19+$0x80] =	vst v6;
	v4 =	vor.u32 v5, v4;
	v5 =	vsel vm0, $0x1, v1  }
0x49: {  	s8 =	simm.s32 $0x18040;
	[tilespmem:s19+$0x180] =	vst v7;
	v4 =	vor.u32 v5, v4  }
0x4a: {  	[tilespmem:s8+$0xFFFFFFC0] =	vst v4  }
0x4b: {  	v4 =	vld [tilespmem:s19+$0x110]  }
0x4c: {  	v5 =	vld [tilespmem:s19+$0x190]  }
0x4d: {  	v6 =	vld [tilespmem:s19+$0x10]  }
0x4e: {  	v7 =	vld [tilespmem:s19+$0x90];
	_ =	sdelay $0x3  }
0x4f: {  	vm0 =	vgt.f32 v4, $0.0e+00;
	vm1 =	vgt.f32 v5, $0.0e+00  }
0x50: {  	vm2 =	vgt.f32 v6, $0.0e+00;
	vm3 =	vgt.f32 v7, $0.0e+00;
	v4 =	vsel vm0, v2, v3  }
0x51: {  	v5 =	vsel vm2, $0x8, v1;
	v6 =	vsel vm3, $0x4, v1;
	[tilespmem:s19+$0x110] =	vst v4;
	v4 =	vsel vm1, v2, v3  }
0x52: {  	v5 =	vor.u32 v5, v6;
	v6 =	vsel vm0, $0x2, v1;
	[tilespmem:s19+$0x190] =	vst v4;
	v4 =	vsel vm2, v2, v3  }
0x53: {  	v5 =	vor.u32 v6, v5;
	v6 =	vsel vm1, $0x1, v1;
	[tilespmem:s19+$0x10] =	vst v4;
	v4 =	vsel vm3, v2, v3  }
0x54: {  	[tilespmem:s19+$0x90] =	vst v4;
	v4 =	vor.u32 v6, v5  }
0x55: {  	[tilespmem:s8+$0xFFFFFFD0] =	vst v4  }
0x56: {  	v4 =	vld [tilespmem:s19+$0x20]  }
0x57: {  	v5 =	vld [tilespmem:s19+$0xA0]  }
0x58: {  	v6 =	vld [tilespmem:s19+$0x120];
	_ =	sdelay $0x1  }
0x59: {  	v7 =	vld [tilespmem:s19+$0x1A0];
	_ =	sdelay $0x1  }
0x5a: {  	vm0 =	vgt.f32 v4, $0.0e+00;
	vm1 =	vgt.f32 v5, $0.0e+00  }
0x5b: {  	v4 =	vsel vm0, v2, v3;
	v5 =	vsel vm0, $0x8, v1;
	vm0 =	vgt.f32 v6, $0.0e+00  }
0x5c: {  	v6 =	vsel vm1, $0x4, v1;
	[tilespmem:s19+$0x20] =	vst v4;
	v4 =	vsel vm1, v2, v3;
	v8 =	vsel vm0, v2, v3  }
0x5d: {  	[tilespmem:s19+$0xA0] =	vst v4;
	v4 =	vor.u32 v5, v6;
	v5 =	vsel vm0, $0x2, v1;
	vm0 =	vgt.f32 v7, $0.0e+00  }
0x5e: {  	[tilespmem:s19+$0x120] =	vst v8;
	v4 =	vor.u32 v5, v4;
	v5 =	vsel vm0, v2, v3;
	v6 =	vsel vm0, $0x1, v1  }
0x5f: {  	[tilespmem:s19+$0x1A0] =	vst v5;
	v4 =	vor.u32 v6, v4  }
0x60: {  	[tilespmem:s8+$0xFFFFFFE0] =	vst v4  }
0x61: {  	v4 =	vld [tilespmem:s19+$0xB0]  }
0x62: {  	v5 =	vld [tilespmem:s19+$0x1B0]  }
0x63: {  	v6 =	vld [tilespmem:s19+$0x30]  }
0x64: {  	v7 =	vld [tilespmem:s19+$0x130];
	_ =	sdelay $0x2  }
0x65: {  	vm0 =	vgt.f32 v4, $0.0e+00;
	vm1 =	vgt.f32 v5, $0.0e+00  }
0x66: {  	vm2 =	vgt.f32 v6, $0.0e+00;
	v4 =	vsel vm0, v2, v3;
	v5 =	vsel vm0, $0x4, v1  }
0x67: {  	vm0 =	vgt.f32 v7, $0.0e+00;
	v6 =	vsel vm2, v2, v3;
	[tilespmem:s19+$0xB0] =	vst v4;
	v4 =	vsel vm2, $0x8, v1  }
0x68: {  	[tilespmem:s19+$0x30] =	vst v6;
	v6 =	vsel vm1, v2, v3;
	v4 =	vor.u32 v4, v5;
	v5 =	vsel vm0, $0x2, v1  }
0x69: {  	v7 =	vsel vm0, v2, v3;
	[tilespmem:s19+$0x1B0] =	vst v6;
	v4 =	vor.u32 v5, v4;
	v5 =	vsel vm1, $0x1, v1  }
0x6a: {  	[tilespmem:s19+$0x130] =	vst v7;
	v4 =	vor.u32 v5, v4  }
0x6b: {  	[tilespmem:s8+$0xFFFFFFF0] =	vst v4  }
0x6c: {  	v4 =	vld [tilespmem:s19+$0x40]  }
0x6d: {  	v5 =	vld [tilespmem:s19+$0xC0]  }
0x6e: {  	v6 =	vld [tilespmem:s19+$0x140];
	_ =	sdelay $0x1  }
0x6f: {  	v7 =	vld [tilespmem:s19+$0x1C0];
	_ =	sdelay $0x1  }
0x70: {  	vm0 =	vgt.f32 v4, $0.0e+00;
	vm1 =	vgt.f32 v5, $0.0e+00  }
0x71: {  	v4 =	vsel vm0, v2, v3;
	v5 =	vsel vm0, $0x8, v1;
	vm0 =	vgt.f32 v6, $0.0e+00  }
0x72: {  	v6 =	vsel vm1, $0x4, v1;
	[tilespmem:s19+$0x40] =	vst v4;
	v4 =	vsel vm1, v2, v3;
	v8 =	vsel vm0, v2, v3  }
0x73: {  	[tilespmem:s19+$0xC0] =	vst v4;
	v4 =	vor.u32 v5, v6;
	v5 =	vsel vm0, $0x2, v1;
	vm0 =	vgt.f32 v7, $0.0e+00  }
0x74: {  	[tilespmem:s19+$0x140] =	vst v8;
	v4 =	vor.u32 v5, v4;
	v5 =	vsel vm0, v2, v3;
	v6 =	vsel vm0, $0x1, v1  }
0x75: {  	[tilespmem:s19+$0x1C0] =	vst v5;
	v4 =	vor.u32 v6, v4  }
0x76: {  	[tilespmem:s8+$0x0] =	vst v4  }
0x77: {  	v4 =	vld [tilespmem:s19+$0x50]  }
0x78: {  	v5 =	vld [tilespmem:s19+$0xD0]  }
0x79: {  	v6 =	vld [tilespmem:s19+$0x150];
	_ =	sdelay $0x1  }
0x7a: {  	v7 =	vld [tilespmem:s19+$0x1D0];
	_ =	sdelay $0x1  }
0x7b: {  	vm0 =	vgt.f32 v4, $0.0e+00;
	vm1 =	vgt.f32 v5, $0.0e+00  }
0x7c: {  	v4 =	vsel vm0, v2, v3;
	v5 =	vsel vm0, $0x8, v1;
	vm0 =	vgt.f32 v6, $0.0e+00  }
0x7d: {  	v6 =	vsel vm1, $0x4, v1;
	[tilespmem:s19+$0x50] =	vst v4;
	v4 =	vsel vm1, v2, v3;
	v8 =	vsel vm0, v2, v3  }
0x7e: {  	[tilespmem:s19+$0xD0] =	vst v4;
	v4 =	vor.u32 v5, v6;
	v5 =	vsel vm0, $0x2, v1;
	vm0 =	vgt.f32 v7, $0.0e+00  }
0x7f: {  	[tilespmem:s19+$0x150] =	vst v8;
	v4 =	vor.u32 v5, v4;
	v5 =	vsel vm0, v2, v3;
	v6 =	vsel vm0, $0x1, v1  }
0x80: {  	[tilespmem:s19+$0x1D0] =	vst v5;
	v4 =	vor.u32 v6, v4  }
0x81: {  	[tilespmem:s8+$0x10] =	vst v4  }
0x82: {  	v4 =	vld [tilespmem:s19+$0x60];
	_ =	sdelay $0x2  }
0x83: {  	v5 =	vld [tilespmem:s19+$0xE0]  }
0x84: {  	v6 =	vld [tilespmem:s19+$0x160]  }
0x85: {  	vm1 =	vgt.f32 v4, $0.0e+00;
	v4 =	vld [tilespmem:s19+$0x1E0];
	_ =	sdelay $0x2  }
0x86: {  	s17 =	simm.s32 $0x18040;
	s22 =	simm.s32 $0x1000;
	vm0 =	vgt.f32 v5, $0.0e+00;
	v5 =	vsel vm1, v2, v3;
	v7 =	vsel vm1, $0x8, v1  }
.LBB2_3:
0x87: {  	p0 =	sne.s32 s22, $0x3F000;
	vm1 =	vgt.f32 v6, $0.0e+00;
	v6 =	vsel vm0, $0x4, v1;
	s20 =	sadd.s32 $0x40, s20;
	s8 =	sadd.s32 $0x80, s8  }
0x88: {  	s3 =	smov.u32 s22;
	s22 =	sadd.s32 $0x1000, s22;
	vm2 =	vgt.f32 v4, $0.0e+00;
	v4 =	vor.u32 v7, v6;
	v6 =	vsel vm1, $0x2, v1  }
0x89: {  	[tilespmem:s19+$0x60] =	vst v5;
	v5 =	vsel vm0, v2, v3;
	v7 =	vsel vm2, v2, v3;
	v4 =	vor.u32 v6, v4  }
0x8a: {  	v6 =	vsel vm2, $0x1, v1;
	[tilespmem:s19+$0xE0] =	vst v5;
	v5 =	vsel vm1, v2, v3  }
0x8b: {  	v4 =	vor.u32 v6, v4;
	[tilespmem:s19+$0x1E0] =	vst v7  }
0x8c: {  	[tilespmem:s19+$0x160] =	vst v5  }
0x8d: {  	[tilespmem:s17+$0x20] =	vst v4  }
0x8e: {  	v4 =	vld [tilespmem:s19+$0x70]  }
0x8f: {  	v5 =	vld [tilespmem:s19+$0xF0]  }
0x90: {  	v6 =	vld [tilespmem:s19+$0x170]  }
0x91: {  	v7 =	vld [tilespmem:s19+$0x1F0];
	_ =	sdelay $0x1  }
0x92: {  	vm0 =	vgt.f32 v4, $0.0e+00  }
0x93: {  	vm1 =	vgt.f32 v5, $0.0e+00;
	v4 =	vsel vm0, v2, v3;
	v5 =	vsel vm0, $0x8, v1  }
0x94: {  	vm0 =	vgt.f32 v6, $0.0e+00;
	[tilespmem:s19+$0x70] =	vst v4;
	v4 =	vsel vm1, v2, v3;
	v6 =	vsel vm1, $0x4, v1  }
0x95: {  	vm1 =	vgt.f32 v7, $0.0e+00;
	[tilespmem:s19+$0xF0] =	vst v4;
	v4 =	vor.u32 v5, v6;
	v5 =	vsel vm0, $0x2, v1  }
0x96: {  	v6 =	vsel vm0, v2, v3;
	v4 =	vor.u32 v5, v4;
	v5 =	vsel vm1, $0x1, v1  }
0x97: {  	[tilespmem:s19+$0x170] =	vst v6;
	v6 =	vsel vm1, v2, v3;
	v4 =	vor.u32 v5, v4  }
0x98: {  	s3 =	sand.u32 $0x7000, s3;
	s21 =	sand.u32 $0xE00, s20;
	[tilespmem:s19+$0x1F0] =	vst v6  }
0x99: {  	s19 =	sor.u32 s21, s3;
	[tilespmem:s17+$0x30] =	vst v4;
	s17 =	smov.u32 s8  }
0x9a: {  	v4 =	vld [tilespmem:s19+$0x100]  }
0x9b: {  	v5 =	vld [tilespmem:s19+$0x0]  }
0x9c: {  	v6 =	vld [tilespmem:s19+$0x80];
	_ =	sdelay $0x1  }
0x9d: {  	v7 =	vld [tilespmem:s19+$0x180];
	_ =	sdelay $0x1  }
0x9e: {  	vm1 =	vgt.f32 v4, $0.0e+00;
	vm0 =	vgt.f32 v5, $0.0e+00  }
0x9f: {  	v4 =	vsel vm1, v2, v3;
	v5 =	vsel vm1, $0x2, v1;
	vm2 =	vgt.f32 v6, $0.0e+00  }
0xa0: {  	v6 =	vsel vm0, v2, v3;
	[tilespmem:s19+$0x100] =	vst v4;
	v4 =	vsel vm0, $0x8, v1;
	v8 =	vsel vm2, $0x4, v1  }
0xa1: {  	vm0 =	vgt.f32 v7, $0.0e+00;
	[tilespmem:s19+$0x0] =	vst v6;
	v4 =	vor.u32 v4, v8  }
0xa2: {  	v6 =	vsel vm2, v2, v3;
	v7 =	vsel vm0, v2, v3;
	v4 =	vor.u32 v5, v4  }
0xa3: {  	v5 =	vsel vm0, $0x1, v1;
	[tilespmem:s19+$0x80] =	vst v6  }
0xa4: {  	v4 =	vor.u32 v5, v4;
	[tilespmem:s19+$0x180] =	vst v7  }
0xa5: {  	[tilespmem:s8+$0xFFFFFFC0] =	vst v4  }
0xa6: {  	v4 =	vld [tilespmem:s19+$0x110]  }
0xa7: {  	v5 =	vld [tilespmem:s19+$0x190]  }
0xa8: {  	v6 =	vld [tilespmem:s19+$0x10]  }
0xa9: {  	v7 =	vld [tilespmem:s19+$0x90];
	_ =	sdelay $0x1  }
0xaa: {  	vm0 =	vgt.f32 v4, $0.0e+00  }
0xab: {  	vm1 =	vgt.f32 v5, $0.0e+00;
	v4 =	vsel vm0, v2, v3  }
0xac: {  	vm2 =	vgt.f32 v6, $0.0e+00;
	[tilespmem:s19+$0x110] =	vst v4;
	v4 =	vsel vm1, v2, v3  }
0xad: {  	vm3 =	vgt.f32 v7, $0.0e+00;
	v5 =	vsel vm2, v2, v3;
	[tilespmem:s19+$0x190] =	vst v4;
	v4 =	vsel vm2, $0x8, v1  }
0xae: {  	[tilespmem:s19+$0x10] =	vst v5;
	v5 =	vsel vm3, $0x4, v1  }
0xaf: {  	v4 =	vor.u32 v4, v5;
	v5 =	vsel vm0, $0x2, v1  }
0xb0: {  	v6 =	vsel vm3, v2, v3;
	v4 =	vor.u32 v5, v4;
	v5 =	vsel vm1, $0x1, v1  }
0xb1: {  	[tilespmem:s19+$0x90] =	vst v6;
	v4 =	vor.u32 v5, v4  }
0xb2: {  	[tilespmem:s8+$0xFFFFFFD0] =	vst v4  }
0xb3: {  	v4 =	vld [tilespmem:s19+$0x20]  }
0xb4: {  	v5 =	vld [tilespmem:s19+$0xA0]  }
0xb5: {  	v6 =	vld [tilespmem:s19+$0x120]  }
0xb6: {  	v7 =	vld [tilespmem:s19+$0x1A0];
	_ =	sdelay $0x1  }
0xb7: {  	vm0 =	vgt.f32 v4, $0.0e+00  }
0xb8: {  	vm1 =	vgt.f32 v5, $0.0e+00;
	v4 =	vsel vm0, v2, v3;
	v5 =	vsel vm0, $0x8, v1  }
0xb9: {  	vm0 =	vgt.f32 v6, $0.0e+00;
	[tilespmem:s19+$0x20] =	vst v4;
	v4 =	vsel vm1, v2, v3;
	v6 =	vsel vm1, $0x4, v1  }
0xba: {  	[tilespmem:s19+$0xA0] =	vst v4;
	v4 =	vsel vm0, v2, v3;
	v5 =	vor.u32 v5, v6;
	v6 =	vsel vm0, $0x2, v1  }
0xbb: {  	vm0 =	vgt.f32 v7, $0.0e+00;
	[tilespmem:s19+$0x120] =	vst v4;
	v4 =	vor.u32 v6, v5  }
0xbc: {  	v5 =	vsel vm0, v2, v3;
	v6 =	vsel vm0, $0x1, v1  }
0xbd: {  	v4 =	vor.u32 v6, v4;
	[tilespmem:s19+$0x1A0] =	vst v5  }
0xbe: {  	[tilespmem:s8+$0xFFFFFFE0] =	vst v4  }
0xbf: {  	v4 =	vld [tilespmem:s19+$0xB0]  }
0xc0: {  	v5 =	vld [tilespmem:s19+$0x1B0]  }
0xc1: {  	v6 =	vld [tilespmem:s19+$0x30]  }
0xc2: {  	v7 =	vld [tilespmem:s19+$0x130];
	_ =	sdelay $0x2  }
0xc3: {  	vm0 =	vgt.f32 v4, $0.0e+00;
	vm1 =	vgt.f32 v5, $0.0e+00  }
0xc4: {  	v4 =	vsel vm0, v2, v3;
	v5 =	vsel vm0, $0x4, v1;
	vm2 =	vgt.f32 v6, $0.0e+00  }
0xc5: {  	vm0 =	vgt.f32 v7, $0.0e+00;
	v6 =	vsel vm2, v2, v3;
	[tilespmem:s19+$0xB0] =	vst v4;
	v4 =	vsel vm2, $0x8, v1  }
0xc6: {  	[tilespmem:s19+$0x30] =	vst v6;
	v6 =	vsel vm1, v2, v3;
	v4 =	vor.u32 v4, v5;
	v5 =	vsel vm0, $0x2, v1  }
0xc7: {  	v7 =	vsel vm0, v2, v3;
	[tilespmem:s19+$0x1B0] =	vst v6;
	v4 =	vor.u32 v5, v4;
	v5 =	vsel vm1, $0x1, v1  }
0xc8: {  	[tilespmem:s19+$0x130] =	vst v7;
	v4 =	vor.u32 v5, v4  }
0xc9: {  	[tilespmem:s8+$0xFFFFFFF0] =	vst v4  }
0xca: {  	v4 =	vld [tilespmem:s19+$0x40]  }
0xcb: {  	v5 =	vld [tilespmem:s19+$0xC0]  }
0xcc: {  	v6 =	vld [tilespmem:s19+$0x140]  }
0xcd: {  	v7 =	vld [tilespmem:s19+$0x1C0];
	_ =	sdelay $0x1  }
0xce: {  	vm0 =	vgt.f32 v4, $0.0e+00  }
0xcf: {  	vm1 =	vgt.f32 v5, $0.0e+00;
	v4 =	vsel vm0, v2, v3;
	v5 =	vsel vm0, $0x8, v1  }
0xd0: {  	vm0 =	vgt.f32 v6, $0.0e+00;
	[tilespmem:s19+$0x40] =	vst v4;
	v4 =	vsel vm1, v2, v3;
	v6 =	vsel vm1, $0x4, v1  }
0xd1: {  	[tilespmem:s19+$0xC0] =	vst v4;
	v4 =	vsel vm0, v2, v3;
	v5 =	vor.u32 v5, v6;
	v6 =	vsel vm0, $0x2, v1  }
0xd2: {  	vm0 =	vgt.f32 v7, $0.0e+00;
	[tilespmem:s19+$0x140] =	vst v4;
	v4 =	vor.u32 v6, v5  }
0xd3: {  	v5 =	vsel vm0, v2, v3;
	v6 =	vsel vm0, $0x1, v1  }
0xd4: {  	v4 =	vor.u32 v6, v4;
	[tilespmem:s19+$0x1C0] =	vst v5  }
0xd5: {  	[tilespmem:s8+$0x0] =	vst v4  }
0xd6: {  	v4 =	vld [tilespmem:s19+$0x50]  }
0xd7: {  	v5 =	vld [tilespmem:s19+$0xD0]  }
0xd8: {  	v6 =	vld [tilespmem:s19+$0x150]  }
0xd9: {  	v7 =	vld [tilespmem:s19+$0x1D0];
	_ =	sdelay $0x1  }
0xda: {  	vm0 =	vgt.f32 v4, $0.0e+00  }
0xdb: {  	vm1 =	vgt.f32 v5, $0.0e+00;
	v4 =	vsel vm0, v2, v3;
	v5 =	vsel vm0, $0x8, v1  }
0xdc: {  	vm0 =	vgt.f32 v6, $0.0e+00;
	[tilespmem:s19+$0x50] =	vst v4;
	v4 =	vsel vm1, v2, v3;
	v6 =	vsel vm1, $0x4, v1  }
0xdd: {  	[tilespmem:s19+$0xD0] =	vst v4;
	v4 =	vsel vm0, v2, v3;
	v5 =	vor.u32 v5, v6;
	v6 =	vsel vm0, $0x2, v1  }
0xde: {  	vm0 =	vgt.f32 v7, $0.0e+00;
	[tilespmem:s19+$0x150] =	vst v4;
	v4 =	vor.u32 v6, v5  }
0xdf: {  	v5 =	vsel vm0, v2, v3;
	v6 =	vsel vm0, $0x1, v1  }
0xe0: {  	v4 =	vor.u32 v6, v4;
	[tilespmem:s19+$0x1D0] =	vst v5  }
0xe1: {  	[tilespmem:s8+$0x10] =	vst v4  }
0xe2: {  	v5 =	vld [tilespmem:s19+$0x60]  }
0xe3: {  	v7 =	vld [tilespmem:s19+$0xE0]  }
.Ltmp0:
0xe4: {  	v6 =	vld [tilespmem:s19+$0x160];
	(pc) =	sbr.rel @p0 .LBB2_3-.Ltmp0, $3  }
0xe5: {  	v4 =	vld [tilespmem:s19+$0x1E0];
	_ =	sdelay $0x1  }
0xe6: {  	vm1 =	vgt.f32 v5, $0.0e+00  }
0xe7: {  	vm0 =	vgt.f32 v7, $0.0e+00;
	v5 =	vsel vm1, v2, v3;
	v7 =	vsel vm1, $0x8, v1  }
0xe8: {  	vm1 =	vgt.f32 v6, $0.0e+00  }
0xe9: {  	v6 =	vsel vm0, $0x4, v1;
	[tilespmem:s19+$0x60] =	vst v5;
	vm2 =	vgt.f32 v4, $0.0e+00;
	v4 =	vsel vm0, v2, v3  }
0xea: {  	v5 =	vor.u32 v7, v6;
	v6 =	vsel vm1, $0x2, v1;
	v7 =	vsel vm2, v2, v3;
	[tilespmem:s19+$0xE0] =	vst v4  }
0xeb: {  	v4 =	vor.u32 v6, v5;
	v5 =	vsel vm1, v2, v3;
	v6 =	vsel vm2, $0x1, v1;
	[tilespmem:s19+$0x1E0] =	vst v7  }
0xec: {  	v4 =	vor.u32 v6, v4;
	[tilespmem:s19+$0x160] =	vst v5  }
0xed: {  	[tilespmem:s17+$0x20] =	vst v4  }
0xee: {  	v4 =	vld [tilespmem:s19+$0x70]  }
0xef: {  	v5 =	vld [tilespmem:s19+$0xF0]  }
0xf0: {  	v6 =	vld [tilespmem:s19+$0x170]  }
0xf1: {  	v7 =	vld [tilespmem:s19+$0x1F0];
	_ =	sdelay $0x2  }
0xf2: {  	vm0 =	vgt.f32 v4, $0.0e+00;
	vm1 =	vgt.f32 v5, $0.0e+00  }
0xf3: {  	v4 =	vsel vm0, v2, v3;
	v5 =	vsel vm0, $0x8, v1;
	vm0 =	vgt.f32 v6, $0.0e+00  }
0xf4: {  	v6 =	vsel vm1, $0x4, v1;
	[tilespmem:s19+$0x70] =	vst v4;
	v4 =	vsel vm1, v2, v3;
	vm1 =	vgt.f32 v7, $0.0e+00  }
0xf5: {  	[tilespmem:s19+$0xF0] =	vst v4;
	v4 =	vor.u32 v5, v6;
	v5 =	vsel vm0, $0x2, v1;
	v6 =	vsel vm0, v2, v3  }
0xf6: {  	s3 =	sadd.s32 s9, s10;
	v4 =	vor.u32 v5, v4;
	v5 =	vsel vm1, $0x1, v1;
	[tilespmem:s19+$0x170] =	vst v6;
	v6 =	vsel vm1, v2, v3  }
0xf7: {  	s8 =	sshll.u32 s3, $0xC;
	v4 =	vor.u32 v5, v4;
	[tilespmem:s19+$0x1F0] =	vst v6  }
0xf8: {  	s20 =	simm.s32 $0x0;
	s3 =	sshll.u32 s3, $0xA;
	s8 =	sadd.s32 s5, s8;
	[tilespmem:s17+$0x30] =	vst v4  }
0xf9: {  	[hbm4b:s8+s20] =	stream.linear.scatter [tilespmem:s20], [sflag:$0x4], $0x8000, $0x38;
	[tilespmem:$0x1E100] =	vst v63  }
0xfa: {  	s17 =	sadd.s32 s6, s3  }
0xfb: {  	[hbm4b:s17+s20] =	stream.linear.scatter [tilespmem:s28], [sflag:$0x4], $0x2000, $0x38;
	[tilespmem:$0x1E100] =	vst v63  }
0xfc: {  	s19 =	sadd.s32 s3, s12;
	s3 =	sor.u32 $0x100000, s3  }
0xfd: {  	[hbm4b:s19+s20] =	stream.linear.scatter [tilespmem:s28], [sflag:$0x4], $0x2000, $0x38;
	[tilespmem:$0x1E100] =	vst v63  }
0xfe: {  	s3 =	sadd.s32 s6, s3  }
0xff: {  	[hbm4b:s3+s20] =	stream.linear.scatter [tilespmem:s28], [sflag:$0x4], $0x2000, $0x38;
	[tilespmem:$0x1E100] =	vst v63  }
0x100: {  	_ =	swait.ge [sflag:s29], $0x8000  }
0x101: {  	s21 =	sand.u32 $0x7000, s20;
	s22 =	sand.u32 $0xE00, s20;
	[sflag:s29] =	ssyncset.done $0x0  }
0x102: {  	s19 =	sor.u32 s22, s21;
	[sflag:s29] =	ssyncadd.s32 $0xFFFF8000  }
0x103: {  	v4 =	vld [tilespmem:s19+$0x8100]  }
0x104: {  	v5 =	vld [tilespmem:s19+$0x8000]  }
0x105: {  	v6 =	vld [tilespmem:s19+$0x8080];
	_ =	sdelay $0x1  }
0x106: {  	v7 =	vld [tilespmem:s19+$0x8180];
	_ =	sdelay $0x1  }
0x107: {  	vm0 =	vgt.f32 v5, $0.0e+00;
	vm1 =	vgt.f32 v4, $0.0e+00  }
0x108: {  	vm2 =	vgt.f32 v6, $0.0e+00;
	v4 =	vsel vm1, v2, v3;
	v5 =	vsel vm1, $0x2, v1  }
0x109: {  	v6 =	vsel vm0, v2, v3;
	v8 =	vsel vm2, $0x4, v1;
	[tilespmem:s19+$0x8100] =	vst v4;
	v4 =	vsel vm0, $0x8, v1  }
0x10a: {  	vm0 =	vgt.f32 v7, $0.0e+00;
	[tilespmem:s19+$0x8000] =	vst v6;
	v6 =	vsel vm2, v2, v3;
	v4 =	vor.u32 v4, v8  }
0x10b: {  	v7 =	vsel vm0, v2, v3;
	[tilespmem:s19+$0x8080] =	vst v6;
	v4 =	vor.u32 v5, v4;
	v5 =	vsel vm0, $0x1, v1  }
0x10c: {  	s8 =	simm.s32 $0x1A070;
	[tilespmem:s19+$0x8180] =	vst v7;
	v4 =	vor.u32 v5, v4  }
0x10d: {  	[tilespmem:s8+$0xFFFFFF90] =	vst v4  }
0x10e: {  	v4 =	vld [tilespmem:s19+$0x8110]  }
0x10f: {  	v5 =	vld [tilespmem:s19+$0x8190]  }
0x110: {  	v6 =	vld [tilespmem:s19+$0x8010]  }
0x111: {  	v7 =	vld [tilespmem:s19+$0x8090];
	_ =	sdelay $0x3  }
0x112: {  	vm0 =	vgt.f32 v4, $0.0e+00;
	vm1 =	vgt.f32 v5, $0.0e+00  }
0x113: {  	vm2 =	vgt.f32 v6, $0.0e+00;
	vm3 =	vgt.f32 v7, $0.0e+00;
	v4 =	vsel vm0, v2, v3  }
0x114: {  	v5 =	vsel vm2, $0x8, v1;
	v6 =	vsel vm3, $0x4, v1;
	[tilespmem:s19+$0x8110] =	vst v4;
	v4 =	vsel vm1, v2, v3  }
0x115: {  	v5 =	vor.u32 v5, v6;
	v6 =	vsel vm0, $0x2, v1;
	[tilespmem:s19+$0x8190] =	vst v4;
	v4 =	vsel vm2, v2, v3  }
0x116: {  	v5 =	vor.u32 v6, v5;
	v6 =	vsel vm1, $0x1, v1;
	[tilespmem:s19+$0x8010] =	vst v4;
	v4 =	vsel vm3, v2, v3  }
0x117: {  	[tilespmem:s19+$0x8090] =	vst v4;
	v4 =	vor.u32 v6, v5  }
0x118: {  	[tilespmem:s8+$0xFFFFFFA0] =	vst v4  }
0x119: {  	v4 =	vld [tilespmem:s19+$0x8020]  }
0x11a: {  	v5 =	vld [tilespmem:s19+$0x80A0]  }
0x11b: {  	v6 =	vld [tilespmem:s19+$0x8120];
	_ =	sdelay $0x1  }
0x11c: {  	v7 =	vld [tilespmem:s19+$0x81A0];
	_ =	sdelay $0x1  }
0x11d: {  	vm0 =	vgt.f32 v4, $0.0e+00;
	vm1 =	vgt.f32 v5, $0.0e+00  }
0x11e: {  	v4 =	vsel vm0, v2, v3;
	v5 =	vsel vm0, $0x8, v1;
	vm0 =	vgt.f32 v6, $0.0e+00  }
0x11f: {  	v6 =	vsel vm1, $0x4, v1;
	[tilespmem:s19+$0x8020] =	vst v4;
	v4 =	vsel vm1, v2, v3;
	v8 =	vsel vm0, v2, v3  }
0x120: {  	[tilespmem:s19+$0x80A0] =	vst v4;
	v4 =	vor.u32 v5, v6;
	v5 =	vsel vm0, $0x2, v1;
	vm0 =	vgt.f32 v7, $0.0e+00  }
0x121: {  	[tilespmem:s19+$0x8120] =	vst v8;
	v4 =	vor.u32 v5, v4;
	v5 =	vsel vm0, v2, v3;
	v6 =	vsel vm0, $0x1, v1  }
0x122: {  	[tilespmem:s19+$0x81A0] =	vst v5;
	v4 =	vor.u32 v6, v4  }
0x123: {  	[tilespmem:s8+$0xFFFFFFB0] =	vst v4  }
0x124: {  	v4 =	vld [tilespmem:s19+$0x80B0]  }
0x125: {  	v5 =	vld [tilespmem:s19+$0x81B0]  }
0x126: {  	v6 =	vld [tilespmem:s19+$0x8030]  }
0x127: {  	v7 =	vld [tilespmem:s19+$0x8130];
	_ =	sdelay $0x2  }
0x128: {  	vm0 =	vgt.f32 v4, $0.0e+00;
	vm1 =	vgt.f32 v5, $0.0e+00  }
0x129: {  	vm2 =	vgt.f32 v6, $0.0e+00;
	v4 =	vsel vm0, v2, v3;
	v5 =	vsel vm0, $0x4, v1  }
0x12a: {  	vm0 =	vgt.f32 v7, $0.0e+00;
	v6 =	vsel vm2, v2, v3;
	[tilespmem:s19+$0x80B0] =	vst v4;
	v4 =	vsel vm2, $0x8, v1  }
0x12b: {  	[tilespmem:s19+$0x8030] =	vst v6;
	v6 =	vsel vm1, v2, v3;
	v4 =	vor.u32 v4, v5;
	v5 =	vsel vm0, $0x2, v1  }
0x12c: {  	v7 =	vsel vm0, v2, v3;
	[tilespmem:s19+$0x81B0] =	vst v6;
	v4 =	vor.u32 v5, v4;
	v5 =	vsel vm1, $0x1, v1  }
0x12d: {  	[tilespmem:s19+$0x8130] =	vst v7;
	v4 =	vor.u32 v5, v4  }
0x12e: {  	[tilespmem:s8+$0xFFFFFFC0] =	vst v4  }
0x12f: {  	v4 =	vld [tilespmem:s19+$0x8040]  }
0x130: {  	v5 =	vld [tilespmem:s19+$0x80C0]  }
0x131: {  	v6 =	vld [tilespmem:s19+$0x8140];
	_ =	sdelay $0x1  }
0x132: {  	v7 =	vld [tilespmem:s19+$0x81C0];
	_ =	sdelay $0x1  }
0x133: {  	vm0 =	vgt.f32 v4, $0.0e+00;
	vm1 =	vgt.f32 v5, $0.0e+00  }
0x134: {  	v4 =	vsel vm0, v2, v3;
	v5 =	vsel vm0, $0x8, v1;
	vm0 =	vgt.f32 v6, $0.0e+00  }
0x135: {  	v6 =	vsel vm1, $0x4, v1;
	[tilespmem:s19+$0x8040] =	vst v4;
	v4 =	vsel vm1, v2, v3;
	v8 =	vsel vm0, v2, v3  }
0x136: {  	[tilespmem:s19+$0x80C0] =	vst v4;
	v4 =	vor.u32 v5, v6;
	v5 =	vsel vm0, $0x2, v1;
	vm0 =	vgt.f32 v7, $0.0e+00  }
0x137: {  	[tilespmem:s19+$0x8140] =	vst v8;
	v4 =	vor.u32 v5, v4;
	v5 =	vsel vm0, v2, v3;
	v6 =	vsel vm0, $0x1, v1  }
0x138: {  	[tilespmem:s19+$0x81C0] =	vst v5;
	v4 =	vor.u32 v6, v4  }
0x139: {  	[tilespmem:s8+$0xFFFFFFD0] =	vst v4  }
0x13a: {  	v4 =	vld [tilespmem:s19+$0x8050]  }
0x13b: {  	v5 =	vld [tilespmem:s19+$0x80D0]  }
0x13c: {  	v6 =	vld [tilespmem:s19+$0x8150];
	_ =	sdelay $0x1  }
0x13d: {  	v7 =	vld [tilespmem:s19+$0x81D0];
	_ =	sdelay $0x1  }
0x13e: {  	vm0 =	vgt.f32 v4, $0.0e+00;
	vm1 =	vgt.f32 v5, $0.0e+00  }
0x13f: {  	v4 =	vsel vm0, v2, v3;
	v5 =	vsel vm0, $0x8, v1;
	vm0 =	vgt.f32 v6, $0.0e+00  }
0x140: {  	v6 =	vsel vm1, $0x4, v1;
	[tilespmem:s19+$0x8050] =	vst v4;
	v4 =	vsel vm1, v2, v3;
	v8 =	vsel vm0, v2, v3  }
0x141: {  	[tilespmem:s19+$0x80D0] =	vst v4;
	v4 =	vor.u32 v5, v6;
	v5 =	vsel vm0, $0x2, v1;
	vm0 =	vgt.f32 v7, $0.0e+00  }
0x142: {  	[tilespmem:s19+$0x8150] =	vst v8;
	v4 =	vor.u32 v5, v4;
	v5 =	vsel vm0, v2, v3;
	v6 =	vsel vm0, $0x1, v1  }
0x143: {  	[tilespmem:s19+$0x81D0] =	vst v5;
	v4 =	vor.u32 v6, v4  }
0x144: {  	[tilespmem:s8+$0xFFFFFFE0] =	vst v4  }
0x145: {  	v4 =	vld [tilespmem:s19+$0x8060];
	_ =	sdelay $0x2  }
0x146: {  	v5 =	vld [tilespmem:s19+$0x80E0]  }
0x147: {  	v6 =	vld [tilespmem:s19+$0x8160]  }
0x148: {  	vm1 =	vgt.f32 v4, $0.0e+00;
	v4 =	vld [tilespmem:s19+$0x81E0];
	_ =	sdelay $0x2  }
0x149: {  	s17 =	simm.s32 $0x1A070;
	s22 =	simm.s32 $0x1000;
	vm0 =	vgt.f32 v5, $0.0e+00;
	v5 =	vsel vm1, v2, v3;
	v7 =	vsel vm1, $0x8, v1  }
.LBB2_5:
0x14a: {  	p0 =	sne.s32 s22, $0x3F000;
	vm1 =	vgt.f32 v6, $0.0e+00;
	v6 =	vsel vm0, $0x4, v1;
	s20 =	sadd.s32 $0x40, s20;
	s8 =	sadd.s32 $0x80, s8  }
0x14b: {  	s3 =	smov.u32 s22;
	s22 =	sadd.s32 $0x1000, s22;
	vm2 =	vgt.f32 v4, $0.0e+00;
	v4 =	vor.u32 v7, v6;
	v6 =	vsel vm1, $0x2, v1  }
0x14c: {  	[tilespmem:s19+$0x8060] =	vst v5;
	v5 =	vsel vm0, v2, v3;
	v7 =	vsel vm2, v2, v3;
	v4 =	vor.u32 v6, v4  }
0x14d: {  	v6 =	vsel vm2, $0x1, v1;
	[tilespmem:s19+$0x80E0] =	vst v5;
	v5 =	vsel vm1, v2, v3  }
0x14e: {  	v4 =	vor.u32 v6, v4;
	[tilespmem:s19+$0x81E0] =	vst v7  }
0x14f: {  	[tilespmem:s19+$0x8160] =	vst v5  }
0x150: {  	[tilespmem:s17+$0xFFFFFFF0] =	vst v4  }
0x151: {  	v4 =	vld [tilespmem:s19+$0x8070]  }
0x152: {  	v5 =	vld [tilespmem:s19+$0x80F0]  }
0x153: {  	v6 =	vld [tilespmem:s19+$0x8170]  }
0x154: {  	v7 =	vld [tilespmem:s19+$0x81F0];
	_ =	sdelay $0x1  }
0x155: {  	vm0 =	vgt.f32 v4, $0.0e+00  }
0x156: {  	vm1 =	vgt.f32 v5, $0.0e+00;
	v4 =	vsel vm0, v2, v3;
	v5 =	vsel vm0, $0x8, v1  }
0x157: {  	vm0 =	vgt.f32 v6, $0.0e+00;
	[tilespmem:s19+$0x8070] =	vst v4;
	v4 =	vsel vm1, v2, v3;
	v6 =	vsel vm1, $0x4, v1  }
0x158: {  	vm1 =	vgt.f32 v7, $0.0e+00;
	[tilespmem:s19+$0x80F0] =	vst v4;
	v4 =	vor.u32 v5, v6;
	v5 =	vsel vm0, $0x2, v1  }
0x159: {  	v6 =	vsel vm0, v2, v3;
	v4 =	vor.u32 v5, v4;
	v5 =	vsel vm1, $0x1, v1  }
0x15a: {  	[tilespmem:s19+$0x8170] =	vst v6;
	v6 =	vsel vm1, v2, v3;
	v4 =	vor.u32 v5, v4  }
0x15b: {  	s3 =	sand.u32 $0x7000, s3;
	s21 =	sand.u32 $0xE00, s20;
	[tilespmem:s19+$0x81F0] =	vst v6  }
0x15c: {  	s19 =	sor.u32 s21, s3;
	[tilespmem:s17+$0x0] =	vst v4;
	s17 =	smov.u32 s8  }
0x15d: {  	v4 =	vld [tilespmem:s19+$0x8100]  }
0x15e: {  	v5 =	vld [tilespmem:s19+$0x8000]  }
0x15f: {  	v6 =	vld [tilespmem:s19+$0x8080];
	_ =	sdelay $0x1  }
0x160: {  	v7 =	vld [tilespmem:s19+$0x8180];
	_ =	sdelay $0x1  }
0x161: {  	vm1 =	vgt.f32 v4, $0.0e+00;
	vm0 =	vgt.f32 v5, $0.0e+00  }
0x162: {  	v4 =	vsel vm1, v2, v3;
	v5 =	vsel vm1, $0x2, v1;
	vm2 =	vgt.f32 v6, $0.0e+00  }
0x163: {  	v6 =	vsel vm0, v2, v3;
	[tilespmem:s19+$0x8100] =	vst v4;
	v4 =	vsel vm0, $0x8, v1;
	v8 =	vsel vm2, $0x4, v1  }
0x164: {  	vm0 =	vgt.f32 v7, $0.0e+00;
	[tilespmem:s19+$0x8000] =	vst v6;
	v4 =	vor.u32 v4, v8  }
0x165: {  	v6 =	vsel vm2, v2, v3;
	v7 =	vsel vm0, v2, v3;
	v4 =	vor.u32 v5, v4  }
0x166: {  	v5 =	vsel vm0, $0x1, v1;
	[tilespmem:s19+$0x8080] =	vst v6  }
0x167: {  	v4 =	vor.u32 v5, v4;
	[tilespmem:s19+$0x8180] =	vst v7  }
0x168: {  	[tilespmem:s8+$0xFFFFFF90] =	vst v4  }
0x169: {  	v4 =	vld [tilespmem:s19+$0x8110]  }
0x16a: {  	v5 =	vld [tilespmem:s19+$0x8190]  }
0x16b: {  	v6 =	vld [tilespmem:s19+$0x8010]  }
0x16c: {  	v7 =	vld [tilespmem:s19+$0x8090];
	_ =	sdelay $0x1  }
0x16d: {  	vm0 =	vgt.f32 v4, $0.0e+00  }
0x16e: {  	vm1 =	vgt.f32 v5, $0.0e+00;
	v4 =	vsel vm0, v2, v3  }
0x16f: {  	vm2 =	vgt.f32 v6, $0.0e+00;
	[tilespmem:s19+$0x8110] =	vst v4;
	v4 =	vsel vm1, v2, v3  }
0x170: {  	vm3 =	vgt.f32 v7, $0.0e+00;
	v5 =	vsel vm2, v2, v3;
	[tilespmem:s19+$0x8190] =	vst v4;
	v4 =	vsel vm2, $0x8, v1  }
0x171: {  	[tilespmem:s19+$0x8010] =	vst v5;
	v5 =	vsel vm3, $0x4, v1  }
0x172: {  	v4 =	vor.u32 v4, v5;
	v5 =	vsel vm0, $0x2, v1  }
0x173: {  	v6 =	vsel vm3, v2, v3;
	v4 =	vor.u32 v5, v4;
	v5 =	vsel vm1, $0x1, v1  }
0x174: {  	[tilespmem:s19+$0x8090] =	vst v6;
	v4 =	vor.u32 v5, v4  }
0x175: {  	[tilespmem:s8+$0xFFFFFFA0] =	vst v4  }
0x176: {  	v4 =	vld [tilespmem:s19+$0x8020]  }
0x177: {  	v5 =	vld [tilespmem:s19+$0x80A0]  }
0x178: {  	v6 =	vld [tilespmem:s19+$0x8120]  }
0x179: {  	v7 =	vld [tilespmem:s19+$0x81A0];
	_ =	sdelay $0x1  }
0x17a: {  	vm0 =	vgt.f32 v4, $0.0e+00  }
0x17b: {  	vm1 =	vgt.f32 v5, $0.0e+00;
	v4 =	vsel vm0, v2, v3;
	v5 =	vsel vm0, $0x8, v1  }
0x17c: {  	vm0 =	vgt.f32 v6, $0.0e+00;
	[tilespmem:s19+$0x8020] =	vst v4;
	v4 =	vsel vm1, v2, v3;
	v6 =	vsel vm1, $0x4, v1  }
0x17d: {  	[tilespmem:s19+$0x80A0] =	vst v4;
	v4 =	vsel vm0, v2, v3;
	v5 =	vor.u32 v5, v6;
	v6 =	vsel vm0, $0x2, v1  }
0x17e: {  	vm0 =	vgt.f32 v7, $0.0e+00;
	[tilespmem:s19+$0x8120] =	vst v4;
	v4 =	vor.u32 v6, v5  }
0x17f: {  	v5 =	vsel vm0, v2, v3;
	v6 =	vsel vm0, $0x1, v1  }
0x180: {  	v4 =	vor.u32 v6, v4;
	[tilespmem:s19+$0x81A0] =	vst v5  }
0x181: {  	[tilespmem:s8+$0xFFFFFFB0] =	vst v4  }
0x182: {  	v4 =	vld [tilespmem:s19+$0x80B0]  }
0x183: {  	v5 =	vld [tilespmem:s19+$0x81B0]  }
0x184: {  	v6 =	vld [tilespmem:s19+$0x8030]  }
0x185: {  	v7 =	vld [tilespmem:s19+$0x8130];
	_ =	sdelay $0x2  }
0x186: {  	vm0 =	vgt.f32 v4, $0.0e+00;
	vm1 =	vgt.f32 v5, $0.0e+00  }
0x187: {  	v4 =	vsel vm0, v2, v3;
	v5 =	vsel vm0, $0x4, v1;
	vm2 =	vgt.f32 v6, $0.0e+00  }
0x188: {  	vm0 =	vgt.f32 v7, $0.0e+00;
	v6 =	vsel vm2, v2, v3;
	[tilespmem:s19+$0x80B0] =	vst v4;
	v4 =	vsel vm2, $0x8, v1  }
0x189: {  	[tilespmem:s19+$0x8030] =	vst v6;
	v6 =	vsel vm1, v2, v3;
	v4 =	vor.u32 v4, v5;
	v5 =	vsel vm0, $0x2, v1  }
0x18a: {  	v7 =	vsel vm0, v2, v3;
	[tilespmem:s19+$0x81B0] =	vst v6;
	v4 =	vor.u32 v5, v4;
	v5 =	vsel vm1, $0x1, v1  }
0x18b: {  	[tilespmem:s19+$0x8130] =	vst v7;
	v4 =	vor.u32 v5, v4  }
0x18c: {  	[tilespmem:s8+$0xFFFFFFC0] =	vst v4  }
0x18d: {  	v4 =	vld [tilespmem:s19+$0x8040]  }
0x18e: {  	v5 =	vld [tilespmem:s19+$0x80C0]  }
0x18f: {  	v6 =	vld [tilespmem:s19+$0x8140]  }
0x190: {  	v7 =	vld [tilespmem:s19+$0x81C0];
	_ =	sdelay $0x1  }
0x191: {  	vm0 =	vgt.f32 v4, $0.0e+00  }
0x192: {  	vm1 =	vgt.f32 v5, $0.0e+00;
	v4 =	vsel vm0, v2, v3;
	v5 =	vsel vm0, $0x8, v1  }
0x193: {  	vm0 =	vgt.f32 v6, $0.0e+00;
	[tilespmem:s19+$0x8040] =	vst v4;
	v4 =	vsel vm1, v2, v3;
	v6 =	vsel vm1, $0x4, v1  }
0x194: {  	[tilespmem:s19+$0x80C0] =	vst v4;
	v4 =	vsel vm0, v2, v3;
	v5 =	vor.u32 v5, v6;
	v6 =	vsel vm0, $0x2, v1  }
0x195: {  	vm0 =	vgt.f32 v7, $0.0e+00;
	[tilespmem:s19+$0x8140] =	vst v4;
	v4 =	vor.u32 v6, v5  }
0x196: {  	v5 =	vsel vm0, v2, v3;
	v6 =	vsel vm0, $0x1, v1  }
0x197: {  	v4 =	vor.u32 v6, v4;
	[tilespmem:s19+$0x81C0] =	vst v5  }
0x198: {  	[tilespmem:s8+$0xFFFFFFD0] =	vst v4  }
0x199: {  	v4 =	vld [tilespmem:s19+$0x8050]  }
0x19a: {  	v5 =	vld [tilespmem:s19+$0x80D0]  }
0x19b: {  	v6 =	vld [tilespmem:s19+$0x8150]  }
0x19c: {  	v7 =	vld [tilespmem:s19+$0x81D0];
	_ =	sdelay $0x1  }
0x19d: {  	vm0 =	vgt.f32 v4, $0.0e+00  }
0x19e: {  	vm1 =	vgt.f32 v5, $0.0e+00;
	v4 =	vsel vm0, v2, v3;
	v5 =	vsel vm0, $0x8, v1  }
0x19f: {  	vm0 =	vgt.f32 v6, $0.0e+00;
	[tilespmem:s19+$0x8050] =	vst v4;
	v4 =	vsel vm1, v2, v3;
	v6 =	vsel vm1, $0x4, v1  }
0x1a0: {  	[tilespmem:s19+$0x80D0] =	vst v4;
	v4 =	vsel vm0, v2, v3;
	v5 =	vor.u32 v5, v6;
	v6 =	vsel vm0, $0x2, v1  }
0x1a1: {  	vm0 =	vgt.f32 v7, $0.0e+00;
	[tilespmem:s19+$0x8150] =	vst v4;
	v4 =	vor.u32 v6, v5  }
0x1a2: {  	v5 =	vsel vm0, v2, v3;
	v6 =	vsel vm0, $0x1, v1  }
0x1a3: {  	v4 =	vor.u32 v6, v4;
	[tilespmem:s19+$0x81D0] =	vst v5  }
0x1a4: {  	[tilespmem:s8+$0xFFFFFFE0] =	vst v4  }
0x1a5: {  	v5 =	vld [tilespmem:s19+$0x8060]  }
0x1a6: {  	v7 =	vld [tilespmem:s19+$0x80E0]  }
.Ltmp1:
0x1a7: {  	v6 =	vld [tilespmem:s19+$0x8160];
	(pc) =	sbr.rel @p0 .LBB2_5-.Ltmp1, $3  }
0x1a8: {  	v4 =	vld [tilespmem:s19+$0x81E0];
	_ =	sdelay $0x1  }
0x1a9: {  	vm1 =	vgt.f32 v5, $0.0e+00  }
0x1aa: {  	vm0 =	vgt.f32 v7, $0.0e+00;
	v5 =	vsel vm1, v2, v3;
	v7 =	vsel vm1, $0x8, v1  }
0x1ab: {  	vm1 =	vgt.f32 v6, $0.0e+00  }
0x1ac: {  	v6 =	vsel vm0, $0x4, v1;
	[tilespmem:s19+$0x8060] =	vst v5;
	vm2 =	vgt.f32 v4, $0.0e+00;
	v4 =	vsel vm0, v2, v3  }
0x1ad: {  	v5 =	vor.u32 v7, v6;
	v6 =	vsel vm1, $0x2, v1;
	v7 =	vsel vm2, v2, v3;
	[tilespmem:s19+$0x80E0] =	vst v4  }
0x1ae: {  	v4 =	vor.u32 v6, v5;
	v5 =	vsel vm1, v2, v3;
	v6 =	vsel vm2, $0x1, v1;
	[tilespmem:s19+$0x81E0] =	vst v7  }
0x1af: {  	v4 =	vor.u32 v6, v4;
	[tilespmem:s19+$0x8160] =	vst v5  }
0x1b0: {  	[tilespmem:s17+$0xFFFFFFF0] =	vst v4  }
0x1b1: {  	v4 =	vld [tilespmem:s19+$0x8070]  }
0x1b2: {  	v5 =	vld [tilespmem:s19+$0x80F0]  }
0x1b3: {  	v6 =	vld [tilespmem:s19+$0x8170]  }
0x1b4: {  	v7 =	vld [tilespmem:s19+$0x81F0];
	_ =	sdelay $0x2  }
0x1b5: {  	vm0 =	vgt.f32 v4, $0.0e+00;
	vm1 =	vgt.f32 v5, $0.0e+00  }
0x1b6: {  	v4 =	vsel vm0, v2, v3;
	v5 =	vsel vm0, $0x8, v1;
	vm0 =	vgt.f32 v6, $0.0e+00  }
0x1b7: {  	v6 =	vsel vm1, $0x4, v1;
	[tilespmem:s19+$0x8070] =	vst v4;
	v4 =	vsel vm1, v2, v3;
	vm1 =	vgt.f32 v7, $0.0e+00  }
0x1b8: {  	s3 =	sadd.s32 s10, s13;
	[tilespmem:s19+$0x80F0] =	vst v4;
	v4 =	vor.u32 v5, v6;
	v5 =	vsel vm0, $0x2, v1;
	v6 =	vsel vm0, v2, v3  }
0x1b9: {  	s8 =	sshll.u32 s3, $0xC;
	v4 =	vor.u32 v5, v4;
	v5 =	vsel vm1, $0x1, v1;
	[tilespmem:s19+$0x8170] =	vst v6;
	v6 =	vsel vm1, v2, v3  }
0x1ba: {  	s8 =	sand.u32 $0x1FFFF000, s8;
	v4 =	vor.u32 v5, v4;
	[tilespmem:s19+$0x81F0] =	vst v6  }
0x1bb: {  	s3 =	sshll.u32 s3, $0xA;
	s8 =	sadd.s32 s5, s8;
	s19 =	simm.s32 $0x0;
	[tilespmem:s17+$0x0] =	vst v4  }
0x1bc: {  	[hbm4b:s8+s19] =	stream.linear.scatter [tilespmem:s24], [sflag:$0x5], $0x8000, $0x38;
	[tilespmem:$0x1E100] =	vst v63  }
0x1bd: {  	s15 =	sadd.s32 s6, s3  }
0x1be: {  	[hbm4b:s15+s19] =	stream.linear.scatter [tilespmem:s30], [sflag:$0x5], $0x2000, $0x38;
	[tilespmem:$0x1E100] =	vst v63  }
0x1bf: {  	s17 =	sadd.s32 s3, s12;
	s3 =	sor.u32 $0x100000, s3  }
0x1c0: {  	[hbm4b:s17+s19] =	stream.linear.scatter [tilespmem:s30], [sflag:$0x5], $0x2000, $0x38;
	[tilespmem:$0x1E100] =	vst v63  }
0x1c1: {  	s3 =	sadd.s32 s6, s3  }
0x1c2: {  	[hbm4b:s3+s19] =	stream.linear.scatter [tilespmem:s30], [sflag:$0x5], $0x2000, $0x38;
	[tilespmem:$0x1E100] =	vst v63  }
0x1c3: {  	_ =	swait.ge [sflag:s31], $0x8000  }
0x1c4: {  	[sflag:s31] =	ssyncset.done $0x0  }
0x1c5: {  	[sflag:s31] =	ssyncadd.s32 $0xFFFF8000  }
0x1c6: {  	_ =	swait.ge [sflag:s31], $0x2000  }
0x1c7: {  	[sflag:s31] =	ssyncset.done $0x0  }
0x1c8: {  	[sflag:s31] =	ssyncadd.s32 $0xFFFFE000  }
0x1c9: {  	_ =	swait.ge [sflag:s31], $0x2000  }
0x1ca: {  	[sflag:s31] =	ssyncset.done $0x0  }
0x1cb: {  	s20 =	sadd.s32 s10, s14;
	[sflag:s31] =	ssyncadd.s32 $0xFFFFE000  }
0x1cc: {  	s3 =	sshll.u32 s20, $0xC;
	_ =	swait.ge [sflag:s31], $0x2000  }
0x1cd: {  	s3 =	sand.u32 $0x1FFFF000, s3;
	[sflag:s31] =	ssyncset.done $0x0  }
0x1ce: {  	s3 =	sadd.s32 s1, s3;
	[sflag:s31] =	ssyncadd.s32 $0xFFFFE000  }
0x1cf: {  	[tilespmem:s19], [sflag:$0x1] =	stream.linear.gather [hbm4b:s3+s19], $0x8000, $0x38;
	[tilespmem:$0x1E100] =	vst v63  }
0x1d0: {  	_ =	swait.ge [sflag:s0], $0x8000  }
0x1d1: {  	s21 =	sand.u32 $0x7000, s19;
	s22 =	sand.u32 $0xE00, s19;
	[sflag:s0] =	ssyncset.done $0x0  }
0x1d2: {  	s20 =	sor.u32 s22, s21;
	[sflag:s0] =	ssyncadd.s32 $0xFFFF8000  }
0x1d3: {  	v4 =	vld [tilespmem:s20+$0x10100]  }
0x1d4: {  	v5 =	vld [tilespmem:s20+$0x10000]  }
0x1d5: {  	v6 =	vld [tilespmem:s20+$0x10080];
	_ =	sdelay $0x1  }
0x1d6: {  	v7 =	vld [tilespmem:s20+$0x10180];
	_ =	sdelay $0x1  }
0x1d7: {  	vm0 =	vgt.f32 v5, $0.0e+00;
	vm1 =	vgt.f32 v4, $0.0e+00  }
0x1d8: {  	vm2 =	vgt.f32 v6, $0.0e+00;
	v4 =	vsel vm0, v2, v3;
	v5 =	vsel vm1, $0x2, v1  }
0x1d9: {  	v6 =	vsel vm0, $0x8, v1;
	v8 =	vsel vm2, $0x4, v1;
	[tilespmem:s20+$0x10000] =	vst v4;
	v4 =	vsel vm2, v2, v3  }
0x1da: {  	vm0 =	vgt.f32 v7, $0.0e+00;
	v6 =	vor.u32 v6, v8;
	[tilespmem:s20+$0x10080] =	vst v4;
	v4 =	vsel vm1, v2, v3  }
0x1db: {  	v5 =	vor.u32 v5, v6;
	v6 =	vsel vm0, $0x1, v1;
	[tilespmem:s20+$0x10100] =	vst v4;
	v4 =	vsel vm0, v2, v3  }
0x1dc: {  	s8 =	simm.s32 $0x0;
	[tilespmem:s20+$0x10180] =	vst v4;
	v4 =	vor.u32 v6, v5  }
0x1dd: {  	[tilespmem:s8+$0x1C000] =	vst v4  }
0x1de: {  	v4 =	vld [tilespmem:s20+$0x10010]  }
0x1df: {  	v5 =	vld [tilespmem:s20+$0x10090]  }
0x1e0: {  	v6 =	vld [tilespmem:s20+$0x10110];
	_ =	sdelay $0x1  }
0x1e1: {  	v7 =	vld [tilespmem:s20+$0x10190];
	_ =	sdelay $0x1  }
0x1e2: {  	vm0 =	vgt.f32 v4, $0.0e+00;
	vm1 =	vgt.f32 v5, $0.0e+00  }
0x1e3: {  	v4 =	vsel vm0, v2, v3;
	v5 =	vsel vm0, $0x8, v1;
	vm0 =	vgt.f32 v6, $0.0e+00  }
0x1e4: {  	v6 =	vsel vm1, $0x4, v1;
	[tilespmem:s20+$0x10010] =	vst v4;
	v4 =	vsel vm1, v2, v3;
	v60 =	vsel vm0, v2, v3  }
0x1e5: {  	[tilespmem:s20+$0x10090] =	vst v4;
	v4 =	vor.u32 v5, v6;
	v5 =	vsel vm0, $0x2, v1;
	vm0 =	vgt.f32 v7, $0.0e+00  }
0x1e6: {  	[tilespmem:s20+$0x10110] =	vst v60;
	v4 =	vor.u32 v5, v4;
	v5 =	vsel vm0, v2, v3;
	v6 =	vsel vm0, $0x1, v1  }
0x1e7: {  	[tilespmem:s20+$0x10190] =	vst v5;
	v4 =	vor.u32 v6, v4  }
0x1e8: {  	[tilespmem:s8+$0x1C010] =	vst v4  }
0x1e9: {  	v4 =	vld [tilespmem:s20+$0x10020]  }
0x1ea: {  	v5 =	vld [tilespmem:s20+$0x100A0]  }
0x1eb: {  	v6 =	vld [tilespmem:s20+$0x10120]  }
0x1ec: {  	v7 =	vld [tilespmem:s20+$0x101A0];
	_ =	sdelay $0x2  }
0x1ed: {  	vm0 =	vgt.f32 v4, $0.0e+00;
	vm1 =	vgt.f32 v5, $0.0e+00  }
0x1ee: {  	vm2 =	vgt.f32 v6, $0.0e+00;
	v4 =	vsel vm0, v2, v3;
	v5 =	vsel vm0, $0x8, v1  }
0x1ef: {  	v6 =	vsel vm1, $0x4, v1;
	vm0 =	vgt.f32 v7, $0.0e+00;
	v7 =	vsel vm1, v2, v3;
	[tilespmem:s20+$0x10020] =	vst v4  }
0x1f0: {  	v4 =	vsel vm2, v2, v3;
	v5 =	vor.u32 v5, v6;
	v6 =	vsel vm2, $0x2, v1;
	[tilespmem:s20+$0x100A0] =	vst v7  }
0x1f1: {  	[tilespmem:s20+$0x10120] =	vst v4;
	v4 =	vor.u32 v6, v5;
	v5 =	vsel vm0, v2, v3;
	v6 =	vsel vm0, $0x1, v1  }
0x1f2: {  	[tilespmem:s20+$0x101A0] =	vst v5;
	v4 =	vor.u32 v6, v4  }
0x1f3: {  	[tilespmem:s8+$0x1C020] =	vst v4  }
0x1f4: {  	v4 =	vld [tilespmem:s20+$0x10030]  }
0x1f5: {  	v5 =	vld [tilespmem:s20+$0x100B0]  }
0x1f6: {  	v6 =	vld [tilespmem:s20+$0x10130];
	_ =	sdelay $0x1  }
0x1f7: {  	v7 =	vld [tilespmem:s20+$0x101B0];
	_ =	sdelay $0x1  }
0x1f8: {  	vm0 =	vgt.f32 v4, $0.0e+00;
	vm1 =	vgt.f32 v5, $0.0e+00  }
0x1f9: {  	v4 =	vsel vm0, v2, v3;
	v5 =	vsel vm0, $0x8, v1;
	vm0 =	vgt.f32 v6, $0.0e+00  }
0x1fa: {  	v6 =	vsel vm1, $0x4, v1;
	[tilespmem:s20+$0x10030] =	vst v4;
	v4 =	vsel vm1, v2, v3;
	v61 =	vsel vm0, v2, v3  }
0x1fb: {  	[tilespmem:s20+$0x100B0] =	vst v4;
	v4 =	vor.u32 v5, v6;
	v5 =	vsel vm0, $0x2, v1;
	vm0 =	vgt.f32 v7, $0.0e+00  }
0x1fc: {  	[tilespmem:s20+$0x10130] =	vst v61;
	v4 =	vor.u32 v5, v4;
	v5 =	vsel vm0, v2, v3;
	v6 =	vsel vm0, $0x1, v1  }
0x1fd: {  	[tilespmem:s20+$0x101B0] =	vst v5;
	v4 =	vor.u32 v6, v4  }
0x1fe: {  	[tilespmem:s8+$0x1C030] =	vst v4  }
0x1ff: {  	v4 =	vld [tilespmem:s20+$0x100C0]  }
0x200: {  	v5 =	vld [tilespmem:s20+$0x10040];
	_ =	sdelay $0x1  }
0x201: {  	v6 =	vld [tilespmem:s20+$0x10140]  }
0x202: {  	v7 =	vld [tilespmem:s20+$0x101C0];
	_ =	sdelay $0x1  }
0x203: {  	vm0 =	vgt.f32 v5, $0.0e+00;
	vm1 =	vgt.f32 v4, $0.0e+00  }
0x204: {  	v4 =	vsel vm0, v2, v3;
	v5 =	vsel vm0, $0x8, v1;
	v62 =	vsel vm1, $0x4, v1  }
0x205: {  	vm0 =	vgt.f32 v6, $0.0e+00;
	[tilespmem:s20+$0x10040] =	vst v4;
	v4 =	vsel vm1, v2, v3;
	v5 =	vor.u32 v5, v62  }
0x206: {  	vm1 =	vgt.f32 v7, $0.0e+00;
	v6 =	vsel vm0, $0x2, v1;
	[tilespmem:s20+$0x100C0] =	vst v4;
	v4 =	vsel vm0, v2, v3  }
0x207: {  	v5 =	vor.u32 v6, v5;
	v6 =	vsel vm1, $0x1, v1;
	[tilespmem:s20+$0x10140] =	vst v4;
	v4 =	vsel vm1, v2, v3  }
0x208: {  	[tilespmem:s20+$0x101C0] =	vst v4;
	v4 =	vor.u32 v6, v5  }
0x209: {  	[tilespmem:s8+$0x1C040] =	vst v4  }
0x20a: {  	v4 =	vld [tilespmem:s20+$0x10050]  }
0x20b: {  	v5 =	vld [tilespmem:s20+$0x100D0]  }
0x20c: {  	v6 =	vld [tilespmem:s20+$0x10150];
	_ =	sdelay $0x1  }
0x20d: {  	v7 =	vld [tilespmem:s20+$0x101D0];
	_ =	sdelay $0x1  }
0x20e: {  	vm0 =	vgt.f32 v4, $0.0e+00;
	vm1 =	vgt.f32 v5, $0.0e+00  }
0x20f: {  	v4 =	vsel vm0, v2, v3;
	v5 =	vsel vm0, $0x8, v1;
	vm0 =	vgt.f32 v6, $0.0e+00  }
0x210: {  	v6 =	vsel vm1, $0x4, v1;
	[tilespmem:s20+$0x10050] =	vst v4;
	v4 =	vsel vm1, v2, v3;
	v63 =	vsel vm0, v2, v3  }
0x211: {  	[tilespmem:s20+$0x100D0] =	vst v4;
	v4 =	vor.u32 v5, v6;
	v5 =	vsel vm0, $0x2, v1;
	vm0 =	vgt.f32 v7, $0.0e+00  }
0x212: {  	[tilespmem:s20+$0x10150] =	vst v63;
	v4 =	vor.u32 v5, v4;
	v5 =	vsel vm0, v2, v3;
	v6 =	vsel vm0, $0x1, v1  }
0x213: {  	[tilespmem:s20+$0x101D0] =	vst v5;
	v4 =	vor.u32 v6, v4  }
0x214: {  	[tilespmem:s8+$0x1C050] =	vst v4  }
0x215: {  	v4 =	vld [tilespmem:s20+$0x10060]  }
0x216: {  	v5 =	vld [tilespmem:s20+$0x100E0]  }
0x217: {  	v6 =	vld [tilespmem:s20+$0x10160]  }
0x218: {  	v7 =	vld [tilespmem:s20+$0x101E0];
	_ =	sdelay $0x1  }
0x219: {  	vm0 =	vgt.f32 v4, $0.0e+00  }
0x21a: {  	vm1 =	vgt.f32 v5, $0.0e+00;
	v4 =	vsel vm0, v2, v3;
	v5 =	vsel vm0, $0x8, v1  }
0x21b: {  	vm0 =	vgt.f32 v6, $0.0e+00;
	v6 =	vsel vm1, $0x4, v1;
	[tilespmem:s20+$0x10060] =	vst v4;
	v4 =	vsel vm1, v2, v3  }
0x21c: {  	s17 =	simm.s32 $0x200;
	s22 =	simm.s32 $0x0;
	vm1 =	vgt.f32 v7, $0.0e+00;
	[tilespmem:s20+$0x100E0] =	vst v4;
	v4 =	vor.u32 v5, v6;
	v5 =	vsel vm0, $0x2, v1  }
.LBB2_7:
0x21d: {  	p0 =	sne.s32 s17, $0x7E00;
	v6 =	vsel vm1, v2, v3;
	v4 =	vor.u32 v5, v4;
	v5 =	vsel vm1, $0x1, v1;
	s19 =	sadd.s32 $0x40, s19;
	s22 =	sadd.s32 $0x1000, s22  }
0x21e: {  	v7 =	vsel vm0, v2, v3;
	s3 =	smov.u32 s17;
	s17 =	sadd.s32 $0x200, s17;
	[tilespmem:s20+$0x101E0] =	vst v6;
	v4 =	vor.u32 v5, v4  }
0x21f: {  	[tilespmem:s20+$0x10160] =	vst v7  }
0x220: {  	[tilespmem:s8+$0x1C060] =	vst v4  }
0x221: {  	v4 =	vld [tilespmem:s20+$0x10070]  }
0x222: {  	v5 =	vld [tilespmem:s20+$0x10170]  }
0x223: {  	v6 =	vld [tilespmem:s20+$0x100F0]  }
0x224: {  	v7 =	vld [tilespmem:s20+$0x101F0];
	_ =	sdelay $0x1  }
0x225: {  	vm0 =	vgt.f32 v4, $0.0e+00  }
0x226: {  	vm1 =	vgt.f32 v5, $0.0e+00;
	v4 =	vsel vm0, v2, v3;
	v5 =	vsel vm0, $0x8, v1  }
0x227: {  	vm0 =	vgt.f32 v6, $0.0e+00;
	[tilespmem:s20+$0x10070] =	vst v4;
	v4 =	vsel vm1, v2, v3  }
0x228: {  	v8 =	vsel vm1, $0x2, v1;
	v6 =	vsel vm0, v2, v3;
	[tilespmem:s20+$0x10170] =	vst v4;
	v4 =	vsel vm0, $0x4, v1  }
0x229: {  	vm0 =	vgt.f32 v7, $0.0e+00;
	[tilespmem:s20+$0x100F0] =	vst v6;
	v4 =	vor.u32 v5, v4  }
0x22a: {  	v5 =	vsel vm0, v2, v3;
	v6 =	vsel vm0, $0x1, v1;
	v4 =	vor.u32 v8, v4  }
0x22b: {  	s21 =	sand.u32 $0x7000, s22;
	s15 =	sand.u32 $0xE00, s19;
	[tilespmem:s20+$0x101F0] =	vst v5;
	v4 =	vor.u32 v6, v4  }
0x22c: {  	s20 =	sor.u32 s15, s21;
	[tilespmem:s8+$0x1C070] =	vst v4  }
0x22d: {  	v4 =	vld [tilespmem:s20+$0x10100]  }
0x22e: {  	v5 =	vld [tilespmem:s20+$0x10000]  }
0x22f: {  	v6 =	vld [tilespmem:s20+$0x10080];
	_ =	sdelay $0x1  }
0x230: {  	v7 =	vld [tilespmem:s20+$0x10180];
	_ =	sdelay $0x1  }
0x231: {  	vm1 =	vgt.f32 v4, $0.0e+00;
	vm0 =	vgt.f32 v5, $0.0e+00  }
0x232: {  	v5 =	vsel vm1, $0x2, v1;
	vm2 =	vgt.f32 v6, $0.0e+00;
	v4 =	vsel vm0, v2, v3  }
0x233: {  	v6 =	vsel vm0, $0x8, v1;
	[tilespmem:s20+$0x10000] =	vst v4;
	v4 =	vsel vm2, v2, v3;
	v8 =	vsel vm2, $0x4, v1  }
0x234: {  	vm0 =	vgt.f32 v7, $0.0e+00;
	[tilespmem:s20+$0x10080] =	vst v4;
	v4 =	vsel vm1, v2, v3;
	v6 =	vor.u32 v6, v8  }
0x235: {  	[tilespmem:s20+$0x10100] =	vst v4;
	v4 =	vsel vm0, v2, v3;
	v5 =	vor.u32 v5, v6;
	v6 =	vsel vm0, $0x1, v1  }
0x236: {  	s8 =	sshra.s32 s3, $0x2;
	[tilespmem:s20+$0x10180] =	vst v4;
	v4 =	vor.u32 v6, v5  }
0x237: {  	[tilespmem:s8+$0x1C000] =	vst v4  }
0x238: {  	v4 =	vld [tilespmem:s20+$0x10010]  }
0x239: {  	v5 =	vld [tilespmem:s20+$0x10090]  }
0x23a: {  	v6 =	vld [tilespmem:s20+$0x10110]  }
0x23b: {  	v7 =	vld [tilespmem:s20+$0x10190];
	_ =	sdelay $0x1  }
0x23c: {  	vm0 =	vgt.f32 v4, $0.0e+00  }
0x23d: {  	vm1 =	vgt.f32 v5, $0.0e+00;
	v4 =	vsel vm0, v2, v3;
	v5 =	vsel vm0, $0x8, v1  }
0x23e: {  	vm0 =	vgt.f32 v6, $0.0e+00;
	[tilespmem:s20+$0x10010] =	vst v4;
	v4 =	vsel vm1, v2, v3;
	v6 =	vsel vm1, $0x4, v1  }
0x23f: {  	[tilespmem:s20+$0x10090] =	vst v4;
	v4 =	vsel vm0, v2, v3;
	v5 =	vor.u32 v5, v6;
	v6 =	vsel vm0, $0x2, v1  }
0x240: {  	vm0 =	vgt.f32 v7, $0.0e+00;
	[tilespmem:s20+$0x10110] =	vst v4;
	v4 =	vor.u32 v6, v5  }
0x241: {  	v5 =	vsel vm0, v2, v3;
	v6 =	vsel vm0, $0x1, v1  }
0x242: {  	v4 =	vor.u32 v6, v4;
	[tilespmem:s20+$0x10190] =	vst v5  }
0x243: {  	[tilespmem:s8+$0x1C010] =	vst v4  }
0x244: {  	v4 =	vld [tilespmem:s20+$0x10020]  }
0x245: {  	v5 =	vld [tilespmem:s20+$0x100A0]  }
0x246: {  	v6 =	vld [tilespmem:s20+$0x10120]  }
0x247: {  	v7 =	vld [tilespmem:s20+$0x101A0];
	_ =	sdelay $0x1  }
0x248: {  	vm0 =	vgt.f32 v4, $0.0e+00  }
0x249: {  	vm1 =	vgt.f32 v5, $0.0e+00;
	v4 =	vsel vm0, v2, v3  }
0x24a: {  	vm2 =	vgt.f32 v6, $0.0e+00;
	[tilespmem:s20+$0x10020] =	vst v4;
	v4 =	vsel vm0, $0x8, v1;
	v5 =	vsel vm1, $0x4, v1  }
0x24b: {  	v6 =	vsel vm2, v2, v3;
	v4 =	vor.u32 v4, v5;
	v5 =	vsel vm2, $0x2, v1  }
0x24c: {  	vm0 =	vgt.f32 v7, $0.0e+00;
	v7 =	vsel vm1, v2, v3;
	[tilespmem:s20+$0x10120] =	vst v6;
	v4 =	vor.u32 v5, v4  }
0x24d: {  	v5 =	vsel vm0, v2, v3;
	v6 =	vsel vm0, $0x1, v1;
	[tilespmem:s20+$0x100A0] =	vst v7  }
0x24e: {  	v4 =	vor.u32 v6, v4;
	[tilespmem:s20+$0x101A0] =	vst v5  }
0x24f: {  	[tilespmem:s8+$0x1C020] =	vst v4  }
0x250: {  	v4 =	vld [tilespmem:s20+$0x10030]  }
0x251: {  	v5 =	vld [tilespmem:s20+$0x100B0]  }
0x252: {  	v6 =	vld [tilespmem:s20+$0x10130]  }
0x253: {  	v7 =	vld [tilespmem:s20+$0x101B0];
	_ =	sdelay $0x1  }
0x254: {  	vm0 =	vgt.f32 v4, $0.0e+00  }
0x255: {  	vm1 =	vgt.f32 v5, $0.0e+00;
	v4 =	vsel vm0, v2, v3;
	v5 =	vsel vm0, $0x8, v1  }
0x256: {  	vm0 =	vgt.f32 v6, $0.0e+00;
	[tilespmem:s20+$0x10030] =	vst v4;
	v4 =	vsel vm1, v2, v3;
	v6 =	vsel vm1, $0x4, v1  }
0x257: {  	[tilespmem:s20+$0x100B0] =	vst v4;
	v4 =	vsel vm0, v2, v3;
	v5 =	vor.u32 v5, v6;
	v6 =	vsel vm0, $0x2, v1  }
0x258: {  	vm0 =	vgt.f32 v7, $0.0e+00;
	[tilespmem:s20+$0x10130] =	vst v4;
	v4 =	vor.u32 v6, v5  }
0x259: {  	v5 =	vsel vm0, v2, v3;
	v6 =	vsel vm0, $0x1, v1  }
0x25a: {  	v4 =	vor.u32 v6, v4;
	[tilespmem:s20+$0x101B0] =	vst v5  }
0x25b: {  	[tilespmem:s8+$0x1C030] =	vst v4  }
0x25c: {  	v4 =	vld [tilespmem:s20+$0x100C0]  }
0x25d: {  	v5 =	vld [tilespmem:s20+$0x10040]  }
0x25e: {  	v6 =	vld [tilespmem:s20+$0x10140]  }
0x25f: {  	v7 =	vld [tilespmem:s20+$0x101C0];
	_ =	sdelay $0x2  }
0x260: {  	vm1 =	vgt.f32 v4, $0.0e+00;
	vm0 =	vgt.f32 v5, $0.0e+00  }
0x261: {  	v8 =	vsel vm1, $0x4, v1;
	v4 =	vsel vm0, v2, v3;
	v5 =	vsel vm0, $0x8, v1  }
0x262: {  	vm0 =	vgt.f32 v6, $0.0e+00;
	[tilespmem:s20+$0x10040] =	vst v4;
	v4 =	vsel vm1, v2, v3;
	v5 =	vor.u32 v5, v8  }
0x263: {  	vm1 =	vgt.f32 v7, $0.0e+00;
	v6 =	vsel vm0, $0x2, v1;
	[tilespmem:s20+$0x100C0] =	vst v4;
	v4 =	vsel vm0, v2, v3  }
0x264: {  	v5 =	vor.u32 v6, v5;
	v6 =	vsel vm1, $0x1, v1;
	[tilespmem:s20+$0x10140] =	vst v4;
	v4 =	vsel vm1, v2, v3  }
0x265: {  	[tilespmem:s20+$0x101C0] =	vst v4;
	v4 =	vor.u32 v6, v5  }
0x266: {  	[tilespmem:s8+$0x1C040] =	vst v4  }
0x267: {  	v4 =	vld [tilespmem:s20+$0x10050]  }
0x268: {  	v5 =	vld [tilespmem:s20+$0x100D0]  }
0x269: {  	v6 =	vld [tilespmem:s20+$0x10150]  }
0x26a: {  	v7 =	vld [tilespmem:s20+$0x101D0];
	_ =	sdelay $0x1  }
0x26b: {  	vm0 =	vgt.f32 v4, $0.0e+00  }
0x26c: {  	vm1 =	vgt.f32 v5, $0.0e+00;
	v4 =	vsel vm0, v2, v3;
	v5 =	vsel vm0, $0x8, v1  }
0x26d: {  	vm0 =	vgt.f32 v6, $0.0e+00;
	[tilespmem:s20+$0x10050] =	vst v4;
	v4 =	vsel vm1, v2, v3;
	v6 =	vsel vm1, $0x4, v1  }
0x26e: {  	[tilespmem:s20+$0x100D0] =	vst v4;
	v4 =	vsel vm0, v2, v3;
	v5 =	vor.u32 v5, v6;
	v6 =	vsel vm0, $0x2, v1  }
0x26f: {  	vm0 =	vgt.f32 v7, $0.0e+00;
	[tilespmem:s20+$0x10150] =	vst v4;
	v4 =	vor.u32 v6, v5  }
0x270: {  	v5 =	vsel vm0, v2, v3;
	v6 =	vsel vm0, $0x1, v1  }
0x271: {  	v4 =	vor.u32 v6, v4;
	[tilespmem:s20+$0x101D0] =	vst v5  }
0x272: {  	[tilespmem:s8+$0x1C050] =	vst v4  }
0x273: {  	v4 =	vld [tilespmem:s20+$0x10060]  }
0x274: {  	v5 =	vld [tilespmem:s20+$0x100E0]  }
0x275: {  	v6 =	vld [tilespmem:s20+$0x10160]  }
0x276: {  	v7 =	vld [tilespmem:s20+$0x101E0]  }
.Ltmp2:
0x277: {  	(pc) =	sbr.rel @p0 .LBB2_7-.Ltmp2, $4  }
0x278: {  	vm0 =	vgt.f32 v4, $0.0e+00  }
0x279: {  	vm1 =	vgt.f32 v5, $0.0e+00;
	v4 =	vsel vm0, v2, v3;
	v5 =	vsel vm0, $0x8, v1  }
0x27a: {  	vm0 =	vgt.f32 v6, $0.0e+00;
	[tilespmem:s20+$0x10060] =	vst v4;
	v4 =	vsel vm1, v2, v3;
	v6 =	vsel vm1, $0x4, v1  }
0x27b: {  	vm1 =	vgt.f32 v7, $0.0e+00;
	[tilespmem:s20+$0x100E0] =	vst v4;
	v4 =	vor.u32 v5, v6;
	v5 =	vsel vm0, $0x2, v1  }
0x27c: {  	v6 =	vsel vm1, v2, v3  }
0x27d: {  	v4 =	vor.u32 v5, v4;
	v5 =	vsel vm1, $0x1, v1;
	v7 =	vsel vm0, v2, v3;
	[tilespmem:s20+$0x101E0] =	vst v6  }
0x27e: {  	v4 =	vor.u32 v5, v4;
	[tilespmem:s20+$0x10160] =	vst v7  }
0x27f: {  	[tilespmem:s8+$0x1C060] =	vst v4  }
0x280: {  	v4 =	vld [tilespmem:s20+$0x10070]  }
0x281: {  	v5 =	vld [tilespmem:s20+$0x10170]  }
0x282: {  	v61 =	vld [tilespmem:s20+$0x100F0]  }
0x283: {  	v62 =	vld [tilespmem:s20+$0x101F0];
	_ =	sdelay $0x3  }
0x284: {  	vm12 =	vgt.f32 v4, $0.0e+00;
	vm13 =	vgt.f32 v5, $0.0e+00  }
0x285: {  	vm14 =	vgt.f32 v61, $0.0e+00;
	vm15 =	vgt.f32 v62, $0.0e+00;
	v4 =	vsel vm12, v2, v3  }
0x286: {  	v5 =	vsel vm12, $0x8, v1;
	v8 =	vsel vm14, $0x4, v1;
	[tilespmem:s20+$0x10070] =	vst v4;
	v4 =	vsel vm13, v2, v3  }
0x287: {  	v6 =	vsel vm14, v2, v3;
	v5 =	vor.u32 v5, v8;
	[tilespmem:s20+$0x10170] =	vst v4;
	v4 =	vsel vm13, $0x2, v1  }
0x288: {  	v63 =	vsel vm15, v2, v3;
	[tilespmem:s20+$0x100F0] =	vst v6;
	v4 =	vor.u32 v4, v5;
	v5 =	vsel vm15, $0x1, v1  }
0x289: {  	[tilespmem:s20+$0x101F0] =	vst v63;
	v4 =	vor.u32 v5, v4  }
0x28a: {  	s3 =	sadd.s32 s5, s18;
	s20 =	sshll.u32 s16, $0xA;
	[tilespmem:s8+$0x1C070] =	vst v4  }
0x28b: {  	[hbm4b:s3+s7] =	stream.linear.scatter [tilespmem:s25], [sflag:$0x6], $0x8000, $0x38;
	[tilespmem:$0x1E100] =	vst v63  }
0x28c: {  	s21 =	sadd.s32 s6, s20  }
0x28d: {  	[hbm4b:s21+s7] =	stream.linear.scatter [tilespmem:s4], [sflag:$0x6], $0x2000, $0x38;
	[tilespmem:$0x1E100] =	vst v63  }
0x28e: {  	s22 =	sadd.s32 s20, s12;
	s3 =	sor.u32 $0x100000, s20  }
0x28f: {  	[hbm4b:s22+s7] =	stream.linear.scatter [tilespmem:s4], [sflag:$0x6], $0x2000, $0x38;
	[tilespmem:$0x1E100] =	vst v63  }
0x290: {  	s3 =	sadd.s32 s6, s3  }
0x291: {  	[hbm4b:s3+s7] =	stream.linear.scatter [tilespmem:s4], [sflag:$0x6], $0x2000, $0x38;
	[tilespmem:$0x1E100] =	vst v63  }
0x292: {  	_ =	swait.ge [sflag:s2], $0x8000  }
0x293: {  	[sflag:s2] =	ssyncset.done $0x0  }
0x294: {  	[sflag:s2] =	ssyncadd.s32 $0xFFFF8000  }
0x295: {  	_ =	swait.ge [sflag:s2], $0x2000  }
0x296: {  	[sflag:s2] =	ssyncset.done $0x0  }
0x297: {  	[sflag:s2] =	ssyncadd.s32 $0xFFFFE000  }
0x298: {  	p0 =	seq.s32 s23, $0x4;
	_ =	swait.ge [sflag:s2], $0x2000  }
.Ltmp3:
0x299: {  	[sflag:s2] =	ssyncset.done $0x0;
	(pc) =	sbr.rel @p0 .LBB2_10-.Ltmp3, $4  }
0x29a: {  	[sflag:s2] =	ssyncadd.s32 $0xFFFFE000  }
0x29b: {  	_ =	swait.ge [sflag:s2], $0x2000  }
0x29c: {  	[sflag:s2] =	ssyncset.done $0x0  }
0x29d: {  	[sflag:s2] =	ssyncadd.s32 $0xFFFFE000  }
0x29e: {  	s3 =	rddreg [dreg:$0x8]  }
.Ltmp4:
0x29f: {  	s3 =	sadd.s32 s10, s3;
	(pc) =	sbr.rel .LBB2_2-.Ltmp4, $4  }
0x2a0: {  	s3 =	sshll.u32 s3, $0xC  }
0x2a1: {  	s3 =	sand.u32 $0x1FFFF000, s3  }
0x2a2: {  	s23 =	sadd.s32 $0x1, s23;
	s3 =	sadd.s32 s1, s3  }
0x2a3: {  	[tilespmem:s24], [sflag:$0x2] =	stream.linear.gather [hbm4b:s3+s7], $0x8000, $0x38;
	[tilespmem:$0x1E100] =	vst v63  }
.LBB2_10:
0x2a4: {  	_ =	swait.ge [sflag:s26], $0x8000;
	s16 =	simm.s32 $0x0  }
0x2a5: {  	[sflag:s26] =	ssyncset.done $0x0;
	s3 =	sand.u32 $0x7000, s16;
	s8 =	sand.u32 $0xE00, s16  }
0x2a6: {  	[sflag:s26] =	ssyncadd.s32 $0xFFFF8000;
	s10 =	sor.u32 s8, s3  }
0x2a7: {  	v4 =	vld [tilespmem:s10+$0x100]  }
0x2a8: {  	v5 =	vld [tilespmem:s10+$0x0]  }
0x2a9: {  	v6 =	vld [tilespmem:s10+$0x80];
	_ =	sdelay $0x1  }
0x2aa: {  	v7 =	vld [tilespmem:s10+$0x180];
	_ =	sdelay $0x1  }
0x2ab: {  	vm0 =	vgt.f32 v5, $0.0e+00;
	vm1 =	vgt.f32 v4, $0.0e+00  }
0x2ac: {  	vm2 =	vgt.f32 v6, $0.0e+00;
	v4 =	vsel vm1, v2, v3;
	v5 =	vsel vm1, $0x2, v1  }
0x2ad: {  	v6 =	vsel vm0, v2, v3;
	v8 =	vsel vm2, $0x4, v1;
	[tilespmem:s10+$0x100] =	vst v4;
	v4 =	vsel vm0, $0x8, v1  }
0x2ae: {  	vm0 =	vgt.f32 v7, $0.0e+00;
	[tilespmem:s10+$0x0] =	vst v6;
	v6 =	vsel vm2, v2, v3;
	v4 =	vor.u32 v4, v8  }
0x2af: {  	v7 =	vsel vm0, v2, v3;
	[tilespmem:s10+$0x80] =	vst v6;
	v4 =	vor.u32 v5, v4;
	v5 =	vsel vm0, $0x1, v1  }
0x2b0: {  	s8 =	simm.s32 $0x18040;
	[tilespmem:s10+$0x180] =	vst v7;
	v4 =	vor.u32 v5, v4  }
0x2b1: {  	[tilespmem:s8+$0xFFFFFFC0] =	vst v4  }
0x2b2: {  	v4 =	vld [tilespmem:s10+$0x110]  }
0x2b3: {  	v5 =	vld [tilespmem:s10+$0x190]  }
0x2b4: {  	v6 =	vld [tilespmem:s10+$0x10]  }
0x2b5: {  	v7 =	vld [tilespmem:s10+$0x90];
	_ =	sdelay $0x3  }
0x2b6: {  	vm0 =	vgt.f32 v4, $0.0e+00;
	vm1 =	vgt.f32 v5, $0.0e+00  }
0x2b7: {  	vm2 =	vgt.f32 v6, $0.0e+00;
	vm3 =	vgt.f32 v7, $0.0e+00;
	v4 =	vsel vm0, v2, v3  }
0x2b8: {  	v5 =	vsel vm2, $0x8, v1;
	v6 =	vsel vm3, $0x4, v1;
	[tilespmem:s10+$0x110] =	vst v4;
	v4 =	vsel vm1, v2, v3  }
0x2b9: {  	v5 =	vor.u32 v5, v6;
	v6 =	vsel vm0, $0x2, v1;
	[tilespmem:s10+$0x190] =	vst v4;
	v4 =	vsel vm2, v2, v3  }
0x2ba: {  	v5 =	vor.u32 v6, v5;
	v6 =	vsel vm1, $0x1, v1;
	[tilespmem:s10+$0x10] =	vst v4;
	v4 =	vsel vm3, v2, v3  }
0x2bb: {  	[tilespmem:s10+$0x90] =	vst v4;
	v4 =	vor.u32 v6, v5  }
0x2bc: {  	[tilespmem:s8+$0xFFFFFFD0] =	vst v4  }
0x2bd: {  	v4 =	vld [tilespmem:s10+$0x20]  }
0x2be: {  	v5 =	vld [tilespmem:s10+$0xA0]  }
0x2bf: {  	v6 =	vld [tilespmem:s10+$0x120];
	_ =	sdelay $0x1  }
0x2c0: {  	v7 =	vld [tilespmem:s10+$0x1A0];
	_ =	sdelay $0x1  }
0x2c1: {  	vm0 =	vgt.f32 v4, $0.0e+00;
	vm1 =	vgt.f32 v5, $0.0e+00  }
0x2c2: {  	v4 =	vsel vm0, v2, v3;
	v5 =	vsel vm0, $0x8, v1;
	vm0 =	vgt.f32 v6, $0.0e+00  }
0x2c3: {  	v6 =	vsel vm1, $0x4, v1;
	[tilespmem:s10+$0x20] =	vst v4;
	v4 =	vsel vm1, v2, v3;
	v8 =	vsel vm0, v2, v3  }
0x2c4: {  	[tilespmem:s10+$0xA0] =	vst v4;
	v4 =	vor.u32 v5, v6;
	v5 =	vsel vm0, $0x2, v1;
	vm0 =	vgt.f32 v7, $0.0e+00  }
0x2c5: {  	[tilespmem:s10+$0x120] =	vst v8;
	v4 =	vor.u32 v5, v4;
	v5 =	vsel vm0, v2, v3;
	v6 =	vsel vm0, $0x1, v1  }
0x2c6: {  	[tilespmem:s10+$0x1A0] =	vst v5;
	v4 =	vor.u32 v6, v4  }
0x2c7: {  	[tilespmem:s8+$0xFFFFFFE0] =	vst v4  }
0x2c8: {  	v4 =	vld [tilespmem:s10+$0xB0]  }
0x2c9: {  	v5 =	vld [tilespmem:s10+$0x1B0]  }
0x2ca: {  	v6 =	vld [tilespmem:s10+$0x30]  }
0x2cb: {  	v7 =	vld [tilespmem:s10+$0x130];
	_ =	sdelay $0x2  }
0x2cc: {  	vm0 =	vgt.f32 v4, $0.0e+00;
	vm1 =	vgt.f32 v5, $0.0e+00  }
0x2cd: {  	vm2 =	vgt.f32 v6, $0.0e+00;
	v4 =	vsel vm0, v2, v3;
	v5 =	vsel vm0, $0x4, v1  }
0x2ce: {  	vm0 =	vgt.f32 v7, $0.0e+00;
	v6 =	vsel vm2, v2, v3;
	[tilespmem:s10+$0xB0] =	vst v4;
	v4 =	vsel vm2, $0x8, v1  }
0x2cf: {  	[tilespmem:s10+$0x30] =	vst v6;
	v6 =	vsel vm1, v2, v3;
	v4 =	vor.u32 v4, v5;
	v5 =	vsel vm0, $0x2, v1  }
0x2d0: {  	v7 =	vsel vm0, v2, v3;
	[tilespmem:s10+$0x1B0] =	vst v6;
	v4 =	vor.u32 v5, v4;
	v5 =	vsel vm1, $0x1, v1  }
0x2d1: {  	[tilespmem:s10+$0x130] =	vst v7;
	v4 =	vor.u32 v5, v4  }
0x2d2: {  	[tilespmem:s8+$0xFFFFFFF0] =	vst v4  }
0x2d3: {  	v4 =	vld [tilespmem:s10+$0x40]  }
0x2d4: {  	v5 =	vld [tilespmem:s10+$0xC0]  }
0x2d5: {  	v6 =	vld [tilespmem:s10+$0x140];
	_ =	sdelay $0x1  }
0x2d6: {  	v7 =	vld [tilespmem:s10+$0x1C0];
	_ =	sdelay $0x1  }
0x2d7: {  	vm0 =	vgt.f32 v4, $0.0e+00;
	vm1 =	vgt.f32 v5, $0.0e+00  }
0x2d8: {  	v4 =	vsel vm0, v2, v3;
	v5 =	vsel vm0, $0x8, v1;
	vm0 =	vgt.f32 v6, $0.0e+00  }
0x2d9: {  	v6 =	vsel vm1, $0x4, v1;
	[tilespmem:s10+$0x40] =	vst v4;
	v4 =	vsel vm1, v2, v3;
	v8 =	vsel vm0, v2, v3  }
0x2da: {  	[tilespmem:s10+$0xC0] =	vst v4;
	v4 =	vor.u32 v5, v6;
	v5 =	vsel vm0, $0x2, v1;
	vm0 =	vgt.f32 v7, $0.0e+00  }
0x2db: {  	[tilespmem:s10+$0x140] =	vst v8;
	v4 =	vor.u32 v5, v4;
	v5 =	vsel vm0, v2, v3;
	v6 =	vsel vm0, $0x1, v1  }
0x2dc: {  	[tilespmem:s10+$0x1C0] =	vst v5;
	v4 =	vor.u32 v6, v4  }
0x2dd: {  	[tilespmem:s8+$0x0] =	vst v4  }
0x2de: {  	v4 =	vld [tilespmem:s10+$0x50]  }
0x2df: {  	v5 =	vld [tilespmem:s10+$0xD0]  }
0x2e0: {  	v6 =	vld [tilespmem:s10+$0x150];
	_ =	sdelay $0x1  }
0x2e1: {  	v7 =	vld [tilespmem:s10+$0x1D0];
	_ =	sdelay $0x1  }
0x2e2: {  	vm0 =	vgt.f32 v4, $0.0e+00;
	vm1 =	vgt.f32 v5, $0.0e+00  }
0x2e3: {  	v4 =	vsel vm0, v2, v3;
	v5 =	vsel vm0, $0x8, v1;
	vm0 =	vgt.f32 v6, $0.0e+00  }
0x2e4: {  	v6 =	vsel vm1, $0x4, v1;
	[tilespmem:s10+$0x50] =	vst v4;
	v4 =	vsel vm1, v2, v3;
	v8 =	vsel vm0, v2, v3  }
0x2e5: {  	[tilespmem:s10+$0xD0] =	vst v4;
	v4 =	vor.u32 v5, v6;
	v5 =	vsel vm0, $0x2, v1;
	vm0 =	vgt.f32 v7, $0.0e+00  }
0x2e6: {  	[tilespmem:s10+$0x150] =	vst v8;
	v4 =	vor.u32 v5, v4;
	v5 =	vsel vm0, v2, v3;
	v6 =	vsel vm0, $0x1, v1  }
0x2e7: {  	[tilespmem:s10+$0x1D0] =	vst v5;
	v4 =	vor.u32 v6, v4  }
0x2e8: {  	[tilespmem:s8+$0x10] =	vst v4  }
0x2e9: {  	v4 =	vld [tilespmem:s10+$0x60];
	_ =	sdelay $0x2  }
0x2ea: {  	v5 =	vld [tilespmem:s10+$0xE0]  }
0x2eb: {  	v6 =	vld [tilespmem:s10+$0x160]  }
0x2ec: {  	vm1 =	vgt.f32 v4, $0.0e+00;
	v4 =	vld [tilespmem:s10+$0x1E0];
	_ =	sdelay $0x2  }
0x2ed: {  	s18 =	simm.s32 $0x1000;
	s17 =	simm.s32 $0x18040;
	vm0 =	vgt.f32 v5, $0.0e+00;
	v5 =	vsel vm1, v2, v3;
	v7 =	vsel vm1, $0x8, v1  }
.LBB2_11:
0x2ee: {  	p0 =	sne.s32 s18, $0x3F000;
	vm1 =	vgt.f32 v6, $0.0e+00;
	v6 =	vsel vm0, $0x4, v1;
	s16 =	sadd.s32 $0x40, s16;
	s8 =	sadd.s32 $0x80, s8  }
0x2ef: {  	s3 =	smov.u32 s18;
	s18 =	sadd.s32 $0x1000, s18;
	vm2 =	vgt.f32 v4, $0.0e+00;
	v4 =	vor.u32 v7, v6;
	v6 =	vsel vm1, $0x2, v1  }
0x2f0: {  	[tilespmem:s10+$0x60] =	vst v5;
	v5 =	vsel vm0, v2, v3;
	v7 =	vsel vm2, v2, v3;
	v4 =	vor.u32 v6, v4  }
0x2f1: {  	v6 =	vsel vm2, $0x1, v1;
	[tilespmem:s10+$0xE0] =	vst v5;
	v5 =	vsel vm1, v2, v3  }
0x2f2: {  	v4 =	vor.u32 v6, v4;
	[tilespmem:s10+$0x1E0] =	vst v7  }
0x2f3: {  	[tilespmem:s10+$0x160] =	vst v5  }
0x2f4: {  	[tilespmem:s17+$0x20] =	vst v4  }
0x2f5: {  	v4 =	vld [tilespmem:s10+$0x70]  }
0x2f6: {  	v5 =	vld [tilespmem:s10+$0xF0]  }
0x2f7: {  	v6 =	vld [tilespmem:s10+$0x170]  }
0x2f8: {  	v7 =	vld [tilespmem:s10+$0x1F0];
	_ =	sdelay $0x1  }
0x2f9: {  	vm0 =	vgt.f32 v4, $0.0e+00  }
0x2fa: {  	vm1 =	vgt.f32 v5, $0.0e+00;
	v4 =	vsel vm0, v2, v3;
	v5 =	vsel vm0, $0x8, v1  }
0x2fb: {  	vm0 =	vgt.f32 v6, $0.0e+00;
	[tilespmem:s10+$0x70] =	vst v4;
	v4 =	vsel vm1, v2, v3;
	v6 =	vsel vm1, $0x4, v1  }
0x2fc: {  	vm1 =	vgt.f32 v7, $0.0e+00;
	[tilespmem:s10+$0xF0] =	vst v4;
	v4 =	vor.u32 v5, v6;
	v5 =	vsel vm0, $0x2, v1  }
0x2fd: {  	v6 =	vsel vm0, v2, v3;
	v4 =	vor.u32 v5, v4;
	v5 =	vsel vm1, $0x1, v1  }
0x2fe: {  	[tilespmem:s10+$0x170] =	vst v6;
	v6 =	vsel vm1, v2, v3;
	v4 =	vor.u32 v5, v4  }
0x2ff: {  	s3 =	sand.u32 $0x7000, s3;
	s15 =	sand.u32 $0xE00, s16;
	[tilespmem:s10+$0x1F0] =	vst v6  }
0x300: {  	s10 =	sor.u32 s15, s3;
	[tilespmem:s17+$0x30] =	vst v4;
	s17 =	smov.u32 s8  }
0x301: {  	v4 =	vld [tilespmem:s10+$0x100]  }
0x302: {  	v5 =	vld [tilespmem:s10+$0x0]  }
0x303: {  	v6 =	vld [tilespmem:s10+$0x80];
	_ =	sdelay $0x1  }
0x304: {  	v7 =	vld [tilespmem:s10+$0x180];
	_ =	sdelay $0x1  }
0x305: {  	vm1 =	vgt.f32 v4, $0.0e+00;
	vm0 =	vgt.f32 v5, $0.0e+00  }
0x306: {  	v4 =	vsel vm1, v2, v3;
	v5 =	vsel vm1, $0x2, v1;
	vm2 =	vgt.f32 v6, $0.0e+00  }
0x307: {  	v6 =	vsel vm0, v2, v3;
	[tilespmem:s10+$0x100] =	vst v4;
	v4 =	vsel vm0, $0x8, v1;
	v8 =	vsel vm2, $0x4, v1  }
0x308: {  	vm0 =	vgt.f32 v7, $0.0e+00;
	[tilespmem:s10+$0x0] =	vst v6;
	v4 =	vor.u32 v4, v8  }
0x309: {  	v6 =	vsel vm2, v2, v3;
	v7 =	vsel vm0, v2, v3;
	v4 =	vor.u32 v5, v4  }
0x30a: {  	v5 =	vsel vm0, $0x1, v1;
	[tilespmem:s10+$0x80] =	vst v6  }
0x30b: {  	v4 =	vor.u32 v5, v4;
	[tilespmem:s10+$0x180] =	vst v7  }
0x30c: {  	[tilespmem:s8+$0xFFFFFFC0] =	vst v4  }
0x30d: {  	v4 =	vld [tilespmem:s10+$0x110]  }
0x30e: {  	v5 =	vld [tilespmem:s10+$0x190]  }
0x30f: {  	v6 =	vld [tilespmem:s10+$0x10]  }
0x310: {  	v7 =	vld [tilespmem:s10+$0x90];
	_ =	sdelay $0x1  }
0x311: {  	vm0 =	vgt.f32 v4, $0.0e+00  }
0x312: {  	vm1 =	vgt.f32 v5, $0.0e+00;
	v4 =	vsel vm0, v2, v3  }
0x313: {  	vm2 =	vgt.f32 v6, $0.0e+00;
	[tilespmem:s10+$0x110] =	vst v4;
	v4 =	vsel vm1, v2, v3  }
0x314: {  	vm3 =	vgt.f32 v7, $0.0e+00;
	v5 =	vsel vm2, v2, v3;
	[tilespmem:s10+$0x190] =	vst v4;
	v4 =	vsel vm2, $0x8, v1  }
0x315: {  	[tilespmem:s10+$0x10] =	vst v5;
	v5 =	vsel vm3, $0x4, v1  }
0x316: {  	v4 =	vor.u32 v4, v5;
	v5 =	vsel vm0, $0x2, v1  }
0x317: {  	v6 =	vsel vm3, v2, v3;
	v4 =	vor.u32 v5, v4;
	v5 =	vsel vm1, $0x1, v1  }
0x318: {  	[tilespmem:s10+$0x90] =	vst v6;
	v4 =	vor.u32 v5, v4  }
0x319: {  	[tilespmem:s8+$0xFFFFFFD0] =	vst v4  }
0x31a: {  	v4 =	vld [tilespmem:s10+$0x20]  }
0x31b: {  	v5 =	vld [tilespmem:s10+$0xA0]  }
0x31c: {  	v6 =	vld [tilespmem:s10+$0x120]  }
0x31d: {  	v7 =	vld [tilespmem:s10+$0x1A0];
	_ =	sdelay $0x1  }
0x31e: {  	vm0 =	vgt.f32 v4, $0.0e+00  }
0x31f: {  	vm1 =	vgt.f32 v5, $0.0e+00;
	v4 =	vsel vm0, v2, v3;
	v5 =	vsel vm0, $0x8, v1  }
0x320: {  	vm0 =	vgt.f32 v6, $0.0e+00;
	[tilespmem:s10+$0x20] =	vst v4;
	v4 =	vsel vm1, v2, v3;
	v6 =	vsel vm1, $0x4, v1  }
0x321: {  	[tilespmem:s10+$0xA0] =	vst v4;
	v4 =	vsel vm0, v2, v3;
	v5 =	vor.u32 v5, v6;
	v6 =	vsel vm0, $0x2, v1  }
0x322: {  	vm0 =	vgt.f32 v7, $0.0e+00;
	[tilespmem:s10+$0x120] =	vst v4;
	v4 =	vor.u32 v6, v5  }
0x323: {  	v5 =	vsel vm0, v2, v3;
	v6 =	vsel vm0, $0x1, v1  }
0x324: {  	v4 =	vor.u32 v6, v4;
	[tilespmem:s10+$0x1A0] =	vst v5  }
0x325: {  	[tilespmem:s8+$0xFFFFFFE0] =	vst v4  }
0x326: {  	v4 =	vld [tilespmem:s10+$0xB0]  }
0x327: {  	v5 =	vld [tilespmem:s10+$0x1B0]  }
0x328: {  	v6 =	vld [tilespmem:s10+$0x30]  }
0x329: {  	v7 =	vld [tilespmem:s10+$0x130];
	_ =	sdelay $0x2  }
0x32a: {  	vm0 =	vgt.f32 v4, $0.0e+00;
	vm1 =	vgt.f32 v5, $0.0e+00  }
0x32b: {  	v4 =	vsel vm0, v2, v3;
	v5 =	vsel vm0, $0x4, v1;
	vm2 =	vgt.f32 v6, $0.0e+00  }
0x32c: {  	vm0 =	vgt.f32 v7, $0.0e+00;
	v6 =	vsel vm2, v2, v3;
	[tilespmem:s10+$0xB0] =	vst v4;
	v4 =	vsel vm2, $0x8, v1  }
0x32d: {  	[tilespmem:s10+$0x30] =	vst v6;
	v6 =	vsel vm1, v2, v3;
	v4 =	vor.u32 v4, v5;
	v5 =	vsel vm0, $0x2, v1  }
0x32e: {  	v7 =	vsel vm0, v2, v3;
	[tilespmem:s10+$0x1B0] =	vst v6;
	v4 =	vor.u32 v5, v4;
	v5 =	vsel vm1, $0x1, v1  }
0x32f: {  	[tilespmem:s10+$0x130] =	vst v7;
	v4 =	vor.u32 v5, v4  }
0x330: {  	[tilespmem:s8+$0xFFFFFFF0] =	vst v4  }
0x331: {  	v4 =	vld [tilespmem:s10+$0x40]  }
0x332: {  	v5 =	vld [tilespmem:s10+$0xC0]  }
0x333: {  	v6 =	vld [tilespmem:s10+$0x140]  }
0x334: {  	v7 =	vld [tilespmem:s10+$0x1C0];
	_ =	sdelay $0x1  }
0x335: {  	vm0 =	vgt.f32 v4, $0.0e+00  }
0x336: {  	vm1 =	vgt.f32 v5, $0.0e+00;
	v4 =	vsel vm0, v2, v3;
	v5 =	vsel vm0, $0x8, v1  }
0x337: {  	vm0 =	vgt.f32 v6, $0.0e+00;
	[tilespmem:s10+$0x40] =	vst v4;
	v4 =	vsel vm1, v2, v3;
	v6 =	vsel vm1, $0x4, v1  }
0x338: {  	[tilespmem:s10+$0xC0] =	vst v4;
	v4 =	vsel vm0, v2, v3;
	v5 =	vor.u32 v5, v6;
	v6 =	vsel vm0, $0x2, v1  }
0x339: {  	vm0 =	vgt.f32 v7, $0.0e+00;
	[tilespmem:s10+$0x140] =	vst v4;
	v4 =	vor.u32 v6, v5  }
0x33a: {  	v5 =	vsel vm0, v2, v3;
	v6 =	vsel vm0, $0x1, v1  }
0x33b: {  	v4 =	vor.u32 v6, v4;
	[tilespmem:s10+$0x1C0] =	vst v5  }
0x33c: {  	[tilespmem:s8+$0x0] =	vst v4  }
0x33d: {  	v4 =	vld [tilespmem:s10+$0x50]  }
0x33e: {  	v5 =	vld [tilespmem:s10+$0xD0]  }
0x33f: {  	v6 =	vld [tilespmem:s10+$0x150]  }
0x340: {  	v7 =	vld [tilespmem:s10+$0x1D0];
	_ =	sdelay $0x1  }
0x341: {  	vm0 =	vgt.f32 v4, $0.0e+00  }
0x342: {  	vm1 =	vgt.f32 v5, $0.0e+00;
	v4 =	vsel vm0, v2, v3;
	v5 =	vsel vm0, $0x8, v1  }
0x343: {  	vm0 =	vgt.f32 v6, $0.0e+00;
	[tilespmem:s10+$0x50] =	vst v4;
	v4 =	vsel vm1, v2, v3;
	v6 =	vsel vm1, $0x4, v1  }
0x344: {  	[tilespmem:s10+$0xD0] =	vst v4;
	v4 =	vsel vm0, v2, v3;
	v5 =	vor.u32 v5, v6;
	v6 =	vsel vm0, $0x2, v1  }
0x345: {  	vm0 =	vgt.f32 v7, $0.0e+00;
	[tilespmem:s10+$0x150] =	vst v4;
	v4 =	vor.u32 v6, v5  }
0x346: {  	v5 =	vsel vm0, v2, v3;
	v6 =	vsel vm0, $0x1, v1  }
0x347: {  	v4 =	vor.u32 v6, v4;
	[tilespmem:s10+$0x1D0] =	vst v5  }
0x348: {  	[tilespmem:s8+$0x10] =	vst v4  }
0x349: {  	v5 =	vld [tilespmem:s10+$0x60]  }
0x34a: {  	v7 =	vld [tilespmem:s10+$0xE0]  }
.Ltmp5:
0x34b: {  	v6 =	vld [tilespmem:s10+$0x160];
	(pc) =	sbr.rel @p0 .LBB2_11-.Ltmp5, $3  }
0x34c: {  	v4 =	vld [tilespmem:s10+$0x1E0];
	_ =	sdelay $0x1  }
0x34d: {  	vm1 =	vgt.f32 v5, $0.0e+00  }
0x34e: {  	vm0 =	vgt.f32 v7, $0.0e+00;
	v5 =	vsel vm1, v2, v3;
	v7 =	vsel vm1, $0x8, v1  }
0x34f: {  	vm1 =	vgt.f32 v6, $0.0e+00  }
0x350: {  	v46 =	vsel vm0, $0x4, v1;
	[tilespmem:s10+$0x60] =	vst v5;
	v47 =	vsel vm0, v2, v3;
	vm2 =	vgt.f32 v4, $0.0e+00  }
0x351: {  	v48 =	vor.u32 v7, v46;
	v49 =	vsel vm1, $0x2, v1;
	[tilespmem:s10+$0xE0] =	vst v47;
	v52 =	vsel vm1, v2, v3  }
0x352: {  	v50 =	vsel vm2, v2, v3;
	v51 =	vor.u32 v49, v48;
	v53 =	vsel vm2, $0x1, v1;
	[tilespmem:s10+$0x160] =	vst v52  }
0x353: {  	[tilespmem:s10+$0x1E0] =	vst v50;
	v4 =	vor.u32 v53, v51  }
0x354: {  	[tilespmem:s17+$0x20] =	vst v4  }
0x355: {  	v4 =	vld [tilespmem:s10+$0x70]  }
0x356: {  	v54 =	vld [tilespmem:s10+$0xF0]  }
0x357: {  	v55 =	vld [tilespmem:s10+$0x170]  }
0x358: {  	v56 =	vld [tilespmem:s10+$0x1F0];
	_ =	sdelay $0x3  }
0x359: {  	vm12 =	vgt.f32 v4, $0.0e+00;
	vm13 =	vgt.f32 v54, $0.0e+00  }
0x35a: {  	vm14 =	vgt.f32 v55, $0.0e+00;
	vm15 =	vgt.f32 v56, $0.0e+00;
	v4 =	vsel vm12, v2, v3  }
0x35b: {  	v57 =	vsel vm12, $0x8, v1;
	v58 =	vsel vm13, v2, v3;
	v59 =	vsel vm13, $0x4, v1;
	[tilespmem:s10+$0x70] =	vst v4  }
0x35c: {  	v61 =	vsel vm14, $0x2, v1;
	v62 =	vsel vm14, v2, v3;
	[tilespmem:s10+$0xF0] =	vst v58;
	v60 =	vor.u32 v57, v59  }
0x35d: {  	v63 =	vsel vm15, $0x1, v1;
	v2 =	vsel vm15, v2, v3;
	[tilespmem:s10+$0x170] =	vst v62;
	v4 =	vor.u32 v61, v60  }
0x35e: {  	[tilespmem:s10+$0x1F0] =	vst v2;
	v3 =	vor.u32 v63, v4  }
0x35f: {  	s3 =	rddreg [dreg:$0x9];
	[tilespmem:s17+$0x30] =	vst v3  }
0x360: {  	[hbm4b:s3+s7] =	stream.linear.scatter [tilespmem:s7], [sflag:$0x4], $0x8000, $0x38;
	[tilespmem:$0x1E100] =	vst v63  }
0x361: {  	s19 =	rddreg [dreg:$0xa]  }
0x362: {  	[hbm4b:s19+s7] =	stream.linear.scatter [tilespmem:s28], [sflag:$0x4], $0x2000, $0x38;
	[tilespmem:$0x1E100] =	vst v63  }
0x363: {  	s20 =	rddreg [dreg:$0xb]  }
0x364: {  	[hbm4b:s20+s7] =	stream.linear.scatter [tilespmem:s28], [sflag:$0x4], $0x2000, $0x38;
	[tilespmem:$0x1E100] =	vst v63  }
0x365: {  	s21 =	rddreg [dreg:$0xc];
	s22 =	simm.s32 $0x6  }
0x366: {  	[hbm4b:s21+s7] =	stream.linear.scatter [tilespmem:s28], [sflag:$0x4], $0x2000, $0x38;
	[tilespmem:$0x1E100] =	vst v63  }
0x367: {  	_ =	swait.ge [sflag:s22], $0x8000  }
0x368: {  	[sflag:s22] =	ssyncset.done $0x0  }
0x369: {  	[sflag:s22] =	ssyncadd.s32 $0xFFFF8000  }
0x36a: {  	_ =	swait.ge [sflag:s22], $0x2000  }
0x36b: {  	[sflag:s22] =	ssyncset.done $0x0  }
0x36c: {  	[sflag:s22] =	ssyncadd.s32 $0xFFFFE000  }
0x36d: {  	_ =	swait.ge [sflag:s22], $0x2000  }
0x36e: {  	[sflag:s22] =	ssyncset.done $0x0  }
0x36f: {  	[sflag:s22] =	ssyncadd.s32 $0xFFFFE000  }
0x370: {  	_ =	swait.ge [sflag:s22], $0x2000  }
0x371: {  	[sflag:s22] =	ssyncset.done $0x0  }
0x372: {  	[sflag:s22] =	ssyncadd.s32 $0xFFFFE000  }
0x373: {  	_ =	swait.ge [sflag:s31], $0x8000  }
0x374: {  	[sflag:s31] =	ssyncset.done $0x0  }
0x375: {  	[sflag:s31] =	ssyncadd.s32 $0xFFFF8000  }
0x376: {  	_ =	swait.ge [sflag:s31], $0x2000  }
0x377: {  	[sflag:s31] =	ssyncset.done $0x0  }
0x378: {  	[sflag:s31] =	ssyncadd.s32 $0xFFFFE000  }
0x379: {  	_ =	swait.ge [sflag:s31], $0x2000  }
0x37a: {  	[sflag:s31] =	ssyncset.done $0x0  }
0x37b: {  	[sflag:s31] =	ssyncadd.s32 $0xFFFFE000  }
0x37c: {  	_ =	swait.ge [sflag:s31], $0x2000  }
0x37d: {  	s8 =	rddreg [dreg:$0xe]  }
0x37e: {  	s23 =	rddreg [dreg:$0xd];
	s8 =	sadd.s32 $0x1, s8  }
0x37f: {  	p0 =	sne.s32 s8, s23  }
.Ltmp6:
0x380: {  	_ = 	snop;
	(pc) =	sbr.rel @p0 .LBB2_1-.Ltmp6, $3  }
0x381: {  	_ =	sdelay $0x1  }
0x382: {  	[sflag:s31] =	ssyncset.done $0x0  }
0x383: {  	[sflag:s31] =	ssyncadd.s32 $0xFFFFE000  }
0x384: {  	_ =	sfence.sel $0x180000  }
0x385: {  	[bflag:$0x0] =	sbarrier.arrive $0xFFFF  }
0x386: {  	_ =	strace $0x90000047  }
0x387: {  	s0 =	stileid.u32;
	[bflag:$0x2] =	sbarrier.arrive $0xFFFF  }
0x388: {  	p0 =	sne.s32 s0, $0x0;
	s0 =	rddreg [dreg:$0x5]  }
0x389: {  	s0 =	sadd.s32 @!p0 $0x100000, s0  }
0x38a: {  	[sflag:s0] =	ssyncadd.tile.s32 @!p0 $0x1;
	_ =	shalt  }
.Lfunc_end2:
_tile_overlayer_lowered:
.L_overlay_start_2:
0x38b: {  	(tag) =	ssettag $0x2  }
0x38c: {  	s0 =	rddreg [dreg:$0x0];
	s2 =	stileid.u32  }
0x38d: {  	s1 =	rddreg [dreg:$0x1];
	p0 =	sne.s32 s2, $0x0  }
0x38e: {  	s3 =	rddreg [dreg:$0x2];
	[bflag:$0x3] =	sbarrier.arrive $0xFFFF;
	s2 =	simm.s32 @!p0 $0x1C07  }
0x38f: {  	[timem:s3], [sflag:s2] =	dma.local @!p0 [hbm:s0], s1  }
0x390: {  	s0 =	simm.s32 @!p0 $0x7  }
0x391: {  	_ =	swait.ge @!p0 [sflag:s0], s1  }
0x392: {  	s1 =	ssub.s32 @!p0 $0x0, s1;
	[sflag:s0] =	ssyncset.done @!p0 $0x0  }
0x393: {  	[sflag:s0] =	ssyncadd.s32 @!p0 s1  }
0x394: {  	[bflag:$0x3] =	sbarrier.arrive $0xFFFF  }
0x395: {  	_ =	shalt  }

</sc_bundles>
